<compile_context>
chip_gen: v7x
topology: tpu7x:2x2x1
jax: 0.10.2.dev20260603
libtpu: 0.0.44.dev20260713+nightly
codegen_flags: <defaults>
</compile_context>

<pallas_src>
import functools

import jax
import jax.numpy as jnp
from jax import lax
from jax.experimental import pallas as pl
from jax.experimental.pallas import tpu as pltpu
from jax.experimental.pallas import tpu_sc as plsc

N = 10000
E = 320000
D = 128

NC = 2
NS = 16
NW = NC * NS
EPT = E // NW
C = 125
NCHUNK = EPT // C
NBUF = 2
NG = NCHUNK // NBUF
NSLOT = 4
RPT = 624
TAIL_OFF = RPT * NS
TAIL = N - TAIL_OFF
DEGW = 16


def _tile_rows(s, fn):
    r0 = pl.multiple_of(s * RPT, 8)
    fn(r0, RPT)

    @pl.when(s == NS - 1)
    def _():
        fn(TAIL_OFF, TAIL)


def _agg_body(with_deg, h_hbm, idx_hbm, z_hbm, *args):
    args = list(args)
    if with_deg:
        z16_hbm, agg_out, deg_out = args[:3]
        args = args[3:]
    else:
        (agg_out,) = args[:1]
        args = args[1:]
    idx4 = args[0]
    bufs = args[1:1 + NBUF]
    rest = args[1 + NBUF:]
    if with_deg:
        ones_v = rest[0]
        gsems = rest[1:1 + NBUF]
        isems = rest[1 + NBUF:1 + NBUF + NSLOT]
        agg_sh, deg_sh = rest[1 + NBUF + NSLOT:]
    else:
        gsems = rest[:NBUF]
        isems = rest[NBUF:NBUF + NSLOT]
        (agg_sh,) = rest[NBUF + NSLOT:]

    c = lax.axis_index("c")
    s = lax.axis_index("s")
    w = c * NS + s

    def zero(r0, n):
        pltpu.sync_copy(z_hbm.at[pl.ds(r0, n)], agg_sh.at[pl.ds(r0, n)])
        if with_deg:
            pltpu.sync_copy(z16_hbm.at[pl.ds(r0, n)],
                            deg_sh.at[pl.ds(r0, n)])
    _tile_rows(s, zero)

    def stage(g, slot):
        pltpu.async_copy(idx_hbm.at[w, pl.ds(g * NBUF, NBUF)],
                         idx4.at[slot], isems[slot])

    def iwait(slot):
        pltpu.make_async_copy(idx_hbm.at[w, pl.ds(0, NBUF)],
                              idx4.at[slot], isems[slot]).wait()

    CH = 64

    def gather(slot, b, buf, sem):
        pltpu.async_copy(h_hbm.at[idx4.at[slot, b, 0, pl.ds(0, CH)]],
                         buf.at[pl.ds(0, CH)], sem)
        pltpu.async_copy(h_hbm.at[idx4.at[slot, b, 0, pl.ds(CH, C - CH)]],
                         buf.at[pl.ds(CH, C - CH)], sem)

    def gwait(buf, sem):
        pltpu.make_async_copy(h_hbm.at[idx4.at[0, 0, 0, pl.ds(0, CH)]],
                              buf.at[pl.ds(0, CH)], sem).wait()
        pltpu.make_async_copy(h_hbm.at[idx4.at[0, 0, 0, pl.ds(CH, C - CH)]],
                              buf.at[pl.ds(CH, C - CH)], sem).wait()

    def scatter(slot, b, buf):
        pltpu.sync_copy(buf, agg_sh.at[idx4.at[slot, b, 1]], add=True)
        if with_deg:
            pltpu.sync_copy(ones_v, deg_sh.at[idx4.at[slot, b, 1]],
                            add=True)

    if with_deg:
        def fill(i, carry):
            ones_v[i, :] = jnp.ones((16,), jnp.float32)
            return carry
        lax.fori_loop(0, C, fill, 0)

    stage(0, 0)
    stage(1, 1)
    stage(2, 2)
    iwait(0)
    for b in range(NBUF):
        gather(0, b, bufs[b], gsems[b])

    plsc.subcore_barrier()

    def quad(q, carry):
        for t in range(NSLOT):
            g = q * NSLOT + t

            @pl.when(g + 1 < NG)
            def _():
                iwait((t + 1) % NSLOT)

            @pl.when(g + 3 < NG)
            def _():
                stage(g + 3, (t + 3) % NSLOT)

            for b in range(NBUF):
                gwait(bufs[b], gsems[b])
                scatter(t, b, bufs[b])

                @pl.when(g + 1 < NG)
                def _():
                    gather((t + 1) % NSLOT, b, bufs[b], gsems[b])
        return carry
    lax.fori_loop(0, NG // NSLOT, quad, 0)

    plsc.subcore_barrier()

    def out(r0, n):
        pltpu.sync_copy(agg_sh.at[pl.ds(r0, n)], agg_out.at[c, pl.ds(r0, n)])
        if with_deg:
            pltpu.sync_copy(deg_sh.at[pl.ds(r0, n)],
                            deg_out.at[c, pl.ds(r0, n)])
    _tile_rows(s, out)


_SC_MESH = plsc.VectorSubcoreMesh(core_axis_name="c", subcore_axis_name="s")
_SC_PARAMS = pltpu.CompilerParams(use_tc_tiling_on_sc=False)

_agg_with_deg = pl.kernel(
    functools.partial(_agg_body, True),
    compiler_params=_SC_PARAMS,
    out_type=(jax.ShapeDtypeStruct((NC, N, D), jnp.float32),
              jax.ShapeDtypeStruct((NC, N, DEGW), jnp.float32)),
    mesh=_SC_MESH,
    scratch_types=(
        pltpu.VMEM((NSLOT, NBUF, 2, C), jnp.int32),
        *[pltpu.VMEM((C, D), jnp.float32) for _ in range(NBUF)],
        pltpu.VMEM((C, DEGW), jnp.float32),
        *[pltpu.SemaphoreType.DMA for _ in range(NBUF)],
        *[pltpu.SemaphoreType.DMA for _ in range(NSLOT)],
        pltpu.VMEM_SHARED((N, D), jnp.float32),
        pltpu.VMEM_SHARED((N, DEGW), jnp.float32),
    ),
)

_agg_only = pl.kernel(
    functools.partial(_agg_body, False),
    compiler_params=_SC_PARAMS,
    out_type=(jax.ShapeDtypeStruct((NC, N, D), jnp.float32),),
    mesh=_SC_MESH,
    scratch_types=(
        pltpu.VMEM((NSLOT, NBUF, 2, C), jnp.int32),
        *[pltpu.VMEM((C, D), jnp.float32) for _ in range(NBUF)],
        *[pltpu.SemaphoreType.DMA for _ in range(NBUF)],
        *[pltpu.SemaphoreType.DMA for _ in range(NSLOT)],
        pltpu.VMEM_SHARED((N, D), jnp.float32),
    ),
)


def _dense_body(relu, a0, a1, d0, d1, h, A, B, cvec, out):
    deg = jnp.maximum(d0[:, 0:1] + d1[:, 0:1], 1.0)
    agg = (a0[...] + a1[...]) / deg
    y = (jnp.dot(agg, A[...], preferred_element_type=jnp.float32)
         + jnp.dot(h[...], B[...], preferred_element_type=jnp.float32)
         + cvec[...])
    if relu:
        y = jnp.maximum(y, 0.0)
    out[...] = y


_RB = 1000


def _dense_layer(a0, a1, d0, d1, h, A, B, cvec, relu):
    return pl.pallas_call(
        functools.partial(_dense_body, relu),
        grid=(N // _RB,),
        in_specs=[
            pl.BlockSpec((_RB, D), lambda i: (i, 0)),
            pl.BlockSpec((_RB, D), lambda i: (i, 0)),
            pl.BlockSpec((_RB, DEGW), lambda i: (i, 0)),
            pl.BlockSpec((_RB, DEGW), lambda i: (i, 0)),
            pl.BlockSpec((_RB, D), lambda i: (i, 0)),
            pl.BlockSpec((D, D), lambda i: (0, 0)),
            pl.BlockSpec((D, D), lambda i: (0, 0)),
            pl.BlockSpec((1, D), lambda i: (0, 0)),
        ],
        out_specs=pl.BlockSpec((_RB, D), lambda i: (i, 0)),
        out_shape=jax.ShapeDtypeStruct((N, D), jnp.float32),
    )(a0, a1, d0, d1, h, A, B, cvec)


def kernel(x, edge_index, W_l0, b_l0, W_r0, bn_g0, bn_b0, bn_rm0, bn_rv0,
           W_l1, b_l1, W_r1, bn_g1, bn_b1, bn_rm1, bn_rv1, W_l2, b_l2, W_r2):
    eidx = jnp.stack([edge_index[0].reshape(NW, NCHUNK, C),
                      edge_index[1].reshape(NW, NCHUNK, C)], axis=2)
    z = jnp.zeros((N, D), jnp.float32)
    z16 = jnp.zeros((N, DEGW), jnp.float32)

    s0 = bn_g0 / jnp.sqrt(bn_rv0 + 1e-5)
    A0 = W_l0 * s0[None, :]
    B0 = W_r0 * s0[None, :]
    c0 = ((b_l0 - bn_rm0) * s0 + bn_b0).reshape(1, D)
    s1 = bn_g1 / jnp.sqrt(bn_rv1 + 1e-5)
    A1 = W_l1 * s1[None, :]
    B1 = W_r1 * s1[None, :]
    c1 = ((b_l1 - bn_rm1) * s1 + bn_b1).reshape(1, D)
    c2 = b_l2.reshape(1, D)

    aggp, degp = _agg_with_deg(x, eidx, z, z16)
    d0, d1 = degp[0], degp[1]
    h1 = _dense_layer(aggp[0], aggp[1], d0, d1, x, A0, B0, c0, True)
    (aggp1,) = _agg_only(h1, eidx, z)
    h2 = _dense_layer(aggp1[0], aggp1[1], d0, d1, h1, A1, B1, c1, True)
    (aggp2,) = _agg_only(h2, eidx, z)
    h3 = _dense_layer(aggp2[0], aggp2[1], d0, d1, h2, W_l2, W_r2, c2, False)
    return h3

# --- scband reference (transcript-rebuilt; emitter-appended) ---
"""Pipeline reference for scband-graph-sage-bn-60859686584877 (READ-ONLY COPY).

The authoritative reference and input builder live on the scoring server;
editing this copy changes nothing except your own understanding.
"""

import jax, jax.numpy as jnp
import numpy as np

N = 10000
E = 320000
D = 128

def setup_inputs(seed: int = 0):
    key = jax.random.key(seed)
    ks = jax.random.split(key, 16)
    x = jax.random.normal(ks[0], (N, D), dtype=jnp.float32)
    edge_index = jax.random.randint(ks[1], (2, E), 0, N, dtype=jnp.int32)
    def lin(k):
        return jax.random.normal(k, (D, D), dtype=jnp.float32) * 0.05
    inp = {
        'x': x,
        'edge_index': edge_index,
        'W_l0': lin(ks[2]), 'b_l0': jnp.zeros((D,), jnp.float32), 'W_r0': lin(ks[3]),
        'bn_g0': jnp.ones((D,), jnp.float32), 'bn_b0': jnp.zeros((D,), jnp.float32),
        'bn_rm0': jnp.zeros((D,), jnp.float32), 'bn_rv0': jnp.ones((D,), jnp.float32),
        'W_l1': lin(ks[4]), 'b_l1': jnp.zeros((D,), jnp.float32), 'W_r1': lin(ks[5]),
        'bn_g1': jnp.ones((D,), jnp.float32), 'bn_b1': jnp.zeros((D,), jnp.float32),
        'bn_rm1': jnp.zeros((D,), jnp.float32), 'bn_rv1': jnp.ones((D,), jnp.float32),
        'W_l2': lin(ks[6]), 'b_l2': jnp.zeros((D,), jnp.float32), 'W_r2': lin(ks[7]),
    }
    return inp

def reference(x, edge_index, W_l0, b_l0, W_r0, bn_g0, bn_b0, bn_rm0, bn_rv0,
              W_l1, b_l1, W_r1, bn_g1, bn_b1, bn_rm1, bn_rv1, W_l2, b_l2, W_r2):
    src = edge_index[0]
    dst = edge_index[1]
    ones_e = jnp.ones((src.shape[0],), jnp.float32)
    deg = jax.ops.segment_sum(ones_e, dst, num_segments=N)
    deg = jnp.maximum(deg, 1.0)

    def sage(h, Wl, bl, Wr):
        # SAGEConv with mean aggregation: lin_l(mean_agg(h)) + lin_r(h)
        agg = jax.ops.segment_sum(h[src], dst, num_segments=N)
        agg = agg / deg[:, None]
        return agg @ Wl + bl + h @ Wr

    def bn(h, g, b, rm, rv):
        # BatchNorm1d in eval mode (running stats)
        return (h - rm) / jnp.sqrt(rv + 1e-5) * g + b

    # dropout is identity in eval mode
    h = sage(x, W_l0, b_l0, W_r0)
    h = jax.nn.relu(bn(h, bn_g0, bn_b0, bn_rm0, bn_rv0))
    h = sage(h, W_l1, b_l1, W_r1)
    h = jax.nn.relu(bn(h, bn_g1, bn_b1, bn_rm1, bn_rv1))
    h = sage(h, W_l2, b_l2, W_r2)
    return h

if __name__ == "__main__":
    import jax
    _d = setup_inputs()
    print(jax.jit(kernel)(*tuple(_d.values())))

</pallas_src>

<mosaic_0001>
#map = affine_map<(d0, d1) -> (0, 0)>
#map1 = affine_map<(d0, d1) -> (0, 0, 0, 0)>
#map2 = affine_map<(d0, d1) -> (0, 0, 0)>
module attributes {stable_mosaic.version = 14 : i64} {
  func.func @_agg_body(%arg0: i32, %arg1: i32, %arg2: memref<10000x128xf32, #tpu.memory_space<hbm>>, %arg3: memref<32x80x2x125xi32, #tpu.memory_space<hbm>>, %arg4: memref<10000x128xf32, #tpu.memory_space<hbm>>, %arg5: memref<2x10000x128xf32, #tpu.memory_space<hbm>>, %arg6: memref<4x2x2x125xi32, #tpu.memory_space<vmem>>, %arg7: memref<125x128xf32, #tpu.memory_space<vmem>>, %arg8: memref<125x128xf32, #tpu.memory_space<vmem>>, %arg9: memref<!tpu.dma_semaphore, #tpu.memory_space<semaphore_mem>>, %arg10: memref<!tpu.dma_semaphore, #tpu.memory_space<semaphore_mem>>, %arg11: memref<!tpu.dma_semaphore, #tpu.memory_space<semaphore_mem>>, %arg12: memref<!tpu.dma_semaphore, #tpu.memory_space<semaphore_mem>>, %arg13: memref<!tpu.dma_semaphore, #tpu.memory_space<semaphore_mem>>, %arg14: memref<!tpu.dma_semaphore, #tpu.memory_space<semaphore_mem>>, %arg15: memref<10000x128xf32, #tpu.memory_space<vmem_shared>>) attributes {dimension_semantics = [#tpu.dimension_semantics<core_parallel>, #tpu.dimension_semantics<subcore_parallel>], iteration_bounds = array<i64: 2, 16>, scalar_prefetch = 0 : i64, scratch_operands = 10 : i64, tpu.core_type = #tpu.core_type<sc_vector_subcore>, window_params = [{transform_indices = #map}, {transform_indices = #map1}, {transform_indices = #map}, {transform_indices = #map2}]} {
    %mul3A = arith.constant 16 : i32
    %mul3A_0 = arith.muli %arg0, %mul3A : i32
    %add3A = arith.addi %mul3A_0, %arg1 : i32
    %mul3A_1 = arith.constant 624 : i32
    %mul3A_2 = arith.muli %arg1, %mul3A_1 : i32
    %multiple_of3A = tpu.assume_multiple %mul3A_2, 8 : i32
    "tpu.region"() ({
      %run_scoped3A = tpu.sem_alloc : memref<!tpu.dma_semaphore, #tpu.memory_space<semaphore_mem>>
      %dma_start3A_149 = arith.constant 0 : i32
      %dma_start3A_150 = tpu.memref_slice %arg15[%multiple_of3A, %dma_start3A_149] : memref<10000x128xf32, #tpu.memory_space<vmem_shared>> -> memref<624x128xf32, #tpu.memory_space<vmem_shared>>
      %dma_start3A_151 = arith.constant 0 : i32
      %dma_start3A_152 = tpu.memref_slice %arg4[%multiple_of3A, %dma_start3A_151] : memref<10000x128xf32, #tpu.memory_space<hbm>> -> memref<624x128xf32, #tpu.memory_space<hbm>>
      tpu.enqueue_dma source(%dma_start3A_152 : memref<624x128xf32, #tpu.memory_space<hbm>>) target(%dma_start3A_150 : memref<624x128xf32, #tpu.memory_space<vmem_shared>>) target_semaphore(%run_scoped3A : memref<!tpu.dma_semaphore, #tpu.memory_space<semaphore_mem>>)
      %dma_wait3A_153 = arith.constant 0 : i32
      %dma_wait3A_154 = tpu.memref_slice %arg15[%multiple_of3A, %dma_wait3A_153] : memref<10000x128xf32, #tpu.memory_space<vmem_shared>> -> memref<624x128xf32, #tpu.memory_space<vmem_shared>>
      %dma_wait3A_155 = arith.constant 0 : i32
      %dma_wait3A_156 = tpu.memref_slice %arg4[%multiple_of3A, %dma_wait3A_155] : memref<10000x128xf32, #tpu.memory_space<hbm>> -> memref<624x128xf32, #tpu.memory_space<hbm>>
      tpu.wait_dma2 semaphore(%run_scoped3A : memref<!tpu.dma_semaphore, #tpu.memory_space<semaphore_mem>>) src(%dma_wait3A_156 : memref<624x128xf32, #tpu.memory_space<hbm>>) dst(%dma_wait3A_154 : memref<624x128xf32, #tpu.memory_space<vmem_shared>>)
      tpu.yield
    }) : () -> ()
    %eq3A = arith.constant 15 : i32
    %eq3A_3 = arith.cmpi eq, %arg1, %eq3A : i32
    %convert_element_type3A = arith.extui %eq3A_3 : i1 to i32
    %cond3A = arith.constant 0 : i32
    %cond3A_4 = arith.cmpi ne, %convert_element_type3A, %cond3A : i32
    scf.if %cond3A_4 {
      "tpu.region"() ({
        %run_scoped3A = tpu.sem_alloc : memref<!tpu.dma_semaphore, #tpu.memory_space<semaphore_mem>>
        %dma_start3A_149 = arith.constant 9984 : i32
        %dma_start3A_150 = arith.constant 0 : i32
        %dma_start3A_151 = tpu.memref_slice %arg15[%dma_start3A_149, %dma_start3A_150] : memref<10000x128xf32, #tpu.memory_space<vmem_shared>> -> memref<16x128xf32, #tpu.memory_space<vmem_shared>>
        %dma_start3A_152 = arith.constant 9984 : i32
        %dma_start3A_153 = arith.constant 0 : i32
        %dma_start3A_154 = tpu.memref_slice %arg4[%dma_start3A_152, %dma_start3A_153] : memref<10000x128xf32, #tpu.memory_space<hbm>> -> memref<16x128xf32, #tpu.memory_space<hbm>>
        tpu.enqueue_dma source(%dma_start3A_154 : memref<16x128xf32, #tpu.memory_space<hbm>>) target(%dma_start3A_151 : memref<16x128xf32, #tpu.memory_space<vmem_shared>>) target_semaphore(%run_scoped3A : memref<!tpu.dma_semaphore, #tpu.memory_space<semaphore_mem>>)
        %dma_wait3A_155 = arith.constant 9984 : i32
        %dma_wait3A_156 = arith.constant 0 : i32
        %dma_wait3A_157 = tpu.memref_slice %arg15[%dma_wait3A_155, %dma_wait3A_156] : memref<10000x128xf32, #tpu.memory_space<vmem_shared>> -> memref<16x128xf32, #tpu.memory_space<vmem_shared>>
        %dma_wait3A_158 = arith.constant 9984 : i32
        %dma_wait3A_159 = arith.constant 0 : i32
        %dma_wait3A_160 = tpu.memref_slice %arg4[%dma_wait3A_158, %dma_wait3A_159] : memref<10000x128xf32, #tpu.memory_space<hbm>> -> memref<16x128xf32, #tpu.memory_space<hbm>>
        tpu.wait_dma2 semaphore(%run_scoped3A : memref<!tpu.dma_semaphore, #tpu.memory_space<semaphore_mem>>) src(%dma_wait3A_160 : memref<16x128xf32, #tpu.memory_space<hbm>>) dst(%dma_wait3A_157 : memref<16x128xf32, #tpu.memory_space<vmem_shared>>)
        tpu.yield
      }) : () -> ()
    } else {
    }
    %dma_start3A = arith.constant 0 : i32
    %dma_start3A_5 = arith.constant 0 : i32
    %dma_start3A_6 = arith.constant 0 : i32
    %dma_start3A_7 = arith.constant 0 : i32
    %dma_start3A_8 = tpu.memref_slice %arg6[%dma_start3A, %dma_start3A_5, %dma_start3A_6, %dma_start3A_7] : memref<4x2x2x125xi32, #tpu.memory_space<vmem>> -> memref<1x2x2x125xi32, #tpu.memory_space<vmem>>
    %dma_start3A_9 = tpu.memref_squeeze %dma_start3A_8 : memref<1x2x2x125xi32, #tpu.memory_space<vmem>> -> memref<2x2x125xi32, #tpu.memory_space<vmem>>
    %dma_start3A_10 = arith.constant 0 : i32
    %dma_start3A_11 = arith.constant 0 : i32
    %dma_start3A_12 = arith.constant 0 : i32
    %dma_start3A_13 = tpu.memref_slice %arg3[%add3A, %dma_start3A_10, %dma_start3A_11, %dma_start3A_12] : memref<32x80x2x125xi32, #tpu.memory_space<hbm>> -> memref<1x2x2x125xi32, #tpu.memory_space<hbm>>
    %dma_start3A_14 = tpu.memref_squeeze %dma_start3A_13 : memref<1x2x2x125xi32, #tpu.memory_space<hbm>> -> memref<2x2x125xi32, #tpu.memory_space<hbm>>
    %dma_start3A_15 = arith.constant 0 : i32
    %dma_start3A_16 = arith.constant 0 : i32
    %dma_start3A_17 = arith.constant 0 : i32
    %dma_start3A_18 = tpu.memref_slice %arg6[%dma_start3A, %dma_start3A_15, %dma_start3A_16, %dma_start3A_17] : memref<4x2x2x125xi32, #tpu.memory_space<vmem>> -> memref<1x2x2x125xi32, #tpu.memory_space<vmem>>
    %dma_start3A_19 = tpu.memref_squeeze %dma_start3A_18 : memref<1x2x2x125xi32, #tpu.memory_space<vmem>> -> memref<2x2x125xi32, #tpu.memory_space<vmem>>
    %dma_start3A_20 = arith.constant 0 : i32
    %dma_start3A_21 = arith.constant 0 : i32
    %dma_start3A_22 = arith.constant 0 : i32
    %dma_start3A_23 = tpu.memref_slice %arg3[%add3A, %dma_start3A_20, %dma_start3A_21, %dma_start3A_22] : memref<32x80x2x125xi32, #tpu.memory_space<hbm>> -> memref<1x2x2x125xi32, #tpu.memory_space<hbm>>
    %dma_start3A_24 = tpu.memref_squeeze %dma_start3A_23 : memref<1x2x2x125xi32, #tpu.memory_space<hbm>> -> memref<2x2x125xi32, #tpu.memory_space<hbm>>
    tpu.enqueue_dma source(%dma_start3A_24 : memref<2x2x125xi32, #tpu.memory_space<hbm>>) target(%dma_start3A_19 : memref<2x2x125xi32, #tpu.memory_space<vmem>>) target_semaphore(%arg11 : memref<!tpu.dma_semaphore, #tpu.memory_space<semaphore_mem>>)
    %dma_start3A_25 = arith.constant 1 : i32
    %dma_start3A_26 = arith.constant 0 : i32
    %dma_start3A_27 = arith.constant 0 : i32
    %dma_start3A_28 = arith.constant 0 : i32
    %dma_start3A_29 = tpu.memref_slice %arg6[%dma_start3A_25, %dma_start3A_26, %dma_start3A_27, %dma_start3A_28] : memref<4x2x2x125xi32, #tpu.memory_space<vmem>> -> memref<1x2x2x125xi32, #tpu.memory_space<vmem>>
    %dma_start3A_30 = tpu.memref_squeeze %dma_start3A_29 : memref<1x2x2x125xi32, #tpu.memory_space<vmem>> -> memref<2x2x125xi32, #tpu.memory_space<vmem>>
    %dma_start3A_31 = arith.constant 2 : i32
    %dma_start3A_32 = arith.constant 0 : i32
    %dma_start3A_33 = arith.constant 0 : i32
    %dma_start3A_34 = tpu.memref_slice %arg3[%add3A, %dma_start3A_31, %dma_start3A_32, %dma_start3A_33] : memref<32x80x2x125xi32, #tpu.memory_space<hbm>> -> memref<1x2x2x125xi32, #tpu.memory_space<hbm>>
    %dma_start3A_35 = tpu.memref_squeeze %dma_start3A_34 : memref<1x2x2x125xi32, #tpu.memory_space<hbm>> -> memref<2x2x125xi32, #tpu.memory_space<hbm>>
    %dma_start3A_36 = arith.constant 0 : i32
    %dma_start3A_37 = arith.constant 0 : i32
    %dma_start3A_38 = arith.constant 0 : i32
    %dma_start3A_39 = tpu.memref_slice %arg6[%dma_start3A_25, %dma_start3A_36, %dma_start3A_37, %dma_start3A_38] : memref<4x2x2x125xi32, #tpu.memory_space<vmem>> -> memref<1x2x2x125xi32, #tpu.memory_space<vmem>>
    %dma_start3A_40 = tpu.memref_squeeze %dma_start3A_39 : memref<1x2x2x125xi32, #tpu.memory_space<vmem>> -> memref<2x2x125xi32, #tpu.memory_space<vmem>>
    %dma_start3A_41 = arith.constant 2 : i32
    %dma_start3A_42 = arith.constant 0 : i32
    %dma_start3A_43 = arith.constant 0 : i32
    %dma_start3A_44 = tpu.memref_slice %arg3[%add3A, %dma_start3A_41, %dma_start3A_42, %dma_start3A_43] : memref<32x80x2x125xi32, #tpu.memory_space<hbm>> -> memref<1x2x2x125xi32, #tpu.memory_space<hbm>>
    %dma_start3A_45 = tpu.memref_squeeze %dma_start3A_44 : memref<1x2x2x125xi32, #tpu.memory_space<hbm>> -> memref<2x2x125xi32, #tpu.memory_space<hbm>>
    tpu.enqueue_dma source(%dma_start3A_45 : memref<2x2x125xi32, #tpu.memory_space<hbm>>) target(%dma_start3A_40 : memref<2x2x125xi32, #tpu.memory_space<vmem>>) target_semaphore(%arg12 : memref<!tpu.dma_semaphore, #tpu.memory_space<semaphore_mem>>)
    %dma_start3A_46 = arith.constant 2 : i32
    %dma_start3A_47 = arith.constant 0 : i32
    %dma_start3A_48 = arith.constant 0 : i32
    %dma_start3A_49 = arith.constant 0 : i32
    %dma_start3A_50 = tpu.memref_slice %arg6[%dma_start3A_46, %dma_start3A_47, %dma_start3A_48, %dma_start3A_49] : memref<4x2x2x125xi32, #tpu.memory_space<vmem>> -> memref<1x2x2x125xi32, #tpu.memory_space<vmem>>
    %dma_start3A_51 = tpu.memref_squeeze %dma_start3A_50 : memref<1x2x2x125xi32, #tpu.memory_space<vmem>> -> memref<2x2x125xi32, #tpu.memory_space<vmem>>
    %dma_start3A_52 = arith.constant 4 : i32
    %dma_start3A_53 = arith.constant 0 : i32
    %dma_start3A_54 = arith.constant 0 : i32
    %dma_start3A_55 = tpu.memref_slice %arg3[%add3A, %dma_start3A_52, %dma_start3A_53, %dma_start3A_54] : memref<32x80x2x125xi32, #tpu.memory_space<hbm>> -> memref<1x2x2x125xi32, #tpu.memory_space<hbm>>
    %dma_start3A_56 = tpu.memref_squeeze %dma_start3A_55 : memref<1x2x2x125xi32, #tpu.memory_space<hbm>> -> memref<2x2x125xi32, #tpu.memory_space<hbm>>
    %dma_start3A_57 = arith.constant 0 : i32
    %dma_start3A_58 = arith.constant 0 : i32
    %dma_start3A_59 = arith.constant 0 : i32
    %dma_start3A_60 = tpu.memref_slice %arg6[%dma_start3A_46, %dma_start3A_57, %dma_start3A_58, %dma_start3A_59] : memref<4x2x2x125xi32, #tpu.memory_space<vmem>> -> memref<1x2x2x125xi32, #tpu.memory_space<vmem>>
    %dma_start3A_61 = tpu.memref_squeeze %dma_start3A_60 : memref<1x2x2x125xi32, #tpu.memory_space<vmem>> -> memref<2x2x125xi32, #tpu.memory_space<vmem>>
    %dma_start3A_62 = arith.constant 4 : i32
    %dma_start3A_63 = arith.constant 0 : i32
    %dma_start3A_64 = arith.constant 0 : i32
    %dma_start3A_65 = tpu.memref_slice %arg3[%add3A, %dma_start3A_62, %dma_start3A_63, %dma_start3A_64] : memref<32x80x2x125xi32, #tpu.memory_space<hbm>> -> memref<1x2x2x125xi32, #tpu.memory_space<hbm>>
    %dma_start3A_66 = tpu.memref_squeeze %dma_start3A_65 : memref<1x2x2x125xi32, #tpu.memory_space<hbm>> -> memref<2x2x125xi32, #tpu.memory_space<hbm>>
    tpu.enqueue_dma source(%dma_start3A_66 : memref<2x2x125xi32, #tpu.memory_space<hbm>>) target(%dma_start3A_61 : memref<2x2x125xi32, #tpu.memory_space<vmem>>) target_semaphore(%arg13 : memref<!tpu.dma_semaphore, #tpu.memory_space<semaphore_mem>>)
    %dma_wait3A = arith.constant 0 : i32
    %dma_wait3A_67 = arith.constant 0 : i32
    %dma_wait3A_68 = arith.constant 0 : i32
    %dma_wait3A_69 = arith.constant 0 : i32
    %dma_wait3A_70 = tpu.memref_slice %arg6[%dma_wait3A, %dma_wait3A_67, %dma_wait3A_68, %dma_wait3A_69] : memref<4x2x2x125xi32, #tpu.memory_space<vmem>> -> memref<1x2x2x125xi32, #tpu.memory_space<vmem>>
    %dma_wait3A_71 = tpu.memref_squeeze %dma_wait3A_70 : memref<1x2x2x125xi32, #tpu.memory_space<vmem>> -> memref<2x2x125xi32, #tpu.memory_space<vmem>>
    %dma_wait3A_72 = arith.constant 0 : i32
    %dma_wait3A_73 = arith.constant 0 : i32
    %dma_wait3A_74 = arith.constant 0 : i32
    %dma_wait3A_75 = tpu.memref_slice %arg3[%add3A, %dma_wait3A_72, %dma_wait3A_73, %dma_wait3A_74] : memref<32x80x2x125xi32, #tpu.memory_space<hbm>> -> memref<1x2x2x125xi32, #tpu.memory_space<hbm>>
    %dma_wait3A_76 = tpu.memref_squeeze %dma_wait3A_75 : memref<1x2x2x125xi32, #tpu.memory_space<hbm>> -> memref<2x2x125xi32, #tpu.memory_space<hbm>>
    %dma_wait3A_77 = arith.constant 0 : i32
    %dma_wait3A_78 = arith.constant 0 : i32
    %dma_wait3A_79 = arith.constant 0 : i32
    %dma_wait3A_80 = tpu.memref_slice %arg6[%dma_wait3A, %dma_wait3A_77, %dma_wait3A_78, %dma_wait3A_79] : memref<4x2x2x125xi32, #tpu.memory_space<vmem>> -> memref<1x2x2x125xi32, #tpu.memory_space<vmem>>
    %dma_wait3A_81 = tpu.memref_squeeze %dma_wait3A_80 : memref<1x2x2x125xi32, #tpu.memory_space<vmem>> -> memref<2x2x125xi32, #tpu.memory_space<vmem>>
    %dma_wait3A_82 = arith.constant 0 : i32
    %dma_wait3A_83 = arith.constant 0 : i32
    %dma_wait3A_84 = arith.constant 0 : i32
    %dma_wait3A_85 = tpu.memref_slice %arg3[%add3A, %dma_wait3A_82, %dma_wait3A_83, %dma_wait3A_84] : memref<32x80x2x125xi32, #tpu.memory_space<hbm>> -> memref<1x2x2x125xi32, #tpu.memory_space<hbm>>
    %dma_wait3A_86 = tpu.memref_squeeze %dma_wait3A_85 : memref<1x2x2x125xi32, #tpu.memory_space<hbm>> -> memref<2x2x125xi32, #tpu.memory_space<hbm>>
    tpu.wait_dma2 semaphore(%arg11 : memref<!tpu.dma_semaphore, #tpu.memory_space<semaphore_mem>>) src(%dma_wait3A_86 : memref<2x2x125xi32, #tpu.memory_space<hbm>>) dst(%dma_wait3A_81 : memref<2x2x125xi32, #tpu.memory_space<vmem>>)
    %dma_start3A_87 = arith.constant 0 : i32
    %dma_start3A_88 = arith.constant 0 : i32
    %dma_start3A_89 = arith.constant 0 : i32
    %dma_start3A_90 = arith.constant 0 : i32
    %dma_start3A_91 = arith.constant 0 : i32
    %dma_start3A_92 = tpu.memref_slice %arg7[%dma_start3A_90, %dma_start3A_91] : memref<125x128xf32, #tpu.memory_space<vmem>> -> memref<64x128xf32, #tpu.memory_space<vmem>>
    %dma_start3A_93 = arith.constant 0 : i32
    %dma_start3A_94 = tpu.memref_slice %arg6[%dma_start3A_87, %dma_start3A_88, %dma_start3A_89, %dma_start3A_93] : memref<4x2x2x125xi32, #tpu.memory_space<vmem>> -> memref<1x1x1x64xi32, #tpu.memory_space<vmem>>
    %dma_start3A_95 = tpu.memref_squeeze %dma_start3A_94 : memref<1x1x1x64xi32, #tpu.memory_space<vmem>> -> memref<64xi32, #tpu.memory_space<vmem>>
    %dma_start3A_96 = arith.constant 0 : i32
    %dma_start3A_97 = arith.constant 0 : i32
    %dma_start3A_98 = tpu.memref_slice %arg2[%dma_start3A_96, %dma_start3A_97] : memref<10000x128xf32, #tpu.memory_space<hbm>> -> memref<10000x128xf32, #tpu.memory_space<hbm>>
    tpu.enqueue_indirect_dma source(%dma_start3A_98 : memref<10000x128xf32, #tpu.memory_space<hbm>>) target(%dma_start3A_92 : memref<64x128xf32, #tpu.memory_space<vmem>>) offsets(%dma_start3A_95 : memref<64xi32, #tpu.memory_space<vmem>>) semaphore(%arg9 : memref<!tpu.dma_semaphore, #tpu.memory_space<semaphore_mem>>)
    %dma_start3A_99 = arith.constant 0 : i32
    %dma_start3A_100 = arith.constant 0 : i32
    %dma_start3A_101 = arith.constant 0 : i32
    %dma_start3A_102 = arith.constant 64 : i32
    %dma_start3A_103 = arith.constant 0 : i32
    %dma_start3A_104 = tpu.memref_slice %arg7[%dma_start3A_102, %dma_start3A_103] : memref<125x128xf32, #tpu.memory_space<vmem>> -> memref<61x128xf32, #tpu.memory_space<vmem>>
    %dma_start3A_105 = arith.constant 64 : i32
    %dma_start3A_106 = tpu.memref_slice %arg6[%dma_start3A_99, %dma_start3A_100, %dma_start3A_101, %dma_start3A_105] : memref<4x2x2x125xi32, #tpu.memory_space<vmem>> -> memref<1x1x1x61xi32, #tpu.memory_space<vmem>>
    %dma_start3A_107 = tpu.memref_squeeze %dma_start3A_106 : memref<1x1x1x61xi32, #tpu.memory_space<vmem>> -> memref<61xi32, #tpu.memory_space<vmem>>
    %dma_start3A_108 = arith.constant 0 : i32
    %dma_start3A_109 = arith.constant 0 : i32
    %dma_start3A_110 = tpu.memref_slice %arg2[%dma_start3A_108, %dma_start3A_109] : memref<10000x128xf32, #tpu.memory_space<hbm>> -> memref<10000x128xf32, #tpu.memory_space<hbm>>
    tpu.enqueue_indirect_dma source(%dma_start3A_110 : memref<10000x128xf32, #tpu.memory_space<hbm>>) target(%dma_start3A_104 : memref<61x128xf32, #tpu.memory_space<vmem>>) offsets(%dma_start3A_107 : memref<61xi32, #tpu.memory_space<vmem>>) semaphore(%arg9 : memref<!tpu.dma_semaphore, #tpu.memory_space<semaphore_mem>>)
    %dma_start3A_111 = arith.constant 0 : i32
    %dma_start3A_112 = arith.constant 1 : i32
    %dma_start3A_113 = arith.constant 0 : i32
    %dma_start3A_114 = arith.constant 0 : i32
    %dma_start3A_115 = arith.constant 0 : i32
    %dma_start3A_116 = tpu.memref_slice %arg8[%dma_start3A_114, %dma_start3A_115] : memref<125x128xf32, #tpu.memory_space<vmem>> -> memref<64x128xf32, #tpu.memory_space<vmem>>
    %dma_start3A_117 = arith.constant 0 : i32
    %dma_start3A_118 = tpu.memref_slice %arg6[%dma_start3A_111, %dma_start3A_112, %dma_start3A_113, %dma_start3A_117] : memref<4x2x2x125xi32, #tpu.memory_space<vmem>> -> memref<1x1x1x64xi32, #tpu.memory_space<vmem>>
    %dma_start3A_119 = tpu.memref_squeeze %dma_start3A_118 : memref<1x1x1x64xi32, #tpu.memory_space<vmem>> -> memref<64xi32, #tpu.memory_space<vmem>>
    %dma_start3A_120 = arith.constant 0 : i32
    %dma_start3A_121 = arith.constant 0 : i32
    %dma_start3A_122 = tpu.memref_slice %arg2[%dma_start3A_120, %dma_start3A_121] : memref<10000x128xf32, #tpu.memory_space<hbm>> -> memref<10000x128xf32, #tpu.memory_space<hbm>>
    tpu.enqueue_indirect_dma source(%dma_start3A_122 : memref<10000x128xf32, #tpu.memory_space<hbm>>) target(%dma_start3A_116 : memref<64x128xf32, #tpu.memory_space<vmem>>) offsets(%dma_start3A_119 : memref<64xi32, #tpu.memory_space<vmem>>) semaphore(%arg10 : memref<!tpu.dma_semaphore, #tpu.memory_space<semaphore_mem>>)
    %dma_start3A_123 = arith.constant 0 : i32
    %dma_start3A_124 = arith.constant 1 : i32
    %dma_start3A_125 = arith.constant 0 : i32
    %dma_start3A_126 = arith.constant 64 : i32
    %dma_start3A_127 = arith.constant 0 : i32
    %dma_start3A_128 = tpu.memref_slice %arg8[%dma_start3A_126, %dma_start3A_127] : memref<125x128xf32, #tpu.memory_space<vmem>> -> memref<61x128xf32, #tpu.memory_space<vmem>>
    %dma_start3A_129 = arith.constant 64 : i32
    %dma_start3A_130 = tpu.memref_slice %arg6[%dma_start3A_123, %dma_start3A_124, %dma_start3A_125, %dma_start3A_129] : memref<4x2x2x125xi32, #tpu.memory_space<vmem>> -> memref<1x1x1x61xi32, #tpu.memory_space<vmem>>
    %dma_start3A_131 = tpu.memref_squeeze %dma_start3A_130 : memref<1x1x1x61xi32, #tpu.memory_space<vmem>> -> memref<61xi32, #tpu.memory_space<vmem>>
    %dma_start3A_132 = arith.constant 0 : i32
    %dma_start3A_133 = arith.constant 0 : i32
    %dma_start3A_134 = tpu.memref_slice %arg2[%dma_start3A_132, %dma_start3A_133] : memref<10000x128xf32, #tpu.memory_space<hbm>> -> memref<10000x128xf32, #tpu.memory_space<hbm>>
    tpu.enqueue_indirect_dma source(%dma_start3A_134 : memref<10000x128xf32, #tpu.memory_space<hbm>>) target(%dma_start3A_128 : memref<61x128xf32, #tpu.memory_space<vmem>>) offsets(%dma_start3A_131 : memref<61xi32, #tpu.memory_space<vmem>>) semaphore(%arg10 : memref<!tpu.dma_semaphore, #tpu.memory_space<semaphore_mem>>)
    %barrier3A = arith.constant 0 : index
    tpu.barrier barrier_id(%barrier3A)
    %scan3A = arith.constant 0 : i32
    %scan3A_135 = arith.constant 0 : i32
    %scan3A_136 = arith.constant 10 : i32
    %scan3A_137 = arith.addi %scan3A_135, %scan3A_136 : i32
    %scan3A_138 = arith.constant 1 : i32
    scf.for %scan3A_149 = %scan3A_135 to %scan3A_137 step %scan3A_138  : i32 {
      %mul3A_150 = arith.constant 4 : i32
      %mul3A_151 = arith.muli %scan3A_149, %mul3A_150 : i32
      %add3A_152 = arith.constant 0 : i32
      %add3A_153 = arith.addi %mul3A_151, %add3A_152 : i32
      %add3A_154 = arith.constant 1 : i32
      %add3A_155 = arith.addi %add3A_153, %add3A_154 : i32
      %lt3A = arith.constant 40 : i32
      %lt3A_156 = arith.cmpi slt, %add3A_155, %lt3A : i32
      %convert_element_type3A_157 = arith.extui %lt3A_156 : i1 to i32
      %cond3A_158 = arith.constant 0 : i32
      %cond3A_159 = arith.cmpi ne, %convert_element_type3A_157, %cond3A_158 : i32
      scf.if %cond3A_159 {
        %dma_wait3A_492 = arith.constant 1 : i32
        %dma_wait3A_493 = arith.constant 0 : i32
        %dma_wait3A_494 = arith.constant 0 : i32
        %dma_wait3A_495 = arith.constant 0 : i32
        %dma_wait3A_496 = tpu.memref_slice %arg6[%dma_wait3A_492, %dma_wait3A_493, %dma_wait3A_494, %dma_wait3A_495] : memref<4x2x2x125xi32, #tpu.memory_space<vmem>> -> memref<1x2x2x125xi32, #tpu.memory_space<vmem>>
        %dma_wait3A_497 = tpu.memref_squeeze %dma_wait3A_496 : memref<1x2x2x125xi32, #tpu.memory_space<vmem>> -> memref<2x2x125xi32, #tpu.memory_space<vmem>>
        %dma_wait3A_498 = arith.constant 0 : i32
        %dma_wait3A_499 = arith.constant 0 : i32
        %dma_wait3A_500 = arith.constant 0 : i32
        %dma_wait3A_501 = tpu.memref_slice %arg3[%add3A, %dma_wait3A_498, %dma_wait3A_499, %dma_wait3A_500] : memref<32x80x2x125xi32, #tpu.memory_space<hbm>> -> memref<1x2x2x125xi32, #tpu.memory_space<hbm>>
        %dma_wait3A_502 = tpu.memref_squeeze %dma_wait3A_501 : memref<1x2x2x125xi32, #tpu.memory_space<hbm>> -> memref<2x2x125xi32, #tpu.memory_space<hbm>>
        %dma_wait3A_503 = arith.constant 0 : i32
        %dma_wait3A_504 = arith.constant 0 : i32
        %dma_wait3A_505 = arith.constant 0 : i32
        %dma_wait3A_506 = tpu.memref_slice %arg6[%dma_wait3A_492, %dma_wait3A_503, %dma_wait3A_504, %dma_wait3A_505] : memref<4x2x2x125xi32, #tpu.memory_space<vmem>> -> memref<1x2x2x125xi32, #tpu.memory_space<vmem>>
        %dma_wait3A_507 = tpu.memref_squeeze %dma_wait3A_506 : memref<1x2x2x125xi32, #tpu.memory_space<vmem>> -> memref<2x2x125xi32, #tpu.memory_space<vmem>>
        %dma_wait3A_508 = arith.constant 0 : i32
        %dma_wait3A_509 = arith.constant 0 : i32
        %dma_wait3A_510 = arith.constant 0 : i32
        %dma_wait3A_511 = tpu.memref_slice %arg3[%add3A, %dma_wait3A_508, %dma_wait3A_509, %dma_wait3A_510] : memref<32x80x2x125xi32, #tpu.memory_space<hbm>> -> memref<1x2x2x125xi32, #tpu.memory_space<hbm>>
        %dma_wait3A_512 = tpu.memref_squeeze %dma_wait3A_511 : memref<1x2x2x125xi32, #tpu.memory_space<hbm>> -> memref<2x2x125xi32, #tpu.memory_space<hbm>>
        tpu.wait_dma2 semaphore(%arg12 : memref<!tpu.dma_semaphore, #tpu.memory_space<semaphore_mem>>) src(%dma_wait3A_512 : memref<2x2x125xi32, #tpu.memory_space<hbm>>) dst(%dma_wait3A_507 : memref<2x2x125xi32, #tpu.memory_space<vmem>>)
      } else {
      }
      %add3A_160 = arith.constant 3 : i32
      %add3A_161 = arith.addi %add3A_153, %add3A_160 : i32
      %lt3A_162 = arith.constant 40 : i32
      %lt3A_163 = arith.cmpi slt, %add3A_161, %lt3A_162 : i32
      %convert_element_type3A_164 = arith.extui %lt3A_163 : i1 to i32
      %cond3A_165 = arith.constant 0 : i32
      %cond3A_166 = arith.cmpi ne, %convert_element_type3A_164, %cond3A_165 : i32
      scf.if %cond3A_166 {
        %add3A_492 = arith.constant 3 : i32
        %add3A_493 = arith.addi %add3A_153, %add3A_492 : i32
        %mul3A_494 = arith.constant 2 : i32
        %mul3A_495 = arith.muli %add3A_493, %mul3A_494 : i32
        %dma_start3A_496 = arith.constant 3 : i32
        %dma_start3A_497 = arith.constant 0 : i32
        %dma_start3A_498 = arith.constant 0 : i32
        %dma_start3A_499 = arith.constant 0 : i32
        %dma_start3A_500 = tpu.memref_slice %arg6[%dma_start3A_496, %dma_start3A_497, %dma_start3A_498, %dma_start3A_499] : memref<4x2x2x125xi32, #tpu.memory_space<vmem>> -> memref<1x2x2x125xi32, #tpu.memory_space<vmem>>
        %dma_start3A_501 = tpu.memref_squeeze %dma_start3A_500 : memref<1x2x2x125xi32, #tpu.memory_space<vmem>> -> memref<2x2x125xi32, #tpu.memory_space<vmem>>
        %dma_start3A_502 = arith.constant 0 : i32
        %dma_start3A_503 = arith.constant 0 : i32
        %dma_start3A_504 = tpu.memref_slice %arg3[%add3A, %mul3A_495, %dma_start3A_502, %dma_start3A_503] : memref<32x80x2x125xi32, #tpu.memory_space<hbm>> -> memref<1x2x2x125xi32, #tpu.memory_space<hbm>>
        %dma_start3A_505 = tpu.memref_squeeze %dma_start3A_504 : memref<1x2x2x125xi32, #tpu.memory_space<hbm>> -> memref<2x2x125xi32, #tpu.memory_space<hbm>>
        %dma_start3A_506 = arith.constant 0 : i32
        %dma_start3A_507 = arith.constant 0 : i32
        %dma_start3A_508 = arith.constant 0 : i32
        %dma_start3A_509 = tpu.memref_slice %arg6[%dma_start3A_496, %dma_start3A_506, %dma_start3A_507, %dma_start3A_508] : memref<4x2x2x125xi32, #tpu.memory_space<vmem>> -> memref<1x2x2x125xi32, #tpu.memory_space<vmem>>
        %dma_start3A_510 = tpu.memref_squeeze %dma_start3A_509 : memref<1x2x2x125xi32, #tpu.memory_space<vmem>> -> memref<2x2x125xi32, #tpu.memory_space<vmem>>
        %dma_start3A_511 = arith.constant 0 : i32
        %dma_start3A_512 = arith.constant 0 : i32
        %dma_start3A_513 = tpu.memref_slice %arg3[%add3A, %mul3A_495, %dma_start3A_511, %dma_start3A_512] : memref<32x80x2x125xi32, #tpu.memory_space<hbm>> -> memref<1x2x2x125xi32, #tpu.memory_space<hbm>>
        %dma_start3A_514 = tpu.memref_squeeze %dma_start3A_513 : memref<1x2x2x125xi32, #tpu.memory_space<hbm>> -> memref<2x2x125xi32, #tpu.memory_space<hbm>>
        tpu.enqueue_dma source(%dma_start3A_514 : memref<2x2x125xi32, #tpu.memory_space<hbm>>) target(%dma_start3A_510 : memref<2x2x125xi32, #tpu.memory_space<vmem>>) target_semaphore(%arg14 : memref<!tpu.dma_semaphore, #tpu.memory_space<semaphore_mem>>)
      } else {
      }
      %dma_wait3A_167 = arith.constant 0 : i32
      %dma_wait3A_168 = arith.constant 0 : i32
      %dma_wait3A_169 = arith.constant 0 : i32
      %dma_wait3A_170 = arith.constant 0 : i32
      %dma_wait3A_171 = arith.constant 0 : i32
      %dma_wait3A_172 = tpu.memref_slice %arg7[%dma_wait3A_170, %dma_wait3A_171] : memref<125x128xf32, #tpu.memory_space<vmem>> -> memref<64x128xf32, #tpu.memory_space<vmem>>
      %dma_wait3A_173 = arith.constant 0 : i32
      %dma_wait3A_174 = tpu.memref_slice %arg6[%dma_wait3A_167, %dma_wait3A_168, %dma_wait3A_169, %dma_wait3A_173] : memref<4x2x2x125xi32, #tpu.memory_space<vmem>> -> memref<1x1x1x64xi32, #tpu.memory_space<vmem>>
      %dma_wait3A_175 = tpu.memref_squeeze %dma_wait3A_174 : memref<1x1x1x64xi32, #tpu.memory_space<vmem>> -> memref<64xi32, #tpu.memory_space<vmem>>
      %dma_wait3A_176 = arith.constant 0 : i32
      %dma_wait3A_177 = arith.constant 0 : i32
      %dma_wait3A_178 = tpu.memref_slice %arg2[%dma_wait3A_176, %dma_wait3A_177] : memref<10000x128xf32, #tpu.memory_space<hbm>> -> memref<10000x128xf32, #tpu.memory_space<hbm>>
      tpu.wait_indirect_dma semaphore(%arg9 : memref<!tpu.dma_semaphore, #tpu.memory_space<semaphore_mem>>) src(%dma_wait3A_178 : memref<10000x128xf32, #tpu.memory_space<hbm>>) dst(%dma_wait3A_172 : memref<64x128xf32, #tpu.memory_space<vmem>>)
      %dma_wait3A_179 = arith.constant 0 : i32
      %dma_wait3A_180 = arith.constant 0 : i32
      %dma_wait3A_181 = arith.constant 0 : i32
      %dma_wait3A_182 = arith.constant 64 : i32
      %dma_wait3A_183 = arith.constant 0 : i32
      %dma_wait3A_184 = tpu.memref_slice %arg7[%dma_wait3A_182, %dma_wait3A_183] : memref<125x128xf32, #tpu.memory_space<vmem>> -> memref<61x128xf32, #tpu.memory_space<vmem>>
      %dma_wait3A_185 = arith.constant 64 : i32
      %dma_wait3A_186 = tpu.memref_slice %arg6[%dma_wait3A_179, %dma_wait3A_180, %dma_wait3A_181, %dma_wait3A_185] : memref<4x2x2x125xi32, #tpu.memory_space<vmem>> -> memref<1x1x1x61xi32, #tpu.memory_space<vmem>>
      %dma_wait3A_187 = tpu.memref_squeeze %dma_wait3A_186 : memref<1x1x1x61xi32, #tpu.memory_space<vmem>> -> memref<61xi32, #tpu.memory_space<vmem>>
      %dma_wait3A_188 = arith.constant 0 : i32
      %dma_wait3A_189 = arith.constant 0 : i32
      %dma_wait3A_190 = tpu.memref_slice %arg2[%dma_wait3A_188, %dma_wait3A_189] : memref<10000x128xf32, #tpu.memory_space<hbm>> -> memref<10000x128xf32, #tpu.memory_space<hbm>>
      tpu.wait_indirect_dma semaphore(%arg9 : memref<!tpu.dma_semaphore, #tpu.memory_space<semaphore_mem>>) src(%dma_wait3A_190 : memref<10000x128xf32, #tpu.memory_space<hbm>>) dst(%dma_wait3A_184 : memref<61x128xf32, #tpu.memory_space<vmem>>)
      %run_scoped3A = arith.constant 0 : i32
      %run_scoped3A_191 = arith.constant 0 : i32
      %run_scoped3A_192 = arith.constant 1 : i32
      "tpu.region"() ({
        %run_scoped3A_492 = tpu.sem_alloc : memref<!tpu.dma_semaphore, #tpu.memory_space<semaphore_mem>>
        %dma_start3A_493 = arith.constant 0 : i32
        %dma_start3A_494 = tpu.memref_slice %arg6[%run_scoped3A, %run_scoped3A_191, %run_scoped3A_192, %dma_start3A_493] : memref<4x2x2x125xi32, #tpu.memory_space<vmem>> -> memref<1x1x1x125xi32, #tpu.memory_space<vmem>>
        %dma_start3A_495 = tpu.memref_squeeze %dma_start3A_494 : memref<1x1x1x125xi32, #tpu.memory_space<vmem>> -> memref<125xi32, #tpu.memory_space<vmem>>
        %dma_start3A_496 = arith.constant 0 : i32
        %dma_start3A_497 = arith.constant 0 : i32
        %dma_start3A_498 = tpu.memref_slice %arg15[%dma_start3A_496, %dma_start3A_497] : memref<10000x128xf32, #tpu.memory_space<vmem_shared>> -> memref<10000x128xf32, #tpu.memory_space<vmem_shared>>
        tpu.enqueue_indirect_dma source(%arg7 : memref<125x128xf32, #tpu.memory_space<vmem>>) target(%dma_start3A_498 : memref<10000x128xf32, #tpu.memory_space<vmem_shared>>) offsets(%dma_start3A_495 : memref<125xi32, #tpu.memory_space<vmem>>) semaphore(%run_scoped3A_492 : memref<!tpu.dma_semaphore, #tpu.memory_space<semaphore_mem>>) {add = true}
        %dma_wait3A_499 = arith.constant 0 : i32
        %dma_wait3A_500 = tpu.memref_slice %arg6[%run_scoped3A, %run_scoped3A_191, %run_scoped3A_192, %dma_wait3A_499] : memref<4x2x2x125xi32, #tpu.memory_space<vmem>> -> memref<1x1x1x125xi32, #tpu.memory_space<vmem>>
        %dma_wait3A_501 = tpu.memref_squeeze %dma_wait3A_500 : memref<1x1x1x125xi32, #tpu.memory_space<vmem>> -> memref<125xi32, #tpu.memory_space<vmem>>
        %dma_wait3A_502 = arith.constant 0 : i32
        %dma_wait3A_503 = arith.constant 0 : i32
        %dma_wait3A_504 = tpu.memref_slice %arg15[%dma_wait3A_502, %dma_wait3A_503] : memref<10000x128xf32, #tpu.memory_space<vmem_shared>> -> memref<10000x128xf32, #tpu.memory_space<vmem_shared>>
        tpu.wait_indirect_dma semaphore(%run_scoped3A_492 : memref<!tpu.dma_semaphore, #tpu.memory_space<semaphore_mem>>) src(%arg7 : memref<125x128xf32, #tpu.memory_space<vmem>>) dst(%dma_wait3A_504 : memref<10000x128xf32, #tpu.memory_space<vmem_shared>>)
        tpu.yield
      }) : () -> ()
      %add3A_193 = arith.constant 1 : i32
      %add3A_194 = arith.addi %add3A_153, %add3A_193 : i32
      %lt3A_195 = arith.constant 40 : i32
      %lt3A_196 = arith.cmpi slt, %add3A_194, %lt3A_195 : i32
      %convert_element_type3A_197 = arith.extui %lt3A_196 : i1 to i32
      %cond3A_198 = arith.constant 0 : i32
      %cond3A_199 = arith.cmpi ne, %convert_element_type3A_197, %cond3A_198 : i32
      scf.if %cond3A_199 {
        %dma_start3A_492 = arith.constant 1 : i32
        %dma_start3A_493 = arith.constant 0 : i32
        %dma_start3A_494 = arith.constant 0 : i32
        %dma_start3A_495 = arith.constant 0 : i32
        %dma_start3A_496 = arith.constant 0 : i32
        %dma_start3A_497 = tpu.memref_slice %arg7[%dma_start3A_495, %dma_start3A_496] : memref<125x128xf32, #tpu.memory_space<vmem>> -> memref<64x128xf32, #tpu.memory_space<vmem>>
        %dma_start3A_498 = arith.constant 0 : i32
        %dma_start3A_499 = tpu.memref_slice %arg6[%dma_start3A_492, %dma_start3A_493, %dma_start3A_494, %dma_start3A_498] : memref<4x2x2x125xi32, #tpu.memory_space<vmem>> -> memref<1x1x1x64xi32, #tpu.memory_space<vmem>>
        %dma_start3A_500 = tpu.memref_squeeze %dma_start3A_499 : memref<1x1x1x64xi32, #tpu.memory_space<vmem>> -> memref<64xi32, #tpu.memory_space<vmem>>
        %dma_start3A_501 = arith.constant 0 : i32
        %dma_start3A_502 = arith.constant 0 : i32
        %dma_start3A_503 = tpu.memref_slice %arg2[%dma_start3A_501, %dma_start3A_502] : memref<10000x128xf32, #tpu.memory_space<hbm>> -> memref<10000x128xf32, #tpu.memory_space<hbm>>
        tpu.enqueue_indirect_dma source(%dma_start3A_503 : memref<10000x128xf32, #tpu.memory_space<hbm>>) target(%dma_start3A_497 : memref<64x128xf32, #tpu.memory_space<vmem>>) offsets(%dma_start3A_500 : memref<64xi32, #tpu.memory_space<vmem>>) semaphore(%arg9 : memref<!tpu.dma_semaphore, #tpu.memory_space<semaphore_mem>>)
        %dma_start3A_504 = arith.constant 1 : i32
        %dma_start3A_505 = arith.constant 0 : i32
        %dma_start3A_506 = arith.constant 0 : i32
        %dma_start3A_507 = arith.constant 64 : i32
        %dma_start3A_508 = arith.constant 0 : i32
        %dma_start3A_509 = tpu.memref_slice %arg7[%dma_start3A_507, %dma_start3A_508] : memref<125x128xf32, #tpu.memory_space<vmem>> -> memref<61x128xf32, #tpu.memory_space<vmem>>
        %dma_start3A_510 = arith.constant 64 : i32
        %dma_start3A_511 = tpu.memref_slice %arg6[%dma_start3A_504, %dma_start3A_505, %dma_start3A_506, %dma_start3A_510] : memref<4x2x2x125xi32, #tpu.memory_space<vmem>> -> memref<1x1x1x61xi32, #tpu.memory_space<vmem>>
        %dma_start3A_512 = tpu.memref_squeeze %dma_start3A_511 : memref<1x1x1x61xi32, #tpu.memory_space<vmem>> -> memref<61xi32, #tpu.memory_space<vmem>>
        %dma_start3A_513 = arith.constant 0 : i32
        %dma_start3A_514 = arith.constant 0 : i32
        %dma_start3A_515 = tpu.memref_slice %arg2[%dma_start3A_513, %dma_start3A_514] : memref<10000x128xf32, #tpu.memory_space<hbm>> -> memref<10000x128xf32, #tpu.memory_space<hbm>>
        tpu.enqueue_indirect_dma source(%dma_start3A_515 : memref<10000x128xf32, #tpu.memory_space<hbm>>) target(%dma_start3A_509 : memref<61x128xf32, #tpu.memory_space<vmem>>) offsets(%dma_start3A_512 : memref<61xi32, #tpu.memory_space<vmem>>) semaphore(%arg9 : memref<!tpu.dma_semaphore, #tpu.memory_space<semaphore_mem>>)
      } else {
      }
      %dma_wait3A_200 = arith.constant 0 : i32
      %dma_wait3A_201 = arith.constant 0 : i32
      %dma_wait3A_202 = arith.constant 0 : i32
      %dma_wait3A_203 = arith.constant 0 : i32
      %dma_wait3A_204 = arith.constant 0 : i32
      %dma_wait3A_205 = tpu.memref_slice %arg8[%dma_wait3A_203, %dma_wait3A_204] : memref<125x128xf32, #tpu.memory_space<vmem>> -> memref<64x128xf32, #tpu.memory_space<vmem>>
      %dma_wait3A_206 = arith.constant 0 : i32
      %dma_wait3A_207 = tpu.memref_slice %arg6[%dma_wait3A_200, %dma_wait3A_201, %dma_wait3A_202, %dma_wait3A_206] : memref<4x2x2x125xi32, #tpu.memory_space<vmem>> -> memref<1x1x1x64xi32, #tpu.memory_space<vmem>>
      %dma_wait3A_208 = tpu.memref_squeeze %dma_wait3A_207 : memref<1x1x1x64xi32, #tpu.memory_space<vmem>> -> memref<64xi32, #tpu.memory_space<vmem>>
      %dma_wait3A_209 = arith.constant 0 : i32
      %dma_wait3A_210 = arith.constant 0 : i32
      %dma_wait3A_211 = tpu.memref_slice %arg2[%dma_wait3A_209, %dma_wait3A_210] : memref<10000x128xf32, #tpu.memory_space<hbm>> -> memref<10000x128xf32, #tpu.memory_space<hbm>>
      tpu.wait_indirect_dma semaphore(%arg10 : memref<!tpu.dma_semaphore, #tpu.memory_space<semaphore_mem>>) src(%dma_wait3A_211 : memref<10000x128xf32, #tpu.memory_space<hbm>>) dst(%dma_wait3A_205 : memref<64x128xf32, #tpu.memory_space<vmem>>)
      %dma_wait3A_212 = arith.constant 0 : i32
      %dma_wait3A_213 = arith.constant 0 : i32
      %dma_wait3A_214 = arith.constant 0 : i32
      %dma_wait3A_215 = arith.constant 64 : i32
      %dma_wait3A_216 = arith.constant 0 : i32
      %dma_wait3A_217 = tpu.memref_slice %arg8[%dma_wait3A_215, %dma_wait3A_216] : memref<125x128xf32, #tpu.memory_space<vmem>> -> memref<61x128xf32, #tpu.memory_space<vmem>>
      %dma_wait3A_218 = arith.constant 64 : i32
      %dma_wait3A_219 = tpu.memref_slice %arg6[%dma_wait3A_212, %dma_wait3A_213, %dma_wait3A_214, %dma_wait3A_218] : memref<4x2x2x125xi32, #tpu.memory_space<vmem>> -> memref<1x1x1x61xi32, #tpu.memory_space<vmem>>
      %dma_wait3A_220 = tpu.memref_squeeze %dma_wait3A_219 : memref<1x1x1x61xi32, #tpu.memory_space<vmem>> -> memref<61xi32, #tpu.memory_space<vmem>>
      %dma_wait3A_221 = arith.constant 0 : i32
      %dma_wait3A_222 = arith.constant 0 : i32
      %dma_wait3A_223 = tpu.memref_slice %arg2[%dma_wait3A_221, %dma_wait3A_222] : memref<10000x128xf32, #tpu.memory_space<hbm>> -> memref<10000x128xf32, #tpu.memory_space<hbm>>
      tpu.wait_indirect_dma semaphore(%arg10 : memref<!tpu.dma_semaphore, #tpu.memory_space<semaphore_mem>>) src(%dma_wait3A_223 : memref<10000x128xf32, #tpu.memory_space<hbm>>) dst(%dma_wait3A_217 : memref<61x128xf32, #tpu.memory_space<vmem>>)
      %run_scoped3A_224 = arith.constant 0 : i32
      %run_scoped3A_225 = arith.constant 1 : i32
      %run_scoped3A_226 = arith.constant 1 : i32
      "tpu.region"() ({
        %run_scoped3A_492 = tpu.sem_alloc : memref<!tpu.dma_semaphore, #tpu.memory_space<semaphore_mem>>
        %dma_start3A_493 = arith.constant 0 : i32
        %dma_start3A_494 = tpu.memref_slice %arg6[%run_scoped3A_224, %run_scoped3A_225, %run_scoped3A_226, %dma_start3A_493] : memref<4x2x2x125xi32, #tpu.memory_space<vmem>> -> memref<1x1x1x125xi32, #tpu.memory_space<vmem>>
        %dma_start3A_495 = tpu.memref_squeeze %dma_start3A_494 : memref<1x1x1x125xi32, #tpu.memory_space<vmem>> -> memref<125xi32, #tpu.memory_space<vmem>>
        %dma_start3A_496 = arith.constant 0 : i32
        %dma_start3A_497 = arith.constant 0 : i32
        %dma_start3A_498 = tpu.memref_slice %arg15[%dma_start3A_496, %dma_start3A_497] : memref<10000x128xf32, #tpu.memory_space<vmem_shared>> -> memref<10000x128xf32, #tpu.memory_space<vmem_shared>>
        tpu.enqueue_indirect_dma source(%arg8 : memref<125x128xf32, #tpu.memory_space<vmem>>) target(%dma_start3A_498 : memref<10000x128xf32, #tpu.memory_space<vmem_shared>>) offsets(%dma_start3A_495 : memref<125xi32, #tpu.memory_space<vmem>>) semaphore(%run_scoped3A_492 : memref<!tpu.dma_semaphore, #tpu.memory_space<semaphore_mem>>) {add = true}
        %dma_wait3A_499 = arith.constant 0 : i32
        %dma_wait3A_500 = tpu.memref_slice %arg6[%run_scoped3A_224, %run_scoped3A_225, %run_scoped3A_226, %dma_wait3A_499] : memref<4x2x2x125xi32, #tpu.memory_space<vmem>> -> memref<1x1x1x125xi32, #tpu.memory_space<vmem>>
        %dma_wait3A_501 = tpu.memref_squeeze %dma_wait3A_500 : memref<1x1x1x125xi32, #tpu.memory_space<vmem>> -> memref<125xi32, #tpu.memory_space<vmem>>
        %dma_wait3A_502 = arith.constant 0 : i32
        %dma_wait3A_503 = arith.constant 0 : i32
        %dma_wait3A_504 = tpu.memref_slice %arg15[%dma_wait3A_502, %dma_wait3A_503] : memref<10000x128xf32, #tpu.memory_space<vmem_shared>> -> memref<10000x128xf32, #tpu.memory_space<vmem_shared>>
        tpu.wait_indirect_dma semaphore(%run_scoped3A_492 : memref<!tpu.dma_semaphore, #tpu.memory_space<semaphore_mem>>) src(%arg8 : memref<125x128xf32, #tpu.memory_space<vmem>>) dst(%dma_wait3A_504 : memref<10000x128xf32, #tpu.memory_space<vmem_shared>>)
        tpu.yield
      }) : () -> ()
      %add3A_227 = arith.constant 1 : i32
      %add3A_228 = arith.addi %add3A_153, %add3A_227 : i32
      %lt3A_229 = arith.constant 40 : i32
      %lt3A_230 = arith.cmpi slt, %add3A_228, %lt3A_229 : i32
      %convert_element_type3A_231 = arith.extui %lt3A_230 : i1 to i32
      %cond3A_232 = arith.constant 0 : i32
      %cond3A_233 = arith.cmpi ne, %convert_element_type3A_231, %cond3A_232 : i32
      scf.if %cond3A_233 {
        %dma_start3A_492 = arith.constant 1 : i32
        %dma_start3A_493 = arith.constant 1 : i32
        %dma_start3A_494 = arith.constant 0 : i32
        %dma_start3A_495 = arith.constant 0 : i32
        %dma_start3A_496 = arith.constant 0 : i32
        %dma_start3A_497 = tpu.memref_slice %arg8[%dma_start3A_495, %dma_start3A_496] : memref<125x128xf32, #tpu.memory_space<vmem>> -> memref<64x128xf32, #tpu.memory_space<vmem>>
        %dma_start3A_498 = arith.constant 0 : i32
        %dma_start3A_499 = tpu.memref_slice %arg6[%dma_start3A_492, %dma_start3A_493, %dma_start3A_494, %dma_start3A_498] : memref<4x2x2x125xi32, #tpu.memory_space<vmem>> -> memref<1x1x1x64xi32, #tpu.memory_space<vmem>>
        %dma_start3A_500 = tpu.memref_squeeze %dma_start3A_499 : memref<1x1x1x64xi32, #tpu.memory_space<vmem>> -> memref<64xi32, #tpu.memory_space<vmem>>
        %dma_start3A_501 = arith.constant 0 : i32
        %dma_start3A_502 = arith.constant 0 : i32
        %dma_start3A_503 = tpu.memref_slice %arg2[%dma_start3A_501, %dma_start3A_502] : memref<10000x128xf32, #tpu.memory_space<hbm>> -> memref<10000x128xf32, #tpu.memory_space<hbm>>
        tpu.enqueue_indirect_dma source(%dma_start3A_503 : memref<10000x128xf32, #tpu.memory_space<hbm>>) target(%dma_start3A_497 : memref<64x128xf32, #tpu.memory_space<vmem>>) offsets(%dma_start3A_500 : memref<64xi32, #tpu.memory_space<vmem>>) semaphore(%arg10 : memref<!tpu.dma_semaphore, #tpu.memory_space<semaphore_mem>>)
        %dma_start3A_504 = arith.constant 1 : i32
        %dma_start3A_505 = arith.constant 1 : i32
        %dma_start3A_506 = arith.constant 0 : i32
        %dma_start3A_507 = arith.constant 64 : i32
        %dma_start3A_508 = arith.constant 0 : i32
        %dma_start3A_509 = tpu.memref_slice %arg8[%dma_start3A_507, %dma_start3A_508] : memref<125x128xf32, #tpu.memory_space<vmem>> -> memref<61x128xf32, #tpu.memory_space<vmem>>
        %dma_start3A_510 = arith.constant 64 : i32
        %dma_start3A_511 = tpu.memref_slice %arg6[%dma_start3A_504, %dma_start3A_505, %dma_start3A_506, %dma_start3A_510] : memref<4x2x2x125xi32, #tpu.memory_space<vmem>> -> memref<1x1x1x61xi32, #tpu.memory_space<vmem>>
        %dma_start3A_512 = tpu.memref_squeeze %dma_start3A_511 : memref<1x1x1x61xi32, #tpu.memory_space<vmem>> -> memref<61xi32, #tpu.memory_space<vmem>>
        %dma_start3A_513 = arith.constant 0 : i32
        %dma_start3A_514 = arith.constant 0 : i32
        %dma_start3A_515 = tpu.memref_slice %arg2[%dma_start3A_513, %dma_start3A_514] : memref<10000x128xf32, #tpu.memory_space<hbm>> -> memref<10000x128xf32, #tpu.memory_space<hbm>>
        tpu.enqueue_indirect_dma source(%dma_start3A_515 : memref<10000x128xf32, #tpu.memory_space<hbm>>) target(%dma_start3A_509 : memref<61x128xf32, #tpu.memory_space<vmem>>) offsets(%dma_start3A_512 : memref<61xi32, #tpu.memory_space<vmem>>) semaphore(%arg10 : memref<!tpu.dma_semaphore, #tpu.memory_space<semaphore_mem>>)
      } else {
      }
      %mul3A_234 = arith.constant 4 : i32
      %mul3A_235 = arith.muli %scan3A_149, %mul3A_234 : i32
      %add3A_236 = arith.constant 1 : i32
      %add3A_237 = arith.addi %mul3A_235, %add3A_236 : i32
      %add3A_238 = arith.constant 1 : i32
      %add3A_239 = arith.addi %add3A_237, %add3A_238 : i32
      %lt3A_240 = arith.constant 40 : i32
      %lt3A_241 = arith.cmpi slt, %add3A_239, %lt3A_240 : i32
      %convert_element_type3A_242 = arith.extui %lt3A_241 : i1 to i32
      %cond3A_243 = arith.constant 0 : i32
      %cond3A_244 = arith.cmpi ne, %convert_element_type3A_242, %cond3A_243 : i32
      scf.if %cond3A_244 {
        %dma_wait3A_492 = arith.constant 2 : i32
        %dma_wait3A_493 = arith.constant 0 : i32
        %dma_wait3A_494 = arith.constant 0 : i32
        %dma_wait3A_495 = arith.constant 0 : i32
        %dma_wait3A_496 = tpu.memref_slice %arg6[%dma_wait3A_492, %dma_wait3A_493, %dma_wait3A_494, %dma_wait3A_495] : memref<4x2x2x125xi32, #tpu.memory_space<vmem>> -> memref<1x2x2x125xi32, #tpu.memory_space<vmem>>
        %dma_wait3A_497 = tpu.memref_squeeze %dma_wait3A_496 : memref<1x2x2x125xi32, #tpu.memory_space<vmem>> -> memref<2x2x125xi32, #tpu.memory_space<vmem>>
        %dma_wait3A_498 = arith.constant 0 : i32
        %dma_wait3A_499 = arith.constant 0 : i32
        %dma_wait3A_500 = arith.constant 0 : i32
        %dma_wait3A_501 = tpu.memref_slice %arg3[%add3A, %dma_wait3A_498, %dma_wait3A_499, %dma_wait3A_500] : memref<32x80x2x125xi32, #tpu.memory_space<hbm>> -> memref<1x2x2x125xi32, #tpu.memory_space<hbm>>
        %dma_wait3A_502 = tpu.memref_squeeze %dma_wait3A_501 : memref<1x2x2x125xi32, #tpu.memory_space<hbm>> -> memref<2x2x125xi32, #tpu.memory_space<hbm>>
        %dma_wait3A_503 = arith.constant 0 : i32
        %dma_wait3A_504 = arith.constant 0 : i32
        %dma_wait3A_505 = arith.constant 0 : i32
        %dma_wait3A_506 = tpu.memref_slice %arg6[%dma_wait3A_492, %dma_wait3A_503, %dma_wait3A_504, %dma_wait3A_505] : memref<4x2x2x125xi32, #tpu.memory_space<vmem>> -> memref<1x2x2x125xi32, #tpu.memory_space<vmem>>
        %dma_wait3A_507 = tpu.memref_squeeze %dma_wait3A_506 : memref<1x2x2x125xi32, #tpu.memory_space<vmem>> -> memref<2x2x125xi32, #tpu.memory_space<vmem>>
        %dma_wait3A_508 = arith.constant 0 : i32
        %dma_wait3A_509 = arith.constant 0 : i32
        %dma_wait3A_510 = arith.constant 0 : i32
        %dma_wait3A_511 = tpu.memref_slice %arg3[%add3A, %dma_wait3A_508, %dma_wait3A_509, %dma_wait3A_510] : memref<32x80x2x125xi32, #tpu.memory_space<hbm>> -> memref<1x2x2x125xi32, #tpu.memory_space<hbm>>
        %dma_wait3A_512 = tpu.memref_squeeze %dma_wait3A_511 : memref<1x2x2x125xi32, #tpu.memory_space<hbm>> -> memref<2x2x125xi32, #tpu.memory_space<hbm>>
        tpu.wait_dma2 semaphore(%arg13 : memref<!tpu.dma_semaphore, #tpu.memory_space<semaphore_mem>>) src(%dma_wait3A_512 : memref<2x2x125xi32, #tpu.memory_space<hbm>>) dst(%dma_wait3A_507 : memref<2x2x125xi32, #tpu.memory_space<vmem>>)
      } else {
      }
      %add3A_245 = arith.constant 3 : i32
      %add3A_246 = arith.addi %add3A_237, %add3A_245 : i32
      %lt3A_247 = arith.constant 40 : i32
      %lt3A_248 = arith.cmpi slt, %add3A_246, %lt3A_247 : i32
      %convert_element_type3A_249 = arith.extui %lt3A_248 : i1 to i32
      %cond3A_250 = arith.constant 0 : i32
      %cond3A_251 = arith.cmpi ne, %convert_element_type3A_249, %cond3A_250 : i32
      scf.if %cond3A_251 {
        %add3A_492 = arith.constant 3 : i32
        %add3A_493 = arith.addi %add3A_237, %add3A_492 : i32
        %mul3A_494 = arith.constant 2 : i32
        %mul3A_495 = arith.muli %add3A_493, %mul3A_494 : i32
        %dma_start3A_496 = arith.constant 0 : i32
        %dma_start3A_497 = arith.constant 0 : i32
        %dma_start3A_498 = arith.constant 0 : i32
        %dma_start3A_499 = arith.constant 0 : i32
        %dma_start3A_500 = tpu.memref_slice %arg6[%dma_start3A_496, %dma_start3A_497, %dma_start3A_498, %dma_start3A_499] : memref<4x2x2x125xi32, #tpu.memory_space<vmem>> -> memref<1x2x2x125xi32, #tpu.memory_space<vmem>>
        %dma_start3A_501 = tpu.memref_squeeze %dma_start3A_500 : memref<1x2x2x125xi32, #tpu.memory_space<vmem>> -> memref<2x2x125xi32, #tpu.memory_space<vmem>>
        %dma_start3A_502 = arith.constant 0 : i32
        %dma_start3A_503 = arith.constant 0 : i32
        %dma_start3A_504 = tpu.memref_slice %arg3[%add3A, %mul3A_495, %dma_start3A_502, %dma_start3A_503] : memref<32x80x2x125xi32, #tpu.memory_space<hbm>> -> memref<1x2x2x125xi32, #tpu.memory_space<hbm>>
        %dma_start3A_505 = tpu.memref_squeeze %dma_start3A_504 : memref<1x2x2x125xi32, #tpu.memory_space<hbm>> -> memref<2x2x125xi32, #tpu.memory_space<hbm>>
        %dma_start3A_506 = arith.constant 0 : i32
        %dma_start3A_507 = arith.constant 0 : i32
        %dma_start3A_508 = arith.constant 0 : i32
        %dma_start3A_509 = tpu.memref_slice %arg6[%dma_start3A_496, %dma_start3A_506, %dma_start3A_507, %dma_start3A_508] : memref<4x2x2x125xi32, #tpu.memory_space<vmem>> -> memref<1x2x2x125xi32, #tpu.memory_space<vmem>>
        %dma_start3A_510 = tpu.memref_squeeze %dma_start3A_509 : memref<1x2x2x125xi32, #tpu.memory_space<vmem>> -> memref<2x2x125xi32, #tpu.memory_space<vmem>>
        %dma_start3A_511 = arith.constant 0 : i32
        %dma_start3A_512 = arith.constant 0 : i32
        %dma_start3A_513 = tpu.memref_slice %arg3[%add3A, %mul3A_495, %dma_start3A_511, %dma_start3A_512] : memref<32x80x2x125xi32, #tpu.memory_space<hbm>> -> memref<1x2x2x125xi32, #tpu.memory_space<hbm>>
        %dma_start3A_514 = tpu.memref_squeeze %dma_start3A_513 : memref<1x2x2x125xi32, #tpu.memory_space<hbm>> -> memref<2x2x125xi32, #tpu.memory_space<hbm>>
        tpu.enqueue_dma source(%dma_start3A_514 : memref<2x2x125xi32, #tpu.memory_space<hbm>>) target(%dma_start3A_510 : memref<2x2x125xi32, #tpu.memory_space<vmem>>) target_semaphore(%arg11 : memref<!tpu.dma_semaphore, #tpu.memory_space<semaphore_mem>>)
      } else {
      }
      %dma_wait3A_252 = arith.constant 0 : i32
      %dma_wait3A_253 = arith.constant 0 : i32
      %dma_wait3A_254 = arith.constant 0 : i32
      %dma_wait3A_255 = arith.constant 0 : i32
      %dma_wait3A_256 = arith.constant 0 : i32
      %dma_wait3A_257 = tpu.memref_slice %arg7[%dma_wait3A_255, %dma_wait3A_256] : memref<125x128xf32, #tpu.memory_space<vmem>> -> memref<64x128xf32, #tpu.memory_space<vmem>>
      %dma_wait3A_258 = arith.constant 0 : i32
      %dma_wait3A_259 = tpu.memref_slice %arg6[%dma_wait3A_252, %dma_wait3A_253, %dma_wait3A_254, %dma_wait3A_258] : memref<4x2x2x125xi32, #tpu.memory_space<vmem>> -> memref<1x1x1x64xi32, #tpu.memory_space<vmem>>
      %dma_wait3A_260 = tpu.memref_squeeze %dma_wait3A_259 : memref<1x1x1x64xi32, #tpu.memory_space<vmem>> -> memref<64xi32, #tpu.memory_space<vmem>>
      %dma_wait3A_261 = arith.constant 0 : i32
      %dma_wait3A_262 = arith.constant 0 : i32
      %dma_wait3A_263 = tpu.memref_slice %arg2[%dma_wait3A_261, %dma_wait3A_262] : memref<10000x128xf32, #tpu.memory_space<hbm>> -> memref<10000x128xf32, #tpu.memory_space<hbm>>
      tpu.wait_indirect_dma semaphore(%arg9 : memref<!tpu.dma_semaphore, #tpu.memory_space<semaphore_mem>>) src(%dma_wait3A_263 : memref<10000x128xf32, #tpu.memory_space<hbm>>) dst(%dma_wait3A_257 : memref<64x128xf32, #tpu.memory_space<vmem>>)
      %dma_wait3A_264 = arith.constant 0 : i32
      %dma_wait3A_265 = arith.constant 0 : i32
      %dma_wait3A_266 = arith.constant 0 : i32
      %dma_wait3A_267 = arith.constant 64 : i32
      %dma_wait3A_268 = arith.constant 0 : i32
      %dma_wait3A_269 = tpu.memref_slice %arg7[%dma_wait3A_267, %dma_wait3A_268] : memref<125x128xf32, #tpu.memory_space<vmem>> -> memref<61x128xf32, #tpu.memory_space<vmem>>
      %dma_wait3A_270 = arith.constant 64 : i32
      %dma_wait3A_271 = tpu.memref_slice %arg6[%dma_wait3A_264, %dma_wait3A_265, %dma_wait3A_266, %dma_wait3A_270] : memref<4x2x2x125xi32, #tpu.memory_space<vmem>> -> memref<1x1x1x61xi32, #tpu.memory_space<vmem>>
      %dma_wait3A_272 = tpu.memref_squeeze %dma_wait3A_271 : memref<1x1x1x61xi32, #tpu.memory_space<vmem>> -> memref<61xi32, #tpu.memory_space<vmem>>
      %dma_wait3A_273 = arith.constant 0 : i32
      %dma_wait3A_274 = arith.constant 0 : i32
      %dma_wait3A_275 = tpu.memref_slice %arg2[%dma_wait3A_273, %dma_wait3A_274] : memref<10000x128xf32, #tpu.memory_space<hbm>> -> memref<10000x128xf32, #tpu.memory_space<hbm>>
      tpu.wait_indirect_dma semaphore(%arg9 : memref<!tpu.dma_semaphore, #tpu.memory_space<semaphore_mem>>) src(%dma_wait3A_275 : memref<10000x128xf32, #tpu.memory_space<hbm>>) dst(%dma_wait3A_269 : memref<61x128xf32, #tpu.memory_space<vmem>>)
      %run_scoped3A_276 = arith.constant 1 : i32
      %run_scoped3A_277 = arith.constant 0 : i32
      %run_scoped3A_278 = arith.constant 1 : i32
      "tpu.region"() ({
        %run_scoped3A_492 = tpu.sem_alloc : memref<!tpu.dma_semaphore, #tpu.memory_space<semaphore_mem>>
        %dma_start3A_493 = arith.constant 0 : i32
        %dma_start3A_494 = tpu.memref_slice %arg6[%run_scoped3A_276, %run_scoped3A_277, %run_scoped3A_278, %dma_start3A_493] : memref<4x2x2x125xi32, #tpu.memory_space<vmem>> -> memref<1x1x1x125xi32, #tpu.memory_space<vmem>>
        %dma_start3A_495 = tpu.memref_squeeze %dma_start3A_494 : memref<1x1x1x125xi32, #tpu.memory_space<vmem>> -> memref<125xi32, #tpu.memory_space<vmem>>
        %dma_start3A_496 = arith.constant 0 : i32
        %dma_start3A_497 = arith.constant 0 : i32
        %dma_start3A_498 = tpu.memref_slice %arg15[%dma_start3A_496, %dma_start3A_497] : memref<10000x128xf32, #tpu.memory_space<vmem_shared>> -> memref<10000x128xf32, #tpu.memory_space<vmem_shared>>
        tpu.enqueue_indirect_dma source(%arg7 : memref<125x128xf32, #tpu.memory_space<vmem>>) target(%dma_start3A_498 : memref<10000x128xf32, #tpu.memory_space<vmem_shared>>) offsets(%dma_start3A_495 : memref<125xi32, #tpu.memory_space<vmem>>) semaphore(%run_scoped3A_492 : memref<!tpu.dma_semaphore, #tpu.memory_space<semaphore_mem>>) {add = true}
        %dma_wait3A_499 = arith.constant 0 : i32
        %dma_wait3A_500 = tpu.memref_slice %arg6[%run_scoped3A_276, %run_scoped3A_277, %run_scoped3A_278, %dma_wait3A_499] : memref<4x2x2x125xi32, #tpu.memory_space<vmem>> -> memref<1x1x1x125xi32, #tpu.memory_space<vmem>>
        %dma_wait3A_501 = tpu.memref_squeeze %dma_wait3A_500 : memref<1x1x1x125xi32, #tpu.memory_space<vmem>> -> memref<125xi32, #tpu.memory_space<vmem>>
        %dma_wait3A_502 = arith.constant 0 : i32
        %dma_wait3A_503 = arith.constant 0 : i32
        %dma_wait3A_504 = tpu.memref_slice %arg15[%dma_wait3A_502, %dma_wait3A_503] : memref<10000x128xf32, #tpu.memory_space<vmem_shared>> -> memref<10000x128xf32, #tpu.memory_space<vmem_shared>>
        tpu.wait_indirect_dma semaphore(%run_scoped3A_492 : memref<!tpu.dma_semaphore, #tpu.memory_space<semaphore_mem>>) src(%arg7 : memref<125x128xf32, #tpu.memory_space<vmem>>) dst(%dma_wait3A_504 : memref<10000x128xf32, #tpu.memory_space<vmem_shared>>)
        tpu.yield
      }) : () -> ()
      %add3A_279 = arith.constant 1 : i32
      %add3A_280 = arith.addi %add3A_237, %add3A_279 : i32
      %lt3A_281 = arith.constant 40 : i32
      %lt3A_282 = arith.cmpi slt, %add3A_280, %lt3A_281 : i32
      %convert_element_type3A_283 = arith.extui %lt3A_282 : i1 to i32
      %cond3A_284 = arith.constant 0 : i32
      %cond3A_285 = arith.cmpi ne, %convert_element_type3A_283, %cond3A_284 : i32
      scf.if %cond3A_285 {
        %dma_start3A_492 = arith.constant 2 : i32
        %dma_start3A_493 = arith.constant 0 : i32
        %dma_start3A_494 = arith.constant 0 : i32
        %dma_start3A_495 = arith.constant 0 : i32
        %dma_start3A_496 = arith.constant 0 : i32
        %dma_start3A_497 = tpu.memref_slice %arg7[%dma_start3A_495, %dma_start3A_496] : memref<125x128xf32, #tpu.memory_space<vmem>> -> memref<64x128xf32, #tpu.memory_space<vmem>>
        %dma_start3A_498 = arith.constant 0 : i32
        %dma_start3A_499 = tpu.memref_slice %arg6[%dma_start3A_492, %dma_start3A_493, %dma_start3A_494, %dma_start3A_498] : memref<4x2x2x125xi32, #tpu.memory_space<vmem>> -> memref<1x1x1x64xi32, #tpu.memory_space<vmem>>
        %dma_start3A_500 = tpu.memref_squeeze %dma_start3A_499 : memref<1x1x1x64xi32, #tpu.memory_space<vmem>> -> memref<64xi32, #tpu.memory_space<vmem>>
        %dma_start3A_501 = arith.constant 0 : i32
        %dma_start3A_502 = arith.constant 0 : i32
        %dma_start3A_503 = tpu.memref_slice %arg2[%dma_start3A_501, %dma_start3A_502] : memref<10000x128xf32, #tpu.memory_space<hbm>> -> memref<10000x128xf32, #tpu.memory_space<hbm>>
        tpu.enqueue_indirect_dma source(%dma_start3A_503 : memref<10000x128xf32, #tpu.memory_space<hbm>>) target(%dma_start3A_497 : memref<64x128xf32, #tpu.memory_space<vmem>>) offsets(%dma_start3A_500 : memref<64xi32, #tpu.memory_space<vmem>>) semaphore(%arg9 : memref<!tpu.dma_semaphore, #tpu.memory_space<semaphore_mem>>)
        %dma_start3A_504 = arith.constant 2 : i32
        %dma_start3A_505 = arith.constant 0 : i32
        %dma_start3A_506 = arith.constant 0 : i32
        %dma_start3A_507 = arith.constant 64 : i32
        %dma_start3A_508 = arith.constant 0 : i32
        %dma_start3A_509 = tpu.memref_slice %arg7[%dma_start3A_507, %dma_start3A_508] : memref<125x128xf32, #tpu.memory_space<vmem>> -> memref<61x128xf32, #tpu.memory_space<vmem>>
        %dma_start3A_510 = arith.constant 64 : i32
        %dma_start3A_511 = tpu.memref_slice %arg6[%dma_start3A_504, %dma_start3A_505, %dma_start3A_506, %dma_start3A_510] : memref<4x2x2x125xi32, #tpu.memory_space<vmem>> -> memref<1x1x1x61xi32, #tpu.memory_space<vmem>>
        %dma_start3A_512 = tpu.memref_squeeze %dma_start3A_511 : memref<1x1x1x61xi32, #tpu.memory_space<vmem>> -> memref<61xi32, #tpu.memory_space<vmem>>
        %dma_start3A_513 = arith.constant 0 : i32
        %dma_start3A_514 = arith.constant 0 : i32
        %dma_start3A_515 = tpu.memref_slice %arg2[%dma_start3A_513, %dma_start3A_514] : memref<10000x128xf32, #tpu.memory_space<hbm>> -> memref<10000x128xf32, #tpu.memory_space<hbm>>
        tpu.enqueue_indirect_dma source(%dma_start3A_515 : memref<10000x128xf32, #tpu.memory_space<hbm>>) target(%dma_start3A_509 : memref<61x128xf32, #tpu.memory_space<vmem>>) offsets(%dma_start3A_512 : memref<61xi32, #tpu.memory_space<vmem>>) semaphore(%arg9 : memref<!tpu.dma_semaphore, #tpu.memory_space<semaphore_mem>>)
      } else {
      }
      %dma_wait3A_286 = arith.constant 0 : i32
      %dma_wait3A_287 = arith.constant 0 : i32
      %dma_wait3A_288 = arith.constant 0 : i32
      %dma_wait3A_289 = arith.constant 0 : i32
      %dma_wait3A_290 = arith.constant 0 : i32
      %dma_wait3A_291 = tpu.memref_slice %arg8[%dma_wait3A_289, %dma_wait3A_290] : memref<125x128xf32, #tpu.memory_space<vmem>> -> memref<64x128xf32, #tpu.memory_space<vmem>>
      %dma_wait3A_292 = arith.constant 0 : i32
      %dma_wait3A_293 = tpu.memref_slice %arg6[%dma_wait3A_286, %dma_wait3A_287, %dma_wait3A_288, %dma_wait3A_292] : memref<4x2x2x125xi32, #tpu.memory_space<vmem>> -> memref<1x1x1x64xi32, #tpu.memory_space<vmem>>
      %dma_wait3A_294 = tpu.memref_squeeze %dma_wait3A_293 : memref<1x1x1x64xi32, #tpu.memory_space<vmem>> -> memref<64xi32, #tpu.memory_space<vmem>>
      %dma_wait3A_295 = arith.constant 0 : i32
      %dma_wait3A_296 = arith.constant 0 : i32
      %dma_wait3A_297 = tpu.memref_slice %arg2[%dma_wait3A_295, %dma_wait3A_296] : memref<10000x128xf32, #tpu.memory_space<hbm>> -> memref<10000x128xf32, #tpu.memory_space<hbm>>
      tpu.wait_indirect_dma semaphore(%arg10 : memref<!tpu.dma_semaphore, #tpu.memory_space<semaphore_mem>>) src(%dma_wait3A_297 : memref<10000x128xf32, #tpu.memory_space<hbm>>) dst(%dma_wait3A_291 : memref<64x128xf32, #tpu.memory_space<vmem>>)
      %dma_wait3A_298 = arith.constant 0 : i32
      %dma_wait3A_299 = arith.constant 0 : i32
      %dma_wait3A_300 = arith.constant 0 : i32
      %dma_wait3A_301 = arith.constant 64 : i32
      %dma_wait3A_302 = arith.constant 0 : i32
      %dma_wait3A_303 = tpu.memref_slice %arg8[%dma_wait3A_301, %dma_wait3A_302] : memref<125x128xf32, #tpu.memory_space<vmem>> -> memref<61x128xf32, #tpu.memory_space<vmem>>
      %dma_wait3A_304 = arith.constant 64 : i32
      %dma_wait3A_305 = tpu.memref_slice %arg6[%dma_wait3A_298, %dma_wait3A_299, %dma_wait3A_300, %dma_wait3A_304] : memref<4x2x2x125xi32, #tpu.memory_space<vmem>> -> memref<1x1x1x61xi32, #tpu.memory_space<vmem>>
      %dma_wait3A_306 = tpu.memref_squeeze %dma_wait3A_305 : memref<1x1x1x61xi32, #tpu.memory_space<vmem>> -> memref<61xi32, #tpu.memory_space<vmem>>
      %dma_wait3A_307 = arith.constant 0 : i32
      %dma_wait3A_308 = arith.constant 0 : i32
      %dma_wait3A_309 = tpu.memref_slice %arg2[%dma_wait3A_307, %dma_wait3A_308] : memref<10000x128xf32, #tpu.memory_space<hbm>> -> memref<10000x128xf32, #tpu.memory_space<hbm>>
      tpu.wait_indirect_dma semaphore(%arg10 : memref<!tpu.dma_semaphore, #tpu.memory_space<semaphore_mem>>) src(%dma_wait3A_309 : memref<10000x128xf32, #tpu.memory_space<hbm>>) dst(%dma_wait3A_303 : memref<61x128xf32, #tpu.memory_space<vmem>>)
      %run_scoped3A_310 = arith.constant 1 : i32
      %run_scoped3A_311 = arith.constant 1 : i32
      %run_scoped3A_312 = arith.constant 1 : i32
      "tpu.region"() ({
        %run_scoped3A_492 = tpu.sem_alloc : memref<!tpu.dma_semaphore, #tpu.memory_space<semaphore_mem>>
        %dma_start3A_493 = arith.constant 0 : i32
        %dma_start3A_494 = tpu.memref_slice %arg6[%run_scoped3A_310, %run_scoped3A_311, %run_scoped3A_312, %dma_start3A_493] : memref<4x2x2x125xi32, #tpu.memory_space<vmem>> -> memref<1x1x1x125xi32, #tpu.memory_space<vmem>>
        %dma_start3A_495 = tpu.memref_squeeze %dma_start3A_494 : memref<1x1x1x125xi32, #tpu.memory_space<vmem>> -> memref<125xi32, #tpu.memory_space<vmem>>
        %dma_start3A_496 = arith.constant 0 : i32
        %dma_start3A_497 = arith.constant 0 : i32
        %dma_start3A_498 = tpu.memref_slice %arg15[%dma_start3A_496, %dma_start3A_497] : memref<10000x128xf32, #tpu.memory_space<vmem_shared>> -> memref<10000x128xf32, #tpu.memory_space<vmem_shared>>
        tpu.enqueue_indirect_dma source(%arg8 : memref<125x128xf32, #tpu.memory_space<vmem>>) target(%dma_start3A_498 : memref<10000x128xf32, #tpu.memory_space<vmem_shared>>) offsets(%dma_start3A_495 : memref<125xi32, #tpu.memory_space<vmem>>) semaphore(%run_scoped3A_492 : memref<!tpu.dma_semaphore, #tpu.memory_space<semaphore_mem>>) {add = true}
        %dma_wait3A_499 = arith.constant 0 : i32
        %dma_wait3A_500 = tpu.memref_slice %arg6[%run_scoped3A_310, %run_scoped3A_311, %run_scoped3A_312, %dma_wait3A_499] : memref<4x2x2x125xi32, #tpu.memory_space<vmem>> -> memref<1x1x1x125xi32, #tpu.memory_space<vmem>>
        %dma_wait3A_501 = tpu.memref_squeeze %dma_wait3A_500 : memref<1x1x1x125xi32, #tpu.memory_space<vmem>> -> memref<125xi32, #tpu.memory_space<vmem>>
        %dma_wait3A_502 = arith.constant 0 : i32
        %dma_wait3A_503 = arith.constant 0 : i32
        %dma_wait3A_504 = tpu.memref_slice %arg15[%dma_wait3A_502, %dma_wait3A_503] : memref<10000x128xf32, #tpu.memory_space<vmem_shared>> -> memref<10000x128xf32, #tpu.memory_space<vmem_shared>>
        tpu.wait_indirect_dma semaphore(%run_scoped3A_492 : memref<!tpu.dma_semaphore, #tpu.memory_space<semaphore_mem>>) src(%arg8 : memref<125x128xf32, #tpu.memory_space<vmem>>) dst(%dma_wait3A_504 : memref<10000x128xf32, #tpu.memory_space<vmem_shared>>)
        tpu.yield
      }) : () -> ()
      %add3A_313 = arith.constant 1 : i32
      %add3A_314 = arith.addi %add3A_237, %add3A_313 : i32
      %lt3A_315 = arith.constant 40 : i32
      %lt3A_316 = arith.cmpi slt, %add3A_314, %lt3A_315 : i32
      %convert_element_type3A_317 = arith.extui %lt3A_316 : i1 to i32
      %cond3A_318 = arith.constant 0 : i32
      %cond3A_319 = arith.cmpi ne, %convert_element_type3A_317, %cond3A_318 : i32
      scf.if %cond3A_319 {
        %dma_start3A_492 = arith.constant 2 : i32
        %dma_start3A_493 = arith.constant 1 : i32
        %dma_start3A_494 = arith.constant 0 : i32
        %dma_start3A_495 = arith.constant 0 : i32
        %dma_start3A_496 = arith.constant 0 : i32
        %dma_start3A_497 = tpu.memref_slice %arg8[%dma_start3A_495, %dma_start3A_496] : memref<125x128xf32, #tpu.memory_space<vmem>> -> memref<64x128xf32, #tpu.memory_space<vmem>>
        %dma_start3A_498 = arith.constant 0 : i32
        %dma_start3A_499 = tpu.memref_slice %arg6[%dma_start3A_492, %dma_start3A_493, %dma_start3A_494, %dma_start3A_498] : memref<4x2x2x125xi32, #tpu.memory_space<vmem>> -> memref<1x1x1x64xi32, #tpu.memory_space<vmem>>
        %dma_start3A_500 = tpu.memref_squeeze %dma_start3A_499 : memref<1x1x1x64xi32, #tpu.memory_space<vmem>> -> memref<64xi32, #tpu.memory_space<vmem>>
        %dma_start3A_501 = arith.constant 0 : i32
        %dma_start3A_502 = arith.constant 0 : i32
        %dma_start3A_503 = tpu.memref_slice %arg2[%dma_start3A_501, %dma_start3A_502] : memref<10000x128xf32, #tpu.memory_space<hbm>> -> memref<10000x128xf32, #tpu.memory_space<hbm>>
        tpu.enqueue_indirect_dma source(%dma_start3A_503 : memref<10000x128xf32, #tpu.memory_space<hbm>>) target(%dma_start3A_497 : memref<64x128xf32, #tpu.memory_space<vmem>>) offsets(%dma_start3A_500 : memref<64xi32, #tpu.memory_space<vmem>>) semaphore(%arg10 : memref<!tpu.dma_semaphore, #tpu.memory_space<semaphore_mem>>)
        %dma_start3A_504 = arith.constant 2 : i32
        %dma_start3A_505 = arith.constant 1 : i32
        %dma_start3A_506 = arith.constant 0 : i32
        %dma_start3A_507 = arith.constant 64 : i32
        %dma_start3A_508 = arith.constant 0 : i32
        %dma_start3A_509 = tpu.memref_slice %arg8[%dma_start3A_507, %dma_start3A_508] : memref<125x128xf32, #tpu.memory_space<vmem>> -> memref<61x128xf32, #tpu.memory_space<vmem>>
        %dma_start3A_510 = arith.constant 64 : i32
        %dma_start3A_511 = tpu.memref_slice %arg6[%dma_start3A_504, %dma_start3A_505, %dma_start3A_506, %dma_start3A_510] : memref<4x2x2x125xi32, #tpu.memory_space<vmem>> -> memref<1x1x1x61xi32, #tpu.memory_space<vmem>>
        %dma_start3A_512 = tpu.memref_squeeze %dma_start3A_511 : memref<1x1x1x61xi32, #tpu.memory_space<vmem>> -> memref<61xi32, #tpu.memory_space<vmem>>
        %dma_start3A_513 = arith.constant 0 : i32
        %dma_start3A_514 = arith.constant 0 : i32
        %dma_start3A_515 = tpu.memref_slice %arg2[%dma_start3A_513, %dma_start3A_514] : memref<10000x128xf32, #tpu.memory_space<hbm>> -> memref<10000x128xf32, #tpu.memory_space<hbm>>
        tpu.enqueue_indirect_dma source(%dma_start3A_515 : memref<10000x128xf32, #tpu.memory_space<hbm>>) target(%dma_start3A_509 : memref<61x128xf32, #tpu.memory_space<vmem>>) offsets(%dma_start3A_512 : memref<61xi32, #tpu.memory_space<vmem>>) semaphore(%arg10 : memref<!tpu.dma_semaphore, #tpu.memory_space<semaphore_mem>>)
      } else {
      }
      %mul3A_320 = arith.constant 4 : i32
      %mul3A_321 = arith.muli %scan3A_149, %mul3A_320 : i32
      %add3A_322 = arith.constant 2 : i32
      %add3A_323 = arith.addi %mul3A_321, %add3A_322 : i32
      %add3A_324 = arith.constant 1 : i32
      %add3A_325 = arith.addi %add3A_323, %add3A_324 : i32
      %lt3A_326 = arith.constant 40 : i32
      %lt3A_327 = arith.cmpi slt, %add3A_325, %lt3A_326 : i32
      %convert_element_type3A_328 = arith.extui %lt3A_327 : i1 to i32
      %cond3A_329 = arith.constant 0 : i32
      %cond3A_330 = arith.cmpi ne, %convert_element_type3A_328, %cond3A_329 : i32
      scf.if %cond3A_330 {
        %dma_wait3A_492 = arith.constant 3 : i32
        %dma_wait3A_493 = arith.constant 0 : i32
        %dma_wait3A_494 = arith.constant 0 : i32
        %dma_wait3A_495 = arith.constant 0 : i32
        %dma_wait3A_496 = tpu.memref_slice %arg6[%dma_wait3A_492, %dma_wait3A_493, %dma_wait3A_494, %dma_wait3A_495] : memref<4x2x2x125xi32, #tpu.memory_space<vmem>> -> memref<1x2x2x125xi32, #tpu.memory_space<vmem>>
        %dma_wait3A_497 = tpu.memref_squeeze %dma_wait3A_496 : memref<1x2x2x125xi32, #tpu.memory_space<vmem>> -> memref<2x2x125xi32, #tpu.memory_space<vmem>>
        %dma_wait3A_498 = arith.constant 0 : i32
        %dma_wait3A_499 = arith.constant 0 : i32
        %dma_wait3A_500 = arith.constant 0 : i32
        %dma_wait3A_501 = tpu.memref_slice %arg3[%add3A, %dma_wait3A_498, %dma_wait3A_499, %dma_wait3A_500] : memref<32x80x2x125xi32, #tpu.memory_space<hbm>> -> memref<1x2x2x125xi32, #tpu.memory_space<hbm>>
        %dma_wait3A_502 = tpu.memref_squeeze %dma_wait3A_501 : memref<1x2x2x125xi32, #tpu.memory_space<hbm>> -> memref<2x2x125xi32, #tpu.memory_space<hbm>>
        %dma_wait3A_503 = arith.constant 0 : i32
        %dma_wait3A_504 = arith.constant 0 : i32
        %dma_wait3A_505 = arith.constant 0 : i32
        %dma_wait3A_506 = tpu.memref_slice %arg6[%dma_wait3A_492, %dma_wait3A_503, %dma_wait3A_504, %dma_wait3A_505] : memref<4x2x2x125xi32, #tpu.memory_space<vmem>> -> memref<1x2x2x125xi32, #tpu.memory_space<vmem>>
        %dma_wait3A_507 = tpu.memref_squeeze %dma_wait3A_506 : memref<1x2x2x125xi32, #tpu.memory_space<vmem>> -> memref<2x2x125xi32, #tpu.memory_space<vmem>>
        %dma_wait3A_508 = arith.constant 0 : i32
        %dma_wait3A_509 = arith.constant 0 : i32
        %dma_wait3A_510 = arith.constant 0 : i32
        %dma_wait3A_511 = tpu.memref_slice %arg3[%add3A, %dma_wait3A_508, %dma_wait3A_509, %dma_wait3A_510] : memref<32x80x2x125xi32, #tpu.memory_space<hbm>> -> memref<1x2x2x125xi32, #tpu.memory_space<hbm>>
        %dma_wait3A_512 = tpu.memref_squeeze %dma_wait3A_511 : memref<1x2x2x125xi32, #tpu.memory_space<hbm>> -> memref<2x2x125xi32, #tpu.memory_space<hbm>>
        tpu.wait_dma2 semaphore(%arg14 : memref<!tpu.dma_semaphore, #tpu.memory_space<semaphore_mem>>) src(%dma_wait3A_512 : memref<2x2x125xi32, #tpu.memory_space<hbm>>) dst(%dma_wait3A_507 : memref<2x2x125xi32, #tpu.memory_space<vmem>>)
      } else {
      }
      %add3A_331 = arith.constant 3 : i32
      %add3A_332 = arith.addi %add3A_323, %add3A_331 : i32
      %lt3A_333 = arith.constant 40 : i32
      %lt3A_334 = arith.cmpi slt, %add3A_332, %lt3A_333 : i32
      %convert_element_type3A_335 = arith.extui %lt3A_334 : i1 to i32
      %cond3A_336 = arith.constant 0 : i32
      %cond3A_337 = arith.cmpi ne, %convert_element_type3A_335, %cond3A_336 : i32
      scf.if %cond3A_337 {
        %add3A_492 = arith.constant 3 : i32
        %add3A_493 = arith.addi %add3A_323, %add3A_492 : i32
        %mul3A_494 = arith.constant 2 : i32
        %mul3A_495 = arith.muli %add3A_493, %mul3A_494 : i32
        %dma_start3A_496 = arith.constant 1 : i32
        %dma_start3A_497 = arith.constant 0 : i32
        %dma_start3A_498 = arith.constant 0 : i32
        %dma_start3A_499 = arith.constant 0 : i32
        %dma_start3A_500 = tpu.memref_slice %arg6[%dma_start3A_496, %dma_start3A_497, %dma_start3A_498, %dma_start3A_499] : memref<4x2x2x125xi32, #tpu.memory_space<vmem>> -> memref<1x2x2x125xi32, #tpu.memory_space<vmem>>
        %dma_start3A_501 = tpu.memref_squeeze %dma_start3A_500 : memref<1x2x2x125xi32, #tpu.memory_space<vmem>> -> memref<2x2x125xi32, #tpu.memory_space<vmem>>
        %dma_start3A_502 = arith.constant 0 : i32
        %dma_start3A_503 = arith.constant 0 : i32
        %dma_start3A_504 = tpu.memref_slice %arg3[%add3A, %mul3A_495, %dma_start3A_502, %dma_start3A_503] : memref<32x80x2x125xi32, #tpu.memory_space<hbm>> -> memref<1x2x2x125xi32, #tpu.memory_space<hbm>>
        %dma_start3A_505 = tpu.memref_squeeze %dma_start3A_504 : memref<1x2x2x125xi32, #tpu.memory_space<hbm>> -> memref<2x2x125xi32, #tpu.memory_space<hbm>>
        %dma_start3A_506 = arith.constant 0 : i32
        %dma_start3A_507 = arith.constant 0 : i32
        %dma_start3A_508 = arith.constant 0 : i32
        %dma_start3A_509 = tpu.memref_slice %arg6[%dma_start3A_496, %dma_start3A_506, %dma_start3A_507, %dma_start3A_508] : memref<4x2x2x125xi32, #tpu.memory_space<vmem>> -> memref<1x2x2x125xi32, #tpu.memory_space<vmem>>
        %dma_start3A_510 = tpu.memref_squeeze %dma_start3A_509 : memref<1x2x2x125xi32, #tpu.memory_space<vmem>> -> memref<2x2x125xi32, #tpu.memory_space<vmem>>
        %dma_start3A_511 = arith.constant 0 : i32
        %dma_start3A_512 = arith.constant 0 : i32
        %dma_start3A_513 = tpu.memref_slice %arg3[%add3A, %mul3A_495, %dma_start3A_511, %dma_start3A_512] : memref<32x80x2x125xi32, #tpu.memory_space<hbm>> -> memref<1x2x2x125xi32, #tpu.memory_space<hbm>>
        %dma_start3A_514 = tpu.memref_squeeze %dma_start3A_513 : memref<1x2x2x125xi32, #tpu.memory_space<hbm>> -> memref<2x2x125xi32, #tpu.memory_space<hbm>>
        tpu.enqueue_dma source(%dma_start3A_514 : memref<2x2x125xi32, #tpu.memory_space<hbm>>) target(%dma_start3A_510 : memref<2x2x125xi32, #tpu.memory_space<vmem>>) target_semaphore(%arg12 : memref<!tpu.dma_semaphore, #tpu.memory_space<semaphore_mem>>)
      } else {
      }
      %dma_wait3A_338 = arith.constant 0 : i32
      %dma_wait3A_339 = arith.constant 0 : i32
      %dma_wait3A_340 = arith.constant 0 : i32
      %dma_wait3A_341 = arith.constant 0 : i32
      %dma_wait3A_342 = arith.constant 0 : i32
      %dma_wait3A_343 = tpu.memref_slice %arg7[%dma_wait3A_341, %dma_wait3A_342] : memref<125x128xf32, #tpu.memory_space<vmem>> -> memref<64x128xf32, #tpu.memory_space<vmem>>
      %dma_wait3A_344 = arith.constant 0 : i32
      %dma_wait3A_345 = tpu.memref_slice %arg6[%dma_wait3A_338, %dma_wait3A_339, %dma_wait3A_340, %dma_wait3A_344] : memref<4x2x2x125xi32, #tpu.memory_space<vmem>> -> memref<1x1x1x64xi32, #tpu.memory_space<vmem>>
      %dma_wait3A_346 = tpu.memref_squeeze %dma_wait3A_345 : memref<1x1x1x64xi32, #tpu.memory_space<vmem>> -> memref<64xi32, #tpu.memory_space<vmem>>
      %dma_wait3A_347 = arith.constant 0 : i32
      %dma_wait3A_348 = arith.constant 0 : i32
      %dma_wait3A_349 = tpu.memref_slice %arg2[%dma_wait3A_347, %dma_wait3A_348] : memref<10000x128xf32, #tpu.memory_space<hbm>> -> memref<10000x128xf32, #tpu.memory_space<hbm>>
      tpu.wait_indirect_dma semaphore(%arg9 : memref<!tpu.dma_semaphore, #tpu.memory_space<semaphore_mem>>) src(%dma_wait3A_349 : memref<10000x128xf32, #tpu.memory_space<hbm>>) dst(%dma_wait3A_343 : memref<64x128xf32, #tpu.memory_space<vmem>>)
      %dma_wait3A_350 = arith.constant 0 : i32
      %dma_wait3A_351 = arith.constant 0 : i32
      %dma_wait3A_352 = arith.constant 0 : i32
      %dma_wait3A_353 = arith.constant 64 : i32
      %dma_wait3A_354 = arith.constant 0 : i32
      %dma_wait3A_355 = tpu.memref_slice %arg7[%dma_wait3A_353, %dma_wait3A_354] : memref<125x128xf32, #tpu.memory_space<vmem>> -> memref<61x128xf32, #tpu.memory_space<vmem>>
      %dma_wait3A_356 = arith.constant 64 : i32
      %dma_wait3A_357 = tpu.memref_slice %arg6[%dma_wait3A_350, %dma_wait3A_351, %dma_wait3A_352, %dma_wait3A_356] : memref<4x2x2x125xi32, #tpu.memory_space<vmem>> -> memref<1x1x1x61xi32, #tpu.memory_space<vmem>>
      %dma_wait3A_358 = tpu.memref_squeeze %dma_wait3A_357 : memref<1x1x1x61xi32, #tpu.memory_space<vmem>> -> memref<61xi32, #tpu.memory_space<vmem>>
      %dma_wait3A_359 = arith.constant 0 : i32
      %dma_wait3A_360 = arith.constant 0 : i32
      %dma_wait3A_361 = tpu.memref_slice %arg2[%dma_wait3A_359, %dma_wait3A_360] : memref<10000x128xf32, #tpu.memory_space<hbm>> -> memref<10000x128xf32, #tpu.memory_space<hbm>>
      tpu.wait_indirect_dma semaphore(%arg9 : memref<!tpu.dma_semaphore, #tpu.memory_space<semaphore_mem>>) src(%dma_wait3A_361 : memref<10000x128xf32, #tpu.memory_space<hbm>>) dst(%dma_wait3A_355 : memref<61x128xf32, #tpu.memory_space<vmem>>)
      %run_scoped3A_362 = arith.constant 2 : i32
      %run_scoped3A_363 = arith.constant 0 : i32
      %run_scoped3A_364 = arith.constant 1 : i32
      "tpu.region"() ({
        %run_scoped3A_492 = tpu.sem_alloc : memref<!tpu.dma_semaphore, #tpu.memory_space<semaphore_mem>>
        %dma_start3A_493 = arith.constant 0 : i32
        %dma_start3A_494 = tpu.memref_slice %arg6[%run_scoped3A_362, %run_scoped3A_363, %run_scoped3A_364, %dma_start3A_493] : memref<4x2x2x125xi32, #tpu.memory_space<vmem>> -> memref<1x1x1x125xi32, #tpu.memory_space<vmem>>
        %dma_start3A_495 = tpu.memref_squeeze %dma_start3A_494 : memref<1x1x1x125xi32, #tpu.memory_space<vmem>> -> memref<125xi32, #tpu.memory_space<vmem>>
        %dma_start3A_496 = arith.constant 0 : i32
        %dma_start3A_497 = arith.constant 0 : i32
        %dma_start3A_498 = tpu.memref_slice %arg15[%dma_start3A_496, %dma_start3A_497] : memref<10000x128xf32, #tpu.memory_space<vmem_shared>> -> memref<10000x128xf32, #tpu.memory_space<vmem_shared>>
        tpu.enqueue_indirect_dma source(%arg7 : memref<125x128xf32, #tpu.memory_space<vmem>>) target(%dma_start3A_498 : memref<10000x128xf32, #tpu.memory_space<vmem_shared>>) offsets(%dma_start3A_495 : memref<125xi32, #tpu.memory_space<vmem>>) semaphore(%run_scoped3A_492 : memref<!tpu.dma_semaphore, #tpu.memory_space<semaphore_mem>>) {add = true}
        %dma_wait3A_499 = arith.constant 0 : i32
        %dma_wait3A_500 = tpu.memref_slice %arg6[%run_scoped3A_362, %run_scoped3A_363, %run_scoped3A_364, %dma_wait3A_499] : memref<4x2x2x125xi32, #tpu.memory_space<vmem>> -> memref<1x1x1x125xi32, #tpu.memory_space<vmem>>
        %dma_wait3A_501 = tpu.memref_squeeze %dma_wait3A_500 : memref<1x1x1x125xi32, #tpu.memory_space<vmem>> -> memref<125xi32, #tpu.memory_space<vmem>>
        %dma_wait3A_502 = arith.constant 0 : i32
        %dma_wait3A_503 = arith.constant 0 : i32
        %dma_wait3A_504 = tpu.memref_slice %arg15[%dma_wait3A_502, %dma_wait3A_503] : memref<10000x128xf32, #tpu.memory_space<vmem_shared>> -> memref<10000x128xf32, #tpu.memory_space<vmem_shared>>
        tpu.wait_indirect_dma semaphore(%run_scoped3A_492 : memref<!tpu.dma_semaphore, #tpu.memory_space<semaphore_mem>>) src(%arg7 : memref<125x128xf32, #tpu.memory_space<vmem>>) dst(%dma_wait3A_504 : memref<10000x128xf32, #tpu.memory_space<vmem_shared>>)
        tpu.yield
      }) : () -> ()
      %add3A_365 = arith.constant 1 : i32
      %add3A_366 = arith.addi %add3A_323, %add3A_365 : i32
      %lt3A_367 = arith.constant 40 : i32
      %lt3A_368 = arith.cmpi slt, %add3A_366, %lt3A_367 : i32
      %convert_element_type3A_369 = arith.extui %lt3A_368 : i1 to i32
      %cond3A_370 = arith.constant 0 : i32
      %cond3A_371 = arith.cmpi ne, %convert_element_type3A_369, %cond3A_370 : i32
      scf.if %cond3A_371 {
        %dma_start3A_492 = arith.constant 3 : i32
        %dma_start3A_493 = arith.constant 0 : i32
        %dma_start3A_494 = arith.constant 0 : i32
        %dma_start3A_495 = arith.constant 0 : i32
        %dma_start3A_496 = arith.constant 0 : i32
        %dma_start3A_497 = tpu.memref_slice %arg7[%dma_start3A_495, %dma_start3A_496] : memref<125x128xf32, #tpu.memory_space<vmem>> -> memref<64x128xf32, #tpu.memory_space<vmem>>
        %dma_start3A_498 = arith.constant 0 : i32
        %dma_start3A_499 = tpu.memref_slice %arg6[%dma_start3A_492, %dma_start3A_493, %dma_start3A_494, %dma_start3A_498] : memref<4x2x2x125xi32, #tpu.memory_space<vmem>> -> memref<1x1x1x64xi32, #tpu.memory_space<vmem>>
        %dma_start3A_500 = tpu.memref_squeeze %dma_start3A_499 : memref<1x1x1x64xi32, #tpu.memory_space<vmem>> -> memref<64xi32, #tpu.memory_space<vmem>>
        %dma_start3A_501 = arith.constant 0 : i32
        %dma_start3A_502 = arith.constant 0 : i32
        %dma_start3A_503 = tpu.memref_slice %arg2[%dma_start3A_501, %dma_start3A_502] : memref<10000x128xf32, #tpu.memory_space<hbm>> -> memref<10000x128xf32, #tpu.memory_space<hbm>>
        tpu.enqueue_indirect_dma source(%dma_start3A_503 : memref<10000x128xf32, #tpu.memory_space<hbm>>) target(%dma_start3A_497 : memref<64x128xf32, #tpu.memory_space<vmem>>) offsets(%dma_start3A_500 : memref<64xi32, #tpu.memory_space<vmem>>) semaphore(%arg9 : memref<!tpu.dma_semaphore, #tpu.memory_space<semaphore_mem>>)
        %dma_start3A_504 = arith.constant 3 : i32
        %dma_start3A_505 = arith.constant 0 : i32
        %dma_start3A_506 = arith.constant 0 : i32
        %dma_start3A_507 = arith.constant 64 : i32
        %dma_start3A_508 = arith.constant 0 : i32
        %dma_start3A_509 = tpu.memref_slice %arg7[%dma_start3A_507, %dma_start3A_508] : memref<125x128xf32, #tpu.memory_space<vmem>> -> memref<61x128xf32, #tpu.memory_space<vmem>>
        %dma_start3A_510 = arith.constant 64 : i32
        %dma_start3A_511 = tpu.memref_slice %arg6[%dma_start3A_504, %dma_start3A_505, %dma_start3A_506, %dma_start3A_510] : memref<4x2x2x125xi32, #tpu.memory_space<vmem>> -> memref<1x1x1x61xi32, #tpu.memory_space<vmem>>
        %dma_start3A_512 = tpu.memref_squeeze %dma_start3A_511 : memref<1x1x1x61xi32, #tpu.memory_space<vmem>> -> memref<61xi32, #tpu.memory_space<vmem>>
        %dma_start3A_513 = arith.constant 0 : i32
        %dma_start3A_514 = arith.constant 0 : i32
        %dma_start3A_515 = tpu.memref_slice %arg2[%dma_start3A_513, %dma_start3A_514] : memref<10000x128xf32, #tpu.memory_space<hbm>> -> memref<10000x128xf32, #tpu.memory_space<hbm>>
        tpu.enqueue_indirect_dma source(%dma_start3A_515 : memref<10000x128xf32, #tpu.memory_space<hbm>>) target(%dma_start3A_509 : memref<61x128xf32, #tpu.memory_space<vmem>>) offsets(%dma_start3A_512 : memref<61xi32, #tpu.memory_space<vmem>>) semaphore(%arg9 : memref<!tpu.dma_semaphore, #tpu.memory_space<semaphore_mem>>)
      } else {
      }
      %dma_wait3A_372 = arith.constant 0 : i32
      %dma_wait3A_373 = arith.constant 0 : i32
      %dma_wait3A_374 = arith.constant 0 : i32
      %dma_wait3A_375 = arith.constant 0 : i32
      %dma_wait3A_376 = arith.constant 0 : i32
      %dma_wait3A_377 = tpu.memref_slice %arg8[%dma_wait3A_375, %dma_wait3A_376] : memref<125x128xf32, #tpu.memory_space<vmem>> -> memref<64x128xf32, #tpu.memory_space<vmem>>
      %dma_wait3A_378 = arith.constant 0 : i32
      %dma_wait3A_379 = tpu.memref_slice %arg6[%dma_wait3A_372, %dma_wait3A_373, %dma_wait3A_374, %dma_wait3A_378] : memref<4x2x2x125xi32, #tpu.memory_space<vmem>> -> memref<1x1x1x64xi32, #tpu.memory_space<vmem>>
      %dma_wait3A_380 = tpu.memref_squeeze %dma_wait3A_379 : memref<1x1x1x64xi32, #tpu.memory_space<vmem>> -> memref<64xi32, #tpu.memory_space<vmem>>
      %dma_wait3A_381 = arith.constant 0 : i32
      %dma_wait3A_382 = arith.constant 0 : i32
      %dma_wait3A_383 = tpu.memref_slice %arg2[%dma_wait3A_381, %dma_wait3A_382] : memref<10000x128xf32, #tpu.memory_space<hbm>> -> memref<10000x128xf32, #tpu.memory_space<hbm>>
      tpu.wait_indirect_dma semaphore(%arg10 : memref<!tpu.dma_semaphore, #tpu.memory_space<semaphore_mem>>) src(%dma_wait3A_383 : memref<10000x128xf32, #tpu.memory_space<hbm>>) dst(%dma_wait3A_377 : memref<64x128xf32, #tpu.memory_space<vmem>>)
      %dma_wait3A_384 = arith.constant 0 : i32
      %dma_wait3A_385 = arith.constant 0 : i32
      %dma_wait3A_386 = arith.constant 0 : i32
      %dma_wait3A_387 = arith.constant 64 : i32
      %dma_wait3A_388 = arith.constant 0 : i32
      %dma_wait3A_389 = tpu.memref_slice %arg8[%dma_wait3A_387, %dma_wait3A_388] : memref<125x128xf32, #tpu.memory_space<vmem>> -> memref<61x128xf32, #tpu.memory_space<vmem>>
      %dma_wait3A_390 = arith.constant 64 : i32
      %dma_wait3A_391 = tpu.memref_slice %arg6[%dma_wait3A_384, %dma_wait3A_385, %dma_wait3A_386, %dma_wait3A_390] : memref<4x2x2x125xi32, #tpu.memory_space<vmem>> -> memref<1x1x1x61xi32, #tpu.memory_space<vmem>>
      %dma_wait3A_392 = tpu.memref_squeeze %dma_wait3A_391 : memref<1x1x1x61xi32, #tpu.memory_space<vmem>> -> memref<61xi32, #tpu.memory_space<vmem>>
      %dma_wait3A_393 = arith.constant 0 : i32
      %dma_wait3A_394 = arith.constant 0 : i32
      %dma_wait3A_395 = tpu.memref_slice %arg2[%dma_wait3A_393, %dma_wait3A_394] : memref<10000x128xf32, #tpu.memory_space<hbm>> -> memref<10000x128xf32, #tpu.memory_space<hbm>>
      tpu.wait_indirect_dma semaphore(%arg10 : memref<!tpu.dma_semaphore, #tpu.memory_space<semaphore_mem>>) src(%dma_wait3A_395 : memref<10000x128xf32, #tpu.memory_space<hbm>>) dst(%dma_wait3A_389 : memref<61x128xf32, #tpu.memory_space<vmem>>)
      %run_scoped3A_396 = arith.constant 2 : i32
      %run_scoped3A_397 = arith.constant 1 : i32
      %run_scoped3A_398 = arith.constant 1 : i32
      "tpu.region"() ({
        %run_scoped3A_492 = tpu.sem_alloc : memref<!tpu.dma_semaphore, #tpu.memory_space<semaphore_mem>>
        %dma_start3A_493 = arith.constant 0 : i32
        %dma_start3A_494 = tpu.memref_slice %arg6[%run_scoped3A_396, %run_scoped3A_397, %run_scoped3A_398, %dma_start3A_493] : memref<4x2x2x125xi32, #tpu.memory_space<vmem>> -> memref<1x1x1x125xi32, #tpu.memory_space<vmem>>
        %dma_start3A_495 = tpu.memref_squeeze %dma_start3A_494 : memref<1x1x1x125xi32, #tpu.memory_space<vmem>> -> memref<125xi32, #tpu.memory_space<vmem>>
        %dma_start3A_496 = arith.constant 0 : i32
        %dma_start3A_497 = arith.constant 0 : i32
        %dma_start3A_498 = tpu.memref_slice %arg15[%dma_start3A_496, %dma_start3A_497] : memref<10000x128xf32, #tpu.memory_space<vmem_shared>> -> memref<10000x128xf32, #tpu.memory_space<vmem_shared>>
        tpu.enqueue_indirect_dma source(%arg8 : memref<125x128xf32, #tpu.memory_space<vmem>>) target(%dma_start3A_498 : memref<10000x128xf32, #tpu.memory_space<vmem_shared>>) offsets(%dma_start3A_495 : memref<125xi32, #tpu.memory_space<vmem>>) semaphore(%run_scoped3A_492 : memref<!tpu.dma_semaphore, #tpu.memory_space<semaphore_mem>>) {add = true}
        %dma_wait3A_499 = arith.constant 0 : i32
        %dma_wait3A_500 = tpu.memref_slice %arg6[%run_scoped3A_396, %run_scoped3A_397, %run_scoped3A_398, %dma_wait3A_499] : memref<4x2x2x125xi32, #tpu.memory_space<vmem>> -> memref<1x1x1x125xi32, #tpu.memory_space<vmem>>
        %dma_wait3A_501 = tpu.memref_squeeze %dma_wait3A_500 : memref<1x1x1x125xi32, #tpu.memory_space<vmem>> -> memref<125xi32, #tpu.memory_space<vmem>>
        %dma_wait3A_502 = arith.constant 0 : i32
        %dma_wait3A_503 = arith.constant 0 : i32
        %dma_wait3A_504 = tpu.memref_slice %arg15[%dma_wait3A_502, %dma_wait3A_503] : memref<10000x128xf32, #tpu.memory_space<vmem_shared>> -> memref<10000x128xf32, #tpu.memory_space<vmem_shared>>
        tpu.wait_indirect_dma semaphore(%run_scoped3A_492 : memref<!tpu.dma_semaphore, #tpu.memory_space<semaphore_mem>>) src(%arg8 : memref<125x128xf32, #tpu.memory_space<vmem>>) dst(%dma_wait3A_504 : memref<10000x128xf32, #tpu.memory_space<vmem_shared>>)
        tpu.yield
      }) : () -> ()
      %add3A_399 = arith.constant 1 : i32
      %add3A_400 = arith.addi %add3A_323, %add3A_399 : i32
      %lt3A_401 = arith.constant 40 : i32
      %lt3A_402 = arith.cmpi slt, %add3A_400, %lt3A_401 : i32
      %convert_element_type3A_403 = arith.extui %lt3A_402 : i1 to i32
      %cond3A_404 = arith.constant 0 : i32
      %cond3A_405 = arith.cmpi ne, %convert_element_type3A_403, %cond3A_404 : i32
      scf.if %cond3A_405 {
        %dma_start3A_492 = arith.constant 3 : i32
        %dma_start3A_493 = arith.constant 1 : i32
        %dma_start3A_494 = arith.constant 0 : i32
        %dma_start3A_495 = arith.constant 0 : i32
        %dma_start3A_496 = arith.constant 0 : i32
        %dma_start3A_497 = tpu.memref_slice %arg8[%dma_start3A_495, %dma_start3A_496] : memref<125x128xf32, #tpu.memory_space<vmem>> -> memref<64x128xf32, #tpu.memory_space<vmem>>
        %dma_start3A_498 = arith.constant 0 : i32
        %dma_start3A_499 = tpu.memref_slice %arg6[%dma_start3A_492, %dma_start3A_493, %dma_start3A_494, %dma_start3A_498] : memref<4x2x2x125xi32, #tpu.memory_space<vmem>> -> memref<1x1x1x64xi32, #tpu.memory_space<vmem>>
        %dma_start3A_500 = tpu.memref_squeeze %dma_start3A_499 : memref<1x1x1x64xi32, #tpu.memory_space<vmem>> -> memref<64xi32, #tpu.memory_space<vmem>>
        %dma_start3A_501 = arith.constant 0 : i32
        %dma_start3A_502 = arith.constant 0 : i32
        %dma_start3A_503 = tpu.memref_slice %arg2[%dma_start3A_501, %dma_start3A_502] : memref<10000x128xf32, #tpu.memory_space<hbm>> -> memref<10000x128xf32, #tpu.memory_space<hbm>>
        tpu.enqueue_indirect_dma source(%dma_start3A_503 : memref<10000x128xf32, #tpu.memory_space<hbm>>) target(%dma_start3A_497 : memref<64x128xf32, #tpu.memory_space<vmem>>) offsets(%dma_start3A_500 : memref<64xi32, #tpu.memory_space<vmem>>) semaphore(%arg10 : memref<!tpu.dma_semaphore, #tpu.memory_space<semaphore_mem>>)
        %dma_start3A_504 = arith.constant 3 : i32
        %dma_start3A_505 = arith.constant 1 : i32
        %dma_start3A_506 = arith.constant 0 : i32
        %dma_start3A_507 = arith.constant 64 : i32
        %dma_start3A_508 = arith.constant 0 : i32
        %dma_start3A_509 = tpu.memref_slice %arg8[%dma_start3A_507, %dma_start3A_508] : memref<125x128xf32, #tpu.memory_space<vmem>> -> memref<61x128xf32, #tpu.memory_space<vmem>>
        %dma_start3A_510 = arith.constant 64 : i32
        %dma_start3A_511 = tpu.memref_slice %arg6[%dma_start3A_504, %dma_start3A_505, %dma_start3A_506, %dma_start3A_510] : memref<4x2x2x125xi32, #tpu.memory_space<vmem>> -> memref<1x1x1x61xi32, #tpu.memory_space<vmem>>
        %dma_start3A_512 = tpu.memref_squeeze %dma_start3A_511 : memref<1x1x1x61xi32, #tpu.memory_space<vmem>> -> memref<61xi32, #tpu.memory_space<vmem>>
        %dma_start3A_513 = arith.constant 0 : i32
        %dma_start3A_514 = arith.constant 0 : i32
        %dma_start3A_515 = tpu.memref_slice %arg2[%dma_start3A_513, %dma_start3A_514] : memref<10000x128xf32, #tpu.memory_space<hbm>> -> memref<10000x128xf32, #tpu.memory_space<hbm>>
        tpu.enqueue_indirect_dma source(%dma_start3A_515 : memref<10000x128xf32, #tpu.memory_space<hbm>>) target(%dma_start3A_509 : memref<61x128xf32, #tpu.memory_space<vmem>>) offsets(%dma_start3A_512 : memref<61xi32, #tpu.memory_space<vmem>>) semaphore(%arg10 : memref<!tpu.dma_semaphore, #tpu.memory_space<semaphore_mem>>)
      } else {
      }
      %mul3A_406 = arith.constant 4 : i32
      %mul3A_407 = arith.muli %scan3A_149, %mul3A_406 : i32
      %add3A_408 = arith.constant 3 : i32
      %add3A_409 = arith.addi %mul3A_407, %add3A_408 : i32
      %add3A_410 = arith.constant 1 : i32
      %add3A_411 = arith.addi %add3A_409, %add3A_410 : i32
      %lt3A_412 = arith.constant 40 : i32
      %lt3A_413 = arith.cmpi slt, %add3A_411, %lt3A_412 : i32
      %convert_element_type3A_414 = arith.extui %lt3A_413 : i1 to i32
      %cond3A_415 = arith.constant 0 : i32
      %cond3A_416 = arith.cmpi ne, %convert_element_type3A_414, %cond3A_415 : i32
      scf.if %cond3A_416 {
        %dma_wait3A_492 = arith.constant 0 : i32
        %dma_wait3A_493 = arith.constant 0 : i32
        %dma_wait3A_494 = arith.constant 0 : i32
        %dma_wait3A_495 = arith.constant 0 : i32
        %dma_wait3A_496 = tpu.memref_slice %arg6[%dma_wait3A_492, %dma_wait3A_493, %dma_wait3A_494, %dma_wait3A_495] : memref<4x2x2x125xi32, #tpu.memory_space<vmem>> -> memref<1x2x2x125xi32, #tpu.memory_space<vmem>>
        %dma_wait3A_497 = tpu.memref_squeeze %dma_wait3A_496 : memref<1x2x2x125xi32, #tpu.memory_space<vmem>> -> memref<2x2x125xi32, #tpu.memory_space<vmem>>
        %dma_wait3A_498 = arith.constant 0 : i32
        %dma_wait3A_499 = arith.constant 0 : i32
        %dma_wait3A_500 = arith.constant 0 : i32
        %dma_wait3A_501 = tpu.memref_slice %arg3[%add3A, %dma_wait3A_498, %dma_wait3A_499, %dma_wait3A_500] : memref<32x80x2x125xi32, #tpu.memory_space<hbm>> -> memref<1x2x2x125xi32, #tpu.memory_space<hbm>>
        %dma_wait3A_502 = tpu.memref_squeeze %dma_wait3A_501 : memref<1x2x2x125xi32, #tpu.memory_space<hbm>> -> memref<2x2x125xi32, #tpu.memory_space<hbm>>
        %dma_wait3A_503 = arith.constant 0 : i32
        %dma_wait3A_504 = arith.constant 0 : i32
        %dma_wait3A_505 = arith.constant 0 : i32
        %dma_wait3A_506 = tpu.memref_slice %arg6[%dma_wait3A_492, %dma_wait3A_503, %dma_wait3A_504, %dma_wait3A_505] : memref<4x2x2x125xi32, #tpu.memory_space<vmem>> -> memref<1x2x2x125xi32, #tpu.memory_space<vmem>>
        %dma_wait3A_507 = tpu.memref_squeeze %dma_wait3A_506 : memref<1x2x2x125xi32, #tpu.memory_space<vmem>> -> memref<2x2x125xi32, #tpu.memory_space<vmem>>
        %dma_wait3A_508 = arith.constant 0 : i32
        %dma_wait3A_509 = arith.constant 0 : i32
        %dma_wait3A_510 = arith.constant 0 : i32
        %dma_wait3A_511 = tpu.memref_slice %arg3[%add3A, %dma_wait3A_508, %dma_wait3A_509, %dma_wait3A_510] : memref<32x80x2x125xi32, #tpu.memory_space<hbm>> -> memref<1x2x2x125xi32, #tpu.memory_space<hbm>>
        %dma_wait3A_512 = tpu.memref_squeeze %dma_wait3A_511 : memref<1x2x2x125xi32, #tpu.memory_space<hbm>> -> memref<2x2x125xi32, #tpu.memory_space<hbm>>
        tpu.wait_dma2 semaphore(%arg11 : memref<!tpu.dma_semaphore, #tpu.memory_space<semaphore_mem>>) src(%dma_wait3A_512 : memref<2x2x125xi32, #tpu.memory_space<hbm>>) dst(%dma_wait3A_507 : memref<2x2x125xi32, #tpu.memory_space<vmem>>)
      } else {
      }
      %add3A_417 = arith.constant 3 : i32
      %add3A_418 = arith.addi %add3A_409, %add3A_417 : i32
      %lt3A_419 = arith.constant 40 : i32
      %lt3A_420 = arith.cmpi slt, %add3A_418, %lt3A_419 : i32
      %convert_element_type3A_421 = arith.extui %lt3A_420 : i1 to i32
      %cond3A_422 = arith.constant 0 : i32
      %cond3A_423 = arith.cmpi ne, %convert_element_type3A_421, %cond3A_422 : i32
      scf.if %cond3A_423 {
        %add3A_492 = arith.constant 3 : i32
        %add3A_493 = arith.addi %add3A_409, %add3A_492 : i32
        %mul3A_494 = arith.constant 2 : i32
        %mul3A_495 = arith.muli %add3A_493, %mul3A_494 : i32
        %dma_start3A_496 = arith.constant 2 : i32
        %dma_start3A_497 = arith.constant 0 : i32
        %dma_start3A_498 = arith.constant 0 : i32
        %dma_start3A_499 = arith.constant 0 : i32
        %dma_start3A_500 = tpu.memref_slice %arg6[%dma_start3A_496, %dma_start3A_497, %dma_start3A_498, %dma_start3A_499] : memref<4x2x2x125xi32, #tpu.memory_space<vmem>> -> memref<1x2x2x125xi32, #tpu.memory_space<vmem>>
        %dma_start3A_501 = tpu.memref_squeeze %dma_start3A_500 : memref<1x2x2x125xi32, #tpu.memory_space<vmem>> -> memref<2x2x125xi32, #tpu.memory_space<vmem>>
        %dma_start3A_502 = arith.constant 0 : i32
        %dma_start3A_503 = arith.constant 0 : i32
        %dma_start3A_504 = tpu.memref_slice %arg3[%add3A, %mul3A_495, %dma_start3A_502, %dma_start3A_503] : memref<32x80x2x125xi32, #tpu.memory_space<hbm>> -> memref<1x2x2x125xi32, #tpu.memory_space<hbm>>
        %dma_start3A_505 = tpu.memref_squeeze %dma_start3A_504 : memref<1x2x2x125xi32, #tpu.memory_space<hbm>> -> memref<2x2x125xi32, #tpu.memory_space<hbm>>
        %dma_start3A_506 = arith.constant 0 : i32
        %dma_start3A_507 = arith.constant 0 : i32
        %dma_start3A_508 = arith.constant 0 : i32
        %dma_start3A_509 = tpu.memref_slice %arg6[%dma_start3A_496, %dma_start3A_506, %dma_start3A_507, %dma_start3A_508] : memref<4x2x2x125xi32, #tpu.memory_space<vmem>> -> memref<1x2x2x125xi32, #tpu.memory_space<vmem>>
        %dma_start3A_510 = tpu.memref_squeeze %dma_start3A_509 : memref<1x2x2x125xi32, #tpu.memory_space<vmem>> -> memref<2x2x125xi32, #tpu.memory_space<vmem>>
        %dma_start3A_511 = arith.constant 0 : i32
        %dma_start3A_512 = arith.constant 0 : i32
        %dma_start3A_513 = tpu.memref_slice %arg3[%add3A, %mul3A_495, %dma_start3A_511, %dma_start3A_512] : memref<32x80x2x125xi32, #tpu.memory_space<hbm>> -> memref<1x2x2x125xi32, #tpu.memory_space<hbm>>
        %dma_start3A_514 = tpu.memref_squeeze %dma_start3A_513 : memref<1x2x2x125xi32, #tpu.memory_space<hbm>> -> memref<2x2x125xi32, #tpu.memory_space<hbm>>
        tpu.enqueue_dma source(%dma_start3A_514 : memref<2x2x125xi32, #tpu.memory_space<hbm>>) target(%dma_start3A_510 : memref<2x2x125xi32, #tpu.memory_space<vmem>>) target_semaphore(%arg13 : memref<!tpu.dma_semaphore, #tpu.memory_space<semaphore_mem>>)
      } else {
      }
      %dma_wait3A_424 = arith.constant 0 : i32
      %dma_wait3A_425 = arith.constant 0 : i32
      %dma_wait3A_426 = arith.constant 0 : i32
      %dma_wait3A_427 = arith.constant 0 : i32
      %dma_wait3A_428 = arith.constant 0 : i32
      %dma_wait3A_429 = tpu.memref_slice %arg7[%dma_wait3A_427, %dma_wait3A_428] : memref<125x128xf32, #tpu.memory_space<vmem>> -> memref<64x128xf32, #tpu.memory_space<vmem>>
      %dma_wait3A_430 = arith.constant 0 : i32
      %dma_wait3A_431 = tpu.memref_slice %arg6[%dma_wait3A_424, %dma_wait3A_425, %dma_wait3A_426, %dma_wait3A_430] : memref<4x2x2x125xi32, #tpu.memory_space<vmem>> -> memref<1x1x1x64xi32, #tpu.memory_space<vmem>>
      %dma_wait3A_432 = tpu.memref_squeeze %dma_wait3A_431 : memref<1x1x1x64xi32, #tpu.memory_space<vmem>> -> memref<64xi32, #tpu.memory_space<vmem>>
      %dma_wait3A_433 = arith.constant 0 : i32
      %dma_wait3A_434 = arith.constant 0 : i32
      %dma_wait3A_435 = tpu.memref_slice %arg2[%dma_wait3A_433, %dma_wait3A_434] : memref<10000x128xf32, #tpu.memory_space<hbm>> -> memref<10000x128xf32, #tpu.memory_space<hbm>>
      tpu.wait_indirect_dma semaphore(%arg9 : memref<!tpu.dma_semaphore, #tpu.memory_space<semaphore_mem>>) src(%dma_wait3A_435 : memref<10000x128xf32, #tpu.memory_space<hbm>>) dst(%dma_wait3A_429 : memref<64x128xf32, #tpu.memory_space<vmem>>)
      %dma_wait3A_436 = arith.constant 0 : i32
      %dma_wait3A_437 = arith.constant 0 : i32
      %dma_wait3A_438 = arith.constant 0 : i32
      %dma_wait3A_439 = arith.constant 64 : i32
      %dma_wait3A_440 = arith.constant 0 : i32
      %dma_wait3A_441 = tpu.memref_slice %arg7[%dma_wait3A_439, %dma_wait3A_440] : memref<125x128xf32, #tpu.memory_space<vmem>> -> memref<61x128xf32, #tpu.memory_space<vmem>>
      %dma_wait3A_442 = arith.constant 64 : i32
      %dma_wait3A_443 = tpu.memref_slice %arg6[%dma_wait3A_436, %dma_wait3A_437, %dma_wait3A_438, %dma_wait3A_442] : memref<4x2x2x125xi32, #tpu.memory_space<vmem>> -> memref<1x1x1x61xi32, #tpu.memory_space<vmem>>
      %dma_wait3A_444 = tpu.memref_squeeze %dma_wait3A_443 : memref<1x1x1x61xi32, #tpu.memory_space<vmem>> -> memref<61xi32, #tpu.memory_space<vmem>>
      %dma_wait3A_445 = arith.constant 0 : i32
      %dma_wait3A_446 = arith.constant 0 : i32
      %dma_wait3A_447 = tpu.memref_slice %arg2[%dma_wait3A_445, %dma_wait3A_446] : memref<10000x128xf32, #tpu.memory_space<hbm>> -> memref<10000x128xf32, #tpu.memory_space<hbm>>
      tpu.wait_indirect_dma semaphore(%arg9 : memref<!tpu.dma_semaphore, #tpu.memory_space<semaphore_mem>>) src(%dma_wait3A_447 : memref<10000x128xf32, #tpu.memory_space<hbm>>) dst(%dma_wait3A_441 : memref<61x128xf32, #tpu.memory_space<vmem>>)
      %run_scoped3A_448 = arith.constant 3 : i32
      %run_scoped3A_449 = arith.constant 0 : i32
      %run_scoped3A_450 = arith.constant 1 : i32
      "tpu.region"() ({
        %run_scoped3A_492 = tpu.sem_alloc : memref<!tpu.dma_semaphore, #tpu.memory_space<semaphore_mem>>
        %dma_start3A_493 = arith.constant 0 : i32
        %dma_start3A_494 = tpu.memref_slice %arg6[%run_scoped3A_448, %run_scoped3A_449, %run_scoped3A_450, %dma_start3A_493] : memref<4x2x2x125xi32, #tpu.memory_space<vmem>> -> memref<1x1x1x125xi32, #tpu.memory_space<vmem>>
        %dma_start3A_495 = tpu.memref_squeeze %dma_start3A_494 : memref<1x1x1x125xi32, #tpu.memory_space<vmem>> -> memref<125xi32, #tpu.memory_space<vmem>>
        %dma_start3A_496 = arith.constant 0 : i32
        %dma_start3A_497 = arith.constant 0 : i32
        %dma_start3A_498 = tpu.memref_slice %arg15[%dma_start3A_496, %dma_start3A_497] : memref<10000x128xf32, #tpu.memory_space<vmem_shared>> -> memref<10000x128xf32, #tpu.memory_space<vmem_shared>>
        tpu.enqueue_indirect_dma source(%arg7 : memref<125x128xf32, #tpu.memory_space<vmem>>) target(%dma_start3A_498 : memref<10000x128xf32, #tpu.memory_space<vmem_shared>>) offsets(%dma_start3A_495 : memref<125xi32, #tpu.memory_space<vmem>>) semaphore(%run_scoped3A_492 : memref<!tpu.dma_semaphore, #tpu.memory_space<semaphore_mem>>) {add = true}
        %dma_wait3A_499 = arith.constant 0 : i32
        %dma_wait3A_500 = tpu.memref_slice %arg6[%run_scoped3A_448, %run_scoped3A_449, %run_scoped3A_450, %dma_wait3A_499] : memref<4x2x2x125xi32, #tpu.memory_space<vmem>> -> memref<1x1x1x125xi32, #tpu.memory_space<vmem>>
        %dma_wait3A_501 = tpu.memref_squeeze %dma_wait3A_500 : memref<1x1x1x125xi32, #tpu.memory_space<vmem>> -> memref<125xi32, #tpu.memory_space<vmem>>
        %dma_wait3A_502 = arith.constant 0 : i32
        %dma_wait3A_503 = arith.constant 0 : i32
        %dma_wait3A_504 = tpu.memref_slice %arg15[%dma_wait3A_502, %dma_wait3A_503] : memref<10000x128xf32, #tpu.memory_space<vmem_shared>> -> memref<10000x128xf32, #tpu.memory_space<vmem_shared>>
        tpu.wait_indirect_dma semaphore(%run_scoped3A_492 : memref<!tpu.dma_semaphore, #tpu.memory_space<semaphore_mem>>) src(%arg7 : memref<125x128xf32, #tpu.memory_space<vmem>>) dst(%dma_wait3A_504 : memref<10000x128xf32, #tpu.memory_space<vmem_shared>>)
        tpu.yield
      }) : () -> ()
      %add3A_451 = arith.constant 1 : i32
      %add3A_452 = arith.addi %add3A_409, %add3A_451 : i32
      %lt3A_453 = arith.constant 40 : i32
      %lt3A_454 = arith.cmpi slt, %add3A_452, %lt3A_453 : i32
      %convert_element_type3A_455 = arith.extui %lt3A_454 : i1 to i32
      %cond3A_456 = arith.constant 0 : i32
      %cond3A_457 = arith.cmpi ne, %convert_element_type3A_455, %cond3A_456 : i32
      scf.if %cond3A_457 {
        %dma_start3A_492 = arith.constant 0 : i32
        %dma_start3A_493 = arith.constant 0 : i32
        %dma_start3A_494 = arith.constant 0 : i32
        %dma_start3A_495 = arith.constant 0 : i32
        %dma_start3A_496 = arith.constant 0 : i32
        %dma_start3A_497 = tpu.memref_slice %arg7[%dma_start3A_495, %dma_start3A_496] : memref<125x128xf32, #tpu.memory_space<vmem>> -> memref<64x128xf32, #tpu.memory_space<vmem>>
        %dma_start3A_498 = arith.constant 0 : i32
        %dma_start3A_499 = tpu.memref_slice %arg6[%dma_start3A_492, %dma_start3A_493, %dma_start3A_494, %dma_start3A_498] : memref<4x2x2x125xi32, #tpu.memory_space<vmem>> -> memref<1x1x1x64xi32, #tpu.memory_space<vmem>>
        %dma_start3A_500 = tpu.memref_squeeze %dma_start3A_499 : memref<1x1x1x64xi32, #tpu.memory_space<vmem>> -> memref<64xi32, #tpu.memory_space<vmem>>
        %dma_start3A_501 = arith.constant 0 : i32
        %dma_start3A_502 = arith.constant 0 : i32
        %dma_start3A_503 = tpu.memref_slice %arg2[%dma_start3A_501, %dma_start3A_502] : memref<10000x128xf32, #tpu.memory_space<hbm>> -> memref<10000x128xf32, #tpu.memory_space<hbm>>
        tpu.enqueue_indirect_dma source(%dma_start3A_503 : memref<10000x128xf32, #tpu.memory_space<hbm>>) target(%dma_start3A_497 : memref<64x128xf32, #tpu.memory_space<vmem>>) offsets(%dma_start3A_500 : memref<64xi32, #tpu.memory_space<vmem>>) semaphore(%arg9 : memref<!tpu.dma_semaphore, #tpu.memory_space<semaphore_mem>>)
        %dma_start3A_504 = arith.constant 0 : i32
        %dma_start3A_505 = arith.constant 0 : i32
        %dma_start3A_506 = arith.constant 0 : i32
        %dma_start3A_507 = arith.constant 64 : i32
        %dma_start3A_508 = arith.constant 0 : i32
        %dma_start3A_509 = tpu.memref_slice %arg7[%dma_start3A_507, %dma_start3A_508] : memref<125x128xf32, #tpu.memory_space<vmem>> -> memref<61x128xf32, #tpu.memory_space<vmem>>
        %dma_start3A_510 = arith.constant 64 : i32
        %dma_start3A_511 = tpu.memref_slice %arg6[%dma_start3A_504, %dma_start3A_505, %dma_start3A_506, %dma_start3A_510] : memref<4x2x2x125xi32, #tpu.memory_space<vmem>> -> memref<1x1x1x61xi32, #tpu.memory_space<vmem>>
        %dma_start3A_512 = tpu.memref_squeeze %dma_start3A_511 : memref<1x1x1x61xi32, #tpu.memory_space<vmem>> -> memref<61xi32, #tpu.memory_space<vmem>>
        %dma_start3A_513 = arith.constant 0 : i32
        %dma_start3A_514 = arith.constant 0 : i32
        %dma_start3A_515 = tpu.memref_slice %arg2[%dma_start3A_513, %dma_start3A_514] : memref<10000x128xf32, #tpu.memory_space<hbm>> -> memref<10000x128xf32, #tpu.memory_space<hbm>>
        tpu.enqueue_indirect_dma source(%dma_start3A_515 : memref<10000x128xf32, #tpu.memory_space<hbm>>) target(%dma_start3A_509 : memref<61x128xf32, #tpu.memory_space<vmem>>) offsets(%dma_start3A_512 : memref<61xi32, #tpu.memory_space<vmem>>) semaphore(%arg9 : memref<!tpu.dma_semaphore, #tpu.memory_space<semaphore_mem>>)
      } else {
      }
      %dma_wait3A_458 = arith.constant 0 : i32
      %dma_wait3A_459 = arith.constant 0 : i32
      %dma_wait3A_460 = arith.constant 0 : i32
      %dma_wait3A_461 = arith.constant 0 : i32
      %dma_wait3A_462 = arith.constant 0 : i32
      %dma_wait3A_463 = tpu.memref_slice %arg8[%dma_wait3A_461, %dma_wait3A_462] : memref<125x128xf32, #tpu.memory_space<vmem>> -> memref<64x128xf32, #tpu.memory_space<vmem>>
      %dma_wait3A_464 = arith.constant 0 : i32
      %dma_wait3A_465 = tpu.memref_slice %arg6[%dma_wait3A_458, %dma_wait3A_459, %dma_wait3A_460, %dma_wait3A_464] : memref<4x2x2x125xi32, #tpu.memory_space<vmem>> -> memref<1x1x1x64xi32, #tpu.memory_space<vmem>>
      %dma_wait3A_466 = tpu.memref_squeeze %dma_wait3A_465 : memref<1x1x1x64xi32, #tpu.memory_space<vmem>> -> memref<64xi32, #tpu.memory_space<vmem>>
      %dma_wait3A_467 = arith.constant 0 : i32
      %dma_wait3A_468 = arith.constant 0 : i32
      %dma_wait3A_469 = tpu.memref_slice %arg2[%dma_wait3A_467, %dma_wait3A_468] : memref<10000x128xf32, #tpu.memory_space<hbm>> -> memref<10000x128xf32, #tpu.memory_space<hbm>>
      tpu.wait_indirect_dma semaphore(%arg10 : memref<!tpu.dma_semaphore, #tpu.memory_space<semaphore_mem>>) src(%dma_wait3A_469 : memref<10000x128xf32, #tpu.memory_space<hbm>>) dst(%dma_wait3A_463 : memref<64x128xf32, #tpu.memory_space<vmem>>)
      %dma_wait3A_470 = arith.constant 0 : i32
      %dma_wait3A_471 = arith.constant 0 : i32
      %dma_wait3A_472 = arith.constant 0 : i32
      %dma_wait3A_473 = arith.constant 64 : i32
      %dma_wait3A_474 = arith.constant 0 : i32
      %dma_wait3A_475 = tpu.memref_slice %arg8[%dma_wait3A_473, %dma_wait3A_474] : memref<125x128xf32, #tpu.memory_space<vmem>> -> memref<61x128xf32, #tpu.memory_space<vmem>>
      %dma_wait3A_476 = arith.constant 64 : i32
      %dma_wait3A_477 = tpu.memref_slice %arg6[%dma_wait3A_470, %dma_wait3A_471, %dma_wait3A_472, %dma_wait3A_476] : memref<4x2x2x125xi32, #tpu.memory_space<vmem>> -> memref<1x1x1x61xi32, #tpu.memory_space<vmem>>
      %dma_wait3A_478 = tpu.memref_squeeze %dma_wait3A_477 : memref<1x1x1x61xi32, #tpu.memory_space<vmem>> -> memref<61xi32, #tpu.memory_space<vmem>>
      %dma_wait3A_479 = arith.constant 0 : i32
      %dma_wait3A_480 = arith.constant 0 : i32
      %dma_wait3A_481 = tpu.memref_slice %arg2[%dma_wait3A_479, %dma_wait3A_480] : memref<10000x128xf32, #tpu.memory_space<hbm>> -> memref<10000x128xf32, #tpu.memory_space<hbm>>
      tpu.wait_indirect_dma semaphore(%arg10 : memref<!tpu.dma_semaphore, #tpu.memory_space<semaphore_mem>>) src(%dma_wait3A_481 : memref<10000x128xf32, #tpu.memory_space<hbm>>) dst(%dma_wait3A_475 : memref<61x128xf32, #tpu.memory_space<vmem>>)
      %run_scoped3A_482 = arith.constant 3 : i32
      %run_scoped3A_483 = arith.constant 1 : i32
      %run_scoped3A_484 = arith.constant 1 : i32
      "tpu.region"() ({
        %run_scoped3A_492 = tpu.sem_alloc : memref<!tpu.dma_semaphore, #tpu.memory_space<semaphore_mem>>
        %dma_start3A_493 = arith.constant 0 : i32
        %dma_start3A_494 = tpu.memref_slice %arg6[%run_scoped3A_482, %run_scoped3A_483, %run_scoped3A_484, %dma_start3A_493] : memref<4x2x2x125xi32, #tpu.memory_space<vmem>> -> memref<1x1x1x125xi32, #tpu.memory_space<vmem>>
        %dma_start3A_495 = tpu.memref_squeeze %dma_start3A_494 : memref<1x1x1x125xi32, #tpu.memory_space<vmem>> -> memref<125xi32, #tpu.memory_space<vmem>>
        %dma_start3A_496 = arith.constant 0 : i32
        %dma_start3A_497 = arith.constant 0 : i32
        %dma_start3A_498 = tpu.memref_slice %arg15[%dma_start3A_496, %dma_start3A_497] : memref<10000x128xf32, #tpu.memory_space<vmem_shared>> -> memref<10000x128xf32, #tpu.memory_space<vmem_shared>>
        tpu.enqueue_indirect_dma source(%arg8 : memref<125x128xf32, #tpu.memory_space<vmem>>) target(%dma_start3A_498 : memref<10000x128xf32, #tpu.memory_space<vmem_shared>>) offsets(%dma_start3A_495 : memref<125xi32, #tpu.memory_space<vmem>>) semaphore(%run_scoped3A_492 : memref<!tpu.dma_semaphore, #tpu.memory_space<semaphore_mem>>) {add = true}
        %dma_wait3A_499 = arith.constant 0 : i32
        %dma_wait3A_500 = tpu.memref_slice %arg6[%run_scoped3A_482, %run_scoped3A_483, %run_scoped3A_484, %dma_wait3A_499] : memref<4x2x2x125xi32, #tpu.memory_space<vmem>> -> memref<1x1x1x125xi32, #tpu.memory_space<vmem>>
        %dma_wait3A_501 = tpu.memref_squeeze %dma_wait3A_500 : memref<1x1x1x125xi32, #tpu.memory_space<vmem>> -> memref<125xi32, #tpu.memory_space<vmem>>
        %dma_wait3A_502 = arith.constant 0 : i32
        %dma_wait3A_503 = arith.constant 0 : i32
        %dma_wait3A_504 = tpu.memref_slice %arg15[%dma_wait3A_502, %dma_wait3A_503] : memref<10000x128xf32, #tpu.memory_space<vmem_shared>> -> memref<10000x128xf32, #tpu.memory_space<vmem_shared>>
        tpu.wait_indirect_dma semaphore(%run_scoped3A_492 : memref<!tpu.dma_semaphore, #tpu.memory_space<semaphore_mem>>) src(%arg8 : memref<125x128xf32, #tpu.memory_space<vmem>>) dst(%dma_wait3A_504 : memref<10000x128xf32, #tpu.memory_space<vmem_shared>>)
        tpu.yield
      }) : () -> ()
      %add3A_485 = arith.constant 1 : i32
      %add3A_486 = arith.addi %add3A_409, %add3A_485 : i32
      %lt3A_487 = arith.constant 40 : i32
      %lt3A_488 = arith.cmpi slt, %add3A_486, %lt3A_487 : i32
      %convert_element_type3A_489 = arith.extui %lt3A_488 : i1 to i32
      %cond3A_490 = arith.constant 0 : i32
      %cond3A_491 = arith.cmpi ne, %convert_element_type3A_489, %cond3A_490 : i32
      scf.if %cond3A_491 {
        %dma_start3A_492 = arith.constant 0 : i32
        %dma_start3A_493 = arith.constant 1 : i32
        %dma_start3A_494 = arith.constant 0 : i32
        %dma_start3A_495 = arith.constant 0 : i32
        %dma_start3A_496 = arith.constant 0 : i32
        %dma_start3A_497 = tpu.memref_slice %arg8[%dma_start3A_495, %dma_start3A_496] : memref<125x128xf32, #tpu.memory_space<vmem>> -> memref<64x128xf32, #tpu.memory_space<vmem>>
        %dma_start3A_498 = arith.constant 0 : i32
        %dma_start3A_499 = tpu.memref_slice %arg6[%dma_start3A_492, %dma_start3A_493, %dma_start3A_494, %dma_start3A_498] : memref<4x2x2x125xi32, #tpu.memory_space<vmem>> -> memref<1x1x1x64xi32, #tpu.memory_space<vmem>>
        %dma_start3A_500 = tpu.memref_squeeze %dma_start3A_499 : memref<1x1x1x64xi32, #tpu.memory_space<vmem>> -> memref<64xi32, #tpu.memory_space<vmem>>
        %dma_start3A_501 = arith.constant 0 : i32
        %dma_start3A_502 = arith.constant 0 : i32
        %dma_start3A_503 = tpu.memref_slice %arg2[%dma_start3A_501, %dma_start3A_502] : memref<10000x128xf32, #tpu.memory_space<hbm>> -> memref<10000x128xf32, #tpu.memory_space<hbm>>
        tpu.enqueue_indirect_dma source(%dma_start3A_503 : memref<10000x128xf32, #tpu.memory_space<hbm>>) target(%dma_start3A_497 : memref<64x128xf32, #tpu.memory_space<vmem>>) offsets(%dma_start3A_500 : memref<64xi32, #tpu.memory_space<vmem>>) semaphore(%arg10 : memref<!tpu.dma_semaphore, #tpu.memory_space<semaphore_mem>>)
        %dma_start3A_504 = arith.constant 0 : i32
        %dma_start3A_505 = arith.constant 1 : i32
        %dma_start3A_506 = arith.constant 0 : i32
        %dma_start3A_507 = arith.constant 64 : i32
        %dma_start3A_508 = arith.constant 0 : i32
        %dma_start3A_509 = tpu.memref_slice %arg8[%dma_start3A_507, %dma_start3A_508] : memref<125x128xf32, #tpu.memory_space<vmem>> -> memref<61x128xf32, #tpu.memory_space<vmem>>
        %dma_start3A_510 = arith.constant 64 : i32
        %dma_start3A_511 = tpu.memref_slice %arg6[%dma_start3A_504, %dma_start3A_505, %dma_start3A_506, %dma_start3A_510] : memref<4x2x2x125xi32, #tpu.memory_space<vmem>> -> memref<1x1x1x61xi32, #tpu.memory_space<vmem>>
        %dma_start3A_512 = tpu.memref_squeeze %dma_start3A_511 : memref<1x1x1x61xi32, #tpu.memory_space<vmem>> -> memref<61xi32, #tpu.memory_space<vmem>>
        %dma_start3A_513 = arith.constant 0 : i32
        %dma_start3A_514 = arith.constant 0 : i32
        %dma_start3A_515 = tpu.memref_slice %arg2[%dma_start3A_513, %dma_start3A_514] : memref<10000x128xf32, #tpu.memory_space<hbm>> -> memref<10000x128xf32, #tpu.memory_space<hbm>>
        tpu.enqueue_indirect_dma source(%dma_start3A_515 : memref<10000x128xf32, #tpu.memory_space<hbm>>) target(%dma_start3A_509 : memref<61x128xf32, #tpu.memory_space<vmem>>) offsets(%dma_start3A_512 : memref<61xi32, #tpu.memory_space<vmem>>) semaphore(%arg10 : memref<!tpu.dma_semaphore, #tpu.memory_space<semaphore_mem>>)
      } else {
      }
    }
    %scan3A_139 = arith.constant 10 : i32
    %barrier3A_140 = arith.constant 0 : index
    tpu.barrier barrier_id(%barrier3A_140)
    %mul3A_141 = arith.constant 624 : i32
    %mul3A_142 = arith.muli %arg1, %mul3A_141 : i32
    %multiple_of3A_143 = tpu.assume_multiple %mul3A_142, 8 : i32
    "tpu.region"() ({
      %run_scoped3A = tpu.sem_alloc : memref<!tpu.dma_semaphore, #tpu.memory_space<semaphore_mem>>
      %dma_start3A_149 = arith.constant 0 : i32
      %dma_start3A_150 = tpu.memref_slice %arg5[%arg0, %multiple_of3A_143, %dma_start3A_149] : memref<2x10000x128xf32, #tpu.memory_space<hbm>> -> memref<1x624x128xf32, #tpu.memory_space<hbm>>
      %dma_start3A_151 = tpu.memref_squeeze %dma_start3A_150 : memref<1x624x128xf32, #tpu.memory_space<hbm>> -> memref<624x128xf32, #tpu.memory_space<hbm>>
      %dma_start3A_152 = arith.constant 0 : i32
      %dma_start3A_153 = tpu.memref_slice %arg15[%multiple_of3A_143, %dma_start3A_152] : memref<10000x128xf32, #tpu.memory_space<vmem_shared>> -> memref<624x128xf32, #tpu.memory_space<vmem_shared>>
      tpu.enqueue_dma source(%dma_start3A_153 : memref<624x128xf32, #tpu.memory_space<vmem_shared>>) target(%dma_start3A_151 : memref<624x128xf32, #tpu.memory_space<hbm>>) target_semaphore(%run_scoped3A : memref<!tpu.dma_semaphore, #tpu.memory_space<semaphore_mem>>)
      %dma_wait3A_154 = arith.constant 0 : i32
      %dma_wait3A_155 = tpu.memref_slice %arg5[%arg0, %multiple_of3A_143, %dma_wait3A_154] : memref<2x10000x128xf32, #tpu.memory_space<hbm>> -> memref<1x624x128xf32, #tpu.memory_space<hbm>>
      %dma_wait3A_156 = tpu.memref_squeeze %dma_wait3A_155 : memref<1x624x128xf32, #tpu.memory_space<hbm>> -> memref<624x128xf32, #tpu.memory_space<hbm>>
      %dma_wait3A_157 = arith.constant 0 : i32
      %dma_wait3A_158 = tpu.memref_slice %arg15[%multiple_of3A_143, %dma_wait3A_157] : memref<10000x128xf32, #tpu.memory_space<vmem_shared>> -> memref<624x128xf32, #tpu.memory_space<vmem_shared>>
      tpu.wait_dma2 semaphore(%run_scoped3A : memref<!tpu.dma_semaphore, #tpu.memory_space<semaphore_mem>>) src(%dma_wait3A_158 : memref<624x128xf32, #tpu.memory_space<vmem_shared>>) dst(%dma_wait3A_156 : memref<624x128xf32, #tpu.memory_space<hbm>>)
      tpu.yield
    }) : () -> ()
    %eq3A_144 = arith.constant 15 : i32
    %eq3A_145 = arith.cmpi eq, %arg1, %eq3A_144 : i32
    %convert_element_type3A_146 = arith.extui %eq3A_145 : i1 to i32
    %cond3A_147 = arith.constant 0 : i32
    %cond3A_148 = arith.cmpi ne, %convert_element_type3A_146, %cond3A_147 : i32
    scf.if %cond3A_148 {
      "tpu.region"() ({
        %run_scoped3A = tpu.sem_alloc : memref<!tpu.dma_semaphore, #tpu.memory_space<semaphore_mem>>
        %dma_start3A_149 = arith.constant 9984 : i32
        %dma_start3A_150 = arith.constant 0 : i32
        %dma_start3A_151 = tpu.memref_slice %arg5[%arg0, %dma_start3A_149, %dma_start3A_150] : memref<2x10000x128xf32, #tpu.memory_space<hbm>> -> memref<1x16x128xf32, #tpu.memory_space<hbm>>
        %dma_start3A_152 = tpu.memref_squeeze %dma_start3A_151 : memref<1x16x128xf32, #tpu.memory_space<hbm>> -> memref<16x128xf32, #tpu.memory_space<hbm>>
        %dma_start3A_153 = arith.constant 9984 : i32
        %dma_start3A_154 = arith.constant 0 : i32
        %dma_start3A_155 = tpu.memref_slice %arg15[%dma_start3A_153, %dma_start3A_154] : memref<10000x128xf32, #tpu.memory_space<vmem_shared>> -> memref<16x128xf32, #tpu.memory_space<vmem_shared>>
        tpu.enqueue_dma source(%dma_start3A_155 : memref<16x128xf32, #tpu.memory_space<vmem_shared>>) target(%dma_start3A_152 : memref<16x128xf32, #tpu.memory_space<hbm>>) target_semaphore(%run_scoped3A : memref<!tpu.dma_semaphore, #tpu.memory_space<semaphore_mem>>)
        %dma_wait3A_156 = arith.constant 9984 : i32
        %dma_wait3A_157 = arith.constant 0 : i32
        %dma_wait3A_158 = tpu.memref_slice %arg5[%arg0, %dma_wait3A_156, %dma_wait3A_157] : memref<2x10000x128xf32, #tpu.memory_space<hbm>> -> memref<1x16x128xf32, #tpu.memory_space<hbm>>
        %dma_wait3A_159 = tpu.memref_squeeze %dma_wait3A_158 : memref<1x16x128xf32, #tpu.memory_space<hbm>> -> memref<16x128xf32, #tpu.memory_space<hbm>>
        %dma_wait3A_160 = arith.constant 9984 : i32
        %dma_wait3A_161 = arith.constant 0 : i32
        %dma_wait3A_162 = tpu.memref_slice %arg15[%dma_wait3A_160, %dma_wait3A_161] : memref<10000x128xf32, #tpu.memory_space<vmem_shared>> -> memref<16x128xf32, #tpu.memory_space<vmem_shared>>
        tpu.wait_dma2 semaphore(%run_scoped3A : memref<!tpu.dma_semaphore, #tpu.memory_space<semaphore_mem>>) src(%dma_wait3A_162 : memref<16x128xf32, #tpu.memory_space<vmem_shared>>) dst(%dma_wait3A_159 : memref<16x128xf32, #tpu.memory_space<hbm>>)
        tpu.yield
      }) : () -> ()
    } else {
    }
    return
  }
}

#map = affine_map<(d0, d1) -> (0, 0)>
#map1 = affine_map<(d0, d1) -> (0, 0, 0, 0)>
#map2 = affine_map<(d0, d1) -> (0, 0, 0)>
module attributes {stable_mosaic.version = 14 : i64} {
  func.func @_agg_body(%arg0: i32, %arg1: i32, %arg2: memref<10000x128xf32, #tpu.memory_space<hbm>>, %arg3: memref<32x80x2x125xi32, #tpu.memory_space<hbm>>, %arg4: memref<10000x128xf32, #tpu.memory_space<hbm>>, %arg5: memref<10000x16xf32, #tpu.memory_space<hbm>>, %arg6: memref<2x10000x128xf32, #tpu.memory_space<hbm>>, %arg7: memref<2x10000x16xf32, #tpu.memory_space<hbm>>, %arg8: memref<4x2x2x125xi32, #tpu.memory_space<vmem>>, %arg9: memref<125x128xf32, #tpu.memory_space<vmem>>, %arg10: memref<125x128xf32, #tpu.memory_space<vmem>>, %arg11: memref<125x16xf32, #tpu.memory_space<vmem>>, %arg12: memref<!tpu.dma_semaphore, #tpu.memory_space<semaphore_mem>>, %arg13: memref<!tpu.dma_semaphore, #tpu.memory_space<semaphore_mem>>, %arg14: memref<!tpu.dma_semaphore, #tpu.memory_space<semaphore_mem>>, %arg15: memref<!tpu.dma_semaphore, #tpu.memory_space<semaphore_mem>>, %arg16: memref<!tpu.dma_semaphore, #tpu.memory_space<semaphore_mem>>, %arg17: memref<!tpu.dma_semaphore, #tpu.memory_space<semaphore_mem>>, %arg18: memref<10000x128xf32, #tpu.memory_space<vmem_shared>>, %arg19: memref<10000x16xf32, #tpu.memory_space<vmem_shared>>) attributes {dimension_semantics = [#tpu.dimension_semantics<core_parallel>, #tpu.dimension_semantics<subcore_parallel>], iteration_bounds = array<i64: 2, 16>, scalar_prefetch = 0 : i64, scratch_operands = 12 : i64, tpu.core_type = #tpu.core_type<sc_vector_subcore>, window_params = [{transform_indices = #map}, {transform_indices = #map1}, {transform_indices = #map}, {transform_indices = #map}, {transform_indices = #map2}, {transform_indices = #map2}]} {
    %mul3A = arith.constant 16 : i32
    %mul3A_0 = arith.muli %arg0, %mul3A : i32
    %add3A = arith.addi %mul3A_0, %arg1 : i32
    %mul3A_1 = arith.constant 624 : i32
    %mul3A_2 = arith.muli %arg1, %mul3A_1 : i32
    %multiple_of3A = tpu.assume_multiple %mul3A_2, 8 : i32
    "tpu.region"() ({
      %run_scoped3A = tpu.sem_alloc : memref<!tpu.dma_semaphore, #tpu.memory_space<semaphore_mem>>
      %dma_start3A_155 = arith.constant 0 : i32
      %dma_start3A_156 = tpu.memref_slice %arg18[%multiple_of3A, %dma_start3A_155] : memref<10000x128xf32, #tpu.memory_space<vmem_shared>> -> memref<624x128xf32, #tpu.memory_space<vmem_shared>>
      %dma_start3A_157 = arith.constant 0 : i32
      %dma_start3A_158 = tpu.memref_slice %arg4[%multiple_of3A, %dma_start3A_157] : memref<10000x128xf32, #tpu.memory_space<hbm>> -> memref<624x128xf32, #tpu.memory_space<hbm>>
      tpu.enqueue_dma source(%dma_start3A_158 : memref<624x128xf32, #tpu.memory_space<hbm>>) target(%dma_start3A_156 : memref<624x128xf32, #tpu.memory_space<vmem_shared>>) target_semaphore(%run_scoped3A : memref<!tpu.dma_semaphore, #tpu.memory_space<semaphore_mem>>)
      %dma_wait3A_159 = arith.constant 0 : i32
      %dma_wait3A_160 = tpu.memref_slice %arg18[%multiple_of3A, %dma_wait3A_159] : memref<10000x128xf32, #tpu.memory_space<vmem_shared>> -> memref<624x128xf32, #tpu.memory_space<vmem_shared>>
      %dma_wait3A_161 = arith.constant 0 : i32
      %dma_wait3A_162 = tpu.memref_slice %arg4[%multiple_of3A, %dma_wait3A_161] : memref<10000x128xf32, #tpu.memory_space<hbm>> -> memref<624x128xf32, #tpu.memory_space<hbm>>
      tpu.wait_dma2 semaphore(%run_scoped3A : memref<!tpu.dma_semaphore, #tpu.memory_space<semaphore_mem>>) src(%dma_wait3A_162 : memref<624x128xf32, #tpu.memory_space<hbm>>) dst(%dma_wait3A_160 : memref<624x128xf32, #tpu.memory_space<vmem_shared>>)
      tpu.yield
    }) : () -> ()
    "tpu.region"() ({
      %run_scoped3A = tpu.sem_alloc : memref<!tpu.dma_semaphore, #tpu.memory_space<semaphore_mem>>
      %dma_start3A_155 = arith.constant 0 : i32
      %dma_start3A_156 = tpu.memref_slice %arg19[%multiple_of3A, %dma_start3A_155] : memref<10000x16xf32, #tpu.memory_space<vmem_shared>> -> memref<624x16xf32, #tpu.memory_space<vmem_shared>>
      %dma_start3A_157 = arith.constant 0 : i32
      %dma_start3A_158 = tpu.memref_slice %arg5[%multiple_of3A, %dma_start3A_157] : memref<10000x16xf32, #tpu.memory_space<hbm>> -> memref<624x16xf32, #tpu.memory_space<hbm>>
      tpu.enqueue_dma source(%dma_start3A_158 : memref<624x16xf32, #tpu.memory_space<hbm>>) target(%dma_start3A_156 : memref<624x16xf32, #tpu.memory_space<vmem_shared>>) target_semaphore(%run_scoped3A : memref<!tpu.dma_semaphore, #tpu.memory_space<semaphore_mem>>)
      %dma_wait3A_159 = arith.constant 0 : i32
      %dma_wait3A_160 = tpu.memref_slice %arg19[%multiple_of3A, %dma_wait3A_159] : memref<10000x16xf32, #tpu.memory_space<vmem_shared>> -> memref<624x16xf32, #tpu.memory_space<vmem_shared>>
      %dma_wait3A_161 = arith.constant 0 : i32
      %dma_wait3A_162 = tpu.memref_slice %arg5[%multiple_of3A, %dma_wait3A_161] : memref<10000x16xf32, #tpu.memory_space<hbm>> -> memref<624x16xf32, #tpu.memory_space<hbm>>
      tpu.wait_dma2 semaphore(%run_scoped3A : memref<!tpu.dma_semaphore, #tpu.memory_space<semaphore_mem>>) src(%dma_wait3A_162 : memref<624x16xf32, #tpu.memory_space<hbm>>) dst(%dma_wait3A_160 : memref<624x16xf32, #tpu.memory_space<vmem_shared>>)
      tpu.yield
    }) : () -> ()
    %eq3A = arith.constant 15 : i32
    %eq3A_3 = arith.cmpi eq, %arg1, %eq3A : i32
    %convert_element_type3A = arith.extui %eq3A_3 : i1 to i32
    %cond3A = arith.constant 0 : i32
    %cond3A_4 = arith.cmpi ne, %convert_element_type3A, %cond3A : i32
    scf.if %cond3A_4 {
      "tpu.region"() ({
        %run_scoped3A = tpu.sem_alloc : memref<!tpu.dma_semaphore, #tpu.memory_space<semaphore_mem>>
        %dma_start3A_155 = arith.constant 9984 : i32
        %dma_start3A_156 = arith.constant 0 : i32
        %dma_start3A_157 = tpu.memref_slice %arg18[%dma_start3A_155, %dma_start3A_156] : memref<10000x128xf32, #tpu.memory_space<vmem_shared>> -> memref<16x128xf32, #tpu.memory_space<vmem_shared>>
        %dma_start3A_158 = arith.constant 9984 : i32
        %dma_start3A_159 = arith.constant 0 : i32
        %dma_start3A_160 = tpu.memref_slice %arg4[%dma_start3A_158, %dma_start3A_159] : memref<10000x128xf32, #tpu.memory_space<hbm>> -> memref<16x128xf32, #tpu.memory_space<hbm>>
        tpu.enqueue_dma source(%dma_start3A_160 : memref<16x128xf32, #tpu.memory_space<hbm>>) target(%dma_start3A_157 : memref<16x128xf32, #tpu.memory_space<vmem_shared>>) target_semaphore(%run_scoped3A : memref<!tpu.dma_semaphore, #tpu.memory_space<semaphore_mem>>)
        %dma_wait3A_161 = arith.constant 9984 : i32
        %dma_wait3A_162 = arith.constant 0 : i32
        %dma_wait3A_163 = tpu.memref_slice %arg18[%dma_wait3A_161, %dma_wait3A_162] : memref<10000x128xf32, #tpu.memory_space<vmem_shared>> -> memref<16x128xf32, #tpu.memory_space<vmem_shared>>
        %dma_wait3A_164 = arith.constant 9984 : i32
        %dma_wait3A_165 = arith.constant 0 : i32
        %dma_wait3A_166 = tpu.memref_slice %arg4[%dma_wait3A_164, %dma_wait3A_165] : memref<10000x128xf32, #tpu.memory_space<hbm>> -> memref<16x128xf32, #tpu.memory_space<hbm>>
        tpu.wait_dma2 semaphore(%run_scoped3A : memref<!tpu.dma_semaphore, #tpu.memory_space<semaphore_mem>>) src(%dma_wait3A_166 : memref<16x128xf32, #tpu.memory_space<hbm>>) dst(%dma_wait3A_163 : memref<16x128xf32, #tpu.memory_space<vmem_shared>>)
        tpu.yield
      }) : () -> ()
      "tpu.region"() ({
        %run_scoped3A = tpu.sem_alloc : memref<!tpu.dma_semaphore, #tpu.memory_space<semaphore_mem>>
        %dma_start3A_155 = arith.constant 9984 : i32
        %dma_start3A_156 = arith.constant 0 : i32
        %dma_start3A_157 = tpu.memref_slice %arg19[%dma_start3A_155, %dma_start3A_156] : memref<10000x16xf32, #tpu.memory_space<vmem_shared>> -> memref<16x16xf32, #tpu.memory_space<vmem_shared>>
        %dma_start3A_158 = arith.constant 9984 : i32
        %dma_start3A_159 = arith.constant 0 : i32
        %dma_start3A_160 = tpu.memref_slice %arg5[%dma_start3A_158, %dma_start3A_159] : memref<10000x16xf32, #tpu.memory_space<hbm>> -> memref<16x16xf32, #tpu.memory_space<hbm>>
        tpu.enqueue_dma source(%dma_start3A_160 : memref<16x16xf32, #tpu.memory_space<hbm>>) target(%dma_start3A_157 : memref<16x16xf32, #tpu.memory_space<vmem_shared>>) target_semaphore(%run_scoped3A : memref<!tpu.dma_semaphore, #tpu.memory_space<semaphore_mem>>)
        %dma_wait3A_161 = arith.constant 9984 : i32
        %dma_wait3A_162 = arith.constant 0 : i32
        %dma_wait3A_163 = tpu.memref_slice %arg19[%dma_wait3A_161, %dma_wait3A_162] : memref<10000x16xf32, #tpu.memory_space<vmem_shared>> -> memref<16x16xf32, #tpu.memory_space<vmem_shared>>
        %dma_wait3A_164 = arith.constant 9984 : i32
        %dma_wait3A_165 = arith.constant 0 : i32
        %dma_wait3A_166 = tpu.memref_slice %arg5[%dma_wait3A_164, %dma_wait3A_165] : memref<10000x16xf32, #tpu.memory_space<hbm>> -> memref<16x16xf32, #tpu.memory_space<hbm>>
        tpu.wait_dma2 semaphore(%run_scoped3A : memref<!tpu.dma_semaphore, #tpu.memory_space<semaphore_mem>>) src(%dma_wait3A_166 : memref<16x16xf32, #tpu.memory_space<hbm>>) dst(%dma_wait3A_163 : memref<16x16xf32, #tpu.memory_space<vmem_shared>>)
        tpu.yield
      }) : () -> ()
    } else {
    }
    %scan3A = arith.constant 0 : i32
    %scan3A_5 = arith.constant 0 : i32
    %scan3A_6 = arith.constant 125 : i32
    %scan3A_7 = arith.addi %scan3A_5, %scan3A_6 : i32
    %scan3A_8 = arith.constant 1 : i32
    scf.for %scan3A_155 = %scan3A_5 to %scan3A_7 step %scan3A_8  : i32 {
      %broadcast_in_dim3A = arith.constant 1.000000e+00 : f32
      %broadcast_in_dim3A_156 = vector.broadcast %broadcast_in_dim3A : f32 to vector<16xf32>
      %swap3A = arith.index_cast %scan3A_155 : i32 to index
      %swap3A_157 = arith.constant 0 : index
      %swap3A_158 = tpu.vector_load %arg11[%swap3A, %swap3A_157] {strides = array<i32>} : memref<125x16xf32, #tpu.memory_space<vmem>>, vector<1x16xf32>,
      %swap3A_159 = vector.shape_cast %swap3A_158 : vector<1x16xf32> to vector<16xf32>
      %swap3A_160 = vector.shape_cast %broadcast_in_dim3A_156 : vector<16xf32> to vector<1x16xf32>
      tpu.vector_store %arg11[%swap3A, %swap3A_157], %swap3A_160 {strides = array<i32>} : memref<125x16xf32, #tpu.memory_space<vmem>>, vector<1x16xf32>,
    }
    %scan3A_9 = arith.constant 125 : i32
    %dma_start3A = arith.constant 0 : i32
    %dma_start3A_10 = arith.constant 0 : i32
    %dma_start3A_11 = arith.constant 0 : i32
    %dma_start3A_12 = arith.constant 0 : i32
    %dma_start3A_13 = tpu.memref_slice %arg8[%dma_start3A, %dma_start3A_10, %dma_start3A_11, %dma_start3A_12] : memref<4x2x2x125xi32, #tpu.memory_space<vmem>> -> memref<1x2x2x125xi32, #tpu.memory_space<vmem>>
    %dma_start3A_14 = tpu.memref_squeeze %dma_start3A_13 : memref<1x2x2x125xi32, #tpu.memory_space<vmem>> -> memref<2x2x125xi32, #tpu.memory_space<vmem>>
    %dma_start3A_15 = arith.constant 0 : i32
    %dma_start3A_16 = arith.constant 0 : i32
    %dma_start3A_17 = arith.constant 0 : i32
    %dma_start3A_18 = tpu.memref_slice %arg3[%add3A, %dma_start3A_15, %dma_start3A_16, %dma_start3A_17] : memref<32x80x2x125xi32, #tpu.memory_space<hbm>> -> memref<1x2x2x125xi32, #tpu.memory_space<hbm>>
    %dma_start3A_19 = tpu.memref_squeeze %dma_start3A_18 : memref<1x2x2x125xi32, #tpu.memory_space<hbm>> -> memref<2x2x125xi32, #tpu.memory_space<hbm>>
    %dma_start3A_20 = arith.constant 0 : i32
    %dma_start3A_21 = arith.constant 0 : i32
    %dma_start3A_22 = arith.constant 0 : i32
    %dma_start3A_23 = tpu.memref_slice %arg8[%dma_start3A, %dma_start3A_20, %dma_start3A_21, %dma_start3A_22] : memref<4x2x2x125xi32, #tpu.memory_space<vmem>> -> memref<1x2x2x125xi32, #tpu.memory_space<vmem>>
    %dma_start3A_24 = tpu.memref_squeeze %dma_start3A_23 : memref<1x2x2x125xi32, #tpu.memory_space<vmem>> -> memref<2x2x125xi32, #tpu.memory_space<vmem>>
    %dma_start3A_25 = arith.constant 0 : i32
    %dma_start3A_26 = arith.constant 0 : i32
    %dma_start3A_27 = arith.constant 0 : i32
    %dma_start3A_28 = tpu.memref_slice %arg3[%add3A, %dma_start3A_25, %dma_start3A_26, %dma_start3A_27] : memref<32x80x2x125xi32, #tpu.memory_space<hbm>> -> memref<1x2x2x125xi32, #tpu.memory_space<hbm>>
    %dma_start3A_29 = tpu.memref_squeeze %dma_start3A_28 : memref<1x2x2x125xi32, #tpu.memory_space<hbm>> -> memref<2x2x125xi32, #tpu.memory_space<hbm>>
    tpu.enqueue_dma source(%dma_start3A_29 : memref<2x2x125xi32, #tpu.memory_space<hbm>>) target(%dma_start3A_24 : memref<2x2x125xi32, #tpu.memory_space<vmem>>) target_semaphore(%arg14 : memref<!tpu.dma_semaphore, #tpu.memory_space<semaphore_mem>>)
    %dma_start3A_30 = arith.constant 1 : i32
    %dma_start3A_31 = arith.constant 0 : i32
    %dma_start3A_32 = arith.constant 0 : i32
    %dma_start3A_33 = arith.constant 0 : i32
    %dma_start3A_34 = tpu.memref_slice %arg8[%dma_start3A_30, %dma_start3A_31, %dma_start3A_32, %dma_start3A_33] : memref<4x2x2x125xi32, #tpu.memory_space<vmem>> -> memref<1x2x2x125xi32, #tpu.memory_space<vmem>>
    %dma_start3A_35 = tpu.memref_squeeze %dma_start3A_34 : memref<1x2x2x125xi32, #tpu.memory_space<vmem>> -> memref<2x2x125xi32, #tpu.memory_space<vmem>>
    %dma_start3A_36 = arith.constant 2 : i32
    %dma_start3A_37 = arith.constant 0 : i32
    %dma_start3A_38 = arith.constant 0 : i32
    %dma_start3A_39 = tpu.memref_slice %arg3[%add3A, %dma_start3A_36, %dma_start3A_37, %dma_start3A_38] : memref<32x80x2x125xi32, #tpu.memory_space<hbm>> -> memref<1x2x2x125xi32, #tpu.memory_space<hbm>>
    %dma_start3A_40 = tpu.memref_squeeze %dma_start3A_39 : memref<1x2x2x125xi32, #tpu.memory_space<hbm>> -> memref<2x2x125xi32, #tpu.memory_space<hbm>>
    %dma_start3A_41 = arith.constant 0 : i32
    %dma_start3A_42 = arith.constant 0 : i32
    %dma_start3A_43 = arith.constant 0 : i32
    %dma_start3A_44 = tpu.memref_slice %arg8[%dma_start3A_30, %dma_start3A_41, %dma_start3A_42, %dma_start3A_43] : memref<4x2x2x125xi32, #tpu.memory_space<vmem>> -> memref<1x2x2x125xi32, #tpu.memory_space<vmem>>
    %dma_start3A_45 = tpu.memref_squeeze %dma_start3A_44 : memref<1x2x2x125xi32, #tpu.memory_space<vmem>> -> memref<2x2x125xi32, #tpu.memory_space<vmem>>
    %dma_start3A_46 = arith.constant 2 : i32
    %dma_start3A_47 = arith.constant 0 : i32
    %dma_start3A_48 = arith.constant 0 : i32
    %dma_start3A_49 = tpu.memref_slice %arg3[%add3A, %dma_start3A_46, %dma_start3A_47, %dma_start3A_48] : memref<32x80x2x125xi32, #tpu.memory_space<hbm>> -> memref<1x2x2x125xi32, #tpu.memory_space<hbm>>
    %dma_start3A_50 = tpu.memref_squeeze %dma_start3A_49 : memref<1x2x2x125xi32, #tpu.memory_space<hbm>> -> memref<2x2x125xi32, #tpu.memory_space<hbm>>
    tpu.enqueue_dma source(%dma_start3A_50 : memref<2x2x125xi32, #tpu.memory_space<hbm>>) target(%dma_start3A_45 : memref<2x2x125xi32, #tpu.memory_space<vmem>>) target_semaphore(%arg15 : memref<!tpu.dma_semaphore, #tpu.memory_space<semaphore_mem>>)
    %dma_start3A_51 = arith.constant 2 : i32
    %dma_start3A_52 = arith.constant 0 : i32
    %dma_start3A_53 = arith.constant 0 : i32
    %dma_start3A_54 = arith.constant 0 : i32
    %dma_start3A_55 = tpu.memref_slice %arg8[%dma_start3A_51, %dma_start3A_52, %dma_start3A_53, %dma_start3A_54] : memref<4x2x2x125xi32, #tpu.memory_space<vmem>> -> memref<1x2x2x125xi32, #tpu.memory_space<vmem>>
    %dma_start3A_56 = tpu.memref_squeeze %dma_start3A_55 : memref<1x2x2x125xi32, #tpu.memory_space<vmem>> -> memref<2x2x125xi32, #tpu.memory_space<vmem>>
    %dma_start3A_57 = arith.constant 4 : i32
    %dma_start3A_58 = arith.constant 0 : i32
    %dma_start3A_59 = arith.constant 0 : i32
    %dma_start3A_60 = tpu.memref_slice %arg3[%add3A, %dma_start3A_57, %dma_start3A_58, %dma_start3A_59] : memref<32x80x2x125xi32, #tpu.memory_space<hbm>> -> memref<1x2x2x125xi32, #tpu.memory_space<hbm>>
    %dma_start3A_61 = tpu.memref_squeeze %dma_start3A_60 : memref<1x2x2x125xi32, #tpu.memory_space<hbm>> -> memref<2x2x125xi32, #tpu.memory_space<hbm>>
    %dma_start3A_62 = arith.constant 0 : i32
    %dma_start3A_63 = arith.constant 0 : i32
    %dma_start3A_64 = arith.constant 0 : i32
    %dma_start3A_65 = tpu.memref_slice %arg8[%dma_start3A_51, %dma_start3A_62, %dma_start3A_63, %dma_start3A_64] : memref<4x2x2x125xi32, #tpu.memory_space<vmem>> -> memref<1x2x2x125xi32, #tpu.memory_space<vmem>>
    %dma_start3A_66 = tpu.memref_squeeze %dma_start3A_65 : memref<1x2x2x125xi32, #tpu.memory_space<vmem>> -> memref<2x2x125xi32, #tpu.memory_space<vmem>>
    %dma_start3A_67 = arith.constant 4 : i32
    %dma_start3A_68 = arith.constant 0 : i32
    %dma_start3A_69 = arith.constant 0 : i32
    %dma_start3A_70 = tpu.memref_slice %arg3[%add3A, %dma_start3A_67, %dma_start3A_68, %dma_start3A_69] : memref<32x80x2x125xi32, #tpu.memory_space<hbm>> -> memref<1x2x2x125xi32, #tpu.memory_space<hbm>>
    %dma_start3A_71 = tpu.memref_squeeze %dma_start3A_70 : memref<1x2x2x125xi32, #tpu.memory_space<hbm>> -> memref<2x2x125xi32, #tpu.memory_space<hbm>>
    tpu.enqueue_dma source(%dma_start3A_71 : memref<2x2x125xi32, #tpu.memory_space<hbm>>) target(%dma_start3A_66 : memref<2x2x125xi32, #tpu.memory_space<vmem>>) target_semaphore(%arg16 : memref<!tpu.dma_semaphore, #tpu.memory_space<semaphore_mem>>)
    %dma_wait3A = arith.constant 0 : i32
    %dma_wait3A_72 = arith.constant 0 : i32
    %dma_wait3A_73 = arith.constant 0 : i32
    %dma_wait3A_74 = arith.constant 0 : i32
    %dma_wait3A_75 = tpu.memref_slice %arg8[%dma_wait3A, %dma_wait3A_72, %dma_wait3A_73, %dma_wait3A_74] : memref<4x2x2x125xi32, #tpu.memory_space<vmem>> -> memref<1x2x2x125xi32, #tpu.memory_space<vmem>>
    %dma_wait3A_76 = tpu.memref_squeeze %dma_wait3A_75 : memref<1x2x2x125xi32, #tpu.memory_space<vmem>> -> memref<2x2x125xi32, #tpu.memory_space<vmem>>
    %dma_wait3A_77 = arith.constant 0 : i32
    %dma_wait3A_78 = arith.constant 0 : i32
    %dma_wait3A_79 = arith.constant 0 : i32
    %dma_wait3A_80 = tpu.memref_slice %arg3[%add3A, %dma_wait3A_77, %dma_wait3A_78, %dma_wait3A_79] : memref<32x80x2x125xi32, #tpu.memory_space<hbm>> -> memref<1x2x2x125xi32, #tpu.memory_space<hbm>>
    %dma_wait3A_81 = tpu.memref_squeeze %dma_wait3A_80 : memref<1x2x2x125xi32, #tpu.memory_space<hbm>> -> memref<2x2x125xi32, #tpu.memory_space<hbm>>
    %dma_wait3A_82 = arith.constant 0 : i32
    %dma_wait3A_83 = arith.constant 0 : i32
    %dma_wait3A_84 = arith.constant 0 : i32
    %dma_wait3A_85 = tpu.memref_slice %arg8[%dma_wait3A, %dma_wait3A_82, %dma_wait3A_83, %dma_wait3A_84] : memref<4x2x2x125xi32, #tpu.memory_space<vmem>> -> memref<1x2x2x125xi32, #tpu.memory_space<vmem>>
    %dma_wait3A_86 = tpu.memref_squeeze %dma_wait3A_85 : memref<1x2x2x125xi32, #tpu.memory_space<vmem>> -> memref<2x2x125xi32, #tpu.memory_space<vmem>>
    %dma_wait3A_87 = arith.constant 0 : i32
    %dma_wait3A_88 = arith.constant 0 : i32
    %dma_wait3A_89 = arith.constant 0 : i32
    %dma_wait3A_90 = tpu.memref_slice %arg3[%add3A, %dma_wait3A_87, %dma_wait3A_88, %dma_wait3A_89] : memref<32x80x2x125xi32, #tpu.memory_space<hbm>> -> memref<1x2x2x125xi32, #tpu.memory_space<hbm>>
    %dma_wait3A_91 = tpu.memref_squeeze %dma_wait3A_90 : memref<1x2x2x125xi32, #tpu.memory_space<hbm>> -> memref<2x2x125xi32, #tpu.memory_space<hbm>>
    tpu.wait_dma2 semaphore(%arg14 : memref<!tpu.dma_semaphore, #tpu.memory_space<semaphore_mem>>) src(%dma_wait3A_91 : memref<2x2x125xi32, #tpu.memory_space<hbm>>) dst(%dma_wait3A_86 : memref<2x2x125xi32, #tpu.memory_space<vmem>>)
    %dma_start3A_92 = arith.constant 0 : i32
    %dma_start3A_93 = arith.constant 0 : i32
    %dma_start3A_94 = arith.constant 0 : i32
    %dma_start3A_95 = arith.constant 0 : i32
    %dma_start3A_96 = arith.constant 0 : i32
    %dma_start3A_97 = tpu.memref_slice %arg9[%dma_start3A_95, %dma_start3A_96] : memref<125x128xf32, #tpu.memory_space<vmem>> -> memref<64x128xf32, #tpu.memory_space<vmem>>
    %dma_start3A_98 = arith.constant 0 : i32
    %dma_start3A_99 = tpu.memref_slice %arg8[%dma_start3A_92, %dma_start3A_93, %dma_start3A_94, %dma_start3A_98] : memref<4x2x2x125xi32, #tpu.memory_space<vmem>> -> memref<1x1x1x64xi32, #tpu.memory_space<vmem>>
    %dma_start3A_100 = tpu.memref_squeeze %dma_start3A_99 : memref<1x1x1x64xi32, #tpu.memory_space<vmem>> -> memref<64xi32, #tpu.memory_space<vmem>>
    %dma_start3A_101 = arith.constant 0 : i32
    %dma_start3A_102 = arith.constant 0 : i32
    %dma_start3A_103 = tpu.memref_slice %arg2[%dma_start3A_101, %dma_start3A_102] : memref<10000x128xf32, #tpu.memory_space<hbm>> -> memref<10000x128xf32, #tpu.memory_space<hbm>>
    tpu.enqueue_indirect_dma source(%dma_start3A_103 : memref<10000x128xf32, #tpu.memory_space<hbm>>) target(%dma_start3A_97 : memref<64x128xf32, #tpu.memory_space<vmem>>) offsets(%dma_start3A_100 : memref<64xi32, #tpu.memory_space<vmem>>) semaphore(%arg12 : memref<!tpu.dma_semaphore, #tpu.memory_space<semaphore_mem>>)
    %dma_start3A_104 = arith.constant 0 : i32
    %dma_start3A_105 = arith.constant 0 : i32
    %dma_start3A_106 = arith.constant 0 : i32
    %dma_start3A_107 = arith.constant 64 : i32
    %dma_start3A_108 = arith.constant 0 : i32
    %dma_start3A_109 = tpu.memref_slice %arg9[%dma_start3A_107, %dma_start3A_108] : memref<125x128xf32, #tpu.memory_space<vmem>> -> memref<61x128xf32, #tpu.memory_space<vmem>>
    %dma_start3A_110 = arith.constant 64 : i32
    %dma_start3A_111 = tpu.memref_slice %arg8[%dma_start3A_104, %dma_start3A_105, %dma_start3A_106, %dma_start3A_110] : memref<4x2x2x125xi32, #tpu.memory_space<vmem>> -> memref<1x1x1x61xi32, #tpu.memory_space<vmem>>
    %dma_start3A_112 = tpu.memref_squeeze %dma_start3A_111 : memref<1x1x1x61xi32, #tpu.memory_space<vmem>> -> memref<61xi32, #tpu.memory_space<vmem>>
    %dma_start3A_113 = arith.constant 0 : i32
    %dma_start3A_114 = arith.constant 0 : i32
    %dma_start3A_115 = tpu.memref_slice %arg2[%dma_start3A_113, %dma_start3A_114] : memref<10000x128xf32, #tpu.memory_space<hbm>> -> memref<10000x128xf32, #tpu.memory_space<hbm>>
    tpu.enqueue_indirect_dma source(%dma_start3A_115 : memref<10000x128xf32, #tpu.memory_space<hbm>>) target(%dma_start3A_109 : memref<61x128xf32, #tpu.memory_space<vmem>>) offsets(%dma_start3A_112 : memref<61xi32, #tpu.memory_space<vmem>>) semaphore(%arg12 : memref<!tpu.dma_semaphore, #tpu.memory_space<semaphore_mem>>)
    %dma_start3A_116 = arith.constant 0 : i32
    %dma_start3A_117 = arith.constant 1 : i32
    %dma_start3A_118 = arith.constant 0 : i32
    %dma_start3A_119 = arith.constant 0 : i32
    %dma_start3A_120 = arith.constant 0 : i32
    %dma_start3A_121 = tpu.memref_slice %arg10[%dma_start3A_119, %dma_start3A_120] : memref<125x128xf32, #tpu.memory_space<vmem>> -> memref<64x128xf32, #tpu.memory_space<vmem>>
    %dma_start3A_122 = arith.constant 0 : i32
    %dma_start3A_123 = tpu.memref_slice %arg8[%dma_start3A_116, %dma_start3A_117, %dma_start3A_118, %dma_start3A_122] : memref<4x2x2x125xi32, #tpu.memory_space<vmem>> -> memref<1x1x1x64xi32, #tpu.memory_space<vmem>>
    %dma_start3A_124 = tpu.memref_squeeze %dma_start3A_123 : memref<1x1x1x64xi32, #tpu.memory_space<vmem>> -> memref<64xi32, #tpu.memory_space<vmem>>
    %dma_start3A_125 = arith.constant 0 : i32
    %dma_start3A_126 = arith.constant 0 : i32
    %dma_start3A_127 = tpu.memref_slice %arg2[%dma_start3A_125, %dma_start3A_126] : memref<10000x128xf32, #tpu.memory_space<hbm>> -> memref<10000x128xf32, #tpu.memory_space<hbm>>
    tpu.enqueue_indirect_dma source(%dma_start3A_127 : memref<10000x128xf32, #tpu.memory_space<hbm>>) target(%dma_start3A_121 : memref<64x128xf32, #tpu.memory_space<vmem>>) offsets(%dma_start3A_124 : memref<64xi32, #tpu.memory_space<vmem>>) semaphore(%arg13 : memref<!tpu.dma_semaphore, #tpu.memory_space<semaphore_mem>>)
    %dma_start3A_128 = arith.constant 0 : i32
    %dma_start3A_129 = arith.constant 1 : i32
    %dma_start3A_130 = arith.constant 0 : i32
    %dma_start3A_131 = arith.constant 64 : i32
    %dma_start3A_132 = arith.constant 0 : i32
    %dma_start3A_133 = tpu.memref_slice %arg10[%dma_start3A_131, %dma_start3A_132] : memref<125x128xf32, #tpu.memory_space<vmem>> -> memref<61x128xf32, #tpu.memory_space<vmem>>
    %dma_start3A_134 = arith.constant 64 : i32
    %dma_start3A_135 = tpu.memref_slice %arg8[%dma_start3A_128, %dma_start3A_129, %dma_start3A_130, %dma_start3A_134] : memref<4x2x2x125xi32, #tpu.memory_space<vmem>> -> memref<1x1x1x61xi32, #tpu.memory_space<vmem>>
    %dma_start3A_136 = tpu.memref_squeeze %dma_start3A_135 : memref<1x1x1x61xi32, #tpu.memory_space<vmem>> -> memref<61xi32, #tpu.memory_space<vmem>>
    %dma_start3A_137 = arith.constant 0 : i32
    %dma_start3A_138 = arith.constant 0 : i32
    %dma_start3A_139 = tpu.memref_slice %arg2[%dma_start3A_137, %dma_start3A_138] : memref<10000x128xf32, #tpu.memory_space<hbm>> -> memref<10000x128xf32, #tpu.memory_space<hbm>>
    tpu.enqueue_indirect_dma source(%dma_start3A_139 : memref<10000x128xf32, #tpu.memory_space<hbm>>) target(%dma_start3A_133 : memref<61x128xf32, #tpu.memory_space<vmem>>) offsets(%dma_start3A_136 : memref<61xi32, #tpu.memory_space<vmem>>) semaphore(%arg13 : memref<!tpu.dma_semaphore, #tpu.memory_space<semaphore_mem>>)
    %barrier3A = arith.constant 0 : index
    tpu.barrier barrier_id(%barrier3A)
    %scan3A_140 = arith.constant 0 : i32
    %scan3A_141 = arith.constant 0 : i32
    %scan3A_142 = arith.constant 10 : i32
    %scan3A_143 = arith.addi %scan3A_141, %scan3A_142 : i32
    %scan3A_144 = arith.constant 1 : i32
    scf.for %scan3A_155 = %scan3A_141 to %scan3A_143 step %scan3A_144  : i32 {
      %mul3A_156 = arith.constant 4 : i32
      %mul3A_157 = arith.muli %scan3A_155, %mul3A_156 : i32
      %add3A_158 = arith.constant 0 : i32
      %add3A_159 = arith.addi %mul3A_157, %add3A_158 : i32
      %add3A_160 = arith.constant 1 : i32
      %add3A_161 = arith.addi %add3A_159, %add3A_160 : i32
      %lt3A = arith.constant 40 : i32
      %lt3A_162 = arith.cmpi slt, %add3A_161, %lt3A : i32
      %convert_element_type3A_163 = arith.extui %lt3A_162 : i1 to i32
      %cond3A_164 = arith.constant 0 : i32
      %cond3A_165 = arith.cmpi ne, %convert_element_type3A_163, %cond3A_164 : i32
      scf.if %cond3A_165 {
        %dma_wait3A_522 = arith.constant 1 : i32
        %dma_wait3A_523 = arith.constant 0 : i32
        %dma_wait3A_524 = arith.constant 0 : i32
        %dma_wait3A_525 = arith.constant 0 : i32
        %dma_wait3A_526 = tpu.memref_slice %arg8[%dma_wait3A_522, %dma_wait3A_523, %dma_wait3A_524, %dma_wait3A_525] : memref<4x2x2x125xi32, #tpu.memory_space<vmem>> -> memref<1x2x2x125xi32, #tpu.memory_space<vmem>>
        %dma_wait3A_527 = tpu.memref_squeeze %dma_wait3A_526 : memref<1x2x2x125xi32, #tpu.memory_space<vmem>> -> memref<2x2x125xi32, #tpu.memory_space<vmem>>
        %dma_wait3A_528 = arith.constant 0 : i32
        %dma_wait3A_529 = arith.constant 0 : i32
        %dma_wait3A_530 = arith.constant 0 : i32
        %dma_wait3A_531 = tpu.memref_slice %arg3[%add3A, %dma_wait3A_528, %dma_wait3A_529, %dma_wait3A_530] : memref<32x80x2x125xi32, #tpu.memory_space<hbm>> -> memref<1x2x2x125xi32, #tpu.memory_space<hbm>>
        %dma_wait3A_532 = tpu.memref_squeeze %dma_wait3A_531 : memref<1x2x2x125xi32, #tpu.memory_space<hbm>> -> memref<2x2x125xi32, #tpu.memory_space<hbm>>
        %dma_wait3A_533 = arith.constant 0 : i32
        %dma_wait3A_534 = arith.constant 0 : i32
        %dma_wait3A_535 = arith.constant 0 : i32
        %dma_wait3A_536 = tpu.memref_slice %arg8[%dma_wait3A_522, %dma_wait3A_533, %dma_wait3A_534, %dma_wait3A_535] : memref<4x2x2x125xi32, #tpu.memory_space<vmem>> -> memref<1x2x2x125xi32, #tpu.memory_space<vmem>>
        %dma_wait3A_537 = tpu.memref_squeeze %dma_wait3A_536 : memref<1x2x2x125xi32, #tpu.memory_space<vmem>> -> memref<2x2x125xi32, #tpu.memory_space<vmem>>
        %dma_wait3A_538 = arith.constant 0 : i32
        %dma_wait3A_539 = arith.constant 0 : i32
        %dma_wait3A_540 = arith.constant 0 : i32
        %dma_wait3A_541 = tpu.memref_slice %arg3[%add3A, %dma_wait3A_538, %dma_wait3A_539, %dma_wait3A_540] : memref<32x80x2x125xi32, #tpu.memory_space<hbm>> -> memref<1x2x2x125xi32, #tpu.memory_space<hbm>>
        %dma_wait3A_542 = tpu.memref_squeeze %dma_wait3A_541 : memref<1x2x2x125xi32, #tpu.memory_space<hbm>> -> memref<2x2x125xi32, #tpu.memory_space<hbm>>
        tpu.wait_dma2 semaphore(%arg15 : memref<!tpu.dma_semaphore, #tpu.memory_space<semaphore_mem>>) src(%dma_wait3A_542 : memref<2x2x125xi32, #tpu.memory_space<hbm>>) dst(%dma_wait3A_537 : memref<2x2x125xi32, #tpu.memory_space<vmem>>)
      } else {
      }
      %add3A_166 = arith.constant 3 : i32
      %add3A_167 = arith.addi %add3A_159, %add3A_166 : i32
      %lt3A_168 = arith.constant 40 : i32
      %lt3A_169 = arith.cmpi slt, %add3A_167, %lt3A_168 : i32
      %convert_element_type3A_170 = arith.extui %lt3A_169 : i1 to i32
      %cond3A_171 = arith.constant 0 : i32
      %cond3A_172 = arith.cmpi ne, %convert_element_type3A_170, %cond3A_171 : i32
      scf.if %cond3A_172 {
        %add3A_522 = arith.constant 3 : i32
        %add3A_523 = arith.addi %add3A_159, %add3A_522 : i32
        %mul3A_524 = arith.constant 2 : i32
        %mul3A_525 = arith.muli %add3A_523, %mul3A_524 : i32
        %dma_start3A_526 = arith.constant 3 : i32
        %dma_start3A_527 = arith.constant 0 : i32
        %dma_start3A_528 = arith.constant 0 : i32
        %dma_start3A_529 = arith.constant 0 : i32
        %dma_start3A_530 = tpu.memref_slice %arg8[%dma_start3A_526, %dma_start3A_527, %dma_start3A_528, %dma_start3A_529] : memref<4x2x2x125xi32, #tpu.memory_space<vmem>> -> memref<1x2x2x125xi32, #tpu.memory_space<vmem>>
        %dma_start3A_531 = tpu.memref_squeeze %dma_start3A_530 : memref<1x2x2x125xi32, #tpu.memory_space<vmem>> -> memref<2x2x125xi32, #tpu.memory_space<vmem>>
        %dma_start3A_532 = arith.constant 0 : i32
        %dma_start3A_533 = arith.constant 0 : i32
        %dma_start3A_534 = tpu.memref_slice %arg3[%add3A, %mul3A_525, %dma_start3A_532, %dma_start3A_533] : memref<32x80x2x125xi32, #tpu.memory_space<hbm>> -> memref<1x2x2x125xi32, #tpu.memory_space<hbm>>
        %dma_start3A_535 = tpu.memref_squeeze %dma_start3A_534 : memref<1x2x2x125xi32, #tpu.memory_space<hbm>> -> memref<2x2x125xi32, #tpu.memory_space<hbm>>
        %dma_start3A_536 = arith.constant 0 : i32
        %dma_start3A_537 = arith.constant 0 : i32
        %dma_start3A_538 = arith.constant 0 : i32
        %dma_start3A_539 = tpu.memref_slice %arg8[%dma_start3A_526, %dma_start3A_536, %dma_start3A_537, %dma_start3A_538] : memref<4x2x2x125xi32, #tpu.memory_space<vmem>> -> memref<1x2x2x125xi32, #tpu.memory_space<vmem>>
        %dma_start3A_540 = tpu.memref_squeeze %dma_start3A_539 : memref<1x2x2x125xi32, #tpu.memory_space<vmem>> -> memref<2x2x125xi32, #tpu.memory_space<vmem>>
        %dma_start3A_541 = arith.constant 0 : i32
        %dma_start3A_542 = arith.constant 0 : i32
        %dma_start3A_543 = tpu.memref_slice %arg3[%add3A, %mul3A_525, %dma_start3A_541, %dma_start3A_542] : memref<32x80x2x125xi32, #tpu.memory_space<hbm>> -> memref<1x2x2x125xi32, #tpu.memory_space<hbm>>
        %dma_start3A_544 = tpu.memref_squeeze %dma_start3A_543 : memref<1x2x2x125xi32, #tpu.memory_space<hbm>> -> memref<2x2x125xi32, #tpu.memory_space<hbm>>
        tpu.enqueue_dma source(%dma_start3A_544 : memref<2x2x125xi32, #tpu.memory_space<hbm>>) target(%dma_start3A_540 : memref<2x2x125xi32, #tpu.memory_space<vmem>>) target_semaphore(%arg17 : memref<!tpu.dma_semaphore, #tpu.memory_space<semaphore_mem>>)
      } else {
      }
      %dma_wait3A_173 = arith.constant 0 : i32
      %dma_wait3A_174 = arith.constant 0 : i32
      %dma_wait3A_175 = arith.constant 0 : i32
      %dma_wait3A_176 = arith.constant 0 : i32
      %dma_wait3A_177 = arith.constant 0 : i32
      %dma_wait3A_178 = tpu.memref_slice %arg9[%dma_wait3A_176, %dma_wait3A_177] : memref<125x128xf32, #tpu.memory_space<vmem>> -> memref<64x128xf32, #tpu.memory_space<vmem>>
      %dma_wait3A_179 = arith.constant 0 : i32
      %dma_wait3A_180 = tpu.memref_slice %arg8[%dma_wait3A_173, %dma_wait3A_174, %dma_wait3A_175, %dma_wait3A_179] : memref<4x2x2x125xi32, #tpu.memory_space<vmem>> -> memref<1x1x1x64xi32, #tpu.memory_space<vmem>>
      %dma_wait3A_181 = tpu.memref_squeeze %dma_wait3A_180 : memref<1x1x1x64xi32, #tpu.memory_space<vmem>> -> memref<64xi32, #tpu.memory_space<vmem>>
      %dma_wait3A_182 = arith.constant 0 : i32
      %dma_wait3A_183 = arith.constant 0 : i32
      %dma_wait3A_184 = tpu.memref_slice %arg2[%dma_wait3A_182, %dma_wait3A_183] : memref<10000x128xf32, #tpu.memory_space<hbm>> -> memref<10000x128xf32, #tpu.memory_space<hbm>>
      tpu.wait_indirect_dma semaphore(%arg12 : memref<!tpu.dma_semaphore, #tpu.memory_space<semaphore_mem>>) src(%dma_wait3A_184 : memref<10000x128xf32, #tpu.memory_space<hbm>>) dst(%dma_wait3A_178 : memref<64x128xf32, #tpu.memory_space<vmem>>)
      %dma_wait3A_185 = arith.constant 0 : i32
      %dma_wait3A_186 = arith.constant 0 : i32
      %dma_wait3A_187 = arith.constant 0 : i32
      %dma_wait3A_188 = arith.constant 64 : i32
      %dma_wait3A_189 = arith.constant 0 : i32
      %dma_wait3A_190 = tpu.memref_slice %arg9[%dma_wait3A_188, %dma_wait3A_189] : memref<125x128xf32, #tpu.memory_space<vmem>> -> memref<61x128xf32, #tpu.memory_space<vmem>>
      %dma_wait3A_191 = arith.constant 64 : i32
      %dma_wait3A_192 = tpu.memref_slice %arg8[%dma_wait3A_185, %dma_wait3A_186, %dma_wait3A_187, %dma_wait3A_191] : memref<4x2x2x125xi32, #tpu.memory_space<vmem>> -> memref<1x1x1x61xi32, #tpu.memory_space<vmem>>
      %dma_wait3A_193 = tpu.memref_squeeze %dma_wait3A_192 : memref<1x1x1x61xi32, #tpu.memory_space<vmem>> -> memref<61xi32, #tpu.memory_space<vmem>>
      %dma_wait3A_194 = arith.constant 0 : i32
      %dma_wait3A_195 = arith.constant 0 : i32
      %dma_wait3A_196 = tpu.memref_slice %arg2[%dma_wait3A_194, %dma_wait3A_195] : memref<10000x128xf32, #tpu.memory_space<hbm>> -> memref<10000x128xf32, #tpu.memory_space<hbm>>
      tpu.wait_indirect_dma semaphore(%arg12 : memref<!tpu.dma_semaphore, #tpu.memory_space<semaphore_mem>>) src(%dma_wait3A_196 : memref<10000x128xf32, #tpu.memory_space<hbm>>) dst(%dma_wait3A_190 : memref<61x128xf32, #tpu.memory_space<vmem>>)
      %run_scoped3A = arith.constant 0 : i32
      %run_scoped3A_197 = arith.constant 0 : i32
      %run_scoped3A_198 = arith.constant 1 : i32
      "tpu.region"() ({
        %run_scoped3A_522 = tpu.sem_alloc : memref<!tpu.dma_semaphore, #tpu.memory_space<semaphore_mem>>
        %dma_start3A_523 = arith.constant 0 : i32
        %dma_start3A_524 = tpu.memref_slice %arg8[%run_scoped3A, %run_scoped3A_197, %run_scoped3A_198, %dma_start3A_523] : memref<4x2x2x125xi32, #tpu.memory_space<vmem>> -> memref<1x1x1x125xi32, #tpu.memory_space<vmem>>
        %dma_start3A_525 = tpu.memref_squeeze %dma_start3A_524 : memref<1x1x1x125xi32, #tpu.memory_space<vmem>> -> memref<125xi32, #tpu.memory_space<vmem>>
        %dma_start3A_526 = arith.constant 0 : i32
        %dma_start3A_527 = arith.constant 0 : i32
        %dma_start3A_528 = tpu.memref_slice %arg18[%dma_start3A_526, %dma_start3A_527] : memref<10000x128xf32, #tpu.memory_space<vmem_shared>> -> memref<10000x128xf32, #tpu.memory_space<vmem_shared>>
        tpu.enqueue_indirect_dma source(%arg9 : memref<125x128xf32, #tpu.memory_space<vmem>>) target(%dma_start3A_528 : memref<10000x128xf32, #tpu.memory_space<vmem_shared>>) offsets(%dma_start3A_525 : memref<125xi32, #tpu.memory_space<vmem>>) semaphore(%run_scoped3A_522 : memref<!tpu.dma_semaphore, #tpu.memory_space<semaphore_mem>>) {add = true}
        %dma_wait3A_529 = arith.constant 0 : i32
        %dma_wait3A_530 = tpu.memref_slice %arg8[%run_scoped3A, %run_scoped3A_197, %run_scoped3A_198, %dma_wait3A_529] : memref<4x2x2x125xi32, #tpu.memory_space<vmem>> -> memref<1x1x1x125xi32, #tpu.memory_space<vmem>>
        %dma_wait3A_531 = tpu.memref_squeeze %dma_wait3A_530 : memref<1x1x1x125xi32, #tpu.memory_space<vmem>> -> memref<125xi32, #tpu.memory_space<vmem>>
        %dma_wait3A_532 = arith.constant 0 : i32
        %dma_wait3A_533 = arith.constant 0 : i32
        %dma_wait3A_534 = tpu.memref_slice %arg18[%dma_wait3A_532, %dma_wait3A_533] : memref<10000x128xf32, #tpu.memory_space<vmem_shared>> -> memref<10000x128xf32, #tpu.memory_space<vmem_shared>>
        tpu.wait_indirect_dma semaphore(%run_scoped3A_522 : memref<!tpu.dma_semaphore, #tpu.memory_space<semaphore_mem>>) src(%arg9 : memref<125x128xf32, #tpu.memory_space<vmem>>) dst(%dma_wait3A_534 : memref<10000x128xf32, #tpu.memory_space<vmem_shared>>)
        tpu.yield
      }) : () -> ()
      %run_scoped3A_199 = arith.constant 0 : i32
      %run_scoped3A_200 = arith.constant 0 : i32
      %run_scoped3A_201 = arith.constant 1 : i32
      "tpu.region"() ({
        %run_scoped3A_522 = tpu.sem_alloc : memref<!tpu.dma_semaphore, #tpu.memory_space<semaphore_mem>>
        %dma_start3A_523 = arith.constant 0 : i32
        %dma_start3A_524 = tpu.memref_slice %arg8[%run_scoped3A_199, %run_scoped3A_200, %run_scoped3A_201, %dma_start3A_523] : memref<4x2x2x125xi32, #tpu.memory_space<vmem>> -> memref<1x1x1x125xi32, #tpu.memory_space<vmem>>
        %dma_start3A_525 = tpu.memref_squeeze %dma_start3A_524 : memref<1x1x1x125xi32, #tpu.memory_space<vmem>> -> memref<125xi32, #tpu.memory_space<vmem>>
        %dma_start3A_526 = arith.constant 0 : i32
        %dma_start3A_527 = arith.constant 0 : i32
        %dma_start3A_528 = tpu.memref_slice %arg19[%dma_start3A_526, %dma_start3A_527] : memref<10000x16xf32, #tpu.memory_space<vmem_shared>> -> memref<10000x16xf32, #tpu.memory_space<vmem_shared>>
        tpu.enqueue_indirect_dma source(%arg11 : memref<125x16xf32, #tpu.memory_space<vmem>>) target(%dma_start3A_528 : memref<10000x16xf32, #tpu.memory_space<vmem_shared>>) offsets(%dma_start3A_525 : memref<125xi32, #tpu.memory_space<vmem>>) semaphore(%run_scoped3A_522 : memref<!tpu.dma_semaphore, #tpu.memory_space<semaphore_mem>>) {add = true}
        %dma_wait3A_529 = arith.constant 0 : i32
        %dma_wait3A_530 = tpu.memref_slice %arg8[%run_scoped3A_199, %run_scoped3A_200, %run_scoped3A_201, %dma_wait3A_529] : memref<4x2x2x125xi32, #tpu.memory_space<vmem>> -> memref<1x1x1x125xi32, #tpu.memory_space<vmem>>
        %dma_wait3A_531 = tpu.memref_squeeze %dma_wait3A_530 : memref<1x1x1x125xi32, #tpu.memory_space<vmem>> -> memref<125xi32, #tpu.memory_space<vmem>>
        %dma_wait3A_532 = arith.constant 0 : i32
        %dma_wait3A_533 = arith.constant 0 : i32
        %dma_wait3A_534 = tpu.memref_slice %arg19[%dma_wait3A_532, %dma_wait3A_533] : memref<10000x16xf32, #tpu.memory_space<vmem_shared>> -> memref<10000x16xf32, #tpu.memory_space<vmem_shared>>
        tpu.wait_indirect_dma semaphore(%run_scoped3A_522 : memref<!tpu.dma_semaphore, #tpu.memory_space<semaphore_mem>>) src(%arg11 : memref<125x16xf32, #tpu.memory_space<vmem>>) dst(%dma_wait3A_534 : memref<10000x16xf32, #tpu.memory_space<vmem_shared>>)
        tpu.yield
      }) : () -> ()
      %add3A_202 = arith.constant 1 : i32
      %add3A_203 = arith.addi %add3A_159, %add3A_202 : i32
      %lt3A_204 = arith.constant 40 : i32
      %lt3A_205 = arith.cmpi slt, %add3A_203, %lt3A_204 : i32
      %convert_element_type3A_206 = arith.extui %lt3A_205 : i1 to i32
      %cond3A_207 = arith.constant 0 : i32
      %cond3A_208 = arith.cmpi ne, %convert_element_type3A_206, %cond3A_207 : i32
      scf.if %cond3A_208 {
        %dma_start3A_522 = arith.constant 1 : i32
        %dma_start3A_523 = arith.constant 0 : i32
        %dma_start3A_524 = arith.constant 0 : i32
        %dma_start3A_525 = arith.constant 0 : i32
        %dma_start3A_526 = arith.constant 0 : i32
        %dma_start3A_527 = tpu.memref_slice %arg9[%dma_start3A_525, %dma_start3A_526] : memref<125x128xf32, #tpu.memory_space<vmem>> -> memref<64x128xf32, #tpu.memory_space<vmem>>
        %dma_start3A_528 = arith.constant 0 : i32
        %dma_start3A_529 = tpu.memref_slice %arg8[%dma_start3A_522, %dma_start3A_523, %dma_start3A_524, %dma_start3A_528] : memref<4x2x2x125xi32, #tpu.memory_space<vmem>> -> memref<1x1x1x64xi32, #tpu.memory_space<vmem>>
        %dma_start3A_530 = tpu.memref_squeeze %dma_start3A_529 : memref<1x1x1x64xi32, #tpu.memory_space<vmem>> -> memref<64xi32, #tpu.memory_space<vmem>>
        %dma_start3A_531 = arith.constant 0 : i32
        %dma_start3A_532 = arith.constant 0 : i32
        %dma_start3A_533 = tpu.memref_slice %arg2[%dma_start3A_531, %dma_start3A_532] : memref<10000x128xf32, #tpu.memory_space<hbm>> -> memref<10000x128xf32, #tpu.memory_space<hbm>>
        tpu.enqueue_indirect_dma source(%dma_start3A_533 : memref<10000x128xf32, #tpu.memory_space<hbm>>) target(%dma_start3A_527 : memref<64x128xf32, #tpu.memory_space<vmem>>) offsets(%dma_start3A_530 : memref<64xi32, #tpu.memory_space<vmem>>) semaphore(%arg12 : memref<!tpu.dma_semaphore, #tpu.memory_space<semaphore_mem>>)
        %dma_start3A_534 = arith.constant 1 : i32
        %dma_start3A_535 = arith.constant 0 : i32
        %dma_start3A_536 = arith.constant 0 : i32
        %dma_start3A_537 = arith.constant 64 : i32
        %dma_start3A_538 = arith.constant 0 : i32
        %dma_start3A_539 = tpu.memref_slice %arg9[%dma_start3A_537, %dma_start3A_538] : memref<125x128xf32, #tpu.memory_space<vmem>> -> memref<61x128xf32, #tpu.memory_space<vmem>>
        %dma_start3A_540 = arith.constant 64 : i32
        %dma_start3A_541 = tpu.memref_slice %arg8[%dma_start3A_534, %dma_start3A_535, %dma_start3A_536, %dma_start3A_540] : memref<4x2x2x125xi32, #tpu.memory_space<vmem>> -> memref<1x1x1x61xi32, #tpu.memory_space<vmem>>
        %dma_start3A_542 = tpu.memref_squeeze %dma_start3A_541 : memref<1x1x1x61xi32, #tpu.memory_space<vmem>> -> memref<61xi32, #tpu.memory_space<vmem>>
        %dma_start3A_543 = arith.constant 0 : i32
        %dma_start3A_544 = arith.constant 0 : i32
        %dma_start3A_545 = tpu.memref_slice %arg2[%dma_start3A_543, %dma_start3A_544] : memref<10000x128xf32, #tpu.memory_space<hbm>> -> memref<10000x128xf32, #tpu.memory_space<hbm>>
        tpu.enqueue_indirect_dma source(%dma_start3A_545 : memref<10000x128xf32, #tpu.memory_space<hbm>>) target(%dma_start3A_539 : memref<61x128xf32, #tpu.memory_space<vmem>>) offsets(%dma_start3A_542 : memref<61xi32, #tpu.memory_space<vmem>>) semaphore(%arg12 : memref<!tpu.dma_semaphore, #tpu.memory_space<semaphore_mem>>)
      } else {
      }
      %dma_wait3A_209 = arith.constant 0 : i32
      %dma_wait3A_210 = arith.constant 0 : i32
      %dma_wait3A_211 = arith.constant 0 : i32
      %dma_wait3A_212 = arith.constant 0 : i32
      %dma_wait3A_213 = arith.constant 0 : i32
      %dma_wait3A_214 = tpu.memref_slice %arg10[%dma_wait3A_212, %dma_wait3A_213] : memref<125x128xf32, #tpu.memory_space<vmem>> -> memref<64x128xf32, #tpu.memory_space<vmem>>
      %dma_wait3A_215 = arith.constant 0 : i32
      %dma_wait3A_216 = tpu.memref_slice %arg8[%dma_wait3A_209, %dma_wait3A_210, %dma_wait3A_211, %dma_wait3A_215] : memref<4x2x2x125xi32, #tpu.memory_space<vmem>> -> memref<1x1x1x64xi32, #tpu.memory_space<vmem>>
      %dma_wait3A_217 = tpu.memref_squeeze %dma_wait3A_216 : memref<1x1x1x64xi32, #tpu.memory_space<vmem>> -> memref<64xi32, #tpu.memory_space<vmem>>
      %dma_wait3A_218 = arith.constant 0 : i32
      %dma_wait3A_219 = arith.constant 0 : i32
      %dma_wait3A_220 = tpu.memref_slice %arg2[%dma_wait3A_218, %dma_wait3A_219] : memref<10000x128xf32, #tpu.memory_space<hbm>> -> memref<10000x128xf32, #tpu.memory_space<hbm>>
      tpu.wait_indirect_dma semaphore(%arg13 : memref<!tpu.dma_semaphore, #tpu.memory_space<semaphore_mem>>) src(%dma_wait3A_220 : memref<10000x128xf32, #tpu.memory_space<hbm>>) dst(%dma_wait3A_214 : memref<64x128xf32, #tpu.memory_space<vmem>>)
      %dma_wait3A_221 = arith.constant 0 : i32
      %dma_wait3A_222 = arith.constant 0 : i32
      %dma_wait3A_223 = arith.constant 0 : i32
      %dma_wait3A_224 = arith.constant 64 : i32
      %dma_wait3A_225 = arith.constant 0 : i32
      %dma_wait3A_226 = tpu.memref_slice %arg10[%dma_wait3A_224, %dma_wait3A_225] : memref<125x128xf32, #tpu.memory_space<vmem>> -> memref<61x128xf32, #tpu.memory_space<vmem>>
      %dma_wait3A_227 = arith.constant 64 : i32
      %dma_wait3A_228 = tpu.memref_slice %arg8[%dma_wait3A_221, %dma_wait3A_222, %dma_wait3A_223, %dma_wait3A_227] : memref<4x2x2x125xi32, #tpu.memory_space<vmem>> -> memref<1x1x1x61xi32, #tpu.memory_space<vmem>>
      %dma_wait3A_229 = tpu.memref_squeeze %dma_wait3A_228 : memref<1x1x1x61xi32, #tpu.memory_space<vmem>> -> memref<61xi32, #tpu.memory_space<vmem>>
      %dma_wait3A_230 = arith.constant 0 : i32
      %dma_wait3A_231 = arith.constant 0 : i32
      %dma_wait3A_232 = tpu.memref_slice %arg2[%dma_wait3A_230, %dma_wait3A_231] : memref<10000x128xf32, #tpu.memory_space<hbm>> -> memref<10000x128xf32, #tpu.memory_space<hbm>>
      tpu.wait_indirect_dma semaphore(%arg13 : memref<!tpu.dma_semaphore, #tpu.memory_space<semaphore_mem>>) src(%dma_wait3A_232 : memref<10000x128xf32, #tpu.memory_space<hbm>>) dst(%dma_wait3A_226 : memref<61x128xf32, #tpu.memory_space<vmem>>)
      %run_scoped3A_233 = arith.constant 0 : i32
      %run_scoped3A_234 = arith.constant 1 : i32
      %run_scoped3A_235 = arith.constant 1 : i32
      "tpu.region"() ({
        %run_scoped3A_522 = tpu.sem_alloc : memref<!tpu.dma_semaphore, #tpu.memory_space<semaphore_mem>>
        %dma_start3A_523 = arith.constant 0 : i32
        %dma_start3A_524 = tpu.memref_slice %arg8[%run_scoped3A_233, %run_scoped3A_234, %run_scoped3A_235, %dma_start3A_523] : memref<4x2x2x125xi32, #tpu.memory_space<vmem>> -> memref<1x1x1x125xi32, #tpu.memory_space<vmem>>
        %dma_start3A_525 = tpu.memref_squeeze %dma_start3A_524 : memref<1x1x1x125xi32, #tpu.memory_space<vmem>> -> memref<125xi32, #tpu.memory_space<vmem>>
        %dma_start3A_526 = arith.constant 0 : i32
        %dma_start3A_527 = arith.constant 0 : i32
        %dma_start3A_528 = tpu.memref_slice %arg18[%dma_start3A_526, %dma_start3A_527] : memref<10000x128xf32, #tpu.memory_space<vmem_shared>> -> memref<10000x128xf32, #tpu.memory_space<vmem_shared>>
        tpu.enqueue_indirect_dma source(%arg10 : memref<125x128xf32, #tpu.memory_space<vmem>>) target(%dma_start3A_528 : memref<10000x128xf32, #tpu.memory_space<vmem_shared>>) offsets(%dma_start3A_525 : memref<125xi32, #tpu.memory_space<vmem>>) semaphore(%run_scoped3A_522 : memref<!tpu.dma_semaphore, #tpu.memory_space<semaphore_mem>>) {add = true}
        %dma_wait3A_529 = arith.constant 0 : i32
        %dma_wait3A_530 = tpu.memref_slice %arg8[%run_scoped3A_233, %run_scoped3A_234, %run_scoped3A_235, %dma_wait3A_529] : memref<4x2x2x125xi32, #tpu.memory_space<vmem>> -> memref<1x1x1x125xi32, #tpu.memory_space<vmem>>
        %dma_wait3A_531 = tpu.memref_squeeze %dma_wait3A_530 : memref<1x1x1x125xi32, #tpu.memory_space<vmem>> -> memref<125xi32, #tpu.memory_space<vmem>>
        %dma_wait3A_532 = arith.constant 0 : i32
        %dma_wait3A_533 = arith.constant 0 : i32
        %dma_wait3A_534 = tpu.memref_slice %arg18[%dma_wait3A_532, %dma_wait3A_533] : memref<10000x128xf32, #tpu.memory_space<vmem_shared>> -> memref<10000x128xf32, #tpu.memory_space<vmem_shared>>
        tpu.wait_indirect_dma semaphore(%run_scoped3A_522 : memref<!tpu.dma_semaphore, #tpu.memory_space<semaphore_mem>>) src(%arg10 : memref<125x128xf32, #tpu.memory_space<vmem>>) dst(%dma_wait3A_534 : memref<10000x128xf32, #tpu.memory_space<vmem_shared>>)
        tpu.yield
      }) : () -> ()
      %run_scoped3A_236 = arith.constant 0 : i32
      %run_scoped3A_237 = arith.constant 1 : i32
      %run_scoped3A_238 = arith.constant 1 : i32
      "tpu.region"() ({
        %run_scoped3A_522 = tpu.sem_alloc : memref<!tpu.dma_semaphore, #tpu.memory_space<semaphore_mem>>
        %dma_start3A_523 = arith.constant 0 : i32
        %dma_start3A_524 = tpu.memref_slice %arg8[%run_scoped3A_236, %run_scoped3A_237, %run_scoped3A_238, %dma_start3A_523] : memref<4x2x2x125xi32, #tpu.memory_space<vmem>> -> memref<1x1x1x125xi32, #tpu.memory_space<vmem>>
        %dma_start3A_525 = tpu.memref_squeeze %dma_start3A_524 : memref<1x1x1x125xi32, #tpu.memory_space<vmem>> -> memref<125xi32, #tpu.memory_space<vmem>>
        %dma_start3A_526 = arith.constant 0 : i32
        %dma_start3A_527 = arith.constant 0 : i32
        %dma_start3A_528 = tpu.memref_slice %arg19[%dma_start3A_526, %dma_start3A_527] : memref<10000x16xf32, #tpu.memory_space<vmem_shared>> -> memref<10000x16xf32, #tpu.memory_space<vmem_shared>>
        tpu.enqueue_indirect_dma source(%arg11 : memref<125x16xf32, #tpu.memory_space<vmem>>) target(%dma_start3A_528 : memref<10000x16xf32, #tpu.memory_space<vmem_shared>>) offsets(%dma_start3A_525 : memref<125xi32, #tpu.memory_space<vmem>>) semaphore(%run_scoped3A_522 : memref<!tpu.dma_semaphore, #tpu.memory_space<semaphore_mem>>) {add = true}
        %dma_wait3A_529 = arith.constant 0 : i32
        %dma_wait3A_530 = tpu.memref_slice %arg8[%run_scoped3A_236, %run_scoped3A_237, %run_scoped3A_238, %dma_wait3A_529] : memref<4x2x2x125xi32, #tpu.memory_space<vmem>> -> memref<1x1x1x125xi32, #tpu.memory_space<vmem>>
        %dma_wait3A_531 = tpu.memref_squeeze %dma_wait3A_530 : memref<1x1x1x125xi32, #tpu.memory_space<vmem>> -> memref<125xi32, #tpu.memory_space<vmem>>
        %dma_wait3A_532 = arith.constant 0 : i32
        %dma_wait3A_533 = arith.constant 0 : i32
        %dma_wait3A_534 = tpu.memref_slice %arg19[%dma_wait3A_532, %dma_wait3A_533] : memref<10000x16xf32, #tpu.memory_space<vmem_shared>> -> memref<10000x16xf32, #tpu.memory_space<vmem_shared>>
        tpu.wait_indirect_dma semaphore(%run_scoped3A_522 : memref<!tpu.dma_semaphore, #tpu.memory_space<semaphore_mem>>) src(%arg11 : memref<125x16xf32, #tpu.memory_space<vmem>>) dst(%dma_wait3A_534 : memref<10000x16xf32, #tpu.memory_space<vmem_shared>>)
        tpu.yield
      }) : () -> ()
      %add3A_239 = arith.constant 1 : i32
      %add3A_240 = arith.addi %add3A_159, %add3A_239 : i32
      %lt3A_241 = arith.constant 40 : i32
      %lt3A_242 = arith.cmpi slt, %add3A_240, %lt3A_241 : i32
      %convert_element_type3A_243 = arith.extui %lt3A_242 : i1 to i32
      %cond3A_244 = arith.constant 0 : i32
      %cond3A_245 = arith.cmpi ne, %convert_element_type3A_243, %cond3A_244 : i32
      scf.if %cond3A_245 {
        %dma_start3A_522 = arith.constant 1 : i32
        %dma_start3A_523 = arith.constant 1 : i32
        %dma_start3A_524 = arith.constant 0 : i32
        %dma_start3A_525 = arith.constant 0 : i32
        %dma_start3A_526 = arith.constant 0 : i32
        %dma_start3A_527 = tpu.memref_slice %arg10[%dma_start3A_525, %dma_start3A_526] : memref<125x128xf32, #tpu.memory_space<vmem>> -> memref<64x128xf32, #tpu.memory_space<vmem>>
        %dma_start3A_528 = arith.constant 0 : i32
        %dma_start3A_529 = tpu.memref_slice %arg8[%dma_start3A_522, %dma_start3A_523, %dma_start3A_524, %dma_start3A_528] : memref<4x2x2x125xi32, #tpu.memory_space<vmem>> -> memref<1x1x1x64xi32, #tpu.memory_space<vmem>>
        %dma_start3A_530 = tpu.memref_squeeze %dma_start3A_529 : memref<1x1x1x64xi32, #tpu.memory_space<vmem>> -> memref<64xi32, #tpu.memory_space<vmem>>
        %dma_start3A_531 = arith.constant 0 : i32
        %dma_start3A_532 = arith.constant 0 : i32
        %dma_start3A_533 = tpu.memref_slice %arg2[%dma_start3A_531, %dma_start3A_532] : memref<10000x128xf32, #tpu.memory_space<hbm>> -> memref<10000x128xf32, #tpu.memory_space<hbm>>
        tpu.enqueue_indirect_dma source(%dma_start3A_533 : memref<10000x128xf32, #tpu.memory_space<hbm>>) target(%dma_start3A_527 : memref<64x128xf32, #tpu.memory_space<vmem>>) offsets(%dma_start3A_530 : memref<64xi32, #tpu.memory_space<vmem>>) semaphore(%arg13 : memref<!tpu.dma_semaphore, #tpu.memory_space<semaphore_mem>>)
        %dma_start3A_534 = arith.constant 1 : i32
        %dma_start3A_535 = arith.constant 1 : i32
        %dma_start3A_536 = arith.constant 0 : i32
        %dma_start3A_537 = arith.constant 64 : i32
        %dma_start3A_538 = arith.constant 0 : i32
        %dma_start3A_539 = tpu.memref_slice %arg10[%dma_start3A_537, %dma_start3A_538] : memref<125x128xf32, #tpu.memory_space<vmem>> -> memref<61x128xf32, #tpu.memory_space<vmem>>
        %dma_start3A_540 = arith.constant 64 : i32
        %dma_start3A_541 = tpu.memref_slice %arg8[%dma_start3A_534, %dma_start3A_535, %dma_start3A_536, %dma_start3A_540] : memref<4x2x2x125xi32, #tpu.memory_space<vmem>> -> memref<1x1x1x61xi32, #tpu.memory_space<vmem>>
        %dma_start3A_542 = tpu.memref_squeeze %dma_start3A_541 : memref<1x1x1x61xi32, #tpu.memory_space<vmem>> -> memref<61xi32, #tpu.memory_space<vmem>>
        %dma_start3A_543 = arith.constant 0 : i32
        %dma_start3A_544 = arith.constant 0 : i32
        %dma_start3A_545 = tpu.memref_slice %arg2[%dma_start3A_543, %dma_start3A_544] : memref<10000x128xf32, #tpu.memory_space<hbm>> -> memref<10000x128xf32, #tpu.memory_space<hbm>>
        tpu.enqueue_indirect_dma source(%dma_start3A_545 : memref<10000x128xf32, #tpu.memory_space<hbm>>) target(%dma_start3A_539 : memref<61x128xf32, #tpu.memory_space<vmem>>) offsets(%dma_start3A_542 : memref<61xi32, #tpu.memory_space<vmem>>) semaphore(%arg13 : memref<!tpu.dma_semaphore, #tpu.memory_space<semaphore_mem>>)
      } else {
      }
      %mul3A_246 = arith.constant 4 : i32
      %mul3A_247 = arith.muli %scan3A_155, %mul3A_246 : i32
      %add3A_248 = arith.constant 1 : i32
      %add3A_249 = arith.addi %mul3A_247, %add3A_248 : i32
      %add3A_250 = arith.constant 1 : i32
      %add3A_251 = arith.addi %add3A_249, %add3A_250 : i32
      %lt3A_252 = arith.constant 40 : i32
      %lt3A_253 = arith.cmpi slt, %add3A_251, %lt3A_252 : i32
      %convert_element_type3A_254 = arith.extui %lt3A_253 : i1 to i32
      %cond3A_255 = arith.constant 0 : i32
      %cond3A_256 = arith.cmpi ne, %convert_element_type3A_254, %cond3A_255 : i32
      scf.if %cond3A_256 {
        %dma_wait3A_522 = arith.constant 2 : i32
        %dma_wait3A_523 = arith.constant 0 : i32
        %dma_wait3A_524 = arith.constant 0 : i32
        %dma_wait3A_525 = arith.constant 0 : i32
        %dma_wait3A_526 = tpu.memref_slice %arg8[%dma_wait3A_522, %dma_wait3A_523, %dma_wait3A_524, %dma_wait3A_525] : memref<4x2x2x125xi32, #tpu.memory_space<vmem>> -> memref<1x2x2x125xi32, #tpu.memory_space<vmem>>
        %dma_wait3A_527 = tpu.memref_squeeze %dma_wait3A_526 : memref<1x2x2x125xi32, #tpu.memory_space<vmem>> -> memref<2x2x125xi32, #tpu.memory_space<vmem>>
        %dma_wait3A_528 = arith.constant 0 : i32
        %dma_wait3A_529 = arith.constant 0 : i32
        %dma_wait3A_530 = arith.constant 0 : i32
        %dma_wait3A_531 = tpu.memref_slice %arg3[%add3A, %dma_wait3A_528, %dma_wait3A_529, %dma_wait3A_530] : memref<32x80x2x125xi32, #tpu.memory_space<hbm>> -> memref<1x2x2x125xi32, #tpu.memory_space<hbm>>
        %dma_wait3A_532 = tpu.memref_squeeze %dma_wait3A_531 : memref<1x2x2x125xi32, #tpu.memory_space<hbm>> -> memref<2x2x125xi32, #tpu.memory_space<hbm>>
        %dma_wait3A_533 = arith.constant 0 : i32
        %dma_wait3A_534 = arith.constant 0 : i32
        %dma_wait3A_535 = arith.constant 0 : i32
        %dma_wait3A_536 = tpu.memref_slice %arg8[%dma_wait3A_522, %dma_wait3A_533, %dma_wait3A_534, %dma_wait3A_535] : memref<4x2x2x125xi32, #tpu.memory_space<vmem>> -> memref<1x2x2x125xi32, #tpu.memory_space<vmem>>
        %dma_wait3A_537 = tpu.memref_squeeze %dma_wait3A_536 : memref<1x2x2x125xi32, #tpu.memory_space<vmem>> -> memref<2x2x125xi32, #tpu.memory_space<vmem>>
        %dma_wait3A_538 = arith.constant 0 : i32
        %dma_wait3A_539 = arith.constant 0 : i32
        %dma_wait3A_540 = arith.constant 0 : i32
        %dma_wait3A_541 = tpu.memref_slice %arg3[%add3A, %dma_wait3A_538, %dma_wait3A_539, %dma_wait3A_540] : memref<32x80x2x125xi32, #tpu.memory_space<hbm>> -> memref<1x2x2x125xi32, #tpu.memory_space<hbm>>
        %dma_wait3A_542 = tpu.memref_squeeze %dma_wait3A_541 : memref<1x2x2x125xi32, #tpu.memory_space<hbm>> -> memref<2x2x125xi32, #tpu.memory_space<hbm>>
        tpu.wait_dma2 semaphore(%arg16 : memref<!tpu.dma_semaphore, #tpu.memory_space<semaphore_mem>>) src(%dma_wait3A_542 : memref<2x2x125xi32, #tpu.memory_space<hbm>>) dst(%dma_wait3A_537 : memref<2x2x125xi32, #tpu.memory_space<vmem>>)
      } else {
      }
      %add3A_257 = arith.constant 3 : i32
      %add3A_258 = arith.addi %add3A_249, %add3A_257 : i32
      %lt3A_259 = arith.constant 40 : i32
      %lt3A_260 = arith.cmpi slt, %add3A_258, %lt3A_259 : i32
      %convert_element_type3A_261 = arith.extui %lt3A_260 : i1 to i32
      %cond3A_262 = arith.constant 0 : i32
      %cond3A_263 = arith.cmpi ne, %convert_element_type3A_261, %cond3A_262 : i32
      scf.if %cond3A_263 {
        %add3A_522 = arith.constant 3 : i32
        %add3A_523 = arith.addi %add3A_249, %add3A_522 : i32
        %mul3A_524 = arith.constant 2 : i32
        %mul3A_525 = arith.muli %add3A_523, %mul3A_524 : i32
        %dma_start3A_526 = arith.constant 0 : i32
        %dma_start3A_527 = arith.constant 0 : i32
        %dma_start3A_528 = arith.constant 0 : i32
        %dma_start3A_529 = arith.constant 0 : i32
        %dma_start3A_530 = tpu.memref_slice %arg8[%dma_start3A_526, %dma_start3A_527, %dma_start3A_528, %dma_start3A_529] : memref<4x2x2x125xi32, #tpu.memory_space<vmem>> -> memref<1x2x2x125xi32, #tpu.memory_space<vmem>>
        %dma_start3A_531 = tpu.memref_squeeze %dma_start3A_530 : memref<1x2x2x125xi32, #tpu.memory_space<vmem>> -> memref<2x2x125xi32, #tpu.memory_space<vmem>>
        %dma_start3A_532 = arith.constant 0 : i32
        %dma_start3A_533 = arith.constant 0 : i32
        %dma_start3A_534 = tpu.memref_slice %arg3[%add3A, %mul3A_525, %dma_start3A_532, %dma_start3A_533] : memref<32x80x2x125xi32, #tpu.memory_space<hbm>> -> memref<1x2x2x125xi32, #tpu.memory_space<hbm>>
        %dma_start3A_535 = tpu.memref_squeeze %dma_start3A_534 : memref<1x2x2x125xi32, #tpu.memory_space<hbm>> -> memref<2x2x125xi32, #tpu.memory_space<hbm>>
        %dma_start3A_536 = arith.constant 0 : i32
        %dma_start3A_537 = arith.constant 0 : i32
        %dma_start3A_538 = arith.constant 0 : i32
        %dma_start3A_539 = tpu.memref_slice %arg8[%dma_start3A_526, %dma_start3A_536, %dma_start3A_537, %dma_start3A_538] : memref<4x2x2x125xi32, #tpu.memory_space<vmem>> -> memref<1x2x2x125xi32, #tpu.memory_space<vmem>>
        %dma_start3A_540 = tpu.memref_squeeze %dma_start3A_539 : memref<1x2x2x125xi32, #tpu.memory_space<vmem>> -> memref<2x2x125xi32, #tpu.memory_space<vmem>>
        %dma_start3A_541 = arith.constant 0 : i32
        %dma_start3A_542 = arith.constant 0 : i32
        %dma_start3A_543 = tpu.memref_slice %arg3[%add3A, %mul3A_525, %dma_start3A_541, %dma_start3A_542] : memref<32x80x2x125xi32, #tpu.memory_space<hbm>> -> memref<1x2x2x125xi32, #tpu.memory_space<hbm>>
        %dma_start3A_544 = tpu.memref_squeeze %dma_start3A_543 : memref<1x2x2x125xi32, #tpu.memory_space<hbm>> -> memref<2x2x125xi32, #tpu.memory_space<hbm>>
        tpu.enqueue_dma source(%dma_start3A_544 : memref<2x2x125xi32, #tpu.memory_space<hbm>>) target(%dma_start3A_540 : memref<2x2x125xi32, #tpu.memory_space<vmem>>) target_semaphore(%arg14 : memref<!tpu.dma_semaphore, #tpu.memory_space<semaphore_mem>>)
      } else {
      }
      %dma_wait3A_264 = arith.constant 0 : i32
      %dma_wait3A_265 = arith.constant 0 : i32
      %dma_wait3A_266 = arith.constant 0 : i32
      %dma_wait3A_267 = arith.constant 0 : i32
      %dma_wait3A_268 = arith.constant 0 : i32
      %dma_wait3A_269 = tpu.memref_slice %arg9[%dma_wait3A_267, %dma_wait3A_268] : memref<125x128xf32, #tpu.memory_space<vmem>> -> memref<64x128xf32, #tpu.memory_space<vmem>>
      %dma_wait3A_270 = arith.constant 0 : i32
      %dma_wait3A_271 = tpu.memref_slice %arg8[%dma_wait3A_264, %dma_wait3A_265, %dma_wait3A_266, %dma_wait3A_270] : memref<4x2x2x125xi32, #tpu.memory_space<vmem>> -> memref<1x1x1x64xi32, #tpu.memory_space<vmem>>
      %dma_wait3A_272 = tpu.memref_squeeze %dma_wait3A_271 : memref<1x1x1x64xi32, #tpu.memory_space<vmem>> -> memref<64xi32, #tpu.memory_space<vmem>>
      %dma_wait3A_273 = arith.constant 0 : i32
      %dma_wait3A_274 = arith.constant 0 : i32
      %dma_wait3A_275 = tpu.memref_slice %arg2[%dma_wait3A_273, %dma_wait3A_274] : memref<10000x128xf32, #tpu.memory_space<hbm>> -> memref<10000x128xf32, #tpu.memory_space<hbm>>
      tpu.wait_indirect_dma semaphore(%arg12 : memref<!tpu.dma_semaphore, #tpu.memory_space<semaphore_mem>>) src(%dma_wait3A_275 : memref<10000x128xf32, #tpu.memory_space<hbm>>) dst(%dma_wait3A_269 : memref<64x128xf32, #tpu.memory_space<vmem>>)
      %dma_wait3A_276 = arith.constant 0 : i32
      %dma_wait3A_277 = arith.constant 0 : i32
      %dma_wait3A_278 = arith.constant 0 : i32
      %dma_wait3A_279 = arith.constant 64 : i32
      %dma_wait3A_280 = arith.constant 0 : i32
      %dma_wait3A_281 = tpu.memref_slice %arg9[%dma_wait3A_279, %dma_wait3A_280] : memref<125x128xf32, #tpu.memory_space<vmem>> -> memref<61x128xf32, #tpu.memory_space<vmem>>
      %dma_wait3A_282 = arith.constant 64 : i32
      %dma_wait3A_283 = tpu.memref_slice %arg8[%dma_wait3A_276, %dma_wait3A_277, %dma_wait3A_278, %dma_wait3A_282] : memref<4x2x2x125xi32, #tpu.memory_space<vmem>> -> memref<1x1x1x61xi32, #tpu.memory_space<vmem>>
      %dma_wait3A_284 = tpu.memref_squeeze %dma_wait3A_283 : memref<1x1x1x61xi32, #tpu.memory_space<vmem>> -> memref<61xi32, #tpu.memory_space<vmem>>
      %dma_wait3A_285 = arith.constant 0 : i32
      %dma_wait3A_286 = arith.constant 0 : i32
      %dma_wait3A_287 = tpu.memref_slice %arg2[%dma_wait3A_285, %dma_wait3A_286] : memref<10000x128xf32, #tpu.memory_space<hbm>> -> memref<10000x128xf32, #tpu.memory_space<hbm>>
      tpu.wait_indirect_dma semaphore(%arg12 : memref<!tpu.dma_semaphore, #tpu.memory_space<semaphore_mem>>) src(%dma_wait3A_287 : memref<10000x128xf32, #tpu.memory_space<hbm>>) dst(%dma_wait3A_281 : memref<61x128xf32, #tpu.memory_space<vmem>>)
      %run_scoped3A_288 = arith.constant 1 : i32
      %run_scoped3A_289 = arith.constant 0 : i32
      %run_scoped3A_290 = arith.constant 1 : i32
      "tpu.region"() ({
        %run_scoped3A_522 = tpu.sem_alloc : memref<!tpu.dma_semaphore, #tpu.memory_space<semaphore_mem>>
        %dma_start3A_523 = arith.constant 0 : i32
        %dma_start3A_524 = tpu.memref_slice %arg8[%run_scoped3A_288, %run_scoped3A_289, %run_scoped3A_290, %dma_start3A_523] : memref<4x2x2x125xi32, #tpu.memory_space<vmem>> -> memref<1x1x1x125xi32, #tpu.memory_space<vmem>>
        %dma_start3A_525 = tpu.memref_squeeze %dma_start3A_524 : memref<1x1x1x125xi32, #tpu.memory_space<vmem>> -> memref<125xi32, #tpu.memory_space<vmem>>
        %dma_start3A_526 = arith.constant 0 : i32
        %dma_start3A_527 = arith.constant 0 : i32
        %dma_start3A_528 = tpu.memref_slice %arg18[%dma_start3A_526, %dma_start3A_527] : memref<10000x128xf32, #tpu.memory_space<vmem_shared>> -> memref<10000x128xf32, #tpu.memory_space<vmem_shared>>
        tpu.enqueue_indirect_dma source(%arg9 : memref<125x128xf32, #tpu.memory_space<vmem>>) target(%dma_start3A_528 : memref<10000x128xf32, #tpu.memory_space<vmem_shared>>) offsets(%dma_start3A_525 : memref<125xi32, #tpu.memory_space<vmem>>) semaphore(%run_scoped3A_522 : memref<!tpu.dma_semaphore, #tpu.memory_space<semaphore_mem>>) {add = true}
        %dma_wait3A_529 = arith.constant 0 : i32
        %dma_wait3A_530 = tpu.memref_slice %arg8[%run_scoped3A_288, %run_scoped3A_289, %run_scoped3A_290, %dma_wait3A_529] : memref<4x2x2x125xi32, #tpu.memory_space<vmem>> -> memref<1x1x1x125xi32, #tpu.memory_space<vmem>>
        %dma_wait3A_531 = tpu.memref_squeeze %dma_wait3A_530 : memref<1x1x1x125xi32, #tpu.memory_space<vmem>> -> memref<125xi32, #tpu.memory_space<vmem>>
        %dma_wait3A_532 = arith.constant 0 : i32
        %dma_wait3A_533 = arith.constant 0 : i32
        %dma_wait3A_534 = tpu.memref_slice %arg18[%dma_wait3A_532, %dma_wait3A_533] : memref<10000x128xf32, #tpu.memory_space<vmem_shared>> -> memref<10000x128xf32, #tpu.memory_space<vmem_shared>>
        tpu.wait_indirect_dma semaphore(%run_scoped3A_522 : memref<!tpu.dma_semaphore, #tpu.memory_space<semaphore_mem>>) src(%arg9 : memref<125x128xf32, #tpu.memory_space<vmem>>) dst(%dma_wait3A_534 : memref<10000x128xf32, #tpu.memory_space<vmem_shared>>)
        tpu.yield
      }) : () -> ()
      %run_scoped3A_291 = arith.constant 1 : i32
      %run_scoped3A_292 = arith.constant 0 : i32
      %run_scoped3A_293 = arith.constant 1 : i32
      "tpu.region"() ({
        %run_scoped3A_522 = tpu.sem_alloc : memref<!tpu.dma_semaphore, #tpu.memory_space<semaphore_mem>>
        %dma_start3A_523 = arith.constant 0 : i32
        %dma_start3A_524 = tpu.memref_slice %arg8[%run_scoped3A_291, %run_scoped3A_292, %run_scoped3A_293, %dma_start3A_523] : memref<4x2x2x125xi32, #tpu.memory_space<vmem>> -> memref<1x1x1x125xi32, #tpu.memory_space<vmem>>
        %dma_start3A_525 = tpu.memref_squeeze %dma_start3A_524 : memref<1x1x1x125xi32, #tpu.memory_space<vmem>> -> memref<125xi32, #tpu.memory_space<vmem>>
        %dma_start3A_526 = arith.constant 0 : i32
        %dma_start3A_527 = arith.constant 0 : i32
        %dma_start3A_528 = tpu.memref_slice %arg19[%dma_start3A_526, %dma_start3A_527] : memref<10000x16xf32, #tpu.memory_space<vmem_shared>> -> memref<10000x16xf32, #tpu.memory_space<vmem_shared>>
        tpu.enqueue_indirect_dma source(%arg11 : memref<125x16xf32, #tpu.memory_space<vmem>>) target(%dma_start3A_528 : memref<10000x16xf32, #tpu.memory_space<vmem_shared>>) offsets(%dma_start3A_525 : memref<125xi32, #tpu.memory_space<vmem>>) semaphore(%run_scoped3A_522 : memref<!tpu.dma_semaphore, #tpu.memory_space<semaphore_mem>>) {add = true}
        %dma_wait3A_529 = arith.constant 0 : i32
        %dma_wait3A_530 = tpu.memref_slice %arg8[%run_scoped3A_291, %run_scoped3A_292, %run_scoped3A_293, %dma_wait3A_529] : memref<4x2x2x125xi32, #tpu.memory_space<vmem>> -> memref<1x1x1x125xi32, #tpu.memory_space<vmem>>
        %dma_wait3A_531 = tpu.memref_squeeze %dma_wait3A_530 : memref<1x1x1x125xi32, #tpu.memory_space<vmem>> -> memref<125xi32, #tpu.memory_space<vmem>>
        %dma_wait3A_532 = arith.constant 0 : i32
        %dma_wait3A_533 = arith.constant 0 : i32
        %dma_wait3A_534 = tpu.memref_slice %arg19[%dma_wait3A_532, %dma_wait3A_533] : memref<10000x16xf32, #tpu.memory_space<vmem_shared>> -> memref<10000x16xf32, #tpu.memory_space<vmem_shared>>
        tpu.wait_indirect_dma semaphore(%run_scoped3A_522 : memref<!tpu.dma_semaphore, #tpu.memory_space<semaphore_mem>>) src(%arg11 : memref<125x16xf32, #tpu.memory_space<vmem>>) dst(%dma_wait3A_534 : memref<10000x16xf32, #tpu.memory_space<vmem_shared>>)
        tpu.yield
      }) : () -> ()
      %add3A_294 = arith.constant 1 : i32
      %add3A_295 = arith.addi %add3A_249, %add3A_294 : i32
      %lt3A_296 = arith.constant 40 : i32
      %lt3A_297 = arith.cmpi slt, %add3A_295, %lt3A_296 : i32
      %convert_element_type3A_298 = arith.extui %lt3A_297 : i1 to i32
      %cond3A_299 = arith.constant 0 : i32
      %cond3A_300 = arith.cmpi ne, %convert_element_type3A_298, %cond3A_299 : i32
      scf.if %cond3A_300 {
        %dma_start3A_522 = arith.constant 2 : i32
        %dma_start3A_523 = arith.constant 0 : i32
        %dma_start3A_524 = arith.constant 0 : i32
        %dma_start3A_525 = arith.constant 0 : i32
        %dma_start3A_526 = arith.constant 0 : i32
        %dma_start3A_527 = tpu.memref_slice %arg9[%dma_start3A_525, %dma_start3A_526] : memref<125x128xf32, #tpu.memory_space<vmem>> -> memref<64x128xf32, #tpu.memory_space<vmem>>
        %dma_start3A_528 = arith.constant 0 : i32
        %dma_start3A_529 = tpu.memref_slice %arg8[%dma_start3A_522, %dma_start3A_523, %dma_start3A_524, %dma_start3A_528] : memref<4x2x2x125xi32, #tpu.memory_space<vmem>> -> memref<1x1x1x64xi32, #tpu.memory_space<vmem>>
        %dma_start3A_530 = tpu.memref_squeeze %dma_start3A_529 : memref<1x1x1x64xi32, #tpu.memory_space<vmem>> -> memref<64xi32, #tpu.memory_space<vmem>>
        %dma_start3A_531 = arith.constant 0 : i32
        %dma_start3A_532 = arith.constant 0 : i32
        %dma_start3A_533 = tpu.memref_slice %arg2[%dma_start3A_531, %dma_start3A_532] : memref<10000x128xf32, #tpu.memory_space<hbm>> -> memref<10000x128xf32, #tpu.memory_space<hbm>>
        tpu.enqueue_indirect_dma source(%dma_start3A_533 : memref<10000x128xf32, #tpu.memory_space<hbm>>) target(%dma_start3A_527 : memref<64x128xf32, #tpu.memory_space<vmem>>) offsets(%dma_start3A_530 : memref<64xi32, #tpu.memory_space<vmem>>) semaphore(%arg12 : memref<!tpu.dma_semaphore, #tpu.memory_space<semaphore_mem>>)
        %dma_start3A_534 = arith.constant 2 : i32
        %dma_start3A_535 = arith.constant 0 : i32
        %dma_start3A_536 = arith.constant 0 : i32
        %dma_start3A_537 = arith.constant 64 : i32
        %dma_start3A_538 = arith.constant 0 : i32
        %dma_start3A_539 = tpu.memref_slice %arg9[%dma_start3A_537, %dma_start3A_538] : memref<125x128xf32, #tpu.memory_space<vmem>> -> memref<61x128xf32, #tpu.memory_space<vmem>>
        %dma_start3A_540 = arith.constant 64 : i32
        %dma_start3A_541 = tpu.memref_slice %arg8[%dma_start3A_534, %dma_start3A_535, %dma_start3A_536, %dma_start3A_540] : memref<4x2x2x125xi32, #tpu.memory_space<vmem>> -> memref<1x1x1x61xi32, #tpu.memory_space<vmem>>
        %dma_start3A_542 = tpu.memref_squeeze %dma_start3A_541 : memref<1x1x1x61xi32, #tpu.memory_space<vmem>> -> memref<61xi32, #tpu.memory_space<vmem>>
        %dma_start3A_543 = arith.constant 0 : i32
        %dma_start3A_544 = arith.constant 0 : i32
        %dma_start3A_545 = tpu.memref_slice %arg2[%dma_start3A_543, %dma_start3A_544] : memref<10000x128xf32, #tpu.memory_space<hbm>> -> memref<10000x128xf32, #tpu.memory_space<hbm>>
        tpu.enqueue_indirect_dma source(%dma_start3A_545 : memref<10000x128xf32, #tpu.memory_space<hbm>>) target(%dma_start3A_539 : memref<61x128xf32, #tpu.memory_space<vmem>>) offsets(%dma_start3A_542 : memref<61xi32, #tpu.memory_space<vmem>>) semaphore(%arg12 : memref<!tpu.dma_semaphore, #tpu.memory_space<semaphore_mem>>)
      } else {
      }
      %dma_wait3A_301 = arith.constant 0 : i32
      %dma_wait3A_302 = arith.constant 0 : i32
      %dma_wait3A_303 = arith.constant 0 : i32
      %dma_wait3A_304 = arith.constant 0 : i32
      %dma_wait3A_305 = arith.constant 0 : i32
      %dma_wait3A_306 = tpu.memref_slice %arg10[%dma_wait3A_304, %dma_wait3A_305] : memref<125x128xf32, #tpu.memory_space<vmem>> -> memref<64x128xf32, #tpu.memory_space<vmem>>
      %dma_wait3A_307 = arith.constant 0 : i32
      %dma_wait3A_308 = tpu.memref_slice %arg8[%dma_wait3A_301, %dma_wait3A_302, %dma_wait3A_303, %dma_wait3A_307] : memref<4x2x2x125xi32, #tpu.memory_space<vmem>> -> memref<1x1x1x64xi32, #tpu.memory_space<vmem>>
      %dma_wait3A_309 = tpu.memref_squeeze %dma_wait3A_308 : memref<1x1x1x64xi32, #tpu.memory_space<vmem>> -> memref<64xi32, #tpu.memory_space<vmem>>
      %dma_wait3A_310 = arith.constant 0 : i32
      %dma_wait3A_311 = arith.constant 0 : i32
      %dma_wait3A_312 = tpu.memref_slice %arg2[%dma_wait3A_310, %dma_wait3A_311] : memref<10000x128xf32, #tpu.memory_space<hbm>> -> memref<10000x128xf32, #tpu.memory_space<hbm>>
      tpu.wait_indirect_dma semaphore(%arg13 : memref<!tpu.dma_semaphore, #tpu.memory_space<semaphore_mem>>) src(%dma_wait3A_312 : memref<10000x128xf32, #tpu.memory_space<hbm>>) dst(%dma_wait3A_306 : memref<64x128xf32, #tpu.memory_space<vmem>>)
      %dma_wait3A_313 = arith.constant 0 : i32
      %dma_wait3A_314 = arith.constant 0 : i32
      %dma_wait3A_315 = arith.constant 0 : i32
      %dma_wait3A_316 = arith.constant 64 : i32
      %dma_wait3A_317 = arith.constant 0 : i32
      %dma_wait3A_318 = tpu.memref_slice %arg10[%dma_wait3A_316, %dma_wait3A_317] : memref<125x128xf32, #tpu.memory_space<vmem>> -> memref<61x128xf32, #tpu.memory_space<vmem>>
      %dma_wait3A_319 = arith.constant 64 : i32
      %dma_wait3A_320 = tpu.memref_slice %arg8[%dma_wait3A_313, %dma_wait3A_314, %dma_wait3A_315, %dma_wait3A_319] : memref<4x2x2x125xi32, #tpu.memory_space<vmem>> -> memref<1x1x1x61xi32, #tpu.memory_space<vmem>>
      %dma_wait3A_321 = tpu.memref_squeeze %dma_wait3A_320 : memref<1x1x1x61xi32, #tpu.memory_space<vmem>> -> memref<61xi32, #tpu.memory_space<vmem>>
      %dma_wait3A_322 = arith.constant 0 : i32
      %dma_wait3A_323 = arith.constant 0 : i32
      %dma_wait3A_324 = tpu.memref_slice %arg2[%dma_wait3A_322, %dma_wait3A_323] : memref<10000x128xf32, #tpu.memory_space<hbm>> -> memref<10000x128xf32, #tpu.memory_space<hbm>>
      tpu.wait_indirect_dma semaphore(%arg13 : memref<!tpu.dma_semaphore, #tpu.memory_space<semaphore_mem>>) src(%dma_wait3A_324 : memref<10000x128xf32, #tpu.memory_space<hbm>>) dst(%dma_wait3A_318 : memref<61x128xf32, #tpu.memory_space<vmem>>)
      %run_scoped3A_325 = arith.constant 1 : i32
      %run_scoped3A_326 = arith.constant 1 : i32
      %run_scoped3A_327 = arith.constant 1 : i32
      "tpu.region"() ({
        %run_scoped3A_522 = tpu.sem_alloc : memref<!tpu.dma_semaphore, #tpu.memory_space<semaphore_mem>>
        %dma_start3A_523 = arith.constant 0 : i32
        %dma_start3A_524 = tpu.memref_slice %arg8[%run_scoped3A_325, %run_scoped3A_326, %run_scoped3A_327, %dma_start3A_523] : memref<4x2x2x125xi32, #tpu.memory_space<vmem>> -> memref<1x1x1x125xi32, #tpu.memory_space<vmem>>
        %dma_start3A_525 = tpu.memref_squeeze %dma_start3A_524 : memref<1x1x1x125xi32, #tpu.memory_space<vmem>> -> memref<125xi32, #tpu.memory_space<vmem>>
        %dma_start3A_526 = arith.constant 0 : i32
        %dma_start3A_527 = arith.constant 0 : i32
        %dma_start3A_528 = tpu.memref_slice %arg18[%dma_start3A_526, %dma_start3A_527] : memref<10000x128xf32, #tpu.memory_space<vmem_shared>> -> memref<10000x128xf32, #tpu.memory_space<vmem_shared>>
        tpu.enqueue_indirect_dma source(%arg10 : memref<125x128xf32, #tpu.memory_space<vmem>>) target(%dma_start3A_528 : memref<10000x128xf32, #tpu.memory_space<vmem_shared>>) offsets(%dma_start3A_525 : memref<125xi32, #tpu.memory_space<vmem>>) semaphore(%run_scoped3A_522 : memref<!tpu.dma_semaphore, #tpu.memory_space<semaphore_mem>>) {add = true}
        %dma_wait3A_529 = arith.constant 0 : i32
        %dma_wait3A_530 = tpu.memref_slice %arg8[%run_scoped3A_325, %run_scoped3A_326, %run_scoped3A_327, %dma_wait3A_529] : memref<4x2x2x125xi32, #tpu.memory_space<vmem>> -> memref<1x1x1x125xi32, #tpu.memory_space<vmem>>
        %dma_wait3A_531 = tpu.memref_squeeze %dma_wait3A_530 : memref<1x1x1x125xi32, #tpu.memory_space<vmem>> -> memref<125xi32, #tpu.memory_space<vmem>>
        %dma_wait3A_532 = arith.constant 0 : i32
        %dma_wait3A_533 = arith.constant 0 : i32
        %dma_wait3A_534 = tpu.memref_slice %arg18[%dma_wait3A_532, %dma_wait3A_533] : memref<10000x128xf32, #tpu.memory_space<vmem_shared>> -> memref<10000x128xf32, #tpu.memory_space<vmem_shared>>
        tpu.wait_indirect_dma semaphore(%run_scoped3A_522 : memref<!tpu.dma_semaphore, #tpu.memory_space<semaphore_mem>>) src(%arg10 : memref<125x128xf32, #tpu.memory_space<vmem>>) dst(%dma_wait3A_534 : memref<10000x128xf32, #tpu.memory_space<vmem_shared>>)
        tpu.yield
      }) : () -> ()
      %run_scoped3A_328 = arith.constant 1 : i32
      %run_scoped3A_329 = arith.constant 1 : i32
      %run_scoped3A_330 = arith.constant 1 : i32
      "tpu.region"() ({
        %run_scoped3A_522 = tpu.sem_alloc : memref<!tpu.dma_semaphore, #tpu.memory_space<semaphore_mem>>
        %dma_start3A_523 = arith.constant 0 : i32
        %dma_start3A_524 = tpu.memref_slice %arg8[%run_scoped3A_328, %run_scoped3A_329, %run_scoped3A_330, %dma_start3A_523] : memref<4x2x2x125xi32, #tpu.memory_space<vmem>> -> memref<1x1x1x125xi32, #tpu.memory_space<vmem>>
        %dma_start3A_525 = tpu.memref_squeeze %dma_start3A_524 : memref<1x1x1x125xi32, #tpu.memory_space<vmem>> -> memref<125xi32, #tpu.memory_space<vmem>>
        %dma_start3A_526 = arith.constant 0 : i32
        %dma_start3A_527 = arith.constant 0 : i32
        %dma_start3A_528 = tpu.memref_slice %arg19[%dma_start3A_526, %dma_start3A_527] : memref<10000x16xf32, #tpu.memory_space<vmem_shared>> -> memref<10000x16xf32, #tpu.memory_space<vmem_shared>>
        tpu.enqueue_indirect_dma source(%arg11 : memref<125x16xf32, #tpu.memory_space<vmem>>) target(%dma_start3A_528 : memref<10000x16xf32, #tpu.memory_space<vmem_shared>>) offsets(%dma_start3A_525 : memref<125xi32, #tpu.memory_space<vmem>>) semaphore(%run_scoped3A_522 : memref<!tpu.dma_semaphore, #tpu.memory_space<semaphore_mem>>) {add = true}
        %dma_wait3A_529 = arith.constant 0 : i32
        %dma_wait3A_530 = tpu.memref_slice %arg8[%run_scoped3A_328, %run_scoped3A_329, %run_scoped3A_330, %dma_wait3A_529] : memref<4x2x2x125xi32, #tpu.memory_space<vmem>> -> memref<1x1x1x125xi32, #tpu.memory_space<vmem>>
        %dma_wait3A_531 = tpu.memref_squeeze %dma_wait3A_530 : memref<1x1x1x125xi32, #tpu.memory_space<vmem>> -> memref<125xi32, #tpu.memory_space<vmem>>
        %dma_wait3A_532 = arith.constant 0 : i32
        %dma_wait3A_533 = arith.constant 0 : i32
        %dma_wait3A_534 = tpu.memref_slice %arg19[%dma_wait3A_532, %dma_wait3A_533] : memref<10000x16xf32, #tpu.memory_space<vmem_shared>> -> memref<10000x16xf32, #tpu.memory_space<vmem_shared>>
        tpu.wait_indirect_dma semaphore(%run_scoped3A_522 : memref<!tpu.dma_semaphore, #tpu.memory_space<semaphore_mem>>) src(%arg11 : memref<125x16xf32, #tpu.memory_space<vmem>>) dst(%dma_wait3A_534 : memref<10000x16xf32, #tpu.memory_space<vmem_shared>>)
        tpu.yield
      }) : () -> ()
      %add3A_331 = arith.constant 1 : i32
      %add3A_332 = arith.addi %add3A_249, %add3A_331 : i32
      %lt3A_333 = arith.constant 40 : i32
      %lt3A_334 = arith.cmpi slt, %add3A_332, %lt3A_333 : i32
      %convert_element_type3A_335 = arith.extui %lt3A_334 : i1 to i32
      %cond3A_336 = arith.constant 0 : i32
      %cond3A_337 = arith.cmpi ne, %convert_element_type3A_335, %cond3A_336 : i32
      scf.if %cond3A_337 {
        %dma_start3A_522 = arith.constant 2 : i32
        %dma_start3A_523 = arith.constant 1 : i32
        %dma_start3A_524 = arith.constant 0 : i32
        %dma_start3A_525 = arith.constant 0 : i32
        %dma_start3A_526 = arith.constant 0 : i32
        %dma_start3A_527 = tpu.memref_slice %arg10[%dma_start3A_525, %dma_start3A_526] : memref<125x128xf32, #tpu.memory_space<vmem>> -> memref<64x128xf32, #tpu.memory_space<vmem>>
        %dma_start3A_528 = arith.constant 0 : i32
        %dma_start3A_529 = tpu.memref_slice %arg8[%dma_start3A_522, %dma_start3A_523, %dma_start3A_524, %dma_start3A_528] : memref<4x2x2x125xi32, #tpu.memory_space<vmem>> -> memref<1x1x1x64xi32, #tpu.memory_space<vmem>>
        %dma_start3A_530 = tpu.memref_squeeze %dma_start3A_529 : memref<1x1x1x64xi32, #tpu.memory_space<vmem>> -> memref<64xi32, #tpu.memory_space<vmem>>
        %dma_start3A_531 = arith.constant 0 : i32
        %dma_start3A_532 = arith.constant 0 : i32
        %dma_start3A_533 = tpu.memref_slice %arg2[%dma_start3A_531, %dma_start3A_532] : memref<10000x128xf32, #tpu.memory_space<hbm>> -> memref<10000x128xf32, #tpu.memory_space<hbm>>
        tpu.enqueue_indirect_dma source(%dma_start3A_533 : memref<10000x128xf32, #tpu.memory_space<hbm>>) target(%dma_start3A_527 : memref<64x128xf32, #tpu.memory_space<vmem>>) offsets(%dma_start3A_530 : memref<64xi32, #tpu.memory_space<vmem>>) semaphore(%arg13 : memref<!tpu.dma_semaphore, #tpu.memory_space<semaphore_mem>>)
        %dma_start3A_534 = arith.constant 2 : i32
        %dma_start3A_535 = arith.constant 1 : i32
        %dma_start3A_536 = arith.constant 0 : i32
        %dma_start3A_537 = arith.constant 64 : i32
        %dma_start3A_538 = arith.constant 0 : i32
        %dma_start3A_539 = tpu.memref_slice %arg10[%dma_start3A_537, %dma_start3A_538] : memref<125x128xf32, #tpu.memory_space<vmem>> -> memref<61x128xf32, #tpu.memory_space<vmem>>
        %dma_start3A_540 = arith.constant 64 : i32
        %dma_start3A_541 = tpu.memref_slice %arg8[%dma_start3A_534, %dma_start3A_535, %dma_start3A_536, %dma_start3A_540] : memref<4x2x2x125xi32, #tpu.memory_space<vmem>> -> memref<1x1x1x61xi32, #tpu.memory_space<vmem>>
        %dma_start3A_542 = tpu.memref_squeeze %dma_start3A_541 : memref<1x1x1x61xi32, #tpu.memory_space<vmem>> -> memref<61xi32, #tpu.memory_space<vmem>>
        %dma_start3A_543 = arith.constant 0 : i32
        %dma_start3A_544 = arith.constant 0 : i32
        %dma_start3A_545 = tpu.memref_slice %arg2[%dma_start3A_543, %dma_start3A_544] : memref<10000x128xf32, #tpu.memory_space<hbm>> -> memref<10000x128xf32, #tpu.memory_space<hbm>>
        tpu.enqueue_indirect_dma source(%dma_start3A_545 : memref<10000x128xf32, #tpu.memory_space<hbm>>) target(%dma_start3A_539 : memref<61x128xf32, #tpu.memory_space<vmem>>) offsets(%dma_start3A_542 : memref<61xi32, #tpu.memory_space<vmem>>) semaphore(%arg13 : memref<!tpu.dma_semaphore, #tpu.memory_space<semaphore_mem>>)
      } else {
      }
      %mul3A_338 = arith.constant 4 : i32
      %mul3A_339 = arith.muli %scan3A_155, %mul3A_338 : i32
      %add3A_340 = arith.constant 2 : i32
      %add3A_341 = arith.addi %mul3A_339, %add3A_340 : i32
      %add3A_342 = arith.constant 1 : i32
      %add3A_343 = arith.addi %add3A_341, %add3A_342 : i32
      %lt3A_344 = arith.constant 40 : i32
      %lt3A_345 = arith.cmpi slt, %add3A_343, %lt3A_344 : i32
      %convert_element_type3A_346 = arith.extui %lt3A_345 : i1 to i32
      %cond3A_347 = arith.constant 0 : i32
      %cond3A_348 = arith.cmpi ne, %convert_element_type3A_346, %cond3A_347 : i32
      scf.if %cond3A_348 {
        %dma_wait3A_522 = arith.constant 3 : i32
        %dma_wait3A_523 = arith.constant 0 : i32
        %dma_wait3A_524 = arith.constant 0 : i32
        %dma_wait3A_525 = arith.constant 0 : i32
        %dma_wait3A_526 = tpu.memref_slice %arg8[%dma_wait3A_522, %dma_wait3A_523, %dma_wait3A_524, %dma_wait3A_525] : memref<4x2x2x125xi32, #tpu.memory_space<vmem>> -> memref<1x2x2x125xi32, #tpu.memory_space<vmem>>
        %dma_wait3A_527 = tpu.memref_squeeze %dma_wait3A_526 : memref<1x2x2x125xi32, #tpu.memory_space<vmem>> -> memref<2x2x125xi32, #tpu.memory_space<vmem>>
        %dma_wait3A_528 = arith.constant 0 : i32
        %dma_wait3A_529 = arith.constant 0 : i32
        %dma_wait3A_530 = arith.constant 0 : i32
        %dma_wait3A_531 = tpu.memref_slice %arg3[%add3A, %dma_wait3A_528, %dma_wait3A_529, %dma_wait3A_530] : memref<32x80x2x125xi32, #tpu.memory_space<hbm>> -> memref<1x2x2x125xi32, #tpu.memory_space<hbm>>
        %dma_wait3A_532 = tpu.memref_squeeze %dma_wait3A_531 : memref<1x2x2x125xi32, #tpu.memory_space<hbm>> -> memref<2x2x125xi32, #tpu.memory_space<hbm>>
        %dma_wait3A_533 = arith.constant 0 : i32
        %dma_wait3A_534 = arith.constant 0 : i32
        %dma_wait3A_535 = arith.constant 0 : i32
        %dma_wait3A_536 = tpu.memref_slice %arg8[%dma_wait3A_522, %dma_wait3A_533, %dma_wait3A_534, %dma_wait3A_535] : memref<4x2x2x125xi32, #tpu.memory_space<vmem>> -> memref<1x2x2x125xi32, #tpu.memory_space<vmem>>
        %dma_wait3A_537 = tpu.memref_squeeze %dma_wait3A_536 : memref<1x2x2x125xi32, #tpu.memory_space<vmem>> -> memref<2x2x125xi32, #tpu.memory_space<vmem>>
        %dma_wait3A_538 = arith.constant 0 : i32
        %dma_wait3A_539 = arith.constant 0 : i32
        %dma_wait3A_540 = arith.constant 0 : i32
        %dma_wait3A_541 = tpu.memref_slice %arg3[%add3A, %dma_wait3A_538, %dma_wait3A_539, %dma_wait3A_540] : memref<32x80x2x125xi32, #tpu.memory_space<hbm>> -> memref<1x2x2x125xi32, #tpu.memory_space<hbm>>
        %dma_wait3A_542 = tpu.memref_squeeze %dma_wait3A_541 : memref<1x2x2x125xi32, #tpu.memory_space<hbm>> -> memref<2x2x125xi32, #tpu.memory_space<hbm>>
        tpu.wait_dma2 semaphore(%arg17 : memref<!tpu.dma_semaphore, #tpu.memory_space<semaphore_mem>>) src(%dma_wait3A_542 : memref<2x2x125xi32, #tpu.memory_space<hbm>>) dst(%dma_wait3A_537 : memref<2x2x125xi32, #tpu.memory_space<vmem>>)
      } else {
      }
      %add3A_349 = arith.constant 3 : i32
      %add3A_350 = arith.addi %add3A_341, %add3A_349 : i32
      %lt3A_351 = arith.constant 40 : i32
      %lt3A_352 = arith.cmpi slt, %add3A_350, %lt3A_351 : i32
      %convert_element_type3A_353 = arith.extui %lt3A_352 : i1 to i32
      %cond3A_354 = arith.constant 0 : i32
      %cond3A_355 = arith.cmpi ne, %convert_element_type3A_353, %cond3A_354 : i32
      scf.if %cond3A_355 {
        %add3A_522 = arith.constant 3 : i32
        %add3A_523 = arith.addi %add3A_341, %add3A_522 : i32
        %mul3A_524 = arith.constant 2 : i32
        %mul3A_525 = arith.muli %add3A_523, %mul3A_524 : i32
        %dma_start3A_526 = arith.constant 1 : i32
        %dma_start3A_527 = arith.constant 0 : i32
        %dma_start3A_528 = arith.constant 0 : i32
        %dma_start3A_529 = arith.constant 0 : i32
        %dma_start3A_530 = tpu.memref_slice %arg8[%dma_start3A_526, %dma_start3A_527, %dma_start3A_528, %dma_start3A_529] : memref<4x2x2x125xi32, #tpu.memory_space<vmem>> -> memref<1x2x2x125xi32, #tpu.memory_space<vmem>>
        %dma_start3A_531 = tpu.memref_squeeze %dma_start3A_530 : memref<1x2x2x125xi32, #tpu.memory_space<vmem>> -> memref<2x2x125xi32, #tpu.memory_space<vmem>>
        %dma_start3A_532 = arith.constant 0 : i32
        %dma_start3A_533 = arith.constant 0 : i32
        %dma_start3A_534 = tpu.memref_slice %arg3[%add3A, %mul3A_525, %dma_start3A_532, %dma_start3A_533] : memref<32x80x2x125xi32, #tpu.memory_space<hbm>> -> memref<1x2x2x125xi32, #tpu.memory_space<hbm>>
        %dma_start3A_535 = tpu.memref_squeeze %dma_start3A_534 : memref<1x2x2x125xi32, #tpu.memory_space<hbm>> -> memref<2x2x125xi32, #tpu.memory_space<hbm>>
        %dma_start3A_536 = arith.constant 0 : i32
        %dma_start3A_537 = arith.constant 0 : i32
        %dma_start3A_538 = arith.constant 0 : i32
        %dma_start3A_539 = tpu.memref_slice %arg8[%dma_start3A_526, %dma_start3A_536, %dma_start3A_537, %dma_start3A_538] : memref<4x2x2x125xi32, #tpu.memory_space<vmem>> -> memref<1x2x2x125xi32, #tpu.memory_space<vmem>>
        %dma_start3A_540 = tpu.memref_squeeze %dma_start3A_539 : memref<1x2x2x125xi32, #tpu.memory_space<vmem>> -> memref<2x2x125xi32, #tpu.memory_space<vmem>>
        %dma_start3A_541 = arith.constant 0 : i32
        %dma_start3A_542 = arith.constant 0 : i32
        %dma_start3A_543 = tpu.memref_slice %arg3[%add3A, %mul3A_525, %dma_start3A_541, %dma_start3A_542] : memref<32x80x2x125xi32, #tpu.memory_space<hbm>> -> memref<1x2x2x125xi32, #tpu.memory_space<hbm>>
        %dma_start3A_544 = tpu.memref_squeeze %dma_start3A_543 : memref<1x2x2x125xi32, #tpu.memory_space<hbm>> -> memref<2x2x125xi32, #tpu.memory_space<hbm>>
        tpu.enqueue_dma source(%dma_start3A_544 : memref<2x2x125xi32, #tpu.memory_space<hbm>>) target(%dma_start3A_540 : memref<2x2x125xi32, #tpu.memory_space<vmem>>) target_semaphore(%arg15 : memref<!tpu.dma_semaphore, #tpu.memory_space<semaphore_mem>>)
      } else {
      }
      %dma_wait3A_356 = arith.constant 0 : i32
      %dma_wait3A_357 = arith.constant 0 : i32
      %dma_wait3A_358 = arith.constant 0 : i32
      %dma_wait3A_359 = arith.constant 0 : i32
      %dma_wait3A_360 = arith.constant 0 : i32
      %dma_wait3A_361 = tpu.memref_slice %arg9[%dma_wait3A_359, %dma_wait3A_360] : memref<125x128xf32, #tpu.memory_space<vmem>> -> memref<64x128xf32, #tpu.memory_space<vmem>>
      %dma_wait3A_362 = arith.constant 0 : i32
      %dma_wait3A_363 = tpu.memref_slice %arg8[%dma_wait3A_356, %dma_wait3A_357, %dma_wait3A_358, %dma_wait3A_362] : memref<4x2x2x125xi32, #tpu.memory_space<vmem>> -> memref<1x1x1x64xi32, #tpu.memory_space<vmem>>
      %dma_wait3A_364 = tpu.memref_squeeze %dma_wait3A_363 : memref<1x1x1x64xi32, #tpu.memory_space<vmem>> -> memref<64xi32, #tpu.memory_space<vmem>>
      %dma_wait3A_365 = arith.constant 0 : i32
      %dma_wait3A_366 = arith.constant 0 : i32
      %dma_wait3A_367 = tpu.memref_slice %arg2[%dma_wait3A_365, %dma_wait3A_366] : memref<10000x128xf32, #tpu.memory_space<hbm>> -> memref<10000x128xf32, #tpu.memory_space<hbm>>
      tpu.wait_indirect_dma semaphore(%arg12 : memref<!tpu.dma_semaphore, #tpu.memory_space<semaphore_mem>>) src(%dma_wait3A_367 : memref<10000x128xf32, #tpu.memory_space<hbm>>) dst(%dma_wait3A_361 : memref<64x128xf32, #tpu.memory_space<vmem>>)
      %dma_wait3A_368 = arith.constant 0 : i32
      %dma_wait3A_369 = arith.constant 0 : i32
      %dma_wait3A_370 = arith.constant 0 : i32
      %dma_wait3A_371 = arith.constant 64 : i32
      %dma_wait3A_372 = arith.constant 0 : i32
      %dma_wait3A_373 = tpu.memref_slice %arg9[%dma_wait3A_371, %dma_wait3A_372] : memref<125x128xf32, #tpu.memory_space<vmem>> -> memref<61x128xf32, #tpu.memory_space<vmem>>
      %dma_wait3A_374 = arith.constant 64 : i32
      %dma_wait3A_375 = tpu.memref_slice %arg8[%dma_wait3A_368, %dma_wait3A_369, %dma_wait3A_370, %dma_wait3A_374] : memref<4x2x2x125xi32, #tpu.memory_space<vmem>> -> memref<1x1x1x61xi32, #tpu.memory_space<vmem>>
      %dma_wait3A_376 = tpu.memref_squeeze %dma_wait3A_375 : memref<1x1x1x61xi32, #tpu.memory_space<vmem>> -> memref<61xi32, #tpu.memory_space<vmem>>
      %dma_wait3A_377 = arith.constant 0 : i32
      %dma_wait3A_378 = arith.constant 0 : i32
      %dma_wait3A_379 = tpu.memref_slice %arg2[%dma_wait3A_377, %dma_wait3A_378] : memref<10000x128xf32, #tpu.memory_space<hbm>> -> memref<10000x128xf32, #tpu.memory_space<hbm>>
      tpu.wait_indirect_dma semaphore(%arg12 : memref<!tpu.dma_semaphore, #tpu.memory_space<semaphore_mem>>) src(%dma_wait3A_379 : memref<10000x128xf32, #tpu.memory_space<hbm>>) dst(%dma_wait3A_373 : memref<61x128xf32, #tpu.memory_space<vmem>>)
      %run_scoped3A_380 = arith.constant 2 : i32
      %run_scoped3A_381 = arith.constant 0 : i32
      %run_scoped3A_382 = arith.constant 1 : i32
      "tpu.region"() ({
        %run_scoped3A_522 = tpu.sem_alloc : memref<!tpu.dma_semaphore, #tpu.memory_space<semaphore_mem>>
        %dma_start3A_523 = arith.constant 0 : i32
        %dma_start3A_524 = tpu.memref_slice %arg8[%run_scoped3A_380, %run_scoped3A_381, %run_scoped3A_382, %dma_start3A_523] : memref<4x2x2x125xi32, #tpu.memory_space<vmem>> -> memref<1x1x1x125xi32, #tpu.memory_space<vmem>>
        %dma_start3A_525 = tpu.memref_squeeze %dma_start3A_524 : memref<1x1x1x125xi32, #tpu.memory_space<vmem>> -> memref<125xi32, #tpu.memory_space<vmem>>
        %dma_start3A_526 = arith.constant 0 : i32
        %dma_start3A_527 = arith.constant 0 : i32
        %dma_start3A_528 = tpu.memref_slice %arg18[%dma_start3A_526, %dma_start3A_527] : memref<10000x128xf32, #tpu.memory_space<vmem_shared>> -> memref<10000x128xf32, #tpu.memory_space<vmem_shared>>
        tpu.enqueue_indirect_dma source(%arg9 : memref<125x128xf32, #tpu.memory_space<vmem>>) target(%dma_start3A_528 : memref<10000x128xf32, #tpu.memory_space<vmem_shared>>) offsets(%dma_start3A_525 : memref<125xi32, #tpu.memory_space<vmem>>) semaphore(%run_scoped3A_522 : memref<!tpu.dma_semaphore, #tpu.memory_space<semaphore_mem>>) {add = true}
        %dma_wait3A_529 = arith.constant 0 : i32
        %dma_wait3A_530 = tpu.memref_slice %arg8[%run_scoped3A_380, %run_scoped3A_381, %run_scoped3A_382, %dma_wait3A_529] : memref<4x2x2x125xi32, #tpu.memory_space<vmem>> -> memref<1x1x1x125xi32, #tpu.memory_space<vmem>>
        %dma_wait3A_531 = tpu.memref_squeeze %dma_wait3A_530 : memref<1x1x1x125xi32, #tpu.memory_space<vmem>> -> memref<125xi32, #tpu.memory_space<vmem>>
        %dma_wait3A_532 = arith.constant 0 : i32
        %dma_wait3A_533 = arith.constant 0 : i32
        %dma_wait3A_534 = tpu.memref_slice %arg18[%dma_wait3A_532, %dma_wait3A_533] : memref<10000x128xf32, #tpu.memory_space<vmem_shared>> -> memref<10000x128xf32, #tpu.memory_space<vmem_shared>>
        tpu.wait_indirect_dma semaphore(%run_scoped3A_522 : memref<!tpu.dma_semaphore, #tpu.memory_space<semaphore_mem>>) src(%arg9 : memref<125x128xf32, #tpu.memory_space<vmem>>) dst(%dma_wait3A_534 : memref<10000x128xf32, #tpu.memory_space<vmem_shared>>)
        tpu.yield
      }) : () -> ()
      %run_scoped3A_383 = arith.constant 2 : i32
      %run_scoped3A_384 = arith.constant 0 : i32
      %run_scoped3A_385 = arith.constant 1 : i32
      "tpu.region"() ({
        %run_scoped3A_522 = tpu.sem_alloc : memref<!tpu.dma_semaphore, #tpu.memory_space<semaphore_mem>>
        %dma_start3A_523 = arith.constant 0 : i32
        %dma_start3A_524 = tpu.memref_slice %arg8[%run_scoped3A_383, %run_scoped3A_384, %run_scoped3A_385, %dma_start3A_523] : memref<4x2x2x125xi32, #tpu.memory_space<vmem>> -> memref<1x1x1x125xi32, #tpu.memory_space<vmem>>
        %dma_start3A_525 = tpu.memref_squeeze %dma_start3A_524 : memref<1x1x1x125xi32, #tpu.memory_space<vmem>> -> memref<125xi32, #tpu.memory_space<vmem>>
        %dma_start3A_526 = arith.constant 0 : i32
        %dma_start3A_527 = arith.constant 0 : i32
        %dma_start3A_528 = tpu.memref_slice %arg19[%dma_start3A_526, %dma_start3A_527] : memref<10000x16xf32, #tpu.memory_space<vmem_shared>> -> memref<10000x16xf32, #tpu.memory_space<vmem_shared>>
        tpu.enqueue_indirect_dma source(%arg11 : memref<125x16xf32, #tpu.memory_space<vmem>>) target(%dma_start3A_528 : memref<10000x16xf32, #tpu.memory_space<vmem_shared>>) offsets(%dma_start3A_525 : memref<125xi32, #tpu.memory_space<vmem>>) semaphore(%run_scoped3A_522 : memref<!tpu.dma_semaphore, #tpu.memory_space<semaphore_mem>>) {add = true}
        %dma_wait3A_529 = arith.constant 0 : i32
        %dma_wait3A_530 = tpu.memref_slice %arg8[%run_scoped3A_383, %run_scoped3A_384, %run_scoped3A_385, %dma_wait3A_529] : memref<4x2x2x125xi32, #tpu.memory_space<vmem>> -> memref<1x1x1x125xi32, #tpu.memory_space<vmem>>
        %dma_wait3A_531 = tpu.memref_squeeze %dma_wait3A_530 : memref<1x1x1x125xi32, #tpu.memory_space<vmem>> -> memref<125xi32, #tpu.memory_space<vmem>>
        %dma_wait3A_532 = arith.constant 0 : i32
        %dma_wait3A_533 = arith.constant 0 : i32
        %dma_wait3A_534 = tpu.memref_slice %arg19[%dma_wait3A_532, %dma_wait3A_533] : memref<10000x16xf32, #tpu.memory_space<vmem_shared>> -> memref<10000x16xf32, #tpu.memory_space<vmem_shared>>
        tpu.wait_indirect_dma semaphore(%run_scoped3A_522 : memref<!tpu.dma_semaphore, #tpu.memory_space<semaphore_mem>>) src(%arg11 : memref<125x16xf32, #tpu.memory_space<vmem>>) dst(%dma_wait3A_534 : memref<10000x16xf32, #tpu.memory_space<vmem_shared>>)
        tpu.yield
      }) : () -> ()
      %add3A_386 = arith.constant 1 : i32
      %add3A_387 = arith.addi %add3A_341, %add3A_386 : i32
      %lt3A_388 = arith.constant 40 : i32
      %lt3A_389 = arith.cmpi slt, %add3A_387, %lt3A_388 : i32
      %convert_element_type3A_390 = arith.extui %lt3A_389 : i1 to i32
      %cond3A_391 = arith.constant 0 : i32
      %cond3A_392 = arith.cmpi ne, %convert_element_type3A_390, %cond3A_391 : i32
      scf.if %cond3A_392 {
        %dma_start3A_522 = arith.constant 3 : i32
        %dma_start3A_523 = arith.constant 0 : i32
        %dma_start3A_524 = arith.constant 0 : i32
        %dma_start3A_525 = arith.constant 0 : i32
        %dma_start3A_526 = arith.constant 0 : i32
        %dma_start3A_527 = tpu.memref_slice %arg9[%dma_start3A_525, %dma_start3A_526] : memref<125x128xf32, #tpu.memory_space<vmem>> -> memref<64x128xf32, #tpu.memory_space<vmem>>
        %dma_start3A_528 = arith.constant 0 : i32
        %dma_start3A_529 = tpu.memref_slice %arg8[%dma_start3A_522, %dma_start3A_523, %dma_start3A_524, %dma_start3A_528] : memref<4x2x2x125xi32, #tpu.memory_space<vmem>> -> memref<1x1x1x64xi32, #tpu.memory_space<vmem>>
        %dma_start3A_530 = tpu.memref_squeeze %dma_start3A_529 : memref<1x1x1x64xi32, #tpu.memory_space<vmem>> -> memref<64xi32, #tpu.memory_space<vmem>>
        %dma_start3A_531 = arith.constant 0 : i32
        %dma_start3A_532 = arith.constant 0 : i32
        %dma_start3A_533 = tpu.memref_slice %arg2[%dma_start3A_531, %dma_start3A_532] : memref<10000x128xf32, #tpu.memory_space<hbm>> -> memref<10000x128xf32, #tpu.memory_space<hbm>>
        tpu.enqueue_indirect_dma source(%dma_start3A_533 : memref<10000x128xf32, #tpu.memory_space<hbm>>) target(%dma_start3A_527 : memref<64x128xf32, #tpu.memory_space<vmem>>) offsets(%dma_start3A_530 : memref<64xi32, #tpu.memory_space<vmem>>) semaphore(%arg12 : memref<!tpu.dma_semaphore, #tpu.memory_space<semaphore_mem>>)
        %dma_start3A_534 = arith.constant 3 : i32
        %dma_start3A_535 = arith.constant 0 : i32
        %dma_start3A_536 = arith.constant 0 : i32
        %dma_start3A_537 = arith.constant 64 : i32
        %dma_start3A_538 = arith.constant 0 : i32
        %dma_start3A_539 = tpu.memref_slice %arg9[%dma_start3A_537, %dma_start3A_538] : memref<125x128xf32, #tpu.memory_space<vmem>> -> memref<61x128xf32, #tpu.memory_space<vmem>>
        %dma_start3A_540 = arith.constant 64 : i32
        %dma_start3A_541 = tpu.memref_slice %arg8[%dma_start3A_534, %dma_start3A_535, %dma_start3A_536, %dma_start3A_540] : memref<4x2x2x125xi32, #tpu.memory_space<vmem>> -> memref<1x1x1x61xi32, #tpu.memory_space<vmem>>
        %dma_start3A_542 = tpu.memref_squeeze %dma_start3A_541 : memref<1x1x1x61xi32, #tpu.memory_space<vmem>> -> memref<61xi32, #tpu.memory_space<vmem>>
        %dma_start3A_543 = arith.constant 0 : i32
        %dma_start3A_544 = arith.constant 0 : i32
        %dma_start3A_545 = tpu.memref_slice %arg2[%dma_start3A_543, %dma_start3A_544] : memref<10000x128xf32, #tpu.memory_space<hbm>> -> memref<10000x128xf32, #tpu.memory_space<hbm>>
        tpu.enqueue_indirect_dma source(%dma_start3A_545 : memref<10000x128xf32, #tpu.memory_space<hbm>>) target(%dma_start3A_539 : memref<61x128xf32, #tpu.memory_space<vmem>>) offsets(%dma_start3A_542 : memref<61xi32, #tpu.memory_space<vmem>>) semaphore(%arg12 : memref<!tpu.dma_semaphore, #tpu.memory_space<semaphore_mem>>)
      } else {
      }
      %dma_wait3A_393 = arith.constant 0 : i32
      %dma_wait3A_394 = arith.constant 0 : i32
      %dma_wait3A_395 = arith.constant 0 : i32
      %dma_wait3A_396 = arith.constant 0 : i32
      %dma_wait3A_397 = arith.constant 0 : i32
      %dma_wait3A_398 = tpu.memref_slice %arg10[%dma_wait3A_396, %dma_wait3A_397] : memref<125x128xf32, #tpu.memory_space<vmem>> -> memref<64x128xf32, #tpu.memory_space<vmem>>
      %dma_wait3A_399 = arith.constant 0 : i32
      %dma_wait3A_400 = tpu.memref_slice %arg8[%dma_wait3A_393, %dma_wait3A_394, %dma_wait3A_395, %dma_wait3A_399] : memref<4x2x2x125xi32, #tpu.memory_space<vmem>> -> memref<1x1x1x64xi32, #tpu.memory_space<vmem>>
      %dma_wait3A_401 = tpu.memref_squeeze %dma_wait3A_400 : memref<1x1x1x64xi32, #tpu.memory_space<vmem>> -> memref<64xi32, #tpu.memory_space<vmem>>
      %dma_wait3A_402 = arith.constant 0 : i32
      %dma_wait3A_403 = arith.constant 0 : i32
      %dma_wait3A_404 = tpu.memref_slice %arg2[%dma_wait3A_402, %dma_wait3A_403] : memref<10000x128xf32, #tpu.memory_space<hbm>> -> memref<10000x128xf32, #tpu.memory_space<hbm>>
      tpu.wait_indirect_dma semaphore(%arg13 : memref<!tpu.dma_semaphore, #tpu.memory_space<semaphore_mem>>) src(%dma_wait3A_404 : memref<10000x128xf32, #tpu.memory_space<hbm>>) dst(%dma_wait3A_398 : memref<64x128xf32, #tpu.memory_space<vmem>>)
      %dma_wait3A_405 = arith.constant 0 : i32
      %dma_wait3A_406 = arith.constant 0 : i32
      %dma_wait3A_407 = arith.constant 0 : i32
      %dma_wait3A_408 = arith.constant 64 : i32
      %dma_wait3A_409 = arith.constant 0 : i32
      %dma_wait3A_410 = tpu.memref_slice %arg10[%dma_wait3A_408, %dma_wait3A_409] : memref<125x128xf32, #tpu.memory_space<vmem>> -> memref<61x128xf32, #tpu.memory_space<vmem>>
      %dma_wait3A_411 = arith.constant 64 : i32
      %dma_wait3A_412 = tpu.memref_slice %arg8[%dma_wait3A_405, %dma_wait3A_406, %dma_wait3A_407, %dma_wait3A_411] : memref<4x2x2x125xi32, #tpu.memory_space<vmem>> -> memref<1x1x1x61xi32, #tpu.memory_space<vmem>>
      %dma_wait3A_413 = tpu.memref_squeeze %dma_wait3A_412 : memref<1x1x1x61xi32, #tpu.memory_space<vmem>> -> memref<61xi32, #tpu.memory_space<vmem>>
      %dma_wait3A_414 = arith.constant 0 : i32
      %dma_wait3A_415 = arith.constant 0 : i32
      %dma_wait3A_416 = tpu.memref_slice %arg2[%dma_wait3A_414, %dma_wait3A_415] : memref<10000x128xf32, #tpu.memory_space<hbm>> -> memref<10000x128xf32, #tpu.memory_space<hbm>>
      tpu.wait_indirect_dma semaphore(%arg13 : memref<!tpu.dma_semaphore, #tpu.memory_space<semaphore_mem>>) src(%dma_wait3A_416 : memref<10000x128xf32, #tpu.memory_space<hbm>>) dst(%dma_wait3A_410 : memref<61x128xf32, #tpu.memory_space<vmem>>)
      %run_scoped3A_417 = arith.constant 2 : i32
      %run_scoped3A_418 = arith.constant 1 : i32
      %run_scoped3A_419 = arith.constant 1 : i32
      "tpu.region"() ({
        %run_scoped3A_522 = tpu.sem_alloc : memref<!tpu.dma_semaphore, #tpu.memory_space<semaphore_mem>>
        %dma_start3A_523 = arith.constant 0 : i32
        %dma_start3A_524 = tpu.memref_slice %arg8[%run_scoped3A_417, %run_scoped3A_418, %run_scoped3A_419, %dma_start3A_523] : memref<4x2x2x125xi32, #tpu.memory_space<vmem>> -> memref<1x1x1x125xi32, #tpu.memory_space<vmem>>
        %dma_start3A_525 = tpu.memref_squeeze %dma_start3A_524 : memref<1x1x1x125xi32, #tpu.memory_space<vmem>> -> memref<125xi32, #tpu.memory_space<vmem>>
        %dma_start3A_526 = arith.constant 0 : i32
        %dma_start3A_527 = arith.constant 0 : i32
        %dma_start3A_528 = tpu.memref_slice %arg18[%dma_start3A_526, %dma_start3A_527] : memref<10000x128xf32, #tpu.memory_space<vmem_shared>> -> memref<10000x128xf32, #tpu.memory_space<vmem_shared>>
        tpu.enqueue_indirect_dma source(%arg10 : memref<125x128xf32, #tpu.memory_space<vmem>>) target(%dma_start3A_528 : memref<10000x128xf32, #tpu.memory_space<vmem_shared>>) offsets(%dma_start3A_525 : memref<125xi32, #tpu.memory_space<vmem>>) semaphore(%run_scoped3A_522 : memref<!tpu.dma_semaphore, #tpu.memory_space<semaphore_mem>>) {add = true}
        %dma_wait3A_529 = arith.constant 0 : i32
        %dma_wait3A_530 = tpu.memref_slice %arg8[%run_scoped3A_417, %run_scoped3A_418, %run_scoped3A_419, %dma_wait3A_529] : memref<4x2x2x125xi32, #tpu.memory_space<vmem>> -> memref<1x1x1x125xi32, #tpu.memory_space<vmem>>
        %dma_wait3A_531 = tpu.memref_squeeze %dma_wait3A_530 : memref<1x1x1x125xi32, #tpu.memory_space<vmem>> -> memref<125xi32, #tpu.memory_space<vmem>>
        %dma_wait3A_532 = arith.constant 0 : i32
        %dma_wait3A_533 = arith.constant 0 : i32
        %dma_wait3A_534 = tpu.memref_slice %arg18[%dma_wait3A_532, %dma_wait3A_533] : memref<10000x128xf32, #tpu.memory_space<vmem_shared>> -> memref<10000x128xf32, #tpu.memory_space<vmem_shared>>
        tpu.wait_indirect_dma semaphore(%run_scoped3A_522 : memref<!tpu.dma_semaphore, #tpu.memory_space<semaphore_mem>>) src(%arg10 : memref<125x128xf32, #tpu.memory_space<vmem>>) dst(%dma_wait3A_534 : memref<10000x128xf32, #tpu.memory_space<vmem_shared>>)
        tpu.yield
      }) : () -> ()
      %run_scoped3A_420 = arith.constant 2 : i32
      %run_scoped3A_421 = arith.constant 1 : i32
      %run_scoped3A_422 = arith.constant 1 : i32
      "tpu.region"() ({
        %run_scoped3A_522 = tpu.sem_alloc : memref<!tpu.dma_semaphore, #tpu.memory_space<semaphore_mem>>
        %dma_start3A_523 = arith.constant 0 : i32
        %dma_start3A_524 = tpu.memref_slice %arg8[%run_scoped3A_420, %run_scoped3A_421, %run_scoped3A_422, %dma_start3A_523] : memref<4x2x2x125xi32, #tpu.memory_space<vmem>> -> memref<1x1x1x125xi32, #tpu.memory_space<vmem>>
        %dma_start3A_525 = tpu.memref_squeeze %dma_start3A_524 : memref<1x1x1x125xi32, #tpu.memory_space<vmem>> -> memref<125xi32, #tpu.memory_space<vmem>>
        %dma_start3A_526 = arith.constant 0 : i32
        %dma_start3A_527 = arith.constant 0 : i32
        %dma_start3A_528 = tpu.memref_slice %arg19[%dma_start3A_526, %dma_start3A_527] : memref<10000x16xf32, #tpu.memory_space<vmem_shared>> -> memref<10000x16xf32, #tpu.memory_space<vmem_shared>>
        tpu.enqueue_indirect_dma source(%arg11 : memref<125x16xf32, #tpu.memory_space<vmem>>) target(%dma_start3A_528 : memref<10000x16xf32, #tpu.memory_space<vmem_shared>>) offsets(%dma_start3A_525 : memref<125xi32, #tpu.memory_space<vmem>>) semaphore(%run_scoped3A_522 : memref<!tpu.dma_semaphore, #tpu.memory_space<semaphore_mem>>) {add = true}
        %dma_wait3A_529 = arith.constant 0 : i32
        %dma_wait3A_530 = tpu.memref_slice %arg8[%run_scoped3A_420, %run_scoped3A_421, %run_scoped3A_422, %dma_wait3A_529] : memref<4x2x2x125xi32, #tpu.memory_space<vmem>> -> memref<1x1x1x125xi32, #tpu.memory_space<vmem>>
        %dma_wait3A_531 = tpu.memref_squeeze %dma_wait3A_530 : memref<1x1x1x125xi32, #tpu.memory_space<vmem>> -> memref<125xi32, #tpu.memory_space<vmem>>
        %dma_wait3A_532 = arith.constant 0 : i32
        %dma_wait3A_533 = arith.constant 0 : i32
        %dma_wait3A_534 = tpu.memref_slice %arg19[%dma_wait3A_532, %dma_wait3A_533] : memref<10000x16xf32, #tpu.memory_space<vmem_shared>> -> memref<10000x16xf32, #tpu.memory_space<vmem_shared>>
        tpu.wait_indirect_dma semaphore(%run_scoped3A_522 : memref<!tpu.dma_semaphore, #tpu.memory_space<semaphore_mem>>) src(%arg11 : memref<125x16xf32, #tpu.memory_space<vmem>>) dst(%dma_wait3A_534 : memref<10000x16xf32, #tpu.memory_space<vmem_shared>>)
        tpu.yield
      }) : () -> ()
      %add3A_423 = arith.constant 1 : i32
      %add3A_424 = arith.addi %add3A_341, %add3A_423 : i32
      %lt3A_425 = arith.constant 40 : i32
      %lt3A_426 = arith.cmpi slt, %add3A_424, %lt3A_425 : i32
      %convert_element_type3A_427 = arith.extui %lt3A_426 : i1 to i32
      %cond3A_428 = arith.constant 0 : i32
      %cond3A_429 = arith.cmpi ne, %convert_element_type3A_427, %cond3A_428 : i32
      scf.if %cond3A_429 {
        %dma_start3A_522 = arith.constant 3 : i32
        %dma_start3A_523 = arith.constant 1 : i32
        %dma_start3A_524 = arith.constant 0 : i32
        %dma_start3A_525 = arith.constant 0 : i32
        %dma_start3A_526 = arith.constant 0 : i32
        %dma_start3A_527 = tpu.memref_slice %arg10[%dma_start3A_525, %dma_start3A_526] : memref<125x128xf32, #tpu.memory_space<vmem>> -> memref<64x128xf32, #tpu.memory_space<vmem>>
        %dma_start3A_528 = arith.constant 0 : i32
        %dma_start3A_529 = tpu.memref_slice %arg8[%dma_start3A_522, %dma_start3A_523, %dma_start3A_524, %dma_start3A_528] : memref<4x2x2x125xi32, #tpu.memory_space<vmem>> -> memref<1x1x1x64xi32, #tpu.memory_space<vmem>>
        %dma_start3A_530 = tpu.memref_squeeze %dma_start3A_529 : memref<1x1x1x64xi32, #tpu.memory_space<vmem>> -> memref<64xi32, #tpu.memory_space<vmem>>
        %dma_start3A_531 = arith.constant 0 : i32
        %dma_start3A_532 = arith.constant 0 : i32
        %dma_start3A_533 = tpu.memref_slice %arg2[%dma_start3A_531, %dma_start3A_532] : memref<10000x128xf32, #tpu.memory_space<hbm>> -> memref<10000x128xf32, #tpu.memory_space<hbm>>
        tpu.enqueue_indirect_dma source(%dma_start3A_533 : memref<10000x128xf32, #tpu.memory_space<hbm>>) target(%dma_start3A_527 : memref<64x128xf32, #tpu.memory_space<vmem>>) offsets(%dma_start3A_530 : memref<64xi32, #tpu.memory_space<vmem>>) semaphore(%arg13 : memref<!tpu.dma_semaphore, #tpu.memory_space<semaphore_mem>>)
        %dma_start3A_534 = arith.constant 3 : i32
        %dma_start3A_535 = arith.constant 1 : i32
        %dma_start3A_536 = arith.constant 0 : i32
        %dma_start3A_537 = arith.constant 64 : i32
        %dma_start3A_538 = arith.constant 0 : i32
        %dma_start3A_539 = tpu.memref_slice %arg10[%dma_start3A_537, %dma_start3A_538] : memref<125x128xf32, #tpu.memory_space<vmem>> -> memref<61x128xf32, #tpu.memory_space<vmem>>
        %dma_start3A_540 = arith.constant 64 : i32
        %dma_start3A_541 = tpu.memref_slice %arg8[%dma_start3A_534, %dma_start3A_535, %dma_start3A_536, %dma_start3A_540] : memref<4x2x2x125xi32, #tpu.memory_space<vmem>> -> memref<1x1x1x61xi32, #tpu.memory_space<vmem>>
        %dma_start3A_542 = tpu.memref_squeeze %dma_start3A_541 : memref<1x1x1x61xi32, #tpu.memory_space<vmem>> -> memref<61xi32, #tpu.memory_space<vmem>>
        %dma_start3A_543 = arith.constant 0 : i32
        %dma_start3A_544 = arith.constant 0 : i32
        %dma_start3A_545 = tpu.memref_slice %arg2[%dma_start3A_543, %dma_start3A_544] : memref<10000x128xf32, #tpu.memory_space<hbm>> -> memref<10000x128xf32, #tpu.memory_space<hbm>>
        tpu.enqueue_indirect_dma source(%dma_start3A_545 : memref<10000x128xf32, #tpu.memory_space<hbm>>) target(%dma_start3A_539 : memref<61x128xf32, #tpu.memory_space<vmem>>) offsets(%dma_start3A_542 : memref<61xi32, #tpu.memory_space<vmem>>) semaphore(%arg13 : memref<!tpu.dma_semaphore, #tpu.memory_space<semaphore_mem>>)
      } else {
      }
      %mul3A_430 = arith.constant 4 : i32
      %mul3A_431 = arith.muli %scan3A_155, %mul3A_430 : i32
      %add3A_432 = arith.constant 3 : i32
      %add3A_433 = arith.addi %mul3A_431, %add3A_432 : i32
      %add3A_434 = arith.constant 1 : i32
      %add3A_435 = arith.addi %add3A_433, %add3A_434 : i32
      %lt3A_436 = arith.constant 40 : i32
      %lt3A_437 = arith.cmpi slt, %add3A_435, %lt3A_436 : i32
      %convert_element_type3A_438 = arith.extui %lt3A_437 : i1 to i32
      %cond3A_439 = arith.constant 0 : i32
      %cond3A_440 = arith.cmpi ne, %convert_element_type3A_438, %cond3A_439 : i32
      scf.if %cond3A_440 {
        %dma_wait3A_522 = arith.constant 0 : i32
        %dma_wait3A_523 = arith.constant 0 : i32
        %dma_wait3A_524 = arith.constant 0 : i32
        %dma_wait3A_525 = arith.constant 0 : i32
        %dma_wait3A_526 = tpu.memref_slice %arg8[%dma_wait3A_522, %dma_wait3A_523, %dma_wait3A_524, %dma_wait3A_525] : memref<4x2x2x125xi32, #tpu.memory_space<vmem>> -> memref<1x2x2x125xi32, #tpu.memory_space<vmem>>
        %dma_wait3A_527 = tpu.memref_squeeze %dma_wait3A_526 : memref<1x2x2x125xi32, #tpu.memory_space<vmem>> -> memref<2x2x125xi32, #tpu.memory_space<vmem>>
        %dma_wait3A_528 = arith.constant 0 : i32
        %dma_wait3A_529 = arith.constant 0 : i32
        %dma_wait3A_530 = arith.constant 0 : i32
        %dma_wait3A_531 = tpu.memref_slice %arg3[%add3A, %dma_wait3A_528, %dma_wait3A_529, %dma_wait3A_530] : memref<32x80x2x125xi32, #tpu.memory_space<hbm>> -> memref<1x2x2x125xi32, #tpu.memory_space<hbm>>
        %dma_wait3A_532 = tpu.memref_squeeze %dma_wait3A_531 : memref<1x2x2x125xi32, #tpu.memory_space<hbm>> -> memref<2x2x125xi32, #tpu.memory_space<hbm>>
        %dma_wait3A_533 = arith.constant 0 : i32
        %dma_wait3A_534 = arith.constant 0 : i32
        %dma_wait3A_535 = arith.constant 0 : i32
        %dma_wait3A_536 = tpu.memref_slice %arg8[%dma_wait3A_522, %dma_wait3A_533, %dma_wait3A_534, %dma_wait3A_535] : memref<4x2x2x125xi32, #tpu.memory_space<vmem>> -> memref<1x2x2x125xi32, #tpu.memory_space<vmem>>
        %dma_wait3A_537 = tpu.memref_squeeze %dma_wait3A_536 : memref<1x2x2x125xi32, #tpu.memory_space<vmem>> -> memref<2x2x125xi32, #tpu.memory_space<vmem>>
        %dma_wait3A_538 = arith.constant 0 : i32
        %dma_wait3A_539 = arith.constant 0 : i32
        %dma_wait3A_540 = arith.constant 0 : i32
        %dma_wait3A_541 = tpu.memref_slice %arg3[%add3A, %dma_wait3A_538, %dma_wait3A_539, %dma_wait3A_540] : memref<32x80x2x125xi32, #tpu.memory_space<hbm>> -> memref<1x2x2x125xi32, #tpu.memory_space<hbm>>
        %dma_wait3A_542 = tpu.memref_squeeze %dma_wait3A_541 : memref<1x2x2x125xi32, #tpu.memory_space<hbm>> -> memref<2x2x125xi32, #tpu.memory_space<hbm>>
        tpu.wait_dma2 semaphore(%arg14 : memref<!tpu.dma_semaphore, #tpu.memory_space<semaphore_mem>>) src(%dma_wait3A_542 : memref<2x2x125xi32, #tpu.memory_space<hbm>>) dst(%dma_wait3A_537 : memref<2x2x125xi32, #tpu.memory_space<vmem>>)
      } else {
      }
      %add3A_441 = arith.constant 3 : i32
      %add3A_442 = arith.addi %add3A_433, %add3A_441 : i32
      %lt3A_443 = arith.constant 40 : i32
      %lt3A_444 = arith.cmpi slt, %add3A_442, %lt3A_443 : i32
      %convert_element_type3A_445 = arith.extui %lt3A_444 : i1 to i32
      %cond3A_446 = arith.constant 0 : i32
      %cond3A_447 = arith.cmpi ne, %convert_element_type3A_445, %cond3A_446 : i32
      scf.if %cond3A_447 {
        %add3A_522 = arith.constant 3 : i32
        %add3A_523 = arith.addi %add3A_433, %add3A_522 : i32
        %mul3A_524 = arith.constant 2 : i32
        %mul3A_525 = arith.muli %add3A_523, %mul3A_524 : i32
        %dma_start3A_526 = arith.constant 2 : i32
        %dma_start3A_527 = arith.constant 0 : i32
        %dma_start3A_528 = arith.constant 0 : i32
        %dma_start3A_529 = arith.constant 0 : i32
        %dma_start3A_530 = tpu.memref_slice %arg8[%dma_start3A_526, %dma_start3A_527, %dma_start3A_528, %dma_start3A_529] : memref<4x2x2x125xi32, #tpu.memory_space<vmem>> -> memref<1x2x2x125xi32, #tpu.memory_space<vmem>>
        %dma_start3A_531 = tpu.memref_squeeze %dma_start3A_530 : memref<1x2x2x125xi32, #tpu.memory_space<vmem>> -> memref<2x2x125xi32, #tpu.memory_space<vmem>>
        %dma_start3A_532 = arith.constant 0 : i32
        %dma_start3A_533 = arith.constant 0 : i32
        %dma_start3A_534 = tpu.memref_slice %arg3[%add3A, %mul3A_525, %dma_start3A_532, %dma_start3A_533] : memref<32x80x2x125xi32, #tpu.memory_space<hbm>> -> memref<1x2x2x125xi32, #tpu.memory_space<hbm>>
        %dma_start3A_535 = tpu.memref_squeeze %dma_start3A_534 : memref<1x2x2x125xi32, #tpu.memory_space<hbm>> -> memref<2x2x125xi32, #tpu.memory_space<hbm>>
        %dma_start3A_536 = arith.constant 0 : i32
        %dma_start3A_537 = arith.constant 0 : i32
        %dma_start3A_538 = arith.constant 0 : i32
        %dma_start3A_539 = tpu.memref_slice %arg8[%dma_start3A_526, %dma_start3A_536, %dma_start3A_537, %dma_start3A_538] : memref<4x2x2x125xi32, #tpu.memory_space<vmem>> -> memref<1x2x2x125xi32, #tpu.memory_space<vmem>>
        %dma_start3A_540 = tpu.memref_squeeze %dma_start3A_539 : memref<1x2x2x125xi32, #tpu.memory_space<vmem>> -> memref<2x2x125xi32, #tpu.memory_space<vmem>>
        %dma_start3A_541 = arith.constant 0 : i32
        %dma_start3A_542 = arith.constant 0 : i32
        %dma_start3A_543 = tpu.memref_slice %arg3[%add3A, %mul3A_525, %dma_start3A_541, %dma_start3A_542] : memref<32x80x2x125xi32, #tpu.memory_space<hbm>> -> memref<1x2x2x125xi32, #tpu.memory_space<hbm>>
        %dma_start3A_544 = tpu.memref_squeeze %dma_start3A_543 : memref<1x2x2x125xi32, #tpu.memory_space<hbm>> -> memref<2x2x125xi32, #tpu.memory_space<hbm>>
        tpu.enqueue_dma source(%dma_start3A_544 : memref<2x2x125xi32, #tpu.memory_space<hbm>>) target(%dma_start3A_540 : memref<2x2x125xi32, #tpu.memory_space<vmem>>) target_semaphore(%arg16 : memref<!tpu.dma_semaphore, #tpu.memory_space<semaphore_mem>>)
      } else {
      }
      %dma_wait3A_448 = arith.constant 0 : i32
      %dma_wait3A_449 = arith.constant 0 : i32
      %dma_wait3A_450 = arith.constant 0 : i32
      %dma_wait3A_451 = arith.constant 0 : i32
      %dma_wait3A_452 = arith.constant 0 : i32
      %dma_wait3A_453 = tpu.memref_slice %arg9[%dma_wait3A_451, %dma_wait3A_452] : memref<125x128xf32, #tpu.memory_space<vmem>> -> memref<64x128xf32, #tpu.memory_space<vmem>>
      %dma_wait3A_454 = arith.constant 0 : i32
      %dma_wait3A_455 = tpu.memref_slice %arg8[%dma_wait3A_448, %dma_wait3A_449, %dma_wait3A_450, %dma_wait3A_454] : memref<4x2x2x125xi32, #tpu.memory_space<vmem>> -> memref<1x1x1x64xi32, #tpu.memory_space<vmem>>
      %dma_wait3A_456 = tpu.memref_squeeze %dma_wait3A_455 : memref<1x1x1x64xi32, #tpu.memory_space<vmem>> -> memref<64xi32, #tpu.memory_space<vmem>>
      %dma_wait3A_457 = arith.constant 0 : i32
      %dma_wait3A_458 = arith.constant 0 : i32
      %dma_wait3A_459 = tpu.memref_slice %arg2[%dma_wait3A_457, %dma_wait3A_458] : memref<10000x128xf32, #tpu.memory_space<hbm>> -> memref<10000x128xf32, #tpu.memory_space<hbm>>
      tpu.wait_indirect_dma semaphore(%arg12 : memref<!tpu.dma_semaphore, #tpu.memory_space<semaphore_mem>>) src(%dma_wait3A_459 : memref<10000x128xf32, #tpu.memory_space<hbm>>) dst(%dma_wait3A_453 : memref<64x128xf32, #tpu.memory_space<vmem>>)
      %dma_wait3A_460 = arith.constant 0 : i32
      %dma_wait3A_461 = arith.constant 0 : i32
      %dma_wait3A_462 = arith.constant 0 : i32
      %dma_wait3A_463 = arith.constant 64 : i32
      %dma_wait3A_464 = arith.constant 0 : i32
      %dma_wait3A_465 = tpu.memref_slice %arg9[%dma_wait3A_463, %dma_wait3A_464] : memref<125x128xf32, #tpu.memory_space<vmem>> -> memref<61x128xf32, #tpu.memory_space<vmem>>
      %dma_wait3A_466 = arith.constant 64 : i32
      %dma_wait3A_467 = tpu.memref_slice %arg8[%dma_wait3A_460, %dma_wait3A_461, %dma_wait3A_462, %dma_wait3A_466] : memref<4x2x2x125xi32, #tpu.memory_space<vmem>> -> memref<1x1x1x61xi32, #tpu.memory_space<vmem>>
      %dma_wait3A_468 = tpu.memref_squeeze %dma_wait3A_467 : memref<1x1x1x61xi32, #tpu.memory_space<vmem>> -> memref<61xi32, #tpu.memory_space<vmem>>
      %dma_wait3A_469 = arith.constant 0 : i32
      %dma_wait3A_470 = arith.constant 0 : i32
      %dma_wait3A_471 = tpu.memref_slice %arg2[%dma_wait3A_469, %dma_wait3A_470] : memref<10000x128xf32, #tpu.memory_space<hbm>> -> memref<10000x128xf32, #tpu.memory_space<hbm>>
      tpu.wait_indirect_dma semaphore(%arg12 : memref<!tpu.dma_semaphore, #tpu.memory_space<semaphore_mem>>) src(%dma_wait3A_471 : memref<10000x128xf32, #tpu.memory_space<hbm>>) dst(%dma_wait3A_465 : memref<61x128xf32, #tpu.memory_space<vmem>>)
      %run_scoped3A_472 = arith.constant 3 : i32
      %run_scoped3A_473 = arith.constant 0 : i32
      %run_scoped3A_474 = arith.constant 1 : i32
      "tpu.region"() ({
        %run_scoped3A_522 = tpu.sem_alloc : memref<!tpu.dma_semaphore, #tpu.memory_space<semaphore_mem>>
        %dma_start3A_523 = arith.constant 0 : i32
        %dma_start3A_524 = tpu.memref_slice %arg8[%run_scoped3A_472, %run_scoped3A_473, %run_scoped3A_474, %dma_start3A_523] : memref<4x2x2x125xi32, #tpu.memory_space<vmem>> -> memref<1x1x1x125xi32, #tpu.memory_space<vmem>>
        %dma_start3A_525 = tpu.memref_squeeze %dma_start3A_524 : memref<1x1x1x125xi32, #tpu.memory_space<vmem>> -> memref<125xi32, #tpu.memory_space<vmem>>
        %dma_start3A_526 = arith.constant 0 : i32
        %dma_start3A_527 = arith.constant 0 : i32
        %dma_start3A_528 = tpu.memref_slice %arg18[%dma_start3A_526, %dma_start3A_527] : memref<10000x128xf32, #tpu.memory_space<vmem_shared>> -> memref<10000x128xf32, #tpu.memory_space<vmem_shared>>
        tpu.enqueue_indirect_dma source(%arg9 : memref<125x128xf32, #tpu.memory_space<vmem>>) target(%dma_start3A_528 : memref<10000x128xf32, #tpu.memory_space<vmem_shared>>) offsets(%dma_start3A_525 : memref<125xi32, #tpu.memory_space<vmem>>) semaphore(%run_scoped3A_522 : memref<!tpu.dma_semaphore, #tpu.memory_space<semaphore_mem>>) {add = true}
        %dma_wait3A_529 = arith.constant 0 : i32
        %dma_wait3A_530 = tpu.memref_slice %arg8[%run_scoped3A_472, %run_scoped3A_473, %run_scoped3A_474, %dma_wait3A_529] : memref<4x2x2x125xi32, #tpu.memory_space<vmem>> -> memref<1x1x1x125xi32, #tpu.memory_space<vmem>>
        %dma_wait3A_531 = tpu.memref_squeeze %dma_wait3A_530 : memref<1x1x1x125xi32, #tpu.memory_space<vmem>> -> memref<125xi32, #tpu.memory_space<vmem>>
        %dma_wait3A_532 = arith.constant 0 : i32
        %dma_wait3A_533 = arith.constant 0 : i32
        %dma_wait3A_534 = tpu.memref_slice %arg18[%dma_wait3A_532, %dma_wait3A_533] : memref<10000x128xf32, #tpu.memory_space<vmem_shared>> -> memref<10000x128xf32, #tpu.memory_space<vmem_shared>>
        tpu.wait_indirect_dma semaphore(%run_scoped3A_522 : memref<!tpu.dma_semaphore, #tpu.memory_space<semaphore_mem>>) src(%arg9 : memref<125x128xf32, #tpu.memory_space<vmem>>) dst(%dma_wait3A_534 : memref<10000x128xf32, #tpu.memory_space<vmem_shared>>)
        tpu.yield
      }) : () -> ()
      %run_scoped3A_475 = arith.constant 3 : i32
      %run_scoped3A_476 = arith.constant 0 : i32
      %run_scoped3A_477 = arith.constant 1 : i32
      "tpu.region"() ({
        %run_scoped3A_522 = tpu.sem_alloc : memref<!tpu.dma_semaphore, #tpu.memory_space<semaphore_mem>>
        %dma_start3A_523 = arith.constant 0 : i32
        %dma_start3A_524 = tpu.memref_slice %arg8[%run_scoped3A_475, %run_scoped3A_476, %run_scoped3A_477, %dma_start3A_523] : memref<4x2x2x125xi32, #tpu.memory_space<vmem>> -> memref<1x1x1x125xi32, #tpu.memory_space<vmem>>
        %dma_start3A_525 = tpu.memref_squeeze %dma_start3A_524 : memref<1x1x1x125xi32, #tpu.memory_space<vmem>> -> memref<125xi32, #tpu.memory_space<vmem>>
        %dma_start3A_526 = arith.constant 0 : i32
        %dma_start3A_527 = arith.constant 0 : i32
        %dma_start3A_528 = tpu.memref_slice %arg19[%dma_start3A_526, %dma_start3A_527] : memref<10000x16xf32, #tpu.memory_space<vmem_shared>> -> memref<10000x16xf32, #tpu.memory_space<vmem_shared>>
        tpu.enqueue_indirect_dma source(%arg11 : memref<125x16xf32, #tpu.memory_space<vmem>>) target(%dma_start3A_528 : memref<10000x16xf32, #tpu.memory_space<vmem_shared>>) offsets(%dma_start3A_525 : memref<125xi32, #tpu.memory_space<vmem>>) semaphore(%run_scoped3A_522 : memref<!tpu.dma_semaphore, #tpu.memory_space<semaphore_mem>>) {add = true}
        %dma_wait3A_529 = arith.constant 0 : i32
        %dma_wait3A_530 = tpu.memref_slice %arg8[%run_scoped3A_475, %run_scoped3A_476, %run_scoped3A_477, %dma_wait3A_529] : memref<4x2x2x125xi32, #tpu.memory_space<vmem>> -> memref<1x1x1x125xi32, #tpu.memory_space<vmem>>
        %dma_wait3A_531 = tpu.memref_squeeze %dma_wait3A_530 : memref<1x1x1x125xi32, #tpu.memory_space<vmem>> -> memref<125xi32, #tpu.memory_space<vmem>>
        %dma_wait3A_532 = arith.constant 0 : i32
        %dma_wait3A_533 = arith.constant 0 : i32
        %dma_wait3A_534 = tpu.memref_slice %arg19[%dma_wait3A_532, %dma_wait3A_533] : memref<10000x16xf32, #tpu.memory_space<vmem_shared>> -> memref<10000x16xf32, #tpu.memory_space<vmem_shared>>
        tpu.wait_indirect_dma semaphore(%run_scoped3A_522 : memref<!tpu.dma_semaphore, #tpu.memory_space<semaphore_mem>>) src(%arg11 : memref<125x16xf32, #tpu.memory_space<vmem>>) dst(%dma_wait3A_534 : memref<10000x16xf32, #tpu.memory_space<vmem_shared>>)
        tpu.yield
      }) : () -> ()
      %add3A_478 = arith.constant 1 : i32
      %add3A_479 = arith.addi %add3A_433, %add3A_478 : i32
      %lt3A_480 = arith.constant 40 : i32
      %lt3A_481 = arith.cmpi slt, %add3A_479, %lt3A_480 : i32
      %convert_element_type3A_482 = arith.extui %lt3A_481 : i1 to i32
      %cond3A_483 = arith.constant 0 : i32
      %cond3A_484 = arith.cmpi ne, %convert_element_type3A_482, %cond3A_483 : i32
      scf.if %cond3A_484 {
        %dma_start3A_522 = arith.constant 0 : i32
        %dma_start3A_523 = arith.constant 0 : i32
        %dma_start3A_524 = arith.constant 0 : i32
        %dma_start3A_525 = arith.constant 0 : i32
        %dma_start3A_526 = arith.constant 0 : i32
        %dma_start3A_527 = tpu.memref_slice %arg9[%dma_start3A_525, %dma_start3A_526] : memref<125x128xf32, #tpu.memory_space<vmem>> -> memref<64x128xf32, #tpu.memory_space<vmem>>
        %dma_start3A_528 = arith.constant 0 : i32
        %dma_start3A_529 = tpu.memref_slice %arg8[%dma_start3A_522, %dma_start3A_523, %dma_start3A_524, %dma_start3A_528] : memref<4x2x2x125xi32, #tpu.memory_space<vmem>> -> memref<1x1x1x64xi32, #tpu.memory_space<vmem>>
        %dma_start3A_530 = tpu.memref_squeeze %dma_start3A_529 : memref<1x1x1x64xi32, #tpu.memory_space<vmem>> -> memref<64xi32, #tpu.memory_space<vmem>>
        %dma_start3A_531 = arith.constant 0 : i32
        %dma_start3A_532 = arith.constant 0 : i32
        %dma_start3A_533 = tpu.memref_slice %arg2[%dma_start3A_531, %dma_start3A_532] : memref<10000x128xf32, #tpu.memory_space<hbm>> -> memref<10000x128xf32, #tpu.memory_space<hbm>>
        tpu.enqueue_indirect_dma source(%dma_start3A_533 : memref<10000x128xf32, #tpu.memory_space<hbm>>) target(%dma_start3A_527 : memref<64x128xf32, #tpu.memory_space<vmem>>) offsets(%dma_start3A_530 : memref<64xi32, #tpu.memory_space<vmem>>) semaphore(%arg12 : memref<!tpu.dma_semaphore, #tpu.memory_space<semaphore_mem>>)
        %dma_start3A_534 = arith.constant 0 : i32
        %dma_start3A_535 = arith.constant 0 : i32
        %dma_start3A_536 = arith.constant 0 : i32
        %dma_start3A_537 = arith.constant 64 : i32
        %dma_start3A_538 = arith.constant 0 : i32
        %dma_start3A_539 = tpu.memref_slice %arg9[%dma_start3A_537, %dma_start3A_538] : memref<125x128xf32, #tpu.memory_space<vmem>> -> memref<61x128xf32, #tpu.memory_space<vmem>>
        %dma_start3A_540 = arith.constant 64 : i32
        %dma_start3A_541 = tpu.memref_slice %arg8[%dma_start3A_534, %dma_start3A_535, %dma_start3A_536, %dma_start3A_540] : memref<4x2x2x125xi32, #tpu.memory_space<vmem>> -> memref<1x1x1x61xi32, #tpu.memory_space<vmem>>
        %dma_start3A_542 = tpu.memref_squeeze %dma_start3A_541 : memref<1x1x1x61xi32, #tpu.memory_space<vmem>> -> memref<61xi32, #tpu.memory_space<vmem>>
        %dma_start3A_543 = arith.constant 0 : i32
        %dma_start3A_544 = arith.constant 0 : i32
        %dma_start3A_545 = tpu.memref_slice %arg2[%dma_start3A_543, %dma_start3A_544] : memref<10000x128xf32, #tpu.memory_space<hbm>> -> memref<10000x128xf32, #tpu.memory_space<hbm>>
        tpu.enqueue_indirect_dma source(%dma_start3A_545 : memref<10000x128xf32, #tpu.memory_space<hbm>>) target(%dma_start3A_539 : memref<61x128xf32, #tpu.memory_space<vmem>>) offsets(%dma_start3A_542 : memref<61xi32, #tpu.memory_space<vmem>>) semaphore(%arg12 : memref<!tpu.dma_semaphore, #tpu.memory_space<semaphore_mem>>)
      } else {
      }
      %dma_wait3A_485 = arith.constant 0 : i32
      %dma_wait3A_486 = arith.constant 0 : i32
      %dma_wait3A_487 = arith.constant 0 : i32
      %dma_wait3A_488 = arith.constant 0 : i32
      %dma_wait3A_489 = arith.constant 0 : i32
      %dma_wait3A_490 = tpu.memref_slice %arg10[%dma_wait3A_488, %dma_wait3A_489] : memref<125x128xf32, #tpu.memory_space<vmem>> -> memref<64x128xf32, #tpu.memory_space<vmem>>
      %dma_wait3A_491 = arith.constant 0 : i32
      %dma_wait3A_492 = tpu.memref_slice %arg8[%dma_wait3A_485, %dma_wait3A_486, %dma_wait3A_487, %dma_wait3A_491] : memref<4x2x2x125xi32, #tpu.memory_space<vmem>> -> memref<1x1x1x64xi32, #tpu.memory_space<vmem>>
      %dma_wait3A_493 = tpu.memref_squeeze %dma_wait3A_492 : memref<1x1x1x64xi32, #tpu.memory_space<vmem>> -> memref<64xi32, #tpu.memory_space<vmem>>
      %dma_wait3A_494 = arith.constant 0 : i32
      %dma_wait3A_495 = arith.constant 0 : i32
      %dma_wait3A_496 = tpu.memref_slice %arg2[%dma_wait3A_494, %dma_wait3A_495] : memref<10000x128xf32, #tpu.memory_space<hbm>> -> memref<10000x128xf32, #tpu.memory_space<hbm>>
      tpu.wait_indirect_dma semaphore(%arg13 : memref<!tpu.dma_semaphore, #tpu.memory_space<semaphore_mem>>) src(%dma_wait3A_496 : memref<10000x128xf32, #tpu.memory_space<hbm>>) dst(%dma_wait3A_490 : memref<64x128xf32, #tpu.memory_space<vmem>>)
      %dma_wait3A_497 = arith.constant 0 : i32
      %dma_wait3A_498 = arith.constant 0 : i32
      %dma_wait3A_499 = arith.constant 0 : i32
      %dma_wait3A_500 = arith.constant 64 : i32
      %dma_wait3A_501 = arith.constant 0 : i32
      %dma_wait3A_502 = tpu.memref_slice %arg10[%dma_wait3A_500, %dma_wait3A_501] : memref<125x128xf32, #tpu.memory_space<vmem>> -> memref<61x128xf32, #tpu.memory_space<vmem>>
      %dma_wait3A_503 = arith.constant 64 : i32
      %dma_wait3A_504 = tpu.memref_slice %arg8[%dma_wait3A_497, %dma_wait3A_498, %dma_wait3A_499, %dma_wait3A_503] : memref<4x2x2x125xi32, #tpu.memory_space<vmem>> -> memref<1x1x1x61xi32, #tpu.memory_space<vmem>>
      %dma_wait3A_505 = tpu.memref_squeeze %dma_wait3A_504 : memref<1x1x1x61xi32, #tpu.memory_space<vmem>> -> memref<61xi32, #tpu.memory_space<vmem>>
      %dma_wait3A_506 = arith.constant 0 : i32
      %dma_wait3A_507 = arith.constant 0 : i32
      %dma_wait3A_508 = tpu.memref_slice %arg2[%dma_wait3A_506, %dma_wait3A_507] : memref<10000x128xf32, #tpu.memory_space<hbm>> -> memref<10000x128xf32, #tpu.memory_space<hbm>>
      tpu.wait_indirect_dma semaphore(%arg13 : memref<!tpu.dma_semaphore, #tpu.memory_space<semaphore_mem>>) src(%dma_wait3A_508 : memref<10000x128xf32, #tpu.memory_space<hbm>>) dst(%dma_wait3A_502 : memref<61x128xf32, #tpu.memory_space<vmem>>)
      %run_scoped3A_509 = arith.constant 3 : i32
      %run_scoped3A_510 = arith.constant 1 : i32
      %run_scoped3A_511 = arith.constant 1 : i32
      "tpu.region"() ({
        %run_scoped3A_522 = tpu.sem_alloc : memref<!tpu.dma_semaphore, #tpu.memory_space<semaphore_mem>>
        %dma_start3A_523 = arith.constant 0 : i32
        %dma_start3A_524 = tpu.memref_slice %arg8[%run_scoped3A_509, %run_scoped3A_510, %run_scoped3A_511, %dma_start3A_523] : memref<4x2x2x125xi32, #tpu.memory_space<vmem>> -> memref<1x1x1x125xi32, #tpu.memory_space<vmem>>
        %dma_start3A_525 = tpu.memref_squeeze %dma_start3A_524 : memref<1x1x1x125xi32, #tpu.memory_space<vmem>> -> memref<125xi32, #tpu.memory_space<vmem>>
        %dma_start3A_526 = arith.constant 0 : i32
        %dma_start3A_527 = arith.constant 0 : i32
        %dma_start3A_528 = tpu.memref_slice %arg18[%dma_start3A_526, %dma_start3A_527] : memref<10000x128xf32, #tpu.memory_space<vmem_shared>> -> memref<10000x128xf32, #tpu.memory_space<vmem_shared>>
        tpu.enqueue_indirect_dma source(%arg10 : memref<125x128xf32, #tpu.memory_space<vmem>>) target(%dma_start3A_528 : memref<10000x128xf32, #tpu.memory_space<vmem_shared>>) offsets(%dma_start3A_525 : memref<125xi32, #tpu.memory_space<vmem>>) semaphore(%run_scoped3A_522 : memref<!tpu.dma_semaphore, #tpu.memory_space<semaphore_mem>>) {add = true}
        %dma_wait3A_529 = arith.constant 0 : i32
        %dma_wait3A_530 = tpu.memref_slice %arg8[%run_scoped3A_509, %run_scoped3A_510, %run_scoped3A_511, %dma_wait3A_529] : memref<4x2x2x125xi32, #tpu.memory_space<vmem>> -> memref<1x1x1x125xi32, #tpu.memory_space<vmem>>
        %dma_wait3A_531 = tpu.memref_squeeze %dma_wait3A_530 : memref<1x1x1x125xi32, #tpu.memory_space<vmem>> -> memref<125xi32, #tpu.memory_space<vmem>>
        %dma_wait3A_532 = arith.constant 0 : i32
        %dma_wait3A_533 = arith.constant 0 : i32
        %dma_wait3A_534 = tpu.memref_slice %arg18[%dma_wait3A_532, %dma_wait3A_533] : memref<10000x128xf32, #tpu.memory_space<vmem_shared>> -> memref<10000x128xf32, #tpu.memory_space<vmem_shared>>
        tpu.wait_indirect_dma semaphore(%run_scoped3A_522 : memref<!tpu.dma_semaphore, #tpu.memory_space<semaphore_mem>>) src(%arg10 : memref<125x128xf32, #tpu.memory_space<vmem>>) dst(%dma_wait3A_534 : memref<10000x128xf32, #tpu.memory_space<vmem_shared>>)
        tpu.yield
      }) : () -> ()
      %run_scoped3A_512 = arith.constant 3 : i32
      %run_scoped3A_513 = arith.constant 1 : i32
      %run_scoped3A_514 = arith.constant 1 : i32
      "tpu.region"() ({
        %run_scoped3A_522 = tpu.sem_alloc : memref<!tpu.dma_semaphore, #tpu.memory_space<semaphore_mem>>
        %dma_start3A_523 = arith.constant 0 : i32
        %dma_start3A_524 = tpu.memref_slice %arg8[%run_scoped3A_512, %run_scoped3A_513, %run_scoped3A_514, %dma_start3A_523] : memref<4x2x2x125xi32, #tpu.memory_space<vmem>> -> memref<1x1x1x125xi32, #tpu.memory_space<vmem>>
        %dma_start3A_525 = tpu.memref_squeeze %dma_start3A_524 : memref<1x1x1x125xi32, #tpu.memory_space<vmem>> -> memref<125xi32, #tpu.memory_space<vmem>>
        %dma_start3A_526 = arith.constant 0 : i32
        %dma_start3A_527 = arith.constant 0 : i32
        %dma_start3A_528 = tpu.memref_slice %arg19[%dma_start3A_526, %dma_start3A_527] : memref<10000x16xf32, #tpu.memory_space<vmem_shared>> -> memref<10000x16xf32, #tpu.memory_space<vmem_shared>>
        tpu.enqueue_indirect_dma source(%arg11 : memref<125x16xf32, #tpu.memory_space<vmem>>) target(%dma_start3A_528 : memref<10000x16xf32, #tpu.memory_space<vmem_shared>>) offsets(%dma_start3A_525 : memref<125xi32, #tpu.memory_space<vmem>>) semaphore(%run_scoped3A_522 : memref<!tpu.dma_semaphore, #tpu.memory_space<semaphore_mem>>) {add = true}
        %dma_wait3A_529 = arith.constant 0 : i32
        %dma_wait3A_530 = tpu.memref_slice %arg8[%run_scoped3A_512, %run_scoped3A_513, %run_scoped3A_514, %dma_wait3A_529] : memref<4x2x2x125xi32, #tpu.memory_space<vmem>> -> memref<1x1x1x125xi32, #tpu.memory_space<vmem>>
        %dma_wait3A_531 = tpu.memref_squeeze %dma_wait3A_530 : memref<1x1x1x125xi32, #tpu.memory_space<vmem>> -> memref<125xi32, #tpu.memory_space<vmem>>
        %dma_wait3A_532 = arith.constant 0 : i32
        %dma_wait3A_533 = arith.constant 0 : i32
        %dma_wait3A_534 = tpu.memref_slice %arg19[%dma_wait3A_532, %dma_wait3A_533] : memref<10000x16xf32, #tpu.memory_space<vmem_shared>> -> memref<10000x16xf32, #tpu.memory_space<vmem_shared>>
        tpu.wait_indirect_dma semaphore(%run_scoped3A_522 : memref<!tpu.dma_semaphore, #tpu.memory_space<semaphore_mem>>) src(%arg11 : memref<125x16xf32, #tpu.memory_space<vmem>>) dst(%dma_wait3A_534 : memref<10000x16xf32, #tpu.memory_space<vmem_shared>>)
        tpu.yield
      }) : () -> ()
      %add3A_515 = arith.constant 1 : i32
      %add3A_516 = arith.addi %add3A_433, %add3A_515 : i32
      %lt3A_517 = arith.constant 40 : i32
      %lt3A_518 = arith.cmpi slt, %add3A_516, %lt3A_517 : i32
      %convert_element_type3A_519 = arith.extui %lt3A_518 : i1 to i32
      %cond3A_520 = arith.constant 0 : i32
      %cond3A_521 = arith.cmpi ne, %convert_element_type3A_519, %cond3A_520 : i32
      scf.if %cond3A_521 {
        %dma_start3A_522 = arith.constant 0 : i32
        %dma_start3A_523 = arith.constant 1 : i32
        %dma_start3A_524 = arith.constant 0 : i32
        %dma_start3A_525 = arith.constant 0 : i32
        %dma_start3A_526 = arith.constant 0 : i32
        %dma_start3A_527 = tpu.memref_slice %arg10[%dma_start3A_525, %dma_start3A_526] : memref<125x128xf32, #tpu.memory_space<vmem>> -> memref<64x128xf32, #tpu.memory_space<vmem>>
        %dma_start3A_528 = arith.constant 0 : i32
        %dma_start3A_529 = tpu.memref_slice %arg8[%dma_start3A_522, %dma_start3A_523, %dma_start3A_524, %dma_start3A_528] : memref<4x2x2x125xi32, #tpu.memory_space<vmem>> -> memref<1x1x1x64xi32, #tpu.memory_space<vmem>>
        %dma_start3A_530 = tpu.memref_squeeze %dma_start3A_529 : memref<1x1x1x64xi32, #tpu.memory_space<vmem>> -> memref<64xi32, #tpu.memory_space<vmem>>
        %dma_start3A_531 = arith.constant 0 : i32
        %dma_start3A_532 = arith.constant 0 : i32
        %dma_start3A_533 = tpu.memref_slice %arg2[%dma_start3A_531, %dma_start3A_532] : memref<10000x128xf32, #tpu.memory_space<hbm>> -> memref<10000x128xf32, #tpu.memory_space<hbm>>
        tpu.enqueue_indirect_dma source(%dma_start3A_533 : memref<10000x128xf32, #tpu.memory_space<hbm>>) target(%dma_start3A_527 : memref<64x128xf32, #tpu.memory_space<vmem>>) offsets(%dma_start3A_530 : memref<64xi32, #tpu.memory_space<vmem>>) semaphore(%arg13 : memref<!tpu.dma_semaphore, #tpu.memory_space<semaphore_mem>>)
        %dma_start3A_534 = arith.constant 0 : i32
        %dma_start3A_535 = arith.constant 1 : i32
        %dma_start3A_536 = arith.constant 0 : i32
        %dma_start3A_537 = arith.constant 64 : i32
        %dma_start3A_538 = arith.constant 0 : i32
        %dma_start3A_539 = tpu.memref_slice %arg10[%dma_start3A_537, %dma_start3A_538] : memref<125x128xf32, #tpu.memory_space<vmem>> -> memref<61x128xf32, #tpu.memory_space<vmem>>
        %dma_start3A_540 = arith.constant 64 : i32
        %dma_start3A_541 = tpu.memref_slice %arg8[%dma_start3A_534, %dma_start3A_535, %dma_start3A_536, %dma_start3A_540] : memref<4x2x2x125xi32, #tpu.memory_space<vmem>> -> memref<1x1x1x61xi32, #tpu.memory_space<vmem>>
        %dma_start3A_542 = tpu.memref_squeeze %dma_start3A_541 : memref<1x1x1x61xi32, #tpu.memory_space<vmem>> -> memref<61xi32, #tpu.memory_space<vmem>>
        %dma_start3A_543 = arith.constant 0 : i32
        %dma_start3A_544 = arith.constant 0 : i32
        %dma_start3A_545 = tpu.memref_slice %arg2[%dma_start3A_543, %dma_start3A_544] : memref<10000x128xf32, #tpu.memory_space<hbm>> -> memref<10000x128xf32, #tpu.memory_space<hbm>>
        tpu.enqueue_indirect_dma source(%dma_start3A_545 : memref<10000x128xf32, #tpu.memory_space<hbm>>) target(%dma_start3A_539 : memref<61x128xf32, #tpu.memory_space<vmem>>) offsets(%dma_start3A_542 : memref<61xi32, #tpu.memory_space<vmem>>) semaphore(%arg13 : memref<!tpu.dma_semaphore, #tpu.memory_space<semaphore_mem>>)
      } else {
      }
    }
    %scan3A_145 = arith.constant 10 : i32
    %barrier3A_146 = arith.constant 0 : index
    tpu.barrier barrier_id(%barrier3A_146)
    %mul3A_147 = arith.constant 624 : i32
    %mul3A_148 = arith.muli %arg1, %mul3A_147 : i32
    %multiple_of3A_149 = tpu.assume_multiple %mul3A_148, 8 : i32
    "tpu.region"() ({
      %run_scoped3A = tpu.sem_alloc : memref<!tpu.dma_semaphore, #tpu.memory_space<semaphore_mem>>
      %dma_start3A_155 = arith.constant 0 : i32
      %dma_start3A_156 = tpu.memref_slice %arg6[%arg0, %multiple_of3A_149, %dma_start3A_155] : memref<2x10000x128xf32, #tpu.memory_space<hbm>> -> memref<1x624x128xf32, #tpu.memory_space<hbm>>
      %dma_start3A_157 = tpu.memref_squeeze %dma_start3A_156 : memref<1x624x128xf32, #tpu.memory_space<hbm>> -> memref<624x128xf32, #tpu.memory_space<hbm>>
      %dma_start3A_158 = arith.constant 0 : i32
      %dma_start3A_159 = tpu.memref_slice %arg18[%multiple_of3A_149, %dma_start3A_158] : memref<10000x128xf32, #tpu.memory_space<vmem_shared>> -> memref<624x128xf32, #tpu.memory_space<vmem_shared>>
      tpu.enqueue_dma source(%dma_start3A_159 : memref<624x128xf32, #tpu.memory_space<vmem_shared>>) target(%dma_start3A_157 : memref<624x128xf32, #tpu.memory_space<hbm>>) target_semaphore(%run_scoped3A : memref<!tpu.dma_semaphore, #tpu.memory_space<semaphore_mem>>)
      %dma_wait3A_160 = arith.constant 0 : i32
      %dma_wait3A_161 = tpu.memref_slice %arg6[%arg0, %multiple_of3A_149, %dma_wait3A_160] : memref<2x10000x128xf32, #tpu.memory_space<hbm>> -> memref<1x624x128xf32, #tpu.memory_space<hbm>>
      %dma_wait3A_162 = tpu.memref_squeeze %dma_wait3A_161 : memref<1x624x128xf32, #tpu.memory_space<hbm>> -> memref<624x128xf32, #tpu.memory_space<hbm>>
      %dma_wait3A_163 = arith.constant 0 : i32
      %dma_wait3A_164 = tpu.memref_slice %arg18[%multiple_of3A_149, %dma_wait3A_163] : memref<10000x128xf32, #tpu.memory_space<vmem_shared>> -> memref<624x128xf32, #tpu.memory_space<vmem_shared>>
      tpu.wait_dma2 semaphore(%run_scoped3A : memref<!tpu.dma_semaphore, #tpu.memory_space<semaphore_mem>>) src(%dma_wait3A_164 : memref<624x128xf32, #tpu.memory_space<vmem_shared>>) dst(%dma_wait3A_162 : memref<624x128xf32, #tpu.memory_space<hbm>>)
      tpu.yield
    }) : () -> ()
    "tpu.region"() ({
      %run_scoped3A = tpu.sem_alloc : memref<!tpu.dma_semaphore, #tpu.memory_space<semaphore_mem>>
      %dma_start3A_155 = arith.constant 0 : i32
      %dma_start3A_156 = tpu.memref_slice %arg7[%arg0, %multiple_of3A_149, %dma_start3A_155] : memref<2x10000x16xf32, #tpu.memory_space<hbm>> -> memref<1x624x16xf32, #tpu.memory_space<hbm>>
      %dma_start3A_157 = tpu.memref_squeeze %dma_start3A_156 : memref<1x624x16xf32, #tpu.memory_space<hbm>> -> memref<624x16xf32, #tpu.memory_space<hbm>>
      %dma_start3A_158 = arith.constant 0 : i32
      %dma_start3A_159 = tpu.memref_slice %arg19[%multiple_of3A_149, %dma_start3A_158] : memref<10000x16xf32, #tpu.memory_space<vmem_shared>> -> memref<624x16xf32, #tpu.memory_space<vmem_shared>>
      tpu.enqueue_dma source(%dma_start3A_159 : memref<624x16xf32, #tpu.memory_space<vmem_shared>>) target(%dma_start3A_157 : memref<624x16xf32, #tpu.memory_space<hbm>>) target_semaphore(%run_scoped3A : memref<!tpu.dma_semaphore, #tpu.memory_space<semaphore_mem>>)
      %dma_wait3A_160 = arith.constant 0 : i32
      %dma_wait3A_161 = tpu.memref_slice %arg7[%arg0, %multiple_of3A_149, %dma_wait3A_160] : memref<2x10000x16xf32, #tpu.memory_space<hbm>> -> memref<1x624x16xf32, #tpu.memory_space<hbm>>
      %dma_wait3A_162 = tpu.memref_squeeze %dma_wait3A_161 : memref<1x624x16xf32, #tpu.memory_space<hbm>> -> memref<624x16xf32, #tpu.memory_space<hbm>>
      %dma_wait3A_163 = arith.constant 0 : i32
      %dma_wait3A_164 = tpu.memref_slice %arg19[%multiple_of3A_149, %dma_wait3A_163] : memref<10000x16xf32, #tpu.memory_space<vmem_shared>> -> memref<624x16xf32, #tpu.memory_space<vmem_shared>>
      tpu.wait_dma2 semaphore(%run_scoped3A : memref<!tpu.dma_semaphore, #tpu.memory_space<semaphore_mem>>) src(%dma_wait3A_164 : memref<624x16xf32, #tpu.memory_space<vmem_shared>>) dst(%dma_wait3A_162 : memref<624x16xf32, #tpu.memory_space<hbm>>)
      tpu.yield
    }) : () -> ()
    %eq3A_150 = arith.constant 15 : i32
    %eq3A_151 = arith.cmpi eq, %arg1, %eq3A_150 : i32
    %convert_element_type3A_152 = arith.extui %eq3A_151 : i1 to i32
    %cond3A_153 = arith.constant 0 : i32
    %cond3A_154 = arith.cmpi ne, %convert_element_type3A_152, %cond3A_153 : i32
    scf.if %cond3A_154 {
      "tpu.region"() ({
        %run_scoped3A = tpu.sem_alloc : memref<!tpu.dma_semaphore, #tpu.memory_space<semaphore_mem>>
        %dma_start3A_155 = arith.constant 9984 : i32
        %dma_start3A_156 = arith.constant 0 : i32
        %dma_start3A_157 = tpu.memref_slice %arg6[%arg0, %dma_start3A_155, %dma_start3A_156] : memref<2x10000x128xf32, #tpu.memory_space<hbm>> -> memref<1x16x128xf32, #tpu.memory_space<hbm>>
        %dma_start3A_158 = tpu.memref_squeeze %dma_start3A_157 : memref<1x16x128xf32, #tpu.memory_space<hbm>> -> memref<16x128xf32, #tpu.memory_space<hbm>>
        %dma_start3A_159 = arith.constant 9984 : i32
        %dma_start3A_160 = arith.constant 0 : i32
        %dma_start3A_161 = tpu.memref_slice %arg18[%dma_start3A_159, %dma_start3A_160] : memref<10000x128xf32, #tpu.memory_space<vmem_shared>> -> memref<16x128xf32, #tpu.memory_space<vmem_shared>>
        tpu.enqueue_dma source(%dma_start3A_161 : memref<16x128xf32, #tpu.memory_space<vmem_shared>>) target(%dma_start3A_158 : memref<16x128xf32, #tpu.memory_space<hbm>>) target_semaphore(%run_scoped3A : memref<!tpu.dma_semaphore, #tpu.memory_space<semaphore_mem>>)
        %dma_wait3A_162 = arith.constant 9984 : i32
        %dma_wait3A_163 = arith.constant 0 : i32
        %dma_wait3A_164 = tpu.memref_slice %arg6[%arg0, %dma_wait3A_162, %dma_wait3A_163] : memref<2x10000x128xf32, #tpu.memory_space<hbm>> -> memref<1x16x128xf32, #tpu.memory_space<hbm>>
        %dma_wait3A_165 = tpu.memref_squeeze %dma_wait3A_164 : memref<1x16x128xf32, #tpu.memory_space<hbm>> -> memref<16x128xf32, #tpu.memory_space<hbm>>
        %dma_wait3A_166 = arith.constant 9984 : i32
        %dma_wait3A_167 = arith.constant 0 : i32
        %dma_wait3A_168 = tpu.memref_slice %arg18[%dma_wait3A_166, %dma_wait3A_167] : memref<10000x128xf32, #tpu.memory_space<vmem_shared>> -> memref<16x128xf32, #tpu.memory_space<vmem_shared>>
        tpu.wait_dma2 semaphore(%run_scoped3A : memref<!tpu.dma_semaphore, #tpu.memory_space<semaphore_mem>>) src(%dma_wait3A_168 : memref<16x128xf32, #tpu.memory_space<vmem_shared>>) dst(%dma_wait3A_165 : memref<16x128xf32, #tpu.memory_space<hbm>>)
        tpu.yield
      }) : () -> ()
      "tpu.region"() ({
        %run_scoped3A = tpu.sem_alloc : memref<!tpu.dma_semaphore, #tpu.memory_space<semaphore_mem>>
        %dma_start3A_155 = arith.constant 9984 : i32
        %dma_start3A_156 = arith.constant 0 : i32
        %dma_start3A_157 = tpu.memref_slice %arg7[%arg0, %dma_start3A_155, %dma_start3A_156] : memref<2x10000x16xf32, #tpu.memory_space<hbm>> -> memref<1x16x16xf32, #tpu.memory_space<hbm>>
        %dma_start3A_158 = tpu.memref_squeeze %dma_start3A_157 : memref<1x16x16xf32, #tpu.memory_space<hbm>> -> memref<16x16xf32, #tpu.memory_space<hbm>>
        %dma_start3A_159 = arith.constant 9984 : i32
        %dma_start3A_160 = arith.constant 0 : i32
        %dma_start3A_161 = tpu.memref_slice %arg19[%dma_start3A_159, %dma_start3A_160] : memref<10000x16xf32, #tpu.memory_space<vmem_shared>> -> memref<16x16xf32, #tpu.memory_space<vmem_shared>>
        tpu.enqueue_dma source(%dma_start3A_161 : memref<16x16xf32, #tpu.memory_space<vmem_shared>>) target(%dma_start3A_158 : memref<16x16xf32, #tpu.memory_space<hbm>>) target_semaphore(%run_scoped3A : memref<!tpu.dma_semaphore, #tpu.memory_space<semaphore_mem>>)
        %dma_wait3A_162 = arith.constant 9984 : i32
        %dma_wait3A_163 = arith.constant 0 : i32
        %dma_wait3A_164 = tpu.memref_slice %arg7[%arg0, %dma_wait3A_162, %dma_wait3A_163] : memref<2x10000x16xf32, #tpu.memory_space<hbm>> -> memref<1x16x16xf32, #tpu.memory_space<hbm>>
        %dma_wait3A_165 = tpu.memref_squeeze %dma_wait3A_164 : memref<1x16x16xf32, #tpu.memory_space<hbm>> -> memref<16x16xf32, #tpu.memory_space<hbm>>
        %dma_wait3A_166 = arith.constant 9984 : i32
        %dma_wait3A_167 = arith.constant 0 : i32
        %dma_wait3A_168 = tpu.memref_slice %arg19[%dma_wait3A_166, %dma_wait3A_167] : memref<10000x16xf32, #tpu.memory_space<vmem_shared>> -> memref<16x16xf32, #tpu.memory_space<vmem_shared>>
        tpu.wait_dma2 semaphore(%run_scoped3A : memref<!tpu.dma_semaphore, #tpu.memory_space<semaphore_mem>>) src(%dma_wait3A_168 : memref<16x16xf32, #tpu.memory_space<vmem_shared>>) dst(%dma_wait3A_165 : memref<16x16xf32, #tpu.memory_space<hbm>>)
        tpu.yield
      }) : () -> ()
    } else {
    }
    return
  }
}

#map = affine_map<(d0, d1) -> (0, 0)>
#map1 = affine_map<(d0, d1) -> (0, 0, 0, 0)>
#map2 = affine_map<(d0, d1) -> (0, 0, 0)>
module attributes {stable_mosaic.version = 14 : i64} {
  func.func @_agg_body(%arg0: i32, %arg1: i32, %arg2: memref<10000x128xf32, #tpu.memory_space<hbm>>, %arg3: memref<32x80x2x125xi32, #tpu.memory_space<hbm>>, %arg4: memref<10000x128xf32, #tpu.memory_space<hbm>>, %arg5: memref<2x10000x128xf32, #tpu.memory_space<hbm>>, %arg6: memref<4x2x2x125xi32, #tpu.memory_space<vmem>>, %arg7: memref<125x128xf32, #tpu.memory_space<vmem>>, %arg8: memref<125x128xf32, #tpu.memory_space<vmem>>, %arg9: memref<!tpu.dma_semaphore, #tpu.memory_space<semaphore_mem>>, %arg10: memref<!tpu.dma_semaphore, #tpu.memory_space<semaphore_mem>>, %arg11: memref<!tpu.dma_semaphore, #tpu.memory_space<semaphore_mem>>, %arg12: memref<!tpu.dma_semaphore, #tpu.memory_space<semaphore_mem>>, %arg13: memref<!tpu.dma_semaphore, #tpu.memory_space<semaphore_mem>>, %arg14: memref<!tpu.dma_semaphore, #tpu.memory_space<semaphore_mem>>, %arg15: memref<10000x128xf32, #tpu.memory_space<vmem_shared>>) attributes {dimension_semantics = [#tpu.dimension_semantics<core_parallel>, #tpu.dimension_semantics<subcore_parallel>], iteration_bounds = array<i64: 2, 16>, scalar_prefetch = 0 : i64, scratch_operands = 10 : i64, tpu.core_type = #tpu.core_type<sc_vector_subcore>, window_params = [{transform_indices = #map}, {transform_indices = #map1}, {transform_indices = #map}, {transform_indices = #map2}]} {
    %mul3A = arith.constant 16 : i32
    %mul3A_0 = arith.muli %arg0, %mul3A : i32
    %add3A = arith.addi %mul3A_0, %arg1 : i32
    %mul3A_1 = arith.constant 624 : i32
    %mul3A_2 = arith.muli %arg1, %mul3A_1 : i32
    %multiple_of3A = tpu.assume_multiple %mul3A_2, 8 : i32
    "tpu.region"() ({
      %run_scoped3A = tpu.sem_alloc : memref<!tpu.dma_semaphore, #tpu.memory_space<semaphore_mem>>
      %dma_start3A_149 = arith.constant 0 : i32
      %dma_start3A_150 = tpu.memref_slice %arg15[%multiple_of3A, %dma_start3A_149] : memref<10000x128xf32, #tpu.memory_space<vmem_shared>> -> memref<624x128xf32, #tpu.memory_space<vmem_shared>>
      %dma_start3A_151 = arith.constant 0 : i32
      %dma_start3A_152 = tpu.memref_slice %arg4[%multiple_of3A, %dma_start3A_151] : memref<10000x128xf32, #tpu.memory_space<hbm>> -> memref<624x128xf32, #tpu.memory_space<hbm>>
      tpu.enqueue_dma source(%dma_start3A_152 : memref<624x128xf32, #tpu.memory_space<hbm>>) target(%dma_start3A_150 : memref<624x128xf32, #tpu.memory_space<vmem_shared>>) target_semaphore(%run_scoped3A : memref<!tpu.dma_semaphore, #tpu.memory_space<semaphore_mem>>)
      %dma_wait3A_153 = arith.constant 0 : i32
      %dma_wait3A_154 = tpu.memref_slice %arg15[%multiple_of3A, %dma_wait3A_153] : memref<10000x128xf32, #tpu.memory_space<vmem_shared>> -> memref<624x128xf32, #tpu.memory_space<vmem_shared>>
      %dma_wait3A_155 = arith.constant 0 : i32
      %dma_wait3A_156 = tpu.memref_slice %arg4[%multiple_of3A, %dma_wait3A_155] : memref<10000x128xf32, #tpu.memory_space<hbm>> -> memref<624x128xf32, #tpu.memory_space<hbm>>
      tpu.wait_dma2 semaphore(%run_scoped3A : memref<!tpu.dma_semaphore, #tpu.memory_space<semaphore_mem>>) src(%dma_wait3A_156 : memref<624x128xf32, #tpu.memory_space<hbm>>) dst(%dma_wait3A_154 : memref<624x128xf32, #tpu.memory_space<vmem_shared>>)
      tpu.yield
    }) : () -> ()
    %eq3A = arith.constant 15 : i32
    %eq3A_3 = arith.cmpi eq, %arg1, %eq3A : i32
    %convert_element_type3A = arith.extui %eq3A_3 : i1 to i32
    %cond3A = arith.constant 0 : i32
    %cond3A_4 = arith.cmpi ne, %convert_element_type3A, %cond3A : i32
    scf.if %cond3A_4 {
      "tpu.region"() ({
        %run_scoped3A = tpu.sem_alloc : memref<!tpu.dma_semaphore, #tpu.memory_space<semaphore_mem>>
        %dma_start3A_149 = arith.constant 9984 : i32
        %dma_start3A_150 = arith.constant 0 : i32
        %dma_start3A_151 = tpu.memref_slice %arg15[%dma_start3A_149, %dma_start3A_150] : memref<10000x128xf32, #tpu.memory_space<vmem_shared>> -> memref<16x128xf32, #tpu.memory_space<vmem_shared>>
        %dma_start3A_152 = arith.constant 9984 : i32
        %dma_start3A_153 = arith.constant 0 : i32
        %dma_start3A_154 = tpu.memref_slice %arg4[%dma_start3A_152, %dma_start3A_153] : memref<10000x128xf32, #tpu.memory_space<hbm>> -> memref<16x128xf32, #tpu.memory_space<hbm>>
        tpu.enqueue_dma source(%dma_start3A_154 : memref<16x128xf32, #tpu.memory_space<hbm>>) target(%dma_start3A_151 : memref<16x128xf32, #tpu.memory_space<vmem_shared>>) target_semaphore(%run_scoped3A : memref<!tpu.dma_semaphore, #tpu.memory_space<semaphore_mem>>)
        %dma_wait3A_155 = arith.constant 9984 : i32
        %dma_wait3A_156 = arith.constant 0 : i32
        %dma_wait3A_157 = tpu.memref_slice %arg15[%dma_wait3A_155, %dma_wait3A_156] : memref<10000x128xf32, #tpu.memory_space<vmem_shared>> -> memref<16x128xf32, #tpu.memory_space<vmem_shared>>
        %dma_wait3A_158 = arith.constant 9984 : i32
        %dma_wait3A_159 = arith.constant 0 : i32
        %dma_wait3A_160 = tpu.memref_slice %arg4[%dma_wait3A_158, %dma_wait3A_159] : memref<10000x128xf32, #tpu.memory_space<hbm>> -> memref<16x128xf32, #tpu.memory_space<hbm>>
        tpu.wait_dma2 semaphore(%run_scoped3A : memref<!tpu.dma_semaphore, #tpu.memory_space<semaphore_mem>>) src(%dma_wait3A_160 : memref<16x128xf32, #tpu.memory_space<hbm>>) dst(%dma_wait3A_157 : memref<16x128xf32, #tpu.memory_space<vmem_shared>>)
        tpu.yield
      }) : () -> ()
    } else {
    }
    %dma_start3A = arith.constant 0 : i32
    %dma_start3A_5 = arith.constant 0 : i32
    %dma_start3A_6 = arith.constant 0 : i32
    %dma_start3A_7 = arith.constant 0 : i32
    %dma_start3A_8 = tpu.memref_slice %arg6[%dma_start3A, %dma_start3A_5, %dma_start3A_6, %dma_start3A_7] : memref<4x2x2x125xi32, #tpu.memory_space<vmem>> -> memref<1x2x2x125xi32, #tpu.memory_space<vmem>>
    %dma_start3A_9 = tpu.memref_squeeze %dma_start3A_8 : memref<1x2x2x125xi32, #tpu.memory_space<vmem>> -> memref<2x2x125xi32, #tpu.memory_space<vmem>>
    %dma_start3A_10 = arith.constant 0 : i32
    %dma_start3A_11 = arith.constant 0 : i32
    %dma_start3A_12 = arith.constant 0 : i32
    %dma_start3A_13 = tpu.memref_slice %arg3[%add3A, %dma_start3A_10, %dma_start3A_11, %dma_start3A_12] : memref<32x80x2x125xi32, #tpu.memory_space<hbm>> -> memref<1x2x2x125xi32, #tpu.memory_space<hbm>>
    %dma_start3A_14 = tpu.memref_squeeze %dma_start3A_13 : memref<1x2x2x125xi32, #tpu.memory_space<hbm>> -> memref<2x2x125xi32, #tpu.memory_space<hbm>>
    %dma_start3A_15 = arith.constant 0 : i32
    %dma_start3A_16 = arith.constant 0 : i32
    %dma_start3A_17 = arith.constant 0 : i32
    %dma_start3A_18 = tpu.memref_slice %arg6[%dma_start3A, %dma_start3A_15, %dma_start3A_16, %dma_start3A_17] : memref<4x2x2x125xi32, #tpu.memory_space<vmem>> -> memref<1x2x2x125xi32, #tpu.memory_space<vmem>>
    %dma_start3A_19 = tpu.memref_squeeze %dma_start3A_18 : memref<1x2x2x125xi32, #tpu.memory_space<vmem>> -> memref<2x2x125xi32, #tpu.memory_space<vmem>>
    %dma_start3A_20 = arith.constant 0 : i32
    %dma_start3A_21 = arith.constant 0 : i32
    %dma_start3A_22 = arith.constant 0 : i32
    %dma_start3A_23 = tpu.memref_slice %arg3[%add3A, %dma_start3A_20, %dma_start3A_21, %dma_start3A_22] : memref<32x80x2x125xi32, #tpu.memory_space<hbm>> -> memref<1x2x2x125xi32, #tpu.memory_space<hbm>>
    %dma_start3A_24 = tpu.memref_squeeze %dma_start3A_23 : memref<1x2x2x125xi32, #tpu.memory_space<hbm>> -> memref<2x2x125xi32, #tpu.memory_space<hbm>>
    tpu.enqueue_dma source(%dma_start3A_24 : memref<2x2x125xi32, #tpu.memory_space<hbm>>) target(%dma_start3A_19 : memref<2x2x125xi32, #tpu.memory_space<vmem>>) target_semaphore(%arg11 : memref<!tpu.dma_semaphore, #tpu.memory_space<semaphore_mem>>)
    %dma_start3A_25 = arith.constant 1 : i32
    %dma_start3A_26 = arith.constant 0 : i32
    %dma_start3A_27 = arith.constant 0 : i32
    %dma_start3A_28 = arith.constant 0 : i32
    %dma_start3A_29 = tpu.memref_slice %arg6[%dma_start3A_25, %dma_start3A_26, %dma_start3A_27, %dma_start3A_28] : memref<4x2x2x125xi32, #tpu.memory_space<vmem>> -> memref<1x2x2x125xi32, #tpu.memory_space<vmem>>
    %dma_start3A_30 = tpu.memref_squeeze %dma_start3A_29 : memref<1x2x2x125xi32, #tpu.memory_space<vmem>> -> memref<2x2x125xi32, #tpu.memory_space<vmem>>
    %dma_start3A_31 = arith.constant 2 : i32
    %dma_start3A_32 = arith.constant 0 : i32
    %dma_start3A_33 = arith.constant 0 : i32
    %dma_start3A_34 = tpu.memref_slice %arg3[%add3A, %dma_start3A_31, %dma_start3A_32, %dma_start3A_33] : memref<32x80x2x125xi32, #tpu.memory_space<hbm>> -> memref<1x2x2x125xi32, #tpu.memory_space<hbm>>
    %dma_start3A_35 = tpu.memref_squeeze %dma_start3A_34 : memref<1x2x2x125xi32, #tpu.memory_space<hbm>> -> memref<2x2x125xi32, #tpu.memory_space<hbm>>
    %dma_start3A_36 = arith.constant 0 : i32
    %dma_start3A_37 = arith.constant 0 : i32
    %dma_start3A_38 = arith.constant 0 : i32
    %dma_start3A_39 = tpu.memref_slice %arg6[%dma_start3A_25, %dma_start3A_36, %dma_start3A_37, %dma_start3A_38] : memref<4x2x2x125xi32, #tpu.memory_space<vmem>> -> memref<1x2x2x125xi32, #tpu.memory_space<vmem>>
    %dma_start3A_40 = tpu.memref_squeeze %dma_start3A_39 : memref<1x2x2x125xi32, #tpu.memory_space<vmem>> -> memref<2x2x125xi32, #tpu.memory_space<vmem>>
    %dma_start3A_41 = arith.constant 2 : i32
    %dma_start3A_42 = arith.constant 0 : i32
    %dma_start3A_43 = arith.constant 0 : i32
    %dma_start3A_44 = tpu.memref_slice %arg3[%add3A, %dma_start3A_41, %dma_start3A_42, %dma_start3A_43] : memref<32x80x2x125xi32, #tpu.memory_space<hbm>> -> memref<1x2x2x125xi32, #tpu.memory_space<hbm>>
    %dma_start3A_45 = tpu.memref_squeeze %dma_start3A_44 : memref<1x2x2x125xi32, #tpu.memory_space<hbm>> -> memref<2x2x125xi32, #tpu.memory_space<hbm>>
    tpu.enqueue_dma source(%dma_start3A_45 : memref<2x2x125xi32, #tpu.memory_space<hbm>>) target(%dma_start3A_40 : memref<2x2x125xi32, #tpu.memory_space<vmem>>) target_semaphore(%arg12 : memref<!tpu.dma_semaphore, #tpu.memory_space<semaphore_mem>>)
    %dma_start3A_46 = arith.constant 2 : i32
    %dma_start3A_47 = arith.constant 0 : i32
    %dma_start3A_48 = arith.constant 0 : i32
    %dma_start3A_49 = arith.constant 0 : i32
    %dma_start3A_50 = tpu.memref_slice %arg6[%dma_start3A_46, %dma_start3A_47, %dma_start3A_48, %dma_start3A_49] : memref<4x2x2x125xi32, #tpu.memory_space<vmem>> -> memref<1x2x2x125xi32, #tpu.memory_space<vmem>>
    %dma_start3A_51 = tpu.memref_squeeze %dma_start3A_50 : memref<1x2x2x125xi32, #tpu.memory_space<vmem>> -> memref<2x2x125xi32, #tpu.memory_space<vmem>>
    %dma_start3A_52 = arith.constant 4 : i32
    %dma_start3A_53 = arith.constant 0 : i32
    %dma_start3A_54 = arith.constant 0 : i32
    %dma_start3A_55 = tpu.memref_slice %arg3[%add3A, %dma_start3A_52, %dma_start3A_53, %dma_start3A_54] : memref<32x80x2x125xi32, #tpu.memory_space<hbm>> -> memref<1x2x2x125xi32, #tpu.memory_space<hbm>>
    %dma_start3A_56 = tpu.memref_squeeze %dma_start3A_55 : memref<1x2x2x125xi32, #tpu.memory_space<hbm>> -> memref<2x2x125xi32, #tpu.memory_space<hbm>>
    %dma_start3A_57 = arith.constant 0 : i32
    %dma_start3A_58 = arith.constant 0 : i32
    %dma_start3A_59 = arith.constant 0 : i32
    %dma_start3A_60 = tpu.memref_slice %arg6[%dma_start3A_46, %dma_start3A_57, %dma_start3A_58, %dma_start3A_59] : memref<4x2x2x125xi32, #tpu.memory_space<vmem>> -> memref<1x2x2x125xi32, #tpu.memory_space<vmem>>
    %dma_start3A_61 = tpu.memref_squeeze %dma_start3A_60 : memref<1x2x2x125xi32, #tpu.memory_space<vmem>> -> memref<2x2x125xi32, #tpu.memory_space<vmem>>
    %dma_start3A_62 = arith.constant 4 : i32
    %dma_start3A_63 = arith.constant 0 : i32
    %dma_start3A_64 = arith.constant 0 : i32
    %dma_start3A_65 = tpu.memref_slice %arg3[%add3A, %dma_start3A_62, %dma_start3A_63, %dma_start3A_64] : memref<32x80x2x125xi32, #tpu.memory_space<hbm>> -> memref<1x2x2x125xi32, #tpu.memory_space<hbm>>
    %dma_start3A_66 = tpu.memref_squeeze %dma_start3A_65 : memref<1x2x2x125xi32, #tpu.memory_space<hbm>> -> memref<2x2x125xi32, #tpu.memory_space<hbm>>
    tpu.enqueue_dma source(%dma_start3A_66 : memref<2x2x125xi32, #tpu.memory_space<hbm>>) target(%dma_start3A_61 : memref<2x2x125xi32, #tpu.memory_space<vmem>>) target_semaphore(%arg13 : memref<!tpu.dma_semaphore, #tpu.memory_space<semaphore_mem>>)
    %dma_wait3A = arith.constant 0 : i32
    %dma_wait3A_67 = arith.constant 0 : i32
    %dma_wait3A_68 = arith.constant 0 : i32
    %dma_wait3A_69 = arith.constant 0 : i32
    %dma_wait3A_70 = tpu.memref_slice %arg6[%dma_wait3A, %dma_wait3A_67, %dma_wait3A_68, %dma_wait3A_69] : memref<4x2x2x125xi32, #tpu.memory_space<vmem>> -> memref<1x2x2x125xi32, #tpu.memory_space<vmem>>
    %dma_wait3A_71 = tpu.memref_squeeze %dma_wait3A_70 : memref<1x2x2x125xi32, #tpu.memory_space<vmem>> -> memref<2x2x125xi32, #tpu.memory_space<vmem>>
    %dma_wait3A_72 = arith.constant 0 : i32
    %dma_wait3A_73 = arith.constant 0 : i32
    %dma_wait3A_74 = arith.constant 0 : i32
    %dma_wait3A_75 = tpu.memref_slice %arg3[%add3A, %dma_wait3A_72, %dma_wait3A_73, %dma_wait3A_74] : memref<32x80x2x125xi32, #tpu.memory_space<hbm>> -> memref<1x2x2x125xi32, #tpu.memory_space<hbm>>
    %dma_wait3A_76 = tpu.memref_squeeze %dma_wait3A_75 : memref<1x2x2x125xi32, #tpu.memory_space<hbm>> -> memref<2x2x125xi32, #tpu.memory_space<hbm>>
    %dma_wait3A_77 = arith.constant 0 : i32
    %dma_wait3A_78 = arith.constant 0 : i32
    %dma_wait3A_79 = arith.constant 0 : i32
    %dma_wait3A_80 = tpu.memref_slice %arg6[%dma_wait3A, %dma_wait3A_77, %dma_wait3A_78, %dma_wait3A_79] : memref<4x2x2x125xi32, #tpu.memory_space<vmem>> -> memref<1x2x2x125xi32, #tpu.memory_space<vmem>>
    %dma_wait3A_81 = tpu.memref_squeeze %dma_wait3A_80 : memref<1x2x2x125xi32, #tpu.memory_space<vmem>> -> memref<2x2x125xi32, #tpu.memory_space<vmem>>
    %dma_wait3A_82 = arith.constant 0 : i32
    %dma_wait3A_83 = arith.constant 0 : i32
    %dma_wait3A_84 = arith.constant 0 : i32
    %dma_wait3A_85 = tpu.memref_slice %arg3[%add3A, %dma_wait3A_82, %dma_wait3A_83, %dma_wait3A_84] : memref<32x80x2x125xi32, #tpu.memory_space<hbm>> -> memref<1x2x2x125xi32, #tpu.memory_space<hbm>>
    %dma_wait3A_86 = tpu.memref_squeeze %dma_wait3A_85 : memref<1x2x2x125xi32, #tpu.memory_space<hbm>> -> memref<2x2x125xi32, #tpu.memory_space<hbm>>
    tpu.wait_dma2 semaphore(%arg11 : memref<!tpu.dma_semaphore, #tpu.memory_space<semaphore_mem>>) src(%dma_wait3A_86 : memref<2x2x125xi32, #tpu.memory_space<hbm>>) dst(%dma_wait3A_81 : memref<2x2x125xi32, #tpu.memory_space<vmem>>)
    %dma_start3A_87 = arith.constant 0 : i32
    %dma_start3A_88 = arith.constant 0 : i32
    %dma_start3A_89 = arith.constant 0 : i32
    %dma_start3A_90 = arith.constant 0 : i32
    %dma_start3A_91 = arith.constant 0 : i32
    %dma_start3A_92 = tpu.memref_slice %arg7[%dma_start3A_90, %dma_start3A_91] : memref<125x128xf32, #tpu.memory_space<vmem>> -> memref<64x128xf32, #tpu.memory_space<vmem>>
    %dma_start3A_93 = arith.constant 0 : i32
    %dma_start3A_94 = tpu.memref_slice %arg6[%dma_start3A_87, %dma_start3A_88, %dma_start3A_89, %dma_start3A_93] : memref<4x2x2x125xi32, #tpu.memory_space<vmem>> -> memref<1x1x1x64xi32, #tpu.memory_space<vmem>>
    %dma_start3A_95 = tpu.memref_squeeze %dma_start3A_94 : memref<1x1x1x64xi32, #tpu.memory_space<vmem>> -> memref<64xi32, #tpu.memory_space<vmem>>
    %dma_start3A_96 = arith.constant 0 : i32
    %dma_start3A_97 = arith.constant 0 : i32
    %dma_start3A_98 = tpu.memref_slice %arg2[%dma_start3A_96, %dma_start3A_97] : memref<10000x128xf32, #tpu.memory_space<hbm>> -> memref<10000x128xf32, #tpu.memory_space<hbm>>
    tpu.enqueue_indirect_dma source(%dma_start3A_98 : memref<10000x128xf32, #tpu.memory_space<hbm>>) target(%dma_start3A_92 : memref<64x128xf32, #tpu.memory_space<vmem>>) offsets(%dma_start3A_95 : memref<64xi32, #tpu.memory_space<vmem>>) semaphore(%arg9 : memref<!tpu.dma_semaphore, #tpu.memory_space<semaphore_mem>>)
    %dma_start3A_99 = arith.constant 0 : i32
    %dma_start3A_100 = arith.constant 0 : i32
    %dma_start3A_101 = arith.constant 0 : i32
    %dma_start3A_102 = arith.constant 64 : i32
    %dma_start3A_103 = arith.constant 0 : i32
    %dma_start3A_104 = tpu.memref_slice %arg7[%dma_start3A_102, %dma_start3A_103] : memref<125x128xf32, #tpu.memory_space<vmem>> -> memref<61x128xf32, #tpu.memory_space<vmem>>
    %dma_start3A_105 = arith.constant 64 : i32
    %dma_start3A_106 = tpu.memref_slice %arg6[%dma_start3A_99, %dma_start3A_100, %dma_start3A_101, %dma_start3A_105] : memref<4x2x2x125xi32, #tpu.memory_space<vmem>> -> memref<1x1x1x61xi32, #tpu.memory_space<vmem>>
    %dma_start3A_107 = tpu.memref_squeeze %dma_start3A_106 : memref<1x1x1x61xi32, #tpu.memory_space<vmem>> -> memref<61xi32, #tpu.memory_space<vmem>>
    %dma_start3A_108 = arith.constant 0 : i32
    %dma_start3A_109 = arith.constant 0 : i32
    %dma_start3A_110 = tpu.memref_slice %arg2[%dma_start3A_108, %dma_start3A_109] : memref<10000x128xf32, #tpu.memory_space<hbm>> -> memref<10000x128xf32, #tpu.memory_space<hbm>>
    tpu.enqueue_indirect_dma source(%dma_start3A_110 : memref<10000x128xf32, #tpu.memory_space<hbm>>) target(%dma_start3A_104 : memref<61x128xf32, #tpu.memory_space<vmem>>) offsets(%dma_start3A_107 : memref<61xi32, #tpu.memory_space<vmem>>) semaphore(%arg9 : memref<!tpu.dma_semaphore, #tpu.memory_space<semaphore_mem>>)
    %dma_start3A_111 = arith.constant 0 : i32
    %dma_start3A_112 = arith.constant 1 : i32
    %dma_start3A_113 = arith.constant 0 : i32
    %dma_start3A_114 = arith.constant 0 : i32
    %dma_start3A_115 = arith.constant 0 : i32
    %dma_start3A_116 = tpu.memref_slice %arg8[%dma_start3A_114, %dma_start3A_115] : memref<125x128xf32, #tpu.memory_space<vmem>> -> memref<64x128xf32, #tpu.memory_space<vmem>>
    %dma_start3A_117 = arith.constant 0 : i32
    %dma_start3A_118 = tpu.memref_slice %arg6[%dma_start3A_111, %dma_start3A_112, %dma_start3A_113, %dma_start3A_117] : memref<4x2x2x125xi32, #tpu.memory_space<vmem>> -> memref<1x1x1x64xi32, #tpu.memory_space<vmem>>
    %dma_start3A_119 = tpu.memref_squeeze %dma_start3A_118 : memref<1x1x1x64xi32, #tpu.memory_space<vmem>> -> memref<64xi32, #tpu.memory_space<vmem>>
    %dma_start3A_120 = arith.constant 0 : i32
    %dma_start3A_121 = arith.constant 0 : i32
    %dma_start3A_122 = tpu.memref_slice %arg2[%dma_start3A_120, %dma_start3A_121] : memref<10000x128xf32, #tpu.memory_space<hbm>> -> memref<10000x128xf32, #tpu.memory_space<hbm>>
    tpu.enqueue_indirect_dma source(%dma_start3A_122 : memref<10000x128xf32, #tpu.memory_space<hbm>>) target(%dma_start3A_116 : memref<64x128xf32, #tpu.memory_space<vmem>>) offsets(%dma_start3A_119 : memref<64xi32, #tpu.memory_space<vmem>>) semaphore(%arg10 : memref<!tpu.dma_semaphore, #tpu.memory_space<semaphore_mem>>)
    %dma_start3A_123 = arith.constant 0 : i32
    %dma_start3A_124 = arith.constant 1 : i32
    %dma_start3A_125 = arith.constant 0 : i32
    %dma_start3A_126 = arith.constant 64 : i32
    %dma_start3A_127 = arith.constant 0 : i32
    %dma_start3A_128 = tpu.memref_slice %arg8[%dma_start3A_126, %dma_start3A_127] : memref<125x128xf32, #tpu.memory_space<vmem>> -> memref<61x128xf32, #tpu.memory_space<vmem>>
    %dma_start3A_129 = arith.constant 64 : i32
    %dma_start3A_130 = tpu.memref_slice %arg6[%dma_start3A_123, %dma_start3A_124, %dma_start3A_125, %dma_start3A_129] : memref<4x2x2x125xi32, #tpu.memory_space<vmem>> -> memref<1x1x1x61xi32, #tpu.memory_space<vmem>>
    %dma_start3A_131 = tpu.memref_squeeze %dma_start3A_130 : memref<1x1x1x61xi32, #tpu.memory_space<vmem>> -> memref<61xi32, #tpu.memory_space<vmem>>
    %dma_start3A_132 = arith.constant 0 : i32
    %dma_start3A_133 = arith.constant 0 : i32
    %dma_start3A_134 = tpu.memref_slice %arg2[%dma_start3A_132, %dma_start3A_133] : memref<10000x128xf32, #tpu.memory_space<hbm>> -> memref<10000x128xf32, #tpu.memory_space<hbm>>
    tpu.enqueue_indirect_dma source(%dma_start3A_134 : memref<10000x128xf32, #tpu.memory_space<hbm>>) target(%dma_start3A_128 : memref<61x128xf32, #tpu.memory_space<vmem>>) offsets(%dma_start3A_131 : memref<61xi32, #tpu.memory_space<vmem>>) semaphore(%arg10 : memref<!tpu.dma_semaphore, #tpu.memory_space<semaphore_mem>>)
    %barrier3A = arith.constant 0 : index
    tpu.barrier barrier_id(%barrier3A)
    %scan3A = arith.constant 0 : i32
    %scan3A_135 = arith.constant 0 : i32
    %scan3A_136 = arith.constant 10 : i32
    %scan3A_137 = arith.addi %scan3A_135, %scan3A_136 : i32
    %scan3A_138 = arith.constant 1 : i32
    scf.for %scan3A_149 = %scan3A_135 to %scan3A_137 step %scan3A_138  : i32 {
      %mul3A_150 = arith.constant 4 : i32
      %mul3A_151 = arith.muli %scan3A_149, %mul3A_150 : i32
      %add3A_152 = arith.constant 0 : i32
      %add3A_153 = arith.addi %mul3A_151, %add3A_152 : i32
      %add3A_154 = arith.constant 1 : i32
      %add3A_155 = arith.addi %add3A_153, %add3A_154 : i32
      %lt3A = arith.constant 40 : i32
      %lt3A_156 = arith.cmpi slt, %add3A_155, %lt3A : i32
      %convert_element_type3A_157 = arith.extui %lt3A_156 : i1 to i32
      %cond3A_158 = arith.constant 0 : i32
      %cond3A_159 = arith.cmpi ne, %convert_element_type3A_157, %cond3A_158 : i32
      scf.if %cond3A_159 {
        %dma_wait3A_492 = arith.constant 1 : i32
        %dma_wait3A_493 = arith.constant 0 : i32
        %dma_wait3A_494 = arith.constant 0 : i32
        %dma_wait3A_495 = arith.constant 0 : i32
        %dma_wait3A_496 = tpu.memref_slice %arg6[%dma_wait3A_492, %dma_wait3A_493, %dma_wait3A_494, %dma_wait3A_495] : memref<4x2x2x125xi32, #tpu.memory_space<vmem>> -> memref<1x2x2x125xi32, #tpu.memory_space<vmem>>
        %dma_wait3A_497 = tpu.memref_squeeze %dma_wait3A_496 : memref<1x2x2x125xi32, #tpu.memory_space<vmem>> -> memref<2x2x125xi32, #tpu.memory_space<vmem>>
        %dma_wait3A_498 = arith.constant 0 : i32
        %dma_wait3A_499 = arith.constant 0 : i32
        %dma_wait3A_500 = arith.constant 0 : i32
        %dma_wait3A_501 = tpu.memref_slice %arg3[%add3A, %dma_wait3A_498, %dma_wait3A_499, %dma_wait3A_500] : memref<32x80x2x125xi32, #tpu.memory_space<hbm>> -> memref<1x2x2x125xi32, #tpu.memory_space<hbm>>
        %dma_wait3A_502 = tpu.memref_squeeze %dma_wait3A_501 : memref<1x2x2x125xi32, #tpu.memory_space<hbm>> -> memref<2x2x125xi32, #tpu.memory_space<hbm>>
        %dma_wait3A_503 = arith.constant 0 : i32
        %dma_wait3A_504 = arith.constant 0 : i32
        %dma_wait3A_505 = arith.constant 0 : i32
        %dma_wait3A_506 = tpu.memref_slice %arg6[%dma_wait3A_492, %dma_wait3A_503, %dma_wait3A_504, %dma_wait3A_505] : memref<4x2x2x125xi32, #tpu.memory_space<vmem>> -> memref<1x2x2x125xi32, #tpu.memory_space<vmem>>
        %dma_wait3A_507 = tpu.memref_squeeze %dma_wait3A_506 : memref<1x2x2x125xi32, #tpu.memory_space<vmem>> -> memref<2x2x125xi32, #tpu.memory_space<vmem>>
        %dma_wait3A_508 = arith.constant 0 : i32
        %dma_wait3A_509 = arith.constant 0 : i32
        %dma_wait3A_510 = arith.constant 0 : i32
        %dma_wait3A_511 = tpu.memref_slice %arg3[%add3A, %dma_wait3A_508, %dma_wait3A_509, %dma_wait3A_510] : memref<32x80x2x125xi32, #tpu.memory_space<hbm>> -> memref<1x2x2x125xi32, #tpu.memory_space<hbm>>
        %dma_wait3A_512 = tpu.memref_squeeze %dma_wait3A_511 : memref<1x2x2x125xi32, #tpu.memory_space<hbm>> -> memref<2x2x125xi32, #tpu.memory_space<hbm>>
        tpu.wait_dma2 semaphore(%arg12 : memref<!tpu.dma_semaphore, #tpu.memory_space<semaphore_mem>>) src(%dma_wait3A_512 : memref<2x2x125xi32, #tpu.memory_space<hbm>>) dst(%dma_wait3A_507 : memref<2x2x125xi32, #tpu.memory_space<vmem>>)
      } else {
      }
      %add3A_160 = arith.constant 3 : i32
      %add3A_161 = arith.addi %add3A_153, %add3A_160 : i32
      %lt3A_162 = arith.constant 40 : i32
      %lt3A_163 = arith.cmpi slt, %add3A_161, %lt3A_162 : i32
      %convert_element_type3A_164 = arith.extui %lt3A_163 : i1 to i32
      %cond3A_165 = arith.constant 0 : i32
      %cond3A_166 = arith.cmpi ne, %convert_element_type3A_164, %cond3A_165 : i32
      scf.if %cond3A_166 {
        %add3A_492 = arith.constant 3 : i32
        %add3A_493 = arith.addi %add3A_153, %add3A_492 : i32
        %mul3A_494 = arith.constant 2 : i32
        %mul3A_495 = arith.muli %add3A_493, %mul3A_494 : i32
        %dma_start3A_496 = arith.constant 3 : i32
        %dma_start3A_497 = arith.constant 0 : i32
        %dma_start3A_498 = arith.constant 0 : i32
        %dma_start3A_499 = arith.constant 0 : i32
        %dma_start3A_500 = tpu.memref_slice %arg6[%dma_start3A_496, %dma_start3A_497, %dma_start3A_498, %dma_start3A_499] : memref<4x2x2x125xi32, #tpu.memory_space<vmem>> -> memref<1x2x2x125xi32, #tpu.memory_space<vmem>>
        %dma_start3A_501 = tpu.memref_squeeze %dma_start3A_500 : memref<1x2x2x125xi32, #tpu.memory_space<vmem>> -> memref<2x2x125xi32, #tpu.memory_space<vmem>>
        %dma_start3A_502 = arith.constant 0 : i32
        %dma_start3A_503 = arith.constant 0 : i32
        %dma_start3A_504 = tpu.memref_slice %arg3[%add3A, %mul3A_495, %dma_start3A_502, %dma_start3A_503] : memref<32x80x2x125xi32, #tpu.memory_space<hbm>> -> memref<1x2x2x125xi32, #tpu.memory_space<hbm>>
        %dma_start3A_505 = tpu.memref_squeeze %dma_start3A_504 : memref<1x2x2x125xi32, #tpu.memory_space<hbm>> -> memref<2x2x125xi32, #tpu.memory_space<hbm>>
        %dma_start3A_506 = arith.constant 0 : i32
        %dma_start3A_507 = arith.constant 0 : i32
        %dma_start3A_508 = arith.constant 0 : i32
        %dma_start3A_509 = tpu.memref_slice %arg6[%dma_start3A_496, %dma_start3A_506, %dma_start3A_507, %dma_start3A_508] : memref<4x2x2x125xi32, #tpu.memory_space<vmem>> -> memref<1x2x2x125xi32, #tpu.memory_space<vmem>>
        %dma_start3A_510 = tpu.memref_squeeze %dma_start3A_509 : memref<1x2x2x125xi32, #tpu.memory_space<vmem>> -> memref<2x2x125xi32, #tpu.memory_space<vmem>>
        %dma_start3A_511 = arith.constant 0 : i32
        %dma_start3A_512 = arith.constant 0 : i32
        %dma_start3A_513 = tpu.memref_slice %arg3[%add3A, %mul3A_495, %dma_start3A_511, %dma_start3A_512] : memref<32x80x2x125xi32, #tpu.memory_space<hbm>> -> memref<1x2x2x125xi32, #tpu.memory_space<hbm>>
        %dma_start3A_514 = tpu.memref_squeeze %dma_start3A_513 : memref<1x2x2x125xi32, #tpu.memory_space<hbm>> -> memref<2x2x125xi32, #tpu.memory_space<hbm>>
        tpu.enqueue_dma source(%dma_start3A_514 : memref<2x2x125xi32, #tpu.memory_space<hbm>>) target(%dma_start3A_510 : memref<2x2x125xi32, #tpu.memory_space<vmem>>) target_semaphore(%arg14 : memref<!tpu.dma_semaphore, #tpu.memory_space<semaphore_mem>>)
      } else {
      }
      %dma_wait3A_167 = arith.constant 0 : i32
      %dma_wait3A_168 = arith.constant 0 : i32
      %dma_wait3A_169 = arith.constant 0 : i32
      %dma_wait3A_170 = arith.constant 0 : i32
      %dma_wait3A_171 = arith.constant 0 : i32
      %dma_wait3A_172 = tpu.memref_slice %arg7[%dma_wait3A_170, %dma_wait3A_171] : memref<125x128xf32, #tpu.memory_space<vmem>> -> memref<64x128xf32, #tpu.memory_space<vmem>>
      %dma_wait3A_173 = arith.constant 0 : i32
      %dma_wait3A_174 = tpu.memref_slice %arg6[%dma_wait3A_167, %dma_wait3A_168, %dma_wait3A_169, %dma_wait3A_173] : memref<4x2x2x125xi32, #tpu.memory_space<vmem>> -> memref<1x1x1x64xi32, #tpu.memory_space<vmem>>
      %dma_wait3A_175 = tpu.memref_squeeze %dma_wait3A_174 : memref<1x1x1x64xi32, #tpu.memory_space<vmem>> -> memref<64xi32, #tpu.memory_space<vmem>>
      %dma_wait3A_176 = arith.constant 0 : i32
      %dma_wait3A_177 = arith.constant 0 : i32
      %dma_wait3A_178 = tpu.memref_slice %arg2[%dma_wait3A_176, %dma_wait3A_177] : memref<10000x128xf32, #tpu.memory_space<hbm>> -> memref<10000x128xf32, #tpu.memory_space<hbm>>
      tpu.wait_indirect_dma semaphore(%arg9 : memref<!tpu.dma_semaphore, #tpu.memory_space<semaphore_mem>>) src(%dma_wait3A_178 : memref<10000x128xf32, #tpu.memory_space<hbm>>) dst(%dma_wait3A_172 : memref<64x128xf32, #tpu.memory_space<vmem>>)
      %dma_wait3A_179 = arith.constant 0 : i32
      %dma_wait3A_180 = arith.constant 0 : i32
      %dma_wait3A_181 = arith.constant 0 : i32
      %dma_wait3A_182 = arith.constant 64 : i32
      %dma_wait3A_183 = arith.constant 0 : i32
      %dma_wait3A_184 = tpu.memref_slice %arg7[%dma_wait3A_182, %dma_wait3A_183] : memref<125x128xf32, #tpu.memory_space<vmem>> -> memref<61x128xf32, #tpu.memory_space<vmem>>
      %dma_wait3A_185 = arith.constant 64 : i32
      %dma_wait3A_186 = tpu.memref_slice %arg6[%dma_wait3A_179, %dma_wait3A_180, %dma_wait3A_181, %dma_wait3A_185] : memref<4x2x2x125xi32, #tpu.memory_space<vmem>> -> memref<1x1x1x61xi32, #tpu.memory_space<vmem>>
      %dma_wait3A_187 = tpu.memref_squeeze %dma_wait3A_186 : memref<1x1x1x61xi32, #tpu.memory_space<vmem>> -> memref<61xi32, #tpu.memory_space<vmem>>
      %dma_wait3A_188 = arith.constant 0 : i32
      %dma_wait3A_189 = arith.constant 0 : i32
      %dma_wait3A_190 = tpu.memref_slice %arg2[%dma_wait3A_188, %dma_wait3A_189] : memref<10000x128xf32, #tpu.memory_space<hbm>> -> memref<10000x128xf32, #tpu.memory_space<hbm>>
      tpu.wait_indirect_dma semaphore(%arg9 : memref<!tpu.dma_semaphore, #tpu.memory_space<semaphore_mem>>) src(%dma_wait3A_190 : memref<10000x128xf32, #tpu.memory_space<hbm>>) dst(%dma_wait3A_184 : memref<61x128xf32, #tpu.memory_space<vmem>>)
      %run_scoped3A = arith.constant 0 : i32
      %run_scoped3A_191 = arith.constant 0 : i32
      %run_scoped3A_192 = arith.constant 1 : i32
      "tpu.region"() ({
        %run_scoped3A_492 = tpu.sem_alloc : memref<!tpu.dma_semaphore, #tpu.memory_space<semaphore_mem>>
        %dma_start3A_493 = arith.constant 0 : i32
        %dma_start3A_494 = tpu.memref_slice %arg6[%run_scoped3A, %run_scoped3A_191, %run_scoped3A_192, %dma_start3A_493] : memref<4x2x2x125xi32, #tpu.memory_space<vmem>> -> memref<1x1x1x125xi32, #tpu.memory_space<vmem>>
        %dma_start3A_495 = tpu.memref_squeeze %dma_start3A_494 : memref<1x1x1x125xi32, #tpu.memory_space<vmem>> -> memref<125xi32, #tpu.memory_space<vmem>>
        %dma_start3A_496 = arith.constant 0 : i32
        %dma_start3A_497 = arith.constant 0 : i32
        %dma_start3A_498 = tpu.memref_slice %arg15[%dma_start3A_496, %dma_start3A_497] : memref<10000x128xf32, #tpu.memory_space<vmem_shared>> -> memref<10000x128xf32, #tpu.memory_space<vmem_shared>>
        tpu.enqueue_indirect_dma source(%arg7 : memref<125x128xf32, #tpu.memory_space<vmem>>) target(%dma_start3A_498 : memref<10000x128xf32, #tpu.memory_space<vmem_shared>>) offsets(%dma_start3A_495 : memref<125xi32, #tpu.memory_space<vmem>>) semaphore(%run_scoped3A_492 : memref<!tpu.dma_semaphore, #tpu.memory_space<semaphore_mem>>) {add = true}
        %dma_wait3A_499 = arith.constant 0 : i32
        %dma_wait3A_500 = tpu.memref_slice %arg6[%run_scoped3A, %run_scoped3A_191, %run_scoped3A_192, %dma_wait3A_499] : memref<4x2x2x125xi32, #tpu.memory_space<vmem>> -> memref<1x1x1x125xi32, #tpu.memory_space<vmem>>
        %dma_wait3A_501 = tpu.memref_squeeze %dma_wait3A_500 : memref<1x1x1x125xi32, #tpu.memory_space<vmem>> -> memref<125xi32, #tpu.memory_space<vmem>>
        %dma_wait3A_502 = arith.constant 0 : i32
        %dma_wait3A_503 = arith.constant 0 : i32
        %dma_wait3A_504 = tpu.memref_slice %arg15[%dma_wait3A_502, %dma_wait3A_503] : memref<10000x128xf32, #tpu.memory_space<vmem_shared>> -> memref<10000x128xf32, #tpu.memory_space<vmem_shared>>
        tpu.wait_indirect_dma semaphore(%run_scoped3A_492 : memref<!tpu.dma_semaphore, #tpu.memory_space<semaphore_mem>>) src(%arg7 : memref<125x128xf32, #tpu.memory_space<vmem>>) dst(%dma_wait3A_504 : memref<10000x128xf32, #tpu.memory_space<vmem_shared>>)
        tpu.yield
      }) : () -> ()
      %add3A_193 = arith.constant 1 : i32
      %add3A_194 = arith.addi %add3A_153, %add3A_193 : i32
      %lt3A_195 = arith.constant 40 : i32
      %lt3A_196 = arith.cmpi slt, %add3A_194, %lt3A_195 : i32
      %convert_element_type3A_197 = arith.extui %lt3A_196 : i1 to i32
      %cond3A_198 = arith.constant 0 : i32
      %cond3A_199 = arith.cmpi ne, %convert_element_type3A_197, %cond3A_198 : i32
      scf.if %cond3A_199 {
        %dma_start3A_492 = arith.constant 1 : i32
        %dma_start3A_493 = arith.constant 0 : i32
        %dma_start3A_494 = arith.constant 0 : i32
        %dma_start3A_495 = arith.constant 0 : i32
        %dma_start3A_496 = arith.constant 0 : i32
        %dma_start3A_497 = tpu.memref_slice %arg7[%dma_start3A_495, %dma_start3A_496] : memref<125x128xf32, #tpu.memory_space<vmem>> -> memref<64x128xf32, #tpu.memory_space<vmem>>
        %dma_start3A_498 = arith.constant 0 : i32
        %dma_start3A_499 = tpu.memref_slice %arg6[%dma_start3A_492, %dma_start3A_493, %dma_start3A_494, %dma_start3A_498] : memref<4x2x2x125xi32, #tpu.memory_space<vmem>> -> memref<1x1x1x64xi32, #tpu.memory_space<vmem>>
        %dma_start3A_500 = tpu.memref_squeeze %dma_start3A_499 : memref<1x1x1x64xi32, #tpu.memory_space<vmem>> -> memref<64xi32, #tpu.memory_space<vmem>>
        %dma_start3A_501 = arith.constant 0 : i32
        %dma_start3A_502 = arith.constant 0 : i32
        %dma_start3A_503 = tpu.memref_slice %arg2[%dma_start3A_501, %dma_start3A_502] : memref<10000x128xf32, #tpu.memory_space<hbm>> -> memref<10000x128xf32, #tpu.memory_space<hbm>>
        tpu.enqueue_indirect_dma source(%dma_start3A_503 : memref<10000x128xf32, #tpu.memory_space<hbm>>) target(%dma_start3A_497 : memref<64x128xf32, #tpu.memory_space<vmem>>) offsets(%dma_start3A_500 : memref<64xi32, #tpu.memory_space<vmem>>) semaphore(%arg9 : memref<!tpu.dma_semaphore, #tpu.memory_space<semaphore_mem>>)
        %dma_start3A_504 = arith.constant 1 : i32
        %dma_start3A_505 = arith.constant 0 : i32
        %dma_start3A_506 = arith.constant 0 : i32
        %dma_start3A_507 = arith.constant 64 : i32
        %dma_start3A_508 = arith.constant 0 : i32
        %dma_start3A_509 = tpu.memref_slice %arg7[%dma_start3A_507, %dma_start3A_508] : memref<125x128xf32, #tpu.memory_space<vmem>> -> memref<61x128xf32, #tpu.memory_space<vmem>>
        %dma_start3A_510 = arith.constant 64 : i32
        %dma_start3A_511 = tpu.memref_slice %arg6[%dma_start3A_504, %dma_start3A_505, %dma_start3A_506, %dma_start3A_510] : memref<4x2x2x125xi32, #tpu.memory_space<vmem>> -> memref<1x1x1x61xi32, #tpu.memory_space<vmem>>
        %dma_start3A_512 = tpu.memref_squeeze %dma_start3A_511 : memref<1x1x1x61xi32, #tpu.memory_space<vmem>> -> memref<61xi32, #tpu.memory_space<vmem>>
        %dma_start3A_513 = arith.constant 0 : i32
        %dma_start3A_514 = arith.constant 0 : i32
        %dma_start3A_515 = tpu.memref_slice %arg2[%dma_start3A_513, %dma_start3A_514] : memref<10000x128xf32, #tpu.memory_space<hbm>> -> memref<10000x128xf32, #tpu.memory_space<hbm>>
        tpu.enqueue_indirect_dma source(%dma_start3A_515 : memref<10000x128xf32, #tpu.memory_space<hbm>>) target(%dma_start3A_509 : memref<61x128xf32, #tpu.memory_space<vmem>>) offsets(%dma_start3A_512 : memref<61xi32, #tpu.memory_space<vmem>>) semaphore(%arg9 : memref<!tpu.dma_semaphore, #tpu.memory_space<semaphore_mem>>)
      } else {
      }
      %dma_wait3A_200 = arith.constant 0 : i32
      %dma_wait3A_201 = arith.constant 0 : i32
      %dma_wait3A_202 = arith.constant 0 : i32
      %dma_wait3A_203 = arith.constant 0 : i32
      %dma_wait3A_204 = arith.constant 0 : i32
      %dma_wait3A_205 = tpu.memref_slice %arg8[%dma_wait3A_203, %dma_wait3A_204] : memref<125x128xf32, #tpu.memory_space<vmem>> -> memref<64x128xf32, #tpu.memory_space<vmem>>
      %dma_wait3A_206 = arith.constant 0 : i32
      %dma_wait3A_207 = tpu.memref_slice %arg6[%dma_wait3A_200, %dma_wait3A_201, %dma_wait3A_202, %dma_wait3A_206] : memref<4x2x2x125xi32, #tpu.memory_space<vmem>> -> memref<1x1x1x64xi32, #tpu.memory_space<vmem>>
      %dma_wait3A_208 = tpu.memref_squeeze %dma_wait3A_207 : memref<1x1x1x64xi32, #tpu.memory_space<vmem>> -> memref<64xi32, #tpu.memory_space<vmem>>
      %dma_wait3A_209 = arith.constant 0 : i32
      %dma_wait3A_210 = arith.constant 0 : i32
      %dma_wait3A_211 = tpu.memref_slice %arg2[%dma_wait3A_209, %dma_wait3A_210] : memref<10000x128xf32, #tpu.memory_space<hbm>> -> memref<10000x128xf32, #tpu.memory_space<hbm>>
      tpu.wait_indirect_dma semaphore(%arg10 : memref<!tpu.dma_semaphore, #tpu.memory_space<semaphore_mem>>) src(%dma_wait3A_211 : memref<10000x128xf32, #tpu.memory_space<hbm>>) dst(%dma_wait3A_205 : memref<64x128xf32, #tpu.memory_space<vmem>>)
      %dma_wait3A_212 = arith.constant 0 : i32
      %dma_wait3A_213 = arith.constant 0 : i32
      %dma_wait3A_214 = arith.constant 0 : i32
      %dma_wait3A_215 = arith.constant 64 : i32
      %dma_wait3A_216 = arith.constant 0 : i32
      %dma_wait3A_217 = tpu.memref_slice %arg8[%dma_wait3A_215, %dma_wait3A_216] : memref<125x128xf32, #tpu.memory_space<vmem>> -> memref<61x128xf32, #tpu.memory_space<vmem>>
      %dma_wait3A_218 = arith.constant 64 : i32
      %dma_wait3A_219 = tpu.memref_slice %arg6[%dma_wait3A_212, %dma_wait3A_213, %dma_wait3A_214, %dma_wait3A_218] : memref<4x2x2x125xi32, #tpu.memory_space<vmem>> -> memref<1x1x1x61xi32, #tpu.memory_space<vmem>>
      %dma_wait3A_220 = tpu.memref_squeeze %dma_wait3A_219 : memref<1x1x1x61xi32, #tpu.memory_space<vmem>> -> memref<61xi32, #tpu.memory_space<vmem>>
      %dma_wait3A_221 = arith.constant 0 : i32
      %dma_wait3A_222 = arith.constant 0 : i32
      %dma_wait3A_223 = tpu.memref_slice %arg2[%dma_wait3A_221, %dma_wait3A_222] : memref<10000x128xf32, #tpu.memory_space<hbm>> -> memref<10000x128xf32, #tpu.memory_space<hbm>>
      tpu.wait_indirect_dma semaphore(%arg10 : memref<!tpu.dma_semaphore, #tpu.memory_space<semaphore_mem>>) src(%dma_wait3A_223 : memref<10000x128xf32, #tpu.memory_space<hbm>>) dst(%dma_wait3A_217 : memref<61x128xf32, #tpu.memory_space<vmem>>)
      %run_scoped3A_224 = arith.constant 0 : i32
      %run_scoped3A_225 = arith.constant 1 : i32
      %run_scoped3A_226 = arith.constant 1 : i32
      "tpu.region"() ({
        %run_scoped3A_492 = tpu.sem_alloc : memref<!tpu.dma_semaphore, #tpu.memory_space<semaphore_mem>>
        %dma_start3A_493 = arith.constant 0 : i32
        %dma_start3A_494 = tpu.memref_slice %arg6[%run_scoped3A_224, %run_scoped3A_225, %run_scoped3A_226, %dma_start3A_493] : memref<4x2x2x125xi32, #tpu.memory_space<vmem>> -> memref<1x1x1x125xi32, #tpu.memory_space<vmem>>
        %dma_start3A_495 = tpu.memref_squeeze %dma_start3A_494 : memref<1x1x1x125xi32, #tpu.memory_space<vmem>> -> memref<125xi32, #tpu.memory_space<vmem>>
        %dma_start3A_496 = arith.constant 0 : i32
        %dma_start3A_497 = arith.constant 0 : i32
        %dma_start3A_498 = tpu.memref_slice %arg15[%dma_start3A_496, %dma_start3A_497] : memref<10000x128xf32, #tpu.memory_space<vmem_shared>> -> memref<10000x128xf32, #tpu.memory_space<vmem_shared>>
        tpu.enqueue_indirect_dma source(%arg8 : memref<125x128xf32, #tpu.memory_space<vmem>>) target(%dma_start3A_498 : memref<10000x128xf32, #tpu.memory_space<vmem_shared>>) offsets(%dma_start3A_495 : memref<125xi32, #tpu.memory_space<vmem>>) semaphore(%run_scoped3A_492 : memref<!tpu.dma_semaphore, #tpu.memory_space<semaphore_mem>>) {add = true}
        %dma_wait3A_499 = arith.constant 0 : i32
        %dma_wait3A_500 = tpu.memref_slice %arg6[%run_scoped3A_224, %run_scoped3A_225, %run_scoped3A_226, %dma_wait3A_499] : memref<4x2x2x125xi32, #tpu.memory_space<vmem>> -> memref<1x1x1x125xi32, #tpu.memory_space<vmem>>
        %dma_wait3A_501 = tpu.memref_squeeze %dma_wait3A_500 : memref<1x1x1x125xi32, #tpu.memory_space<vmem>> -> memref<125xi32, #tpu.memory_space<vmem>>
        %dma_wait3A_502 = arith.constant 0 : i32
        %dma_wait3A_503 = arith.constant 0 : i32
        %dma_wait3A_504 = tpu.memref_slice %arg15[%dma_wait3A_502, %dma_wait3A_503] : memref<10000x128xf32, #tpu.memory_space<vmem_shared>> -> memref<10000x128xf32, #tpu.memory_space<vmem_shared>>
        tpu.wait_indirect_dma semaphore(%run_scoped3A_492 : memref<!tpu.dma_semaphore, #tpu.memory_space<semaphore_mem>>) src(%arg8 : memref<125x128xf32, #tpu.memory_space<vmem>>) dst(%dma_wait3A_504 : memref<10000x128xf32, #tpu.memory_space<vmem_shared>>)
        tpu.yield
      }) : () -> ()
      %add3A_227 = arith.constant 1 : i32
      %add3A_228 = arith.addi %add3A_153, %add3A_227 : i32
      %lt3A_229 = arith.constant 40 : i32
      %lt3A_230 = arith.cmpi slt, %add3A_228, %lt3A_229 : i32
      %convert_element_type3A_231 = arith.extui %lt3A_230 : i1 to i32
      %cond3A_232 = arith.constant 0 : i32
      %cond3A_233 = arith.cmpi ne, %convert_element_type3A_231, %cond3A_232 : i32
      scf.if %cond3A_233 {
        %dma_start3A_492 = arith.constant 1 : i32
        %dma_start3A_493 = arith.constant 1 : i32
        %dma_start3A_494 = arith.constant 0 : i32
        %dma_start3A_495 = arith.constant 0 : i32
        %dma_start3A_496 = arith.constant 0 : i32
        %dma_start3A_497 = tpu.memref_slice %arg8[%dma_start3A_495, %dma_start3A_496] : memref<125x128xf32, #tpu.memory_space<vmem>> -> memref<64x128xf32, #tpu.memory_space<vmem>>
        %dma_start3A_498 = arith.constant 0 : i32
        %dma_start3A_499 = tpu.memref_slice %arg6[%dma_start3A_492, %dma_start3A_493, %dma_start3A_494, %dma_start3A_498] : memref<4x2x2x125xi32, #tpu.memory_space<vmem>> -> memref<1x1x1x64xi32, #tpu.memory_space<vmem>>
        %dma_start3A_500 = tpu.memref_squeeze %dma_start3A_499 : memref<1x1x1x64xi32, #tpu.memory_space<vmem>> -> memref<64xi32, #tpu.memory_space<vmem>>
        %dma_start3A_501 = arith.constant 0 : i32
        %dma_start3A_502 = arith.constant 0 : i32
        %dma_start3A_503 = tpu.memref_slice %arg2[%dma_start3A_501, %dma_start3A_502] : memref<10000x128xf32, #tpu.memory_space<hbm>> -> memref<10000x128xf32, #tpu.memory_space<hbm>>
        tpu.enqueue_indirect_dma source(%dma_start3A_503 : memref<10000x128xf32, #tpu.memory_space<hbm>>) target(%dma_start3A_497 : memref<64x128xf32, #tpu.memory_space<vmem>>) offsets(%dma_start3A_500 : memref<64xi32, #tpu.memory_space<vmem>>) semaphore(%arg10 : memref<!tpu.dma_semaphore, #tpu.memory_space<semaphore_mem>>)
        %dma_start3A_504 = arith.constant 1 : i32
        %dma_start3A_505 = arith.constant 1 : i32
        %dma_start3A_506 = arith.constant 0 : i32
        %dma_start3A_507 = arith.constant 64 : i32
        %dma_start3A_508 = arith.constant 0 : i32
        %dma_start3A_509 = tpu.memref_slice %arg8[%dma_start3A_507, %dma_start3A_508] : memref<125x128xf32, #tpu.memory_space<vmem>> -> memref<61x128xf32, #tpu.memory_space<vmem>>
        %dma_start3A_510 = arith.constant 64 : i32
        %dma_start3A_511 = tpu.memref_slice %arg6[%dma_start3A_504, %dma_start3A_505, %dma_start3A_506, %dma_start3A_510] : memref<4x2x2x125xi32, #tpu.memory_space<vmem>> -> memref<1x1x1x61xi32, #tpu.memory_space<vmem>>
        %dma_start3A_512 = tpu.memref_squeeze %dma_start3A_511 : memref<1x1x1x61xi32, #tpu.memory_space<vmem>> -> memref<61xi32, #tpu.memory_space<vmem>>
        %dma_start3A_513 = arith.constant 0 : i32
        %dma_start3A_514 = arith.constant 0 : i32
        %dma_start3A_515 = tpu.memref_slice %arg2[%dma_start3A_513, %dma_start3A_514] : memref<10000x128xf32, #tpu.memory_space<hbm>> -> memref<10000x128xf32, #tpu.memory_space<hbm>>
        tpu.enqueue_indirect_dma source(%dma_start3A_515 : memref<10000x128xf32, #tpu.memory_space<hbm>>) target(%dma_start3A_509 : memref<61x128xf32, #tpu.memory_space<vmem>>) offsets(%dma_start3A_512 : memref<61xi32, #tpu.memory_space<vmem>>) semaphore(%arg10 : memref<!tpu.dma_semaphore, #tpu.memory_space<semaphore_mem>>)
      } else {
      }
      %mul3A_234 = arith.constant 4 : i32
      %mul3A_235 = arith.muli %scan3A_149, %mul3A_234 : i32
      %add3A_236 = arith.constant 1 : i32
      %add3A_237 = arith.addi %mul3A_235, %add3A_236 : i32
      %add3A_238 = arith.constant 1 : i32
      %add3A_239 = arith.addi %add3A_237, %add3A_238 : i32
      %lt3A_240 = arith.constant 40 : i32
      %lt3A_241 = arith.cmpi slt, %add3A_239, %lt3A_240 : i32
      %convert_element_type3A_242 = arith.extui %lt3A_241 : i1 to i32
      %cond3A_243 = arith.constant 0 : i32
      %cond3A_244 = arith.cmpi ne, %convert_element_type3A_242, %cond3A_243 : i32
      scf.if %cond3A_244 {
        %dma_wait3A_492 = arith.constant 2 : i32
        %dma_wait3A_493 = arith.constant 0 : i32
        %dma_wait3A_494 = arith.constant 0 : i32
        %dma_wait3A_495 = arith.constant 0 : i32
        %dma_wait3A_496 = tpu.memref_slice %arg6[%dma_wait3A_492, %dma_wait3A_493, %dma_wait3A_494, %dma_wait3A_495] : memref<4x2x2x125xi32, #tpu.memory_space<vmem>> -> memref<1x2x2x125xi32, #tpu.memory_space<vmem>>
        %dma_wait3A_497 = tpu.memref_squeeze %dma_wait3A_496 : memref<1x2x2x125xi32, #tpu.memory_space<vmem>> -> memref<2x2x125xi32, #tpu.memory_space<vmem>>
        %dma_wait3A_498 = arith.constant 0 : i32
        %dma_wait3A_499 = arith.constant 0 : i32
        %dma_wait3A_500 = arith.constant 0 : i32
        %dma_wait3A_501 = tpu.memref_slice %arg3[%add3A, %dma_wait3A_498, %dma_wait3A_499, %dma_wait3A_500] : memref<32x80x2x125xi32, #tpu.memory_space<hbm>> -> memref<1x2x2x125xi32, #tpu.memory_space<hbm>>
        %dma_wait3A_502 = tpu.memref_squeeze %dma_wait3A_501 : memref<1x2x2x125xi32, #tpu.memory_space<hbm>> -> memref<2x2x125xi32, #tpu.memory_space<hbm>>
        %dma_wait3A_503 = arith.constant 0 : i32
        %dma_wait3A_504 = arith.constant 0 : i32
        %dma_wait3A_505 = arith.constant 0 : i32
        %dma_wait3A_506 = tpu.memref_slice %arg6[%dma_wait3A_492, %dma_wait3A_503, %dma_wait3A_504, %dma_wait3A_505] : memref<4x2x2x125xi32, #tpu.memory_space<vmem>> -> memref<1x2x2x125xi32, #tpu.memory_space<vmem>>
        %dma_wait3A_507 = tpu.memref_squeeze %dma_wait3A_506 : memref<1x2x2x125xi32, #tpu.memory_space<vmem>> -> memref<2x2x125xi32, #tpu.memory_space<vmem>>
        %dma_wait3A_508 = arith.constant 0 : i32
        %dma_wait3A_509 = arith.constant 0 : i32
        %dma_wait3A_510 = arith.constant 0 : i32
        %dma_wait3A_511 = tpu.memref_slice %arg3[%add3A, %dma_wait3A_508, %dma_wait3A_509, %dma_wait3A_510] : memref<32x80x2x125xi32, #tpu.memory_space<hbm>> -> memref<1x2x2x125xi32, #tpu.memory_space<hbm>>
        %dma_wait3A_512 = tpu.memref_squeeze %dma_wait3A_511 : memref<1x2x2x125xi32, #tpu.memory_space<hbm>> -> memref<2x2x125xi32, #tpu.memory_space<hbm>>
        tpu.wait_dma2 semaphore(%arg13 : memref<!tpu.dma_semaphore, #tpu.memory_space<semaphore_mem>>) src(%dma_wait3A_512 : memref<2x2x125xi32, #tpu.memory_space<hbm>>) dst(%dma_wait3A_507 : memref<2x2x125xi32, #tpu.memory_space<vmem>>)
      } else {
      }
      %add3A_245 = arith.constant 3 : i32
      %add3A_246 = arith.addi %add3A_237, %add3A_245 : i32
      %lt3A_247 = arith.constant 40 : i32
      %lt3A_248 = arith.cmpi slt, %add3A_246, %lt3A_247 : i32
      %convert_element_type3A_249 = arith.extui %lt3A_248 : i1 to i32
      %cond3A_250 = arith.constant 0 : i32
      %cond3A_251 = arith.cmpi ne, %convert_element_type3A_249, %cond3A_250 : i32
      scf.if %cond3A_251 {
        %add3A_492 = arith.constant 3 : i32
        %add3A_493 = arith.addi %add3A_237, %add3A_492 : i32
        %mul3A_494 = arith.constant 2 : i32
        %mul3A_495 = arith.muli %add3A_493, %mul3A_494 : i32
        %dma_start3A_496 = arith.constant 0 : i32
        %dma_start3A_497 = arith.constant 0 : i32
        %dma_start3A_498 = arith.constant 0 : i32
        %dma_start3A_499 = arith.constant 0 : i32
        %dma_start3A_500 = tpu.memref_slice %arg6[%dma_start3A_496, %dma_start3A_497, %dma_start3A_498, %dma_start3A_499] : memref<4x2x2x125xi32, #tpu.memory_space<vmem>> -> memref<1x2x2x125xi32, #tpu.memory_space<vmem>>
        %dma_start3A_501 = tpu.memref_squeeze %dma_start3A_500 : memref<1x2x2x125xi32, #tpu.memory_space<vmem>> -> memref<2x2x125xi32, #tpu.memory_space<vmem>>
        %dma_start3A_502 = arith.constant 0 : i32
        %dma_start3A_503 = arith.constant 0 : i32
        %dma_start3A_504 = tpu.memref_slice %arg3[%add3A, %mul3A_495, %dma_start3A_502, %dma_start3A_503] : memref<32x80x2x125xi32, #tpu.memory_space<hbm>> -> memref<1x2x2x125xi32, #tpu.memory_space<hbm>>
        %dma_start3A_505 = tpu.memref_squeeze %dma_start3A_504 : memref<1x2x2x125xi32, #tpu.memory_space<hbm>> -> memref<2x2x125xi32, #tpu.memory_space<hbm>>
        %dma_start3A_506 = arith.constant 0 : i32
        %dma_start3A_507 = arith.constant 0 : i32
        %dma_start3A_508 = arith.constant 0 : i32
        %dma_start3A_509 = tpu.memref_slice %arg6[%dma_start3A_496, %dma_start3A_506, %dma_start3A_507, %dma_start3A_508] : memref<4x2x2x125xi32, #tpu.memory_space<vmem>> -> memref<1x2x2x125xi32, #tpu.memory_space<vmem>>
        %dma_start3A_510 = tpu.memref_squeeze %dma_start3A_509 : memref<1x2x2x125xi32, #tpu.memory_space<vmem>> -> memref<2x2x125xi32, #tpu.memory_space<vmem>>
        %dma_start3A_511 = arith.constant 0 : i32
        %dma_start3A_512 = arith.constant 0 : i32
        %dma_start3A_513 = tpu.memref_slice %arg3[%add3A, %mul3A_495, %dma_start3A_511, %dma_start3A_512] : memref<32x80x2x125xi32, #tpu.memory_space<hbm>> -> memref<1x2x2x125xi32, #tpu.memory_space<hbm>>
        %dma_start3A_514 = tpu.memref_squeeze %dma_start3A_513 : memref<1x2x2x125xi32, #tpu.memory_space<hbm>> -> memref<2x2x125xi32, #tpu.memory_space<hbm>>
        tpu.enqueue_dma source(%dma_start3A_514 : memref<2x2x125xi32, #tpu.memory_space<hbm>>) target(%dma_start3A_510 : memref<2x2x125xi32, #tpu.memory_space<vmem>>) target_semaphore(%arg11 : memref<!tpu.dma_semaphore, #tpu.memory_space<semaphore_mem>>)
      } else {
      }
      %dma_wait3A_252 = arith.constant 0 : i32
      %dma_wait3A_253 = arith.constant 0 : i32
      %dma_wait3A_254 = arith.constant 0 : i32
      %dma_wait3A_255 = arith.constant 0 : i32
      %dma_wait3A_256 = arith.constant 0 : i32
      %dma_wait3A_257 = tpu.memref_slice %arg7[%dma_wait3A_255, %dma_wait3A_256] : memref<125x128xf32, #tpu.memory_space<vmem>> -> memref<64x128xf32, #tpu.memory_space<vmem>>
      %dma_wait3A_258 = arith.constant 0 : i32
      %dma_wait3A_259 = tpu.memref_slice %arg6[%dma_wait3A_252, %dma_wait3A_253, %dma_wait3A_254, %dma_wait3A_258] : memref<4x2x2x125xi32, #tpu.memory_space<vmem>> -> memref<1x1x1x64xi32, #tpu.memory_space<vmem>>
      %dma_wait3A_260 = tpu.memref_squeeze %dma_wait3A_259 : memref<1x1x1x64xi32, #tpu.memory_space<vmem>> -> memref<64xi32, #tpu.memory_space<vmem>>
      %dma_wait3A_261 = arith.constant 0 : i32
      %dma_wait3A_262 = arith.constant 0 : i32
      %dma_wait3A_263 = tpu.memref_slice %arg2[%dma_wait3A_261, %dma_wait3A_262] : memref<10000x128xf32, #tpu.memory_space<hbm>> -> memref<10000x128xf32, #tpu.memory_space<hbm>>
      tpu.wait_indirect_dma semaphore(%arg9 : memref<!tpu.dma_semaphore, #tpu.memory_space<semaphore_mem>>) src(%dma_wait3A_263 : memref<10000x128xf32, #tpu.memory_space<hbm>>) dst(%dma_wait3A_257 : memref<64x128xf32, #tpu.memory_space<vmem>>)
      %dma_wait3A_264 = arith.constant 0 : i32
      %dma_wait3A_265 = arith.constant 0 : i32
      %dma_wait3A_266 = arith.constant 0 : i32
      %dma_wait3A_267 = arith.constant 64 : i32
      %dma_wait3A_268 = arith.constant 0 : i32
      %dma_wait3A_269 = tpu.memref_slice %arg7[%dma_wait3A_267, %dma_wait3A_268] : memref<125x128xf32, #tpu.memory_space<vmem>> -> memref<61x128xf32, #tpu.memory_space<vmem>>
      %dma_wait3A_270 = arith.constant 64 : i32
      %dma_wait3A_271 = tpu.memref_slice %arg6[%dma_wait3A_264, %dma_wait3A_265, %dma_wait3A_266, %dma_wait3A_270] : memref<4x2x2x125xi32, #tpu.memory_space<vmem>> -> memref<1x1x1x61xi32, #tpu.memory_space<vmem>>
      %dma_wait3A_272 = tpu.memref_squeeze %dma_wait3A_271 : memref<1x1x1x61xi32, #tpu.memory_space<vmem>> -> memref<61xi32, #tpu.memory_space<vmem>>
      %dma_wait3A_273 = arith.constant 0 : i32
      %dma_wait3A_274 = arith.constant 0 : i32
      %dma_wait3A_275 = tpu.memref_slice %arg2[%dma_wait3A_273, %dma_wait3A_274] : memref<10000x128xf32, #tpu.memory_space<hbm>> -> memref<10000x128xf32, #tpu.memory_space<hbm>>
      tpu.wait_indirect_dma semaphore(%arg9 : memref<!tpu.dma_semaphore, #tpu.memory_space<semaphore_mem>>) src(%dma_wait3A_275 : memref<10000x128xf32, #tpu.memory_space<hbm>>) dst(%dma_wait3A_269 : memref<61x128xf32, #tpu.memory_space<vmem>>)
      %run_scoped3A_276 = arith.constant 1 : i32
      %run_scoped3A_277 = arith.constant 0 : i32
      %run_scoped3A_278 = arith.constant 1 : i32
      "tpu.region"() ({
        %run_scoped3A_492 = tpu.sem_alloc : memref<!tpu.dma_semaphore, #tpu.memory_space<semaphore_mem>>
        %dma_start3A_493 = arith.constant 0 : i32
        %dma_start3A_494 = tpu.memref_slice %arg6[%run_scoped3A_276, %run_scoped3A_277, %run_scoped3A_278, %dma_start3A_493] : memref<4x2x2x125xi32, #tpu.memory_space<vmem>> -> memref<1x1x1x125xi32, #tpu.memory_space<vmem>>
        %dma_start3A_495 = tpu.memref_squeeze %dma_start3A_494 : memref<1x1x1x125xi32, #tpu.memory_space<vmem>> -> memref<125xi32, #tpu.memory_space<vmem>>
        %dma_start3A_496 = arith.constant 0 : i32
        %dma_start3A_497 = arith.constant 0 : i32
        %dma_start3A_498 = tpu.memref_slice %arg15[%dma_start3A_496, %dma_start3A_497] : memref<10000x128xf32, #tpu.memory_space<vmem_shared>> -> memref<10000x128xf32, #tpu.memory_space<vmem_shared>>
        tpu.enqueue_indirect_dma source(%arg7 : memref<125x128xf32, #tpu.memory_space<vmem>>) target(%dma_start3A_498 : memref<10000x128xf32, #tpu.memory_space<vmem_shared>>) offsets(%dma_start3A_495 : memref<125xi32, #tpu.memory_space<vmem>>) semaphore(%run_scoped3A_492 : memref<!tpu.dma_semaphore, #tpu.memory_space<semaphore_mem>>) {add = true}
        %dma_wait3A_499 = arith.constant 0 : i32
        %dma_wait3A_500 = tpu.memref_slice %arg6[%run_scoped3A_276, %run_scoped3A_277, %run_scoped3A_278, %dma_wait3A_499] : memref<4x2x2x125xi32, #tpu.memory_space<vmem>> -> memref<1x1x1x125xi32, #tpu.memory_space<vmem>>
        %dma_wait3A_501 = tpu.memref_squeeze %dma_wait3A_500 : memref<1x1x1x125xi32, #tpu.memory_space<vmem>> -> memref<125xi32, #tpu.memory_space<vmem>>
        %dma_wait3A_502 = arith.constant 0 : i32
        %dma_wait3A_503 = arith.constant 0 : i32
        %dma_wait3A_504 = tpu.memref_slice %arg15[%dma_wait3A_502, %dma_wait3A_503] : memref<10000x128xf32, #tpu.memory_space<vmem_shared>> -> memref<10000x128xf32, #tpu.memory_space<vmem_shared>>
        tpu.wait_indirect_dma semaphore(%run_scoped3A_492 : memref<!tpu.dma_semaphore, #tpu.memory_space<semaphore_mem>>) src(%arg7 : memref<125x128xf32, #tpu.memory_space<vmem>>) dst(%dma_wait3A_504 : memref<10000x128xf32, #tpu.memory_space<vmem_shared>>)
        tpu.yield
      }) : () -> ()
      %add3A_279 = arith.constant 1 : i32
      %add3A_280 = arith.addi %add3A_237, %add3A_279 : i32
      %lt3A_281 = arith.constant 40 : i32
      %lt3A_282 = arith.cmpi slt, %add3A_280, %lt3A_281 : i32
      %convert_element_type3A_283 = arith.extui %lt3A_282 : i1 to i32
      %cond3A_284 = arith.constant 0 : i32
      %cond3A_285 = arith.cmpi ne, %convert_element_type3A_283, %cond3A_284 : i32
      scf.if %cond3A_285 {
        %dma_start3A_492 = arith.constant 2 : i32
        %dma_start3A_493 = arith.constant 0 : i32
        %dma_start3A_494 = arith.constant 0 : i32
        %dma_start3A_495 = arith.constant 0 : i32
        %dma_start3A_496 = arith.constant 0 : i32
        %dma_start3A_497 = tpu.memref_slice %arg7[%dma_start3A_495, %dma_start3A_496] : memref<125x128xf32, #tpu.memory_space<vmem>> -> memref<64x128xf32, #tpu.memory_space<vmem>>
        %dma_start3A_498 = arith.constant 0 : i32
        %dma_start3A_499 = tpu.memref_slice %arg6[%dma_start3A_492, %dma_start3A_493, %dma_start3A_494, %dma_start3A_498] : memref<4x2x2x125xi32, #tpu.memory_space<vmem>> -> memref<1x1x1x64xi32, #tpu.memory_space<vmem>>
        %dma_start3A_500 = tpu.memref_squeeze %dma_start3A_499 : memref<1x1x1x64xi32, #tpu.memory_space<vmem>> -> memref<64xi32, #tpu.memory_space<vmem>>
        %dma_start3A_501 = arith.constant 0 : i32
        %dma_start3A_502 = arith.constant 0 : i32
        %dma_start3A_503 = tpu.memref_slice %arg2[%dma_start3A_501, %dma_start3A_502] : memref<10000x128xf32, #tpu.memory_space<hbm>> -> memref<10000x128xf32, #tpu.memory_space<hbm>>
        tpu.enqueue_indirect_dma source(%dma_start3A_503 : memref<10000x128xf32, #tpu.memory_space<hbm>>) target(%dma_start3A_497 : memref<64x128xf32, #tpu.memory_space<vmem>>) offsets(%dma_start3A_500 : memref<64xi32, #tpu.memory_space<vmem>>) semaphore(%arg9 : memref<!tpu.dma_semaphore, #tpu.memory_space<semaphore_mem>>)
        %dma_start3A_504 = arith.constant 2 : i32
        %dma_start3A_505 = arith.constant 0 : i32
        %dma_start3A_506 = arith.constant 0 : i32
        %dma_start3A_507 = arith.constant 64 : i32
        %dma_start3A_508 = arith.constant 0 : i32
        %dma_start3A_509 = tpu.memref_slice %arg7[%dma_start3A_507, %dma_start3A_508] : memref<125x128xf32, #tpu.memory_space<vmem>> -> memref<61x128xf32, #tpu.memory_space<vmem>>
        %dma_start3A_510 = arith.constant 64 : i32
        %dma_start3A_511 = tpu.memref_slice %arg6[%dma_start3A_504, %dma_start3A_505, %dma_start3A_506, %dma_start3A_510] : memref<4x2x2x125xi32, #tpu.memory_space<vmem>> -> memref<1x1x1x61xi32, #tpu.memory_space<vmem>>
        %dma_start3A_512 = tpu.memref_squeeze %dma_start3A_511 : memref<1x1x1x61xi32, #tpu.memory_space<vmem>> -> memref<61xi32, #tpu.memory_space<vmem>>
        %dma_start3A_513 = arith.constant 0 : i32
        %dma_start3A_514 = arith.constant 0 : i32
        %dma_start3A_515 = tpu.memref_slice %arg2[%dma_start3A_513, %dma_start3A_514] : memref<10000x128xf32, #tpu.memory_space<hbm>> -> memref<10000x128xf32, #tpu.memory_space<hbm>>
        tpu.enqueue_indirect_dma source(%dma_start3A_515 : memref<10000x128xf32, #tpu.memory_space<hbm>>) target(%dma_start3A_509 : memref<61x128xf32, #tpu.memory_space<vmem>>) offsets(%dma_start3A_512 : memref<61xi32, #tpu.memory_space<vmem>>) semaphore(%arg9 : memref<!tpu.dma_semaphore, #tpu.memory_space<semaphore_mem>>)
      } else {
      }
      %dma_wait3A_286 = arith.constant 0 : i32
      %dma_wait3A_287 = arith.constant 0 : i32
      %dma_wait3A_288 = arith.constant 0 : i32
      %dma_wait3A_289 = arith.constant 0 : i32
      %dma_wait3A_290 = arith.constant 0 : i32
      %dma_wait3A_291 = tpu.memref_slice %arg8[%dma_wait3A_289, %dma_wait3A_290] : memref<125x128xf32, #tpu.memory_space<vmem>> -> memref<64x128xf32, #tpu.memory_space<vmem>>
      %dma_wait3A_292 = arith.constant 0 : i32
      %dma_wait3A_293 = tpu.memref_slice %arg6[%dma_wait3A_286, %dma_wait3A_287, %dma_wait3A_288, %dma_wait3A_292] : memref<4x2x2x125xi32, #tpu.memory_space<vmem>> -> memref<1x1x1x64xi32, #tpu.memory_space<vmem>>
      %dma_wait3A_294 = tpu.memref_squeeze %dma_wait3A_293 : memref<1x1x1x64xi32, #tpu.memory_space<vmem>> -> memref<64xi32, #tpu.memory_space<vmem>>
      %dma_wait3A_295 = arith.constant 0 : i32
      %dma_wait3A_296 = arith.constant 0 : i32
      %dma_wait3A_297 = tpu.memref_slice %arg2[%dma_wait3A_295, %dma_wait3A_296] : memref<10000x128xf32, #tpu.memory_space<hbm>> -> memref<10000x128xf32, #tpu.memory_space<hbm>>
      tpu.wait_indirect_dma semaphore(%arg10 : memref<!tpu.dma_semaphore, #tpu.memory_space<semaphore_mem>>) src(%dma_wait3A_297 : memref<10000x128xf32, #tpu.memory_space<hbm>>) dst(%dma_wait3A_291 : memref<64x128xf32, #tpu.memory_space<vmem>>)
      %dma_wait3A_298 = arith.constant 0 : i32
      %dma_wait3A_299 = arith.constant 0 : i32
      %dma_wait3A_300 = arith.constant 0 : i32
      %dma_wait3A_301 = arith.constant 64 : i32
      %dma_wait3A_302 = arith.constant 0 : i32
      %dma_wait3A_303 = tpu.memref_slice %arg8[%dma_wait3A_301, %dma_wait3A_302] : memref<125x128xf32, #tpu.memory_space<vmem>> -> memref<61x128xf32, #tpu.memory_space<vmem>>
      %dma_wait3A_304 = arith.constant 64 : i32
      %dma_wait3A_305 = tpu.memref_slice %arg6[%dma_wait3A_298, %dma_wait3A_299, %dma_wait3A_300, %dma_wait3A_304] : memref<4x2x2x125xi32, #tpu.memory_space<vmem>> -> memref<1x1x1x61xi32, #tpu.memory_space<vmem>>
      %dma_wait3A_306 = tpu.memref_squeeze %dma_wait3A_305 : memref<1x1x1x61xi32, #tpu.memory_space<vmem>> -> memref<61xi32, #tpu.memory_space<vmem>>
      %dma_wait3A_307 = arith.constant 0 : i32
      %dma_wait3A_308 = arith.constant 0 : i32
      %dma_wait3A_309 = tpu.memref_slice %arg2[%dma_wait3A_307, %dma_wait3A_308] : memref<10000x128xf32, #tpu.memory_space<hbm>> -> memref<10000x128xf32, #tpu.memory_space<hbm>>
      tpu.wait_indirect_dma semaphore(%arg10 : memref<!tpu.dma_semaphore, #tpu.memory_space<semaphore_mem>>) src(%dma_wait3A_309 : memref<10000x128xf32, #tpu.memory_space<hbm>>) dst(%dma_wait3A_303 : memref<61x128xf32, #tpu.memory_space<vmem>>)
      %run_scoped3A_310 = arith.constant 1 : i32
      %run_scoped3A_311 = arith.constant 1 : i32
      %run_scoped3A_312 = arith.constant 1 : i32
      "tpu.region"() ({
        %run_scoped3A_492 = tpu.sem_alloc : memref<!tpu.dma_semaphore, #tpu.memory_space<semaphore_mem>>
        %dma_start3A_493 = arith.constant 0 : i32
        %dma_start3A_494 = tpu.memref_slice %arg6[%run_scoped3A_310, %run_scoped3A_311, %run_scoped3A_312, %dma_start3A_493] : memref<4x2x2x125xi32, #tpu.memory_space<vmem>> -> memref<1x1x1x125xi32, #tpu.memory_space<vmem>>
        %dma_start3A_495 = tpu.memref_squeeze %dma_start3A_494 : memref<1x1x1x125xi32, #tpu.memory_space<vmem>> -> memref<125xi32, #tpu.memory_space<vmem>>
        %dma_start3A_496 = arith.constant 0 : i32
        %dma_start3A_497 = arith.constant 0 : i32
        %dma_start3A_498 = tpu.memref_slice %arg15[%dma_start3A_496, %dma_start3A_497] : memref<10000x128xf32, #tpu.memory_space<vmem_shared>> -> memref<10000x128xf32, #tpu.memory_space<vmem_shared>>
        tpu.enqueue_indirect_dma source(%arg8 : memref<125x128xf32, #tpu.memory_space<vmem>>) target(%dma_start3A_498 : memref<10000x128xf32, #tpu.memory_space<vmem_shared>>) offsets(%dma_start3A_495 : memref<125xi32, #tpu.memory_space<vmem>>) semaphore(%run_scoped3A_492 : memref<!tpu.dma_semaphore, #tpu.memory_space<semaphore_mem>>) {add = true}
        %dma_wait3A_499 = arith.constant 0 : i32
        %dma_wait3A_500 = tpu.memref_slice %arg6[%run_scoped3A_310, %run_scoped3A_311, %run_scoped3A_312, %dma_wait3A_499] : memref<4x2x2x125xi32, #tpu.memory_space<vmem>> -> memref<1x1x1x125xi32, #tpu.memory_space<vmem>>
        %dma_wait3A_501 = tpu.memref_squeeze %dma_wait3A_500 : memref<1x1x1x125xi32, #tpu.memory_space<vmem>> -> memref<125xi32, #tpu.memory_space<vmem>>
        %dma_wait3A_502 = arith.constant 0 : i32
        %dma_wait3A_503 = arith.constant 0 : i32
        %dma_wait3A_504 = tpu.memref_slice %arg15[%dma_wait3A_502, %dma_wait3A_503] : memref<10000x128xf32, #tpu.memory_space<vmem_shared>> -> memref<10000x128xf32, #tpu.memory_space<vmem_shared>>
        tpu.wait_indirect_dma semaphore(%run_scoped3A_492 : memref<!tpu.dma_semaphore, #tpu.memory_space<semaphore_mem>>) src(%arg8 : memref<125x128xf32, #tpu.memory_space<vmem>>) dst(%dma_wait3A_504 : memref<10000x128xf32, #tpu.memory_space<vmem_shared>>)
        tpu.yield
      }) : () -> ()
      %add3A_313 = arith.constant 1 : i32
      %add3A_314 = arith.addi %add3A_237, %add3A_313 : i32
      %lt3A_315 = arith.constant 40 : i32
      %lt3A_316 = arith.cmpi slt, %add3A_314, %lt3A_315 : i32
      %convert_element_type3A_317 = arith.extui %lt3A_316 : i1 to i32
      %cond3A_318 = arith.constant 0 : i32
      %cond3A_319 = arith.cmpi ne, %convert_element_type3A_317, %cond3A_318 : i32
      scf.if %cond3A_319 {
        %dma_start3A_492 = arith.constant 2 : i32
        %dma_start3A_493 = arith.constant 1 : i32
        %dma_start3A_494 = arith.constant 0 : i32
        %dma_start3A_495 = arith.constant 0 : i32
        %dma_start3A_496 = arith.constant 0 : i32
        %dma_start3A_497 = tpu.memref_slice %arg8[%dma_start3A_495, %dma_start3A_496] : memref<125x128xf32, #tpu.memory_space<vmem>> -> memref<64x128xf32, #tpu.memory_space<vmem>>
        %dma_start3A_498 = arith.constant 0 : i32
        %dma_start3A_499 = tpu.memref_slice %arg6[%dma_start3A_492, %dma_start3A_493, %dma_start3A_494, %dma_start3A_498] : memref<4x2x2x125xi32, #tpu.memory_space<vmem>> -> memref<1x1x1x64xi32, #tpu.memory_space<vmem>>
        %dma_start3A_500 = tpu.memref_squeeze %dma_start3A_499 : memref<1x1x1x64xi32, #tpu.memory_space<vmem>> -> memref<64xi32, #tpu.memory_space<vmem>>
        %dma_start3A_501 = arith.constant 0 : i32
        %dma_start3A_502 = arith.constant 0 : i32
        %dma_start3A_503 = tpu.memref_slice %arg2[%dma_start3A_501, %dma_start3A_502] : memref<10000x128xf32, #tpu.memory_space<hbm>> -> memref<10000x128xf32, #tpu.memory_space<hbm>>
        tpu.enqueue_indirect_dma source(%dma_start3A_503 : memref<10000x128xf32, #tpu.memory_space<hbm>>) target(%dma_start3A_497 : memref<64x128xf32, #tpu.memory_space<vmem>>) offsets(%dma_start3A_500 : memref<64xi32, #tpu.memory_space<vmem>>) semaphore(%arg10 : memref<!tpu.dma_semaphore, #tpu.memory_space<semaphore_mem>>)
        %dma_start3A_504 = arith.constant 2 : i32
        %dma_start3A_505 = arith.constant 1 : i32
        %dma_start3A_506 = arith.constant 0 : i32
        %dma_start3A_507 = arith.constant 64 : i32
        %dma_start3A_508 = arith.constant 0 : i32
        %dma_start3A_509 = tpu.memref_slice %arg8[%dma_start3A_507, %dma_start3A_508] : memref<125x128xf32, #tpu.memory_space<vmem>> -> memref<61x128xf32, #tpu.memory_space<vmem>>
        %dma_start3A_510 = arith.constant 64 : i32
        %dma_start3A_511 = tpu.memref_slice %arg6[%dma_start3A_504, %dma_start3A_505, %dma_start3A_506, %dma_start3A_510] : memref<4x2x2x125xi32, #tpu.memory_space<vmem>> -> memref<1x1x1x61xi32, #tpu.memory_space<vmem>>
        %dma_start3A_512 = tpu.memref_squeeze %dma_start3A_511 : memref<1x1x1x61xi32, #tpu.memory_space<vmem>> -> memref<61xi32, #tpu.memory_space<vmem>>
        %dma_start3A_513 = arith.constant 0 : i32
        %dma_start3A_514 = arith.constant 0 : i32
        %dma_start3A_515 = tpu.memref_slice %arg2[%dma_start3A_513, %dma_start3A_514] : memref<10000x128xf32, #tpu.memory_space<hbm>> -> memref<10000x128xf32, #tpu.memory_space<hbm>>
        tpu.enqueue_indirect_dma source(%dma_start3A_515 : memref<10000x128xf32, #tpu.memory_space<hbm>>) target(%dma_start3A_509 : memref<61x128xf32, #tpu.memory_space<vmem>>) offsets(%dma_start3A_512 : memref<61xi32, #tpu.memory_space<vmem>>) semaphore(%arg10 : memref<!tpu.dma_semaphore, #tpu.memory_space<semaphore_mem>>)
      } else {
      }
      %mul3A_320 = arith.constant 4 : i32
      %mul3A_321 = arith.muli %scan3A_149, %mul3A_320 : i32
      %add3A_322 = arith.constant 2 : i32
      %add3A_323 = arith.addi %mul3A_321, %add3A_322 : i32
      %add3A_324 = arith.constant 1 : i32
      %add3A_325 = arith.addi %add3A_323, %add3A_324 : i32
      %lt3A_326 = arith.constant 40 : i32
      %lt3A_327 = arith.cmpi slt, %add3A_325, %lt3A_326 : i32
      %convert_element_type3A_328 = arith.extui %lt3A_327 : i1 to i32
      %cond3A_329 = arith.constant 0 : i32
      %cond3A_330 = arith.cmpi ne, %convert_element_type3A_328, %cond3A_329 : i32
      scf.if %cond3A_330 {
        %dma_wait3A_492 = arith.constant 3 : i32
        %dma_wait3A_493 = arith.constant 0 : i32
        %dma_wait3A_494 = arith.constant 0 : i32
        %dma_wait3A_495 = arith.constant 0 : i32
        %dma_wait3A_496 = tpu.memref_slice %arg6[%dma_wait3A_492, %dma_wait3A_493, %dma_wait3A_494, %dma_wait3A_495] : memref<4x2x2x125xi32, #tpu.memory_space<vmem>> -> memref<1x2x2x125xi32, #tpu.memory_space<vmem>>
        %dma_wait3A_497 = tpu.memref_squeeze %dma_wait3A_496 : memref<1x2x2x125xi32, #tpu.memory_space<vmem>> -> memref<2x2x125xi32, #tpu.memory_space<vmem>>
        %dma_wait3A_498 = arith.constant 0 : i32
        %dma_wait3A_499 = arith.constant 0 : i32
        %dma_wait3A_500 = arith.constant 0 : i32
        %dma_wait3A_501 = tpu.memref_slice %arg3[%add3A, %dma_wait3A_498, %dma_wait3A_499, %dma_wait3A_500] : memref<32x80x2x125xi32, #tpu.memory_space<hbm>> -> memref<1x2x2x125xi32, #tpu.memory_space<hbm>>
        %dma_wait3A_502 = tpu.memref_squeeze %dma_wait3A_501 : memref<1x2x2x125xi32, #tpu.memory_space<hbm>> -> memref<2x2x125xi32, #tpu.memory_space<hbm>>
        %dma_wait3A_503 = arith.constant 0 : i32
        %dma_wait3A_504 = arith.constant 0 : i32
        %dma_wait3A_505 = arith.constant 0 : i32
        %dma_wait3A_506 = tpu.memref_slice %arg6[%dma_wait3A_492, %dma_wait3A_503, %dma_wait3A_504, %dma_wait3A_505] : memref<4x2x2x125xi32, #tpu.memory_space<vmem>> -> memref<1x2x2x125xi32, #tpu.memory_space<vmem>>
        %dma_wait3A_507 = tpu.memref_squeeze %dma_wait3A_506 : memref<1x2x2x125xi32, #tpu.memory_space<vmem>> -> memref<2x2x125xi32, #tpu.memory_space<vmem>>
        %dma_wait3A_508 = arith.constant 0 : i32
        %dma_wait3A_509 = arith.constant 0 : i32
        %dma_wait3A_510 = arith.constant 0 : i32
        %dma_wait3A_511 = tpu.memref_slice %arg3[%add3A, %dma_wait3A_508, %dma_wait3A_509, %dma_wait3A_510] : memref<32x80x2x125xi32, #tpu.memory_space<hbm>> -> memref<1x2x2x125xi32, #tpu.memory_space<hbm>>
        %dma_wait3A_512 = tpu.memref_squeeze %dma_wait3A_511 : memref<1x2x2x125xi32, #tpu.memory_space<hbm>> -> memref<2x2x125xi32, #tpu.memory_space<hbm>>
        tpu.wait_dma2 semaphore(%arg14 : memref<!tpu.dma_semaphore, #tpu.memory_space<semaphore_mem>>) src(%dma_wait3A_512 : memref<2x2x125xi32, #tpu.memory_space<hbm>>) dst(%dma_wait3A_507 : memref<2x2x125xi32, #tpu.memory_space<vmem>>)
      } else {
      }
      %add3A_331 = arith.constant 3 : i32
      %add3A_332 = arith.addi %add3A_323, %add3A_331 : i32
      %lt3A_333 = arith.constant 40 : i32
      %lt3A_334 = arith.cmpi slt, %add3A_332, %lt3A_333 : i32
      %convert_element_type3A_335 = arith.extui %lt3A_334 : i1 to i32
      %cond3A_336 = arith.constant 0 : i32
      %cond3A_337 = arith.cmpi ne, %convert_element_type3A_335, %cond3A_336 : i32
      scf.if %cond3A_337 {
        %add3A_492 = arith.constant 3 : i32
        %add3A_493 = arith.addi %add3A_323, %add3A_492 : i32
        %mul3A_494 = arith.constant 2 : i32
        %mul3A_495 = arith.muli %add3A_493, %mul3A_494 : i32
        %dma_start3A_496 = arith.constant 1 : i32
        %dma_start3A_497 = arith.constant 0 : i32
        %dma_start3A_498 = arith.constant 0 : i32
        %dma_start3A_499 = arith.constant 0 : i32
        %dma_start3A_500 = tpu.memref_slice %arg6[%dma_start3A_496, %dma_start3A_497, %dma_start3A_498, %dma_start3A_499] : memref<4x2x2x125xi32, #tpu.memory_space<vmem>> -> memref<1x2x2x125xi32, #tpu.memory_space<vmem>>
        %dma_start3A_501 = tpu.memref_squeeze %dma_start3A_500 : memref<1x2x2x125xi32, #tpu.memory_space<vmem>> -> memref<2x2x125xi32, #tpu.memory_space<vmem>>
        %dma_start3A_502 = arith.constant 0 : i32
        %dma_start3A_503 = arith.constant 0 : i32
        %dma_start3A_504 = tpu.memref_slice %arg3[%add3A, %mul3A_495, %dma_start3A_502, %dma_start3A_503] : memref<32x80x2x125xi32, #tpu.memory_space<hbm>> -> memref<1x2x2x125xi32, #tpu.memory_space<hbm>>
        %dma_start3A_505 = tpu.memref_squeeze %dma_start3A_504 : memref<1x2x2x125xi32, #tpu.memory_space<hbm>> -> memref<2x2x125xi32, #tpu.memory_space<hbm>>
        %dma_start3A_506 = arith.constant 0 : i32
        %dma_start3A_507 = arith.constant 0 : i32
        %dma_start3A_508 = arith.constant 0 : i32
        %dma_start3A_509 = tpu.memref_slice %arg6[%dma_start3A_496, %dma_start3A_506, %dma_start3A_507, %dma_start3A_508] : memref<4x2x2x125xi32, #tpu.memory_space<vmem>> -> memref<1x2x2x125xi32, #tpu.memory_space<vmem>>
        %dma_start3A_510 = tpu.memref_squeeze %dma_start3A_509 : memref<1x2x2x125xi32, #tpu.memory_space<vmem>> -> memref<2x2x125xi32, #tpu.memory_space<vmem>>
        %dma_start3A_511 = arith.constant 0 : i32
        %dma_start3A_512 = arith.constant 0 : i32
        %dma_start3A_513 = tpu.memref_slice %arg3[%add3A, %mul3A_495, %dma_start3A_511, %dma_start3A_512] : memref<32x80x2x125xi32, #tpu.memory_space<hbm>> -> memref<1x2x2x125xi32, #tpu.memory_space<hbm>>
        %dma_start3A_514 = tpu.memref_squeeze %dma_start3A_513 : memref<1x2x2x125xi32, #tpu.memory_space<hbm>> -> memref<2x2x125xi32, #tpu.memory_space<hbm>>
        tpu.enqueue_dma source(%dma_start3A_514 : memref<2x2x125xi32, #tpu.memory_space<hbm>>) target(%dma_start3A_510 : memref<2x2x125xi32, #tpu.memory_space<vmem>>) target_semaphore(%arg12 : memref<!tpu.dma_semaphore, #tpu.memory_space<semaphore_mem>>)
      } else {
      }
      %dma_wait3A_338 = arith.constant 0 : i32
      %dma_wait3A_339 = arith.constant 0 : i32
      %dma_wait3A_340 = arith.constant 0 : i32
      %dma_wait3A_341 = arith.constant 0 : i32
      %dma_wait3A_342 = arith.constant 0 : i32
      %dma_wait3A_343 = tpu.memref_slice %arg7[%dma_wait3A_341, %dma_wait3A_342] : memref<125x128xf32, #tpu.memory_space<vmem>> -> memref<64x128xf32, #tpu.memory_space<vmem>>
      %dma_wait3A_344 = arith.constant 0 : i32
      %dma_wait3A_345 = tpu.memref_slice %arg6[%dma_wait3A_338, %dma_wait3A_339, %dma_wait3A_340, %dma_wait3A_344] : memref<4x2x2x125xi32, #tpu.memory_space<vmem>> -> memref<1x1x1x64xi32, #tpu.memory_space<vmem>>
      %dma_wait3A_346 = tpu.memref_squeeze %dma_wait3A_345 : memref<1x1x1x64xi32, #tpu.memory_space<vmem>> -> memref<64xi32, #tpu.memory_space<vmem>>
      %dma_wait3A_347 = arith.constant 0 : i32
      %dma_wait3A_348 = arith.constant 0 : i32
      %dma_wait3A_349 = tpu.memref_slice %arg2[%dma_wait3A_347, %dma_wait3A_348] : memref<10000x128xf32, #tpu.memory_space<hbm>> -> memref<10000x128xf32, #tpu.memory_space<hbm>>
      tpu.wait_indirect_dma semaphore(%arg9 : memref<!tpu.dma_semaphore, #tpu.memory_space<semaphore_mem>>) src(%dma_wait3A_349 : memref<10000x128xf32, #tpu.memory_space<hbm>>) dst(%dma_wait3A_343 : memref<64x128xf32, #tpu.memory_space<vmem>>)
      %dma_wait3A_350 = arith.constant 0 : i32
      %dma_wait3A_351 = arith.constant 0 : i32
      %dma_wait3A_352 = arith.constant 0 : i32
      %dma_wait3A_353 = arith.constant 64 : i32
      %dma_wait3A_354 = arith.constant 0 : i32
      %dma_wait3A_355 = tpu.memref_slice %arg7[%dma_wait3A_353, %dma_wait3A_354] : memref<125x128xf32, #tpu.memory_space<vmem>> -> memref<61x128xf32, #tpu.memory_space<vmem>>
      %dma_wait3A_356 = arith.constant 64 : i32
      %dma_wait3A_357 = tpu.memref_slice %arg6[%dma_wait3A_350, %dma_wait3A_351, %dma_wait3A_352, %dma_wait3A_356] : memref<4x2x2x125xi32, #tpu.memory_space<vmem>> -> memref<1x1x1x61xi32, #tpu.memory_space<vmem>>
      %dma_wait3A_358 = tpu.memref_squeeze %dma_wait3A_357 : memref<1x1x1x61xi32, #tpu.memory_space<vmem>> -> memref<61xi32, #tpu.memory_space<vmem>>
      %dma_wait3A_359 = arith.constant 0 : i32
      %dma_wait3A_360 = arith.constant 0 : i32
      %dma_wait3A_361 = tpu.memref_slice %arg2[%dma_wait3A_359, %dma_wait3A_360] : memref<10000x128xf32, #tpu.memory_space<hbm>> -> memref<10000x128xf32, #tpu.memory_space<hbm>>
      tpu.wait_indirect_dma semaphore(%arg9 : memref<!tpu.dma_semaphore, #tpu.memory_space<semaphore_mem>>) src(%dma_wait3A_361 : memref<10000x128xf32, #tpu.memory_space<hbm>>) dst(%dma_wait3A_355 : memref<61x128xf32, #tpu.memory_space<vmem>>)
      %run_scoped3A_362 = arith.constant 2 : i32
      %run_scoped3A_363 = arith.constant 0 : i32
      %run_scoped3A_364 = arith.constant 1 : i32
      "tpu.region"() ({
        %run_scoped3A_492 = tpu.sem_alloc : memref<!tpu.dma_semaphore, #tpu.memory_space<semaphore_mem>>
        %dma_start3A_493 = arith.constant 0 : i32
        %dma_start3A_494 = tpu.memref_slice %arg6[%run_scoped3A_362, %run_scoped3A_363, %run_scoped3A_364, %dma_start3A_493] : memref<4x2x2x125xi32, #tpu.memory_space<vmem>> -> memref<1x1x1x125xi32, #tpu.memory_space<vmem>>
        %dma_start3A_495 = tpu.memref_squeeze %dma_start3A_494 : memref<1x1x1x125xi32, #tpu.memory_space<vmem>> -> memref<125xi32, #tpu.memory_space<vmem>>
        %dma_start3A_496 = arith.constant 0 : i32
        %dma_start3A_497 = arith.constant 0 : i32
        %dma_start3A_498 = tpu.memref_slice %arg15[%dma_start3A_496, %dma_start3A_497] : memref<10000x128xf32, #tpu.memory_space<vmem_shared>> -> memref<10000x128xf32, #tpu.memory_space<vmem_shared>>
        tpu.enqueue_indirect_dma source(%arg7 : memref<125x128xf32, #tpu.memory_space<vmem>>) target(%dma_start3A_498 : memref<10000x128xf32, #tpu.memory_space<vmem_shared>>) offsets(%dma_start3A_495 : memref<125xi32, #tpu.memory_space<vmem>>) semaphore(%run_scoped3A_492 : memref<!tpu.dma_semaphore, #tpu.memory_space<semaphore_mem>>) {add = true}
        %dma_wait3A_499 = arith.constant 0 : i32
        %dma_wait3A_500 = tpu.memref_slice %arg6[%run_scoped3A_362, %run_scoped3A_363, %run_scoped3A_364, %dma_wait3A_499] : memref<4x2x2x125xi32, #tpu.memory_space<vmem>> -> memref<1x1x1x125xi32, #tpu.memory_space<vmem>>
        %dma_wait3A_501 = tpu.memref_squeeze %dma_wait3A_500 : memref<1x1x1x125xi32, #tpu.memory_space<vmem>> -> memref<125xi32, #tpu.memory_space<vmem>>
        %dma_wait3A_502 = arith.constant 0 : i32
        %dma_wait3A_503 = arith.constant 0 : i32
        %dma_wait3A_504 = tpu.memref_slice %arg15[%dma_wait3A_502, %dma_wait3A_503] : memref<10000x128xf32, #tpu.memory_space<vmem_shared>> -> memref<10000x128xf32, #tpu.memory_space<vmem_shared>>
        tpu.wait_indirect_dma semaphore(%run_scoped3A_492 : memref<!tpu.dma_semaphore, #tpu.memory_space<semaphore_mem>>) src(%arg7 : memref<125x128xf32, #tpu.memory_space<vmem>>) dst(%dma_wait3A_504 : memref<10000x128xf32, #tpu.memory_space<vmem_shared>>)
        tpu.yield
      }) : () -> ()
      %add3A_365 = arith.constant 1 : i32
      %add3A_366 = arith.addi %add3A_323, %add3A_365 : i32
      %lt3A_367 = arith.constant 40 : i32
      %lt3A_368 = arith.cmpi slt, %add3A_366, %lt3A_367 : i32
      %convert_element_type3A_369 = arith.extui %lt3A_368 : i1 to i32
      %cond3A_370 = arith.constant 0 : i32
      %cond3A_371 = arith.cmpi ne, %convert_element_type3A_369, %cond3A_370 : i32
      scf.if %cond3A_371 {
        %dma_start3A_492 = arith.constant 3 : i32
        %dma_start3A_493 = arith.constant 0 : i32
        %dma_start3A_494 = arith.constant 0 : i32
        %dma_start3A_495 = arith.constant 0 : i32
        %dma_start3A_496 = arith.constant 0 : i32
        %dma_start3A_497 = tpu.memref_slice %arg7[%dma_start3A_495, %dma_start3A_496] : memref<125x128xf32, #tpu.memory_space<vmem>> -> memref<64x128xf32, #tpu.memory_space<vmem>>
        %dma_start3A_498 = arith.constant 0 : i32
        %dma_start3A_499 = tpu.memref_slice %arg6[%dma_start3A_492, %dma_start3A_493, %dma_start3A_494, %dma_start3A_498] : memref<4x2x2x125xi32, #tpu.memory_space<vmem>> -> memref<1x1x1x64xi32, #tpu.memory_space<vmem>>
        %dma_start3A_500 = tpu.memref_squeeze %dma_start3A_499 : memref<1x1x1x64xi32, #tpu.memory_space<vmem>> -> memref<64xi32, #tpu.memory_space<vmem>>
        %dma_start3A_501 = arith.constant 0 : i32
        %dma_start3A_502 = arith.constant 0 : i32
        %dma_start3A_503 = tpu.memref_slice %arg2[%dma_start3A_501, %dma_start3A_502] : memref<10000x128xf32, #tpu.memory_space<hbm>> -> memref<10000x128xf32, #tpu.memory_space<hbm>>
        tpu.enqueue_indirect_dma source(%dma_start3A_503 : memref<10000x128xf32, #tpu.memory_space<hbm>>) target(%dma_start3A_497 : memref<64x128xf32, #tpu.memory_space<vmem>>) offsets(%dma_start3A_500 : memref<64xi32, #tpu.memory_space<vmem>>) semaphore(%arg9 : memref<!tpu.dma_semaphore, #tpu.memory_space<semaphore_mem>>)
        %dma_start3A_504 = arith.constant 3 : i32
        %dma_start3A_505 = arith.constant 0 : i32
        %dma_start3A_506 = arith.constant 0 : i32
        %dma_start3A_507 = arith.constant 64 : i32
        %dma_start3A_508 = arith.constant 0 : i32
        %dma_start3A_509 = tpu.memref_slice %arg7[%dma_start3A_507, %dma_start3A_508] : memref<125x128xf32, #tpu.memory_space<vmem>> -> memref<61x128xf32, #tpu.memory_space<vmem>>
        %dma_start3A_510 = arith.constant 64 : i32
        %dma_start3A_511 = tpu.memref_slice %arg6[%dma_start3A_504, %dma_start3A_505, %dma_start3A_506, %dma_start3A_510] : memref<4x2x2x125xi32, #tpu.memory_space<vmem>> -> memref<1x1x1x61xi32, #tpu.memory_space<vmem>>
        %dma_start3A_512 = tpu.memref_squeeze %dma_start3A_511 : memref<1x1x1x61xi32, #tpu.memory_space<vmem>> -> memref<61xi32, #tpu.memory_space<vmem>>
        %dma_start3A_513 = arith.constant 0 : i32
        %dma_start3A_514 = arith.constant 0 : i32
        %dma_start3A_515 = tpu.memref_slice %arg2[%dma_start3A_513, %dma_start3A_514] : memref<10000x128xf32, #tpu.memory_space<hbm>> -> memref<10000x128xf32, #tpu.memory_space<hbm>>
        tpu.enqueue_indirect_dma source(%dma_start3A_515 : memref<10000x128xf32, #tpu.memory_space<hbm>>) target(%dma_start3A_509 : memref<61x128xf32, #tpu.memory_space<vmem>>) offsets(%dma_start3A_512 : memref<61xi32, #tpu.memory_space<vmem>>) semaphore(%arg9 : memref<!tpu.dma_semaphore, #tpu.memory_space<semaphore_mem>>)
      } else {
      }
      %dma_wait3A_372 = arith.constant 0 : i32
      %dma_wait3A_373 = arith.constant 0 : i32
      %dma_wait3A_374 = arith.constant 0 : i32
      %dma_wait3A_375 = arith.constant 0 : i32
      %dma_wait3A_376 = arith.constant 0 : i32
      %dma_wait3A_377 = tpu.memref_slice %arg8[%dma_wait3A_375, %dma_wait3A_376] : memref<125x128xf32, #tpu.memory_space<vmem>> -> memref<64x128xf32, #tpu.memory_space<vmem>>
      %dma_wait3A_378 = arith.constant 0 : i32
      %dma_wait3A_379 = tpu.memref_slice %arg6[%dma_wait3A_372, %dma_wait3A_373, %dma_wait3A_374, %dma_wait3A_378] : memref<4x2x2x125xi32, #tpu.memory_space<vmem>> -> memref<1x1x1x64xi32, #tpu.memory_space<vmem>>
      %dma_wait3A_380 = tpu.memref_squeeze %dma_wait3A_379 : memref<1x1x1x64xi32, #tpu.memory_space<vmem>> -> memref<64xi32, #tpu.memory_space<vmem>>
      %dma_wait3A_381 = arith.constant 0 : i32
      %dma_wait3A_382 = arith.constant 0 : i32
      %dma_wait3A_383 = tpu.memref_slice %arg2[%dma_wait3A_381, %dma_wait3A_382] : memref<10000x128xf32, #tpu.memory_space<hbm>> -> memref<10000x128xf32, #tpu.memory_space<hbm>>
      tpu.wait_indirect_dma semaphore(%arg10 : memref<!tpu.dma_semaphore, #tpu.memory_space<semaphore_mem>>) src(%dma_wait3A_383 : memref<10000x128xf32, #tpu.memory_space<hbm>>) dst(%dma_wait3A_377 : memref<64x128xf32, #tpu.memory_space<vmem>>)
      %dma_wait3A_384 = arith.constant 0 : i32
      %dma_wait3A_385 = arith.constant 0 : i32
      %dma_wait3A_386 = arith.constant 0 : i32
      %dma_wait3A_387 = arith.constant 64 : i32
      %dma_wait3A_388 = arith.constant 0 : i32
      %dma_wait3A_389 = tpu.memref_slice %arg8[%dma_wait3A_387, %dma_wait3A_388] : memref<125x128xf32, #tpu.memory_space<vmem>> -> memref<61x128xf32, #tpu.memory_space<vmem>>
      %dma_wait3A_390 = arith.constant 64 : i32
      %dma_wait3A_391 = tpu.memref_slice %arg6[%dma_wait3A_384, %dma_wait3A_385, %dma_wait3A_386, %dma_wait3A_390] : memref<4x2x2x125xi32, #tpu.memory_space<vmem>> -> memref<1x1x1x61xi32, #tpu.memory_space<vmem>>
      %dma_wait3A_392 = tpu.memref_squeeze %dma_wait3A_391 : memref<1x1x1x61xi32, #tpu.memory_space<vmem>> -> memref<61xi32, #tpu.memory_space<vmem>>
      %dma_wait3A_393 = arith.constant 0 : i32
      %dma_wait3A_394 = arith.constant 0 : i32
      %dma_wait3A_395 = tpu.memref_slice %arg2[%dma_wait3A_393, %dma_wait3A_394] : memref<10000x128xf32, #tpu.memory_space<hbm>> -> memref<10000x128xf32, #tpu.memory_space<hbm>>
      tpu.wait_indirect_dma semaphore(%arg10 : memref<!tpu.dma_semaphore, #tpu.memory_space<semaphore_mem>>) src(%dma_wait3A_395 : memref<10000x128xf32, #tpu.memory_space<hbm>>) dst(%dma_wait3A_389 : memref<61x128xf32, #tpu.memory_space<vmem>>)
      %run_scoped3A_396 = arith.constant 2 : i32
      %run_scoped3A_397 = arith.constant 1 : i32
      %run_scoped3A_398 = arith.constant 1 : i32
      "tpu.region"() ({
        %run_scoped3A_492 = tpu.sem_alloc : memref<!tpu.dma_semaphore, #tpu.memory_space<semaphore_mem>>
        %dma_start3A_493 = arith.constant 0 : i32
        %dma_start3A_494 = tpu.memref_slice %arg6[%run_scoped3A_396, %run_scoped3A_397, %run_scoped3A_398, %dma_start3A_493] : memref<4x2x2x125xi32, #tpu.memory_space<vmem>> -> memref<1x1x1x125xi32, #tpu.memory_space<vmem>>
        %dma_start3A_495 = tpu.memref_squeeze %dma_start3A_494 : memref<1x1x1x125xi32, #tpu.memory_space<vmem>> -> memref<125xi32, #tpu.memory_space<vmem>>
        %dma_start3A_496 = arith.constant 0 : i32
        %dma_start3A_497 = arith.constant 0 : i32
        %dma_start3A_498 = tpu.memref_slice %arg15[%dma_start3A_496, %dma_start3A_497] : memref<10000x128xf32, #tpu.memory_space<vmem_shared>> -> memref<10000x128xf32, #tpu.memory_space<vmem_shared>>
        tpu.enqueue_indirect_dma source(%arg8 : memref<125x128xf32, #tpu.memory_space<vmem>>) target(%dma_start3A_498 : memref<10000x128xf32, #tpu.memory_space<vmem_shared>>) offsets(%dma_start3A_495 : memref<125xi32, #tpu.memory_space<vmem>>) semaphore(%run_scoped3A_492 : memref<!tpu.dma_semaphore, #tpu.memory_space<semaphore_mem>>) {add = true}
        %dma_wait3A_499 = arith.constant 0 : i32
        %dma_wait3A_500 = tpu.memref_slice %arg6[%run_scoped3A_396, %run_scoped3A_397, %run_scoped3A_398, %dma_wait3A_499] : memref<4x2x2x125xi32, #tpu.memory_space<vmem>> -> memref<1x1x1x125xi32, #tpu.memory_space<vmem>>
        %dma_wait3A_501 = tpu.memref_squeeze %dma_wait3A_500 : memref<1x1x1x125xi32, #tpu.memory_space<vmem>> -> memref<125xi32, #tpu.memory_space<vmem>>
        %dma_wait3A_502 = arith.constant 0 : i32
        %dma_wait3A_503 = arith.constant 0 : i32
        %dma_wait3A_504 = tpu.memref_slice %arg15[%dma_wait3A_502, %dma_wait3A_503] : memref<10000x128xf32, #tpu.memory_space<vmem_shared>> -> memref<10000x128xf32, #tpu.memory_space<vmem_shared>>
        tpu.wait_indirect_dma semaphore(%run_scoped3A_492 : memref<!tpu.dma_semaphore, #tpu.memory_space<semaphore_mem>>) src(%arg8 : memref<125x128xf32, #tpu.memory_space<vmem>>) dst(%dma_wait3A_504 : memref<10000x128xf32, #tpu.memory_space<vmem_shared>>)
        tpu.yield
      }) : () -> ()
      %add3A_399 = arith.constant 1 : i32
      %add3A_400 = arith.addi %add3A_323, %add3A_399 : i32
      %lt3A_401 = arith.constant 40 : i32
      %lt3A_402 = arith.cmpi slt, %add3A_400, %lt3A_401 : i32
      %convert_element_type3A_403 = arith.extui %lt3A_402 : i1 to i32
      %cond3A_404 = arith.constant 0 : i32
      %cond3A_405 = arith.cmpi ne, %convert_element_type3A_403, %cond3A_404 : i32
      scf.if %cond3A_405 {
        %dma_start3A_492 = arith.constant 3 : i32
        %dma_start3A_493 = arith.constant 1 : i32
        %dma_start3A_494 = arith.constant 0 : i32
        %dma_start3A_495 = arith.constant 0 : i32
        %dma_start3A_496 = arith.constant 0 : i32
        %dma_start3A_497 = tpu.memref_slice %arg8[%dma_start3A_495, %dma_start3A_496] : memref<125x128xf32, #tpu.memory_space<vmem>> -> memref<64x128xf32, #tpu.memory_space<vmem>>
        %dma_start3A_498 = arith.constant 0 : i32
        %dma_start3A_499 = tpu.memref_slice %arg6[%dma_start3A_492, %dma_start3A_493, %dma_start3A_494, %dma_start3A_498] : memref<4x2x2x125xi32, #tpu.memory_space<vmem>> -> memref<1x1x1x64xi32, #tpu.memory_space<vmem>>
        %dma_start3A_500 = tpu.memref_squeeze %dma_start3A_499 : memref<1x1x1x64xi32, #tpu.memory_space<vmem>> -> memref<64xi32, #tpu.memory_space<vmem>>
        %dma_start3A_501 = arith.constant 0 : i32
        %dma_start3A_502 = arith.constant 0 : i32
        %dma_start3A_503 = tpu.memref_slice %arg2[%dma_start3A_501, %dma_start3A_502] : memref<10000x128xf32, #tpu.memory_space<hbm>> -> memref<10000x128xf32, #tpu.memory_space<hbm>>
        tpu.enqueue_indirect_dma source(%dma_start3A_503 : memref<10000x128xf32, #tpu.memory_space<hbm>>) target(%dma_start3A_497 : memref<64x128xf32, #tpu.memory_space<vmem>>) offsets(%dma_start3A_500 : memref<64xi32, #tpu.memory_space<vmem>>) semaphore(%arg10 : memref<!tpu.dma_semaphore, #tpu.memory_space<semaphore_mem>>)
        %dma_start3A_504 = arith.constant 3 : i32
        %dma_start3A_505 = arith.constant 1 : i32
        %dma_start3A_506 = arith.constant 0 : i32
        %dma_start3A_507 = arith.constant 64 : i32
        %dma_start3A_508 = arith.constant 0 : i32
        %dma_start3A_509 = tpu.memref_slice %arg8[%dma_start3A_507, %dma_start3A_508] : memref<125x128xf32, #tpu.memory_space<vmem>> -> memref<61x128xf32, #tpu.memory_space<vmem>>
        %dma_start3A_510 = arith.constant 64 : i32
        %dma_start3A_511 = tpu.memref_slice %arg6[%dma_start3A_504, %dma_start3A_505, %dma_start3A_506, %dma_start3A_510] : memref<4x2x2x125xi32, #tpu.memory_space<vmem>> -> memref<1x1x1x61xi32, #tpu.memory_space<vmem>>
        %dma_start3A_512 = tpu.memref_squeeze %dma_start3A_511 : memref<1x1x1x61xi32, #tpu.memory_space<vmem>> -> memref<61xi32, #tpu.memory_space<vmem>>
        %dma_start3A_513 = arith.constant 0 : i32
        %dma_start3A_514 = arith.constant 0 : i32
        %dma_start3A_515 = tpu.memref_slice %arg2[%dma_start3A_513, %dma_start3A_514] : memref<10000x128xf32, #tpu.memory_space<hbm>> -> memref<10000x128xf32, #tpu.memory_space<hbm>>
        tpu.enqueue_indirect_dma source(%dma_start3A_515 : memref<10000x128xf32, #tpu.memory_space<hbm>>) target(%dma_start3A_509 : memref<61x128xf32, #tpu.memory_space<vmem>>) offsets(%dma_start3A_512 : memref<61xi32, #tpu.memory_space<vmem>>) semaphore(%arg10 : memref<!tpu.dma_semaphore, #tpu.memory_space<semaphore_mem>>)
      } else {
      }
      %mul3A_406 = arith.constant 4 : i32
      %mul3A_407 = arith.muli %scan3A_149, %mul3A_406 : i32
      %add3A_408 = arith.constant 3 : i32
      %add3A_409 = arith.addi %mul3A_407, %add3A_408 : i32
      %add3A_410 = arith.constant 1 : i32
      %add3A_411 = arith.addi %add3A_409, %add3A_410 : i32
      %lt3A_412 = arith.constant 40 : i32
      %lt3A_413 = arith.cmpi slt, %add3A_411, %lt3A_412 : i32
      %convert_element_type3A_414 = arith.extui %lt3A_413 : i1 to i32
      %cond3A_415 = arith.constant 0 : i32
      %cond3A_416 = arith.cmpi ne, %convert_element_type3A_414, %cond3A_415 : i32
      scf.if %cond3A_416 {
        %dma_wait3A_492 = arith.constant 0 : i32
        %dma_wait3A_493 = arith.constant 0 : i32
        %dma_wait3A_494 = arith.constant 0 : i32
        %dma_wait3A_495 = arith.constant 0 : i32
        %dma_wait3A_496 = tpu.memref_slice %arg6[%dma_wait3A_492, %dma_wait3A_493, %dma_wait3A_494, %dma_wait3A_495] : memref<4x2x2x125xi32, #tpu.memory_space<vmem>> -> memref<1x2x2x125xi32, #tpu.memory_space<vmem>>
        %dma_wait3A_497 = tpu.memref_squeeze %dma_wait3A_496 : memref<1x2x2x125xi32, #tpu.memory_space<vmem>> -> memref<2x2x125xi32, #tpu.memory_space<vmem>>
        %dma_wait3A_498 = arith.constant 0 : i32
        %dma_wait3A_499 = arith.constant 0 : i32
        %dma_wait3A_500 = arith.constant 0 : i32
        %dma_wait3A_501 = tpu.memref_slice %arg3[%add3A, %dma_wait3A_498, %dma_wait3A_499, %dma_wait3A_500] : memref<32x80x2x125xi32, #tpu.memory_space<hbm>> -> memref<1x2x2x125xi32, #tpu.memory_space<hbm>>
        %dma_wait3A_502 = tpu.memref_squeeze %dma_wait3A_501 : memref<1x2x2x125xi32, #tpu.memory_space<hbm>> -> memref<2x2x125xi32, #tpu.memory_space<hbm>>
        %dma_wait3A_503 = arith.constant 0 : i32
        %dma_wait3A_504 = arith.constant 0 : i32
        %dma_wait3A_505 = arith.constant 0 : i32
        %dma_wait3A_506 = tpu.memref_slice %arg6[%dma_wait3A_492, %dma_wait3A_503, %dma_wait3A_504, %dma_wait3A_505] : memref<4x2x2x125xi32, #tpu.memory_space<vmem>> -> memref<1x2x2x125xi32, #tpu.memory_space<vmem>>
        %dma_wait3A_507 = tpu.memref_squeeze %dma_wait3A_506 : memref<1x2x2x125xi32, #tpu.memory_space<vmem>> -> memref<2x2x125xi32, #tpu.memory_space<vmem>>
        %dma_wait3A_508 = arith.constant 0 : i32
        %dma_wait3A_509 = arith.constant 0 : i32
        %dma_wait3A_510 = arith.constant 0 : i32
        %dma_wait3A_511 = tpu.memref_slice %arg3[%add3A, %dma_wait3A_508, %dma_wait3A_509, %dma_wait3A_510] : memref<32x80x2x125xi32, #tpu.memory_space<hbm>> -> memref<1x2x2x125xi32, #tpu.memory_space<hbm>>
        %dma_wait3A_512 = tpu.memref_squeeze %dma_wait3A_511 : memref<1x2x2x125xi32, #tpu.memory_space<hbm>> -> memref<2x2x125xi32, #tpu.memory_space<hbm>>
        tpu.wait_dma2 semaphore(%arg11 : memref<!tpu.dma_semaphore, #tpu.memory_space<semaphore_mem>>) src(%dma_wait3A_512 : memref<2x2x125xi32, #tpu.memory_space<hbm>>) dst(%dma_wait3A_507 : memref<2x2x125xi32, #tpu.memory_space<vmem>>)
      } else {
      }
      %add3A_417 = arith.constant 3 : i32
      %add3A_418 = arith.addi %add3A_409, %add3A_417 : i32
      %lt3A_419 = arith.constant 40 : i32
      %lt3A_420 = arith.cmpi slt, %add3A_418, %lt3A_419 : i32
      %convert_element_type3A_421 = arith.extui %lt3A_420 : i1 to i32
      %cond3A_422 = arith.constant 0 : i32
      %cond3A_423 = arith.cmpi ne, %convert_element_type3A_421, %cond3A_422 : i32
      scf.if %cond3A_423 {
        %add3A_492 = arith.constant 3 : i32
        %add3A_493 = arith.addi %add3A_409, %add3A_492 : i32
        %mul3A_494 = arith.constant 2 : i32
        %mul3A_495 = arith.muli %add3A_493, %mul3A_494 : i32
        %dma_start3A_496 = arith.constant 2 : i32
        %dma_start3A_497 = arith.constant 0 : i32
        %dma_start3A_498 = arith.constant 0 : i32
        %dma_start3A_499 = arith.constant 0 : i32
        %dma_start3A_500 = tpu.memref_slice %arg6[%dma_start3A_496, %dma_start3A_497, %dma_start3A_498, %dma_start3A_499] : memref<4x2x2x125xi32, #tpu.memory_space<vmem>> -> memref<1x2x2x125xi32, #tpu.memory_space<vmem>>
        %dma_start3A_501 = tpu.memref_squeeze %dma_start3A_500 : memref<1x2x2x125xi32, #tpu.memory_space<vmem>> -> memref<2x2x125xi32, #tpu.memory_space<vmem>>
        %dma_start3A_502 = arith.constant 0 : i32
        %dma_start3A_503 = arith.constant 0 : i32
        %dma_start3A_504 = tpu.memref_slice %arg3[%add3A, %mul3A_495, %dma_start3A_502, %dma_start3A_503] : memref<32x80x2x125xi32, #tpu.memory_space<hbm>> -> memref<1x2x2x125xi32, #tpu.memory_space<hbm>>
        %dma_start3A_505 = tpu.memref_squeeze %dma_start3A_504 : memref<1x2x2x125xi32, #tpu.memory_space<hbm>> -> memref<2x2x125xi32, #tpu.memory_space<hbm>>
        %dma_start3A_506 = arith.constant 0 : i32
        %dma_start3A_507 = arith.constant 0 : i32
        %dma_start3A_508 = arith.constant 0 : i32
        %dma_start3A_509 = tpu.memref_slice %arg6[%dma_start3A_496, %dma_start3A_506, %dma_start3A_507, %dma_start3A_508] : memref<4x2x2x125xi32, #tpu.memory_space<vmem>> -> memref<1x2x2x125xi32, #tpu.memory_space<vmem>>
        %dma_start3A_510 = tpu.memref_squeeze %dma_start3A_509 : memref<1x2x2x125xi32, #tpu.memory_space<vmem>> -> memref<2x2x125xi32, #tpu.memory_space<vmem>>
        %dma_start3A_511 = arith.constant 0 : i32
        %dma_start3A_512 = arith.constant 0 : i32
        %dma_start3A_513 = tpu.memref_slice %arg3[%add3A, %mul3A_495, %dma_start3A_511, %dma_start3A_512] : memref<32x80x2x125xi32, #tpu.memory_space<hbm>> -> memref<1x2x2x125xi32, #tpu.memory_space<hbm>>
        %dma_start3A_514 = tpu.memref_squeeze %dma_start3A_513 : memref<1x2x2x125xi32, #tpu.memory_space<hbm>> -> memref<2x2x125xi32, #tpu.memory_space<hbm>>
        tpu.enqueue_dma source(%dma_start3A_514 : memref<2x2x125xi32, #tpu.memory_space<hbm>>) target(%dma_start3A_510 : memref<2x2x125xi32, #tpu.memory_space<vmem>>) target_semaphore(%arg13 : memref<!tpu.dma_semaphore, #tpu.memory_space<semaphore_mem>>)
      } else {
      }
      %dma_wait3A_424 = arith.constant 0 : i32
      %dma_wait3A_425 = arith.constant 0 : i32
      %dma_wait3A_426 = arith.constant 0 : i32
      %dma_wait3A_427 = arith.constant 0 : i32
      %dma_wait3A_428 = arith.constant 0 : i32
      %dma_wait3A_429 = tpu.memref_slice %arg7[%dma_wait3A_427, %dma_wait3A_428] : memref<125x128xf32, #tpu.memory_space<vmem>> -> memref<64x128xf32, #tpu.memory_space<vmem>>
      %dma_wait3A_430 = arith.constant 0 : i32
      %dma_wait3A_431 = tpu.memref_slice %arg6[%dma_wait3A_424, %dma_wait3A_425, %dma_wait3A_426, %dma_wait3A_430] : memref<4x2x2x125xi32, #tpu.memory_space<vmem>> -> memref<1x1x1x64xi32, #tpu.memory_space<vmem>>
      %dma_wait3A_432 = tpu.memref_squeeze %dma_wait3A_431 : memref<1x1x1x64xi32, #tpu.memory_space<vmem>> -> memref<64xi32, #tpu.memory_space<vmem>>
      %dma_wait3A_433 = arith.constant 0 : i32
      %dma_wait3A_434 = arith.constant 0 : i32
      %dma_wait3A_435 = tpu.memref_slice %arg2[%dma_wait3A_433, %dma_wait3A_434] : memref<10000x128xf32, #tpu.memory_space<hbm>> -> memref<10000x128xf32, #tpu.memory_space<hbm>>
      tpu.wait_indirect_dma semaphore(%arg9 : memref<!tpu.dma_semaphore, #tpu.memory_space<semaphore_mem>>) src(%dma_wait3A_435 : memref<10000x128xf32, #tpu.memory_space<hbm>>) dst(%dma_wait3A_429 : memref<64x128xf32, #tpu.memory_space<vmem>>)
      %dma_wait3A_436 = arith.constant 0 : i32
      %dma_wait3A_437 = arith.constant 0 : i32
      %dma_wait3A_438 = arith.constant 0 : i32
      %dma_wait3A_439 = arith.constant 64 : i32
      %dma_wait3A_440 = arith.constant 0 : i32
      %dma_wait3A_441 = tpu.memref_slice %arg7[%dma_wait3A_439, %dma_wait3A_440] : memref<125x128xf32, #tpu.memory_space<vmem>> -> memref<61x128xf32, #tpu.memory_space<vmem>>
      %dma_wait3A_442 = arith.constant 64 : i32
      %dma_wait3A_443 = tpu.memref_slice %arg6[%dma_wait3A_436, %dma_wait3A_437, %dma_wait3A_438, %dma_wait3A_442] : memref<4x2x2x125xi32, #tpu.memory_space<vmem>> -> memref<1x1x1x61xi32, #tpu.memory_space<vmem>>
      %dma_wait3A_444 = tpu.memref_squeeze %dma_wait3A_443 : memref<1x1x1x61xi32, #tpu.memory_space<vmem>> -> memref<61xi32, #tpu.memory_space<vmem>>
      %dma_wait3A_445 = arith.constant 0 : i32
      %dma_wait3A_446 = arith.constant 0 : i32
      %dma_wait3A_447 = tpu.memref_slice %arg2[%dma_wait3A_445, %dma_wait3A_446] : memref<10000x128xf32, #tpu.memory_space<hbm>> -> memref<10000x128xf32, #tpu.memory_space<hbm>>
      tpu.wait_indirect_dma semaphore(%arg9 : memref<!tpu.dma_semaphore, #tpu.memory_space<semaphore_mem>>) src(%dma_wait3A_447 : memref<10000x128xf32, #tpu.memory_space<hbm>>) dst(%dma_wait3A_441 : memref<61x128xf32, #tpu.memory_space<vmem>>)
      %run_scoped3A_448 = arith.constant 3 : i32
      %run_scoped3A_449 = arith.constant 0 : i32
      %run_scoped3A_450 = arith.constant 1 : i32
      "tpu.region"() ({
        %run_scoped3A_492 = tpu.sem_alloc : memref<!tpu.dma_semaphore, #tpu.memory_space<semaphore_mem>>
        %dma_start3A_493 = arith.constant 0 : i32
        %dma_start3A_494 = tpu.memref_slice %arg6[%run_scoped3A_448, %run_scoped3A_449, %run_scoped3A_450, %dma_start3A_493] : memref<4x2x2x125xi32, #tpu.memory_space<vmem>> -> memref<1x1x1x125xi32, #tpu.memory_space<vmem>>
        %dma_start3A_495 = tpu.memref_squeeze %dma_start3A_494 : memref<1x1x1x125xi32, #tpu.memory_space<vmem>> -> memref<125xi32, #tpu.memory_space<vmem>>
        %dma_start3A_496 = arith.constant 0 : i32
        %dma_start3A_497 = arith.constant 0 : i32
        %dma_start3A_498 = tpu.memref_slice %arg15[%dma_start3A_496, %dma_start3A_497] : memref<10000x128xf32, #tpu.memory_space<vmem_shared>> -> memref<10000x128xf32, #tpu.memory_space<vmem_shared>>
        tpu.enqueue_indirect_dma source(%arg7 : memref<125x128xf32, #tpu.memory_space<vmem>>) target(%dma_start3A_498 : memref<10000x128xf32, #tpu.memory_space<vmem_shared>>) offsets(%dma_start3A_495 : memref<125xi32, #tpu.memory_space<vmem>>) semaphore(%run_scoped3A_492 : memref<!tpu.dma_semaphore, #tpu.memory_space<semaphore_mem>>) {add = true}
        %dma_wait3A_499 = arith.constant 0 : i32
        %dma_wait3A_500 = tpu.memref_slice %arg6[%run_scoped3A_448, %run_scoped3A_449, %run_scoped3A_450, %dma_wait3A_499] : memref<4x2x2x125xi32, #tpu.memory_space<vmem>> -> memref<1x1x1x125xi32, #tpu.memory_space<vmem>>
        %dma_wait3A_501 = tpu.memref_squeeze %dma_wait3A_500 : memref<1x1x1x125xi32, #tpu.memory_space<vmem>> -> memref<125xi32, #tpu.memory_space<vmem>>
        %dma_wait3A_502 = arith.constant 0 : i32
        %dma_wait3A_503 = arith.constant 0 : i32
        %dma_wait3A_504 = tpu.memref_slice %arg15[%dma_wait3A_502, %dma_wait3A_503] : memref<10000x128xf32, #tpu.memory_space<vmem_shared>> -> memref<10000x128xf32, #tpu.memory_space<vmem_shared>>
        tpu.wait_indirect_dma semaphore(%run_scoped3A_492 : memref<!tpu.dma_semaphore, #tpu.memory_space<semaphore_mem>>) src(%arg7 : memref<125x128xf32, #tpu.memory_space<vmem>>) dst(%dma_wait3A_504 : memref<10000x128xf32, #tpu.memory_space<vmem_shared>>)
        tpu.yield
      }) : () -> ()
      %add3A_451 = arith.constant 1 : i32
      %add3A_452 = arith.addi %add3A_409, %add3A_451 : i32
      %lt3A_453 = arith.constant 40 : i32
      %lt3A_454 = arith.cmpi slt, %add3A_452, %lt3A_453 : i32
      %convert_element_type3A_455 = arith.extui %lt3A_454 : i1 to i32
      %cond3A_456 = arith.constant 0 : i32
      %cond3A_457 = arith.cmpi ne, %convert_element_type3A_455, %cond3A_456 : i32
      scf.if %cond3A_457 {
        %dma_start3A_492 = arith.constant 0 : i32
        %dma_start3A_493 = arith.constant 0 : i32
        %dma_start3A_494 = arith.constant 0 : i32
        %dma_start3A_495 = arith.constant 0 : i32
        %dma_start3A_496 = arith.constant 0 : i32
        %dma_start3A_497 = tpu.memref_slice %arg7[%dma_start3A_495, %dma_start3A_496] : memref<125x128xf32, #tpu.memory_space<vmem>> -> memref<64x128xf32, #tpu.memory_space<vmem>>
        %dma_start3A_498 = arith.constant 0 : i32
        %dma_start3A_499 = tpu.memref_slice %arg6[%dma_start3A_492, %dma_start3A_493, %dma_start3A_494, %dma_start3A_498] : memref<4x2x2x125xi32, #tpu.memory_space<vmem>> -> memref<1x1x1x64xi32, #tpu.memory_space<vmem>>
        %dma_start3A_500 = tpu.memref_squeeze %dma_start3A_499 : memref<1x1x1x64xi32, #tpu.memory_space<vmem>> -> memref<64xi32, #tpu.memory_space<vmem>>
        %dma_start3A_501 = arith.constant 0 : i32
        %dma_start3A_502 = arith.constant 0 : i32
        %dma_start3A_503 = tpu.memref_slice %arg2[%dma_start3A_501, %dma_start3A_502] : memref<10000x128xf32, #tpu.memory_space<hbm>> -> memref<10000x128xf32, #tpu.memory_space<hbm>>
        tpu.enqueue_indirect_dma source(%dma_start3A_503 : memref<10000x128xf32, #tpu.memory_space<hbm>>) target(%dma_start3A_497 : memref<64x128xf32, #tpu.memory_space<vmem>>) offsets(%dma_start3A_500 : memref<64xi32, #tpu.memory_space<vmem>>) semaphore(%arg9 : memref<!tpu.dma_semaphore, #tpu.memory_space<semaphore_mem>>)
        %dma_start3A_504 = arith.constant 0 : i32
        %dma_start3A_505 = arith.constant 0 : i32
        %dma_start3A_506 = arith.constant 0 : i32
        %dma_start3A_507 = arith.constant 64 : i32
        %dma_start3A_508 = arith.constant 0 : i32
        %dma_start3A_509 = tpu.memref_slice %arg7[%dma_start3A_507, %dma_start3A_508] : memref<125x128xf32, #tpu.memory_space<vmem>> -> memref<61x128xf32, #tpu.memory_space<vmem>>
        %dma_start3A_510 = arith.constant 64 : i32
        %dma_start3A_511 = tpu.memref_slice %arg6[%dma_start3A_504, %dma_start3A_505, %dma_start3A_506, %dma_start3A_510] : memref<4x2x2x125xi32, #tpu.memory_space<vmem>> -> memref<1x1x1x61xi32, #tpu.memory_space<vmem>>
        %dma_start3A_512 = tpu.memref_squeeze %dma_start3A_511 : memref<1x1x1x61xi32, #tpu.memory_space<vmem>> -> memref<61xi32, #tpu.memory_space<vmem>>
        %dma_start3A_513 = arith.constant 0 : i32
        %dma_start3A_514 = arith.constant 0 : i32
        %dma_start3A_515 = tpu.memref_slice %arg2[%dma_start3A_513, %dma_start3A_514] : memref<10000x128xf32, #tpu.memory_space<hbm>> -> memref<10000x128xf32, #tpu.memory_space<hbm>>
        tpu.enqueue_indirect_dma source(%dma_start3A_515 : memref<10000x128xf32, #tpu.memory_space<hbm>>) target(%dma_start3A_509 : memref<61x128xf32, #tpu.memory_space<vmem>>) offsets(%dma_start3A_512 : memref<61xi32, #tpu.memory_space<vmem>>) semaphore(%arg9 : memref<!tpu.dma_semaphore, #tpu.memory_space<semaphore_mem>>)
      } else {
      }
      %dma_wait3A_458 = arith.constant 0 : i32
      %dma_wait3A_459 = arith.constant 0 : i32
      %dma_wait3A_460 = arith.constant 0 : i32
      %dma_wait3A_461 = arith.constant 0 : i32
      %dma_wait3A_462 = arith.constant 0 : i32
      %dma_wait3A_463 = tpu.memref_slice %arg8[%dma_wait3A_461, %dma_wait3A_462] : memref<125x128xf32, #tpu.memory_space<vmem>> -> memref<64x128xf32, #tpu.memory_space<vmem>>
      %dma_wait3A_464 = arith.constant 0 : i32
      %dma_wait3A_465 = tpu.memref_slice %arg6[%dma_wait3A_458, %dma_wait3A_459, %dma_wait3A_460, %dma_wait3A_464] : memref<4x2x2x125xi32, #tpu.memory_space<vmem>> -> memref<1x1x1x64xi32, #tpu.memory_space<vmem>>
      %dma_wait3A_466 = tpu.memref_squeeze %dma_wait3A_465 : memref<1x1x1x64xi32, #tpu.memory_space<vmem>> -> memref<64xi32, #tpu.memory_space<vmem>>
      %dma_wait3A_467 = arith.constant 0 : i32
      %dma_wait3A_468 = arith.constant 0 : i32
      %dma_wait3A_469 = tpu.memref_slice %arg2[%dma_wait3A_467, %dma_wait3A_468] : memref<10000x128xf32, #tpu.memory_space<hbm>> -> memref<10000x128xf32, #tpu.memory_space<hbm>>
      tpu.wait_indirect_dma semaphore(%arg10 : memref<!tpu.dma_semaphore, #tpu.memory_space<semaphore_mem>>) src(%dma_wait3A_469 : memref<10000x128xf32, #tpu.memory_space<hbm>>) dst(%dma_wait3A_463 : memref<64x128xf32, #tpu.memory_space<vmem>>)
      %dma_wait3A_470 = arith.constant 0 : i32
      %dma_wait3A_471 = arith.constant 0 : i32
      %dma_wait3A_472 = arith.constant 0 : i32
      %dma_wait3A_473 = arith.constant 64 : i32
      %dma_wait3A_474 = arith.constant 0 : i32
      %dma_wait3A_475 = tpu.memref_slice %arg8[%dma_wait3A_473, %dma_wait3A_474] : memref<125x128xf32, #tpu.memory_space<vmem>> -> memref<61x128xf32, #tpu.memory_space<vmem>>
      %dma_wait3A_476 = arith.constant 64 : i32
      %dma_wait3A_477 = tpu.memref_slice %arg6[%dma_wait3A_470, %dma_wait3A_471, %dma_wait3A_472, %dma_wait3A_476] : memref<4x2x2x125xi32, #tpu.memory_space<vmem>> -> memref<1x1x1x61xi32, #tpu.memory_space<vmem>>
      %dma_wait3A_478 = tpu.memref_squeeze %dma_wait3A_477 : memref<1x1x1x61xi32, #tpu.memory_space<vmem>> -> memref<61xi32, #tpu.memory_space<vmem>>
      %dma_wait3A_479 = arith.constant 0 : i32
      %dma_wait3A_480 = arith.constant 0 : i32
      %dma_wait3A_481 = tpu.memref_slice %arg2[%dma_wait3A_479, %dma_wait3A_480] : memref<10000x128xf32, #tpu.memory_space<hbm>> -> memref<10000x128xf32, #tpu.memory_space<hbm>>
      tpu.wait_indirect_dma semaphore(%arg10 : memref<!tpu.dma_semaphore, #tpu.memory_space<semaphore_mem>>) src(%dma_wait3A_481 : memref<10000x128xf32, #tpu.memory_space<hbm>>) dst(%dma_wait3A_475 : memref<61x128xf32, #tpu.memory_space<vmem>>)
      %run_scoped3A_482 = arith.constant 3 : i32
      %run_scoped3A_483 = arith.constant 1 : i32
      %run_scoped3A_484 = arith.constant 1 : i32
      "tpu.region"() ({
        %run_scoped3A_492 = tpu.sem_alloc : memref<!tpu.dma_semaphore, #tpu.memory_space<semaphore_mem>>
        %dma_start3A_493 = arith.constant 0 : i32
        %dma_start3A_494 = tpu.memref_slice %arg6[%run_scoped3A_482, %run_scoped3A_483, %run_scoped3A_484, %dma_start3A_493] : memref<4x2x2x125xi32, #tpu.memory_space<vmem>> -> memref<1x1x1x125xi32, #tpu.memory_space<vmem>>
        %dma_start3A_495 = tpu.memref_squeeze %dma_start3A_494 : memref<1x1x1x125xi32, #tpu.memory_space<vmem>> -> memref<125xi32, #tpu.memory_space<vmem>>
        %dma_start3A_496 = arith.constant 0 : i32
        %dma_start3A_497 = arith.constant 0 : i32
        %dma_start3A_498 = tpu.memref_slice %arg15[%dma_start3A_496, %dma_start3A_497] : memref<10000x128xf32, #tpu.memory_space<vmem_shared>> -> memref<10000x128xf32, #tpu.memory_space<vmem_shared>>
        tpu.enqueue_indirect_dma source(%arg8 : memref<125x128xf32, #tpu.memory_space<vmem>>) target(%dma_start3A_498 : memref<10000x128xf32, #tpu.memory_space<vmem_shared>>) offsets(%dma_start3A_495 : memref<125xi32, #tpu.memory_space<vmem>>) semaphore(%run_scoped3A_492 : memref<!tpu.dma_semaphore, #tpu.memory_space<semaphore_mem>>) {add = true}
        %dma_wait3A_499 = arith.constant 0 : i32
        %dma_wait3A_500 = tpu.memref_slice %arg6[%run_scoped3A_482, %run_scoped3A_483, %run_scoped3A_484, %dma_wait3A_499] : memref<4x2x2x125xi32, #tpu.memory_space<vmem>> -> memref<1x1x1x125xi32, #tpu.memory_space<vmem>>
        %dma_wait3A_501 = tpu.memref_squeeze %dma_wait3A_500 : memref<1x1x1x125xi32, #tpu.memory_space<vmem>> -> memref<125xi32, #tpu.memory_space<vmem>>
        %dma_wait3A_502 = arith.constant 0 : i32
        %dma_wait3A_503 = arith.constant 0 : i32
        %dma_wait3A_504 = tpu.memref_slice %arg15[%dma_wait3A_502, %dma_wait3A_503] : memref<10000x128xf32, #tpu.memory_space<vmem_shared>> -> memref<10000x128xf32, #tpu.memory_space<vmem_shared>>
        tpu.wait_indirect_dma semaphore(%run_scoped3A_492 : memref<!tpu.dma_semaphore, #tpu.memory_space<semaphore_mem>>) src(%arg8 : memref<125x128xf32, #tpu.memory_space<vmem>>) dst(%dma_wait3A_504 : memref<10000x128xf32, #tpu.memory_space<vmem_shared>>)
        tpu.yield
      }) : () -> ()
      %add3A_485 = arith.constant 1 : i32
      %add3A_486 = arith.addi %add3A_409, %add3A_485 : i32
      %lt3A_487 = arith.constant 40 : i32
      %lt3A_488 = arith.cmpi slt, %add3A_486, %lt3A_487 : i32
      %convert_element_type3A_489 = arith.extui %lt3A_488 : i1 to i32
      %cond3A_490 = arith.constant 0 : i32
      %cond3A_491 = arith.cmpi ne, %convert_element_type3A_489, %cond3A_490 : i32
      scf.if %cond3A_491 {
        %dma_start3A_492 = arith.constant 0 : i32
        %dma_start3A_493 = arith.constant 1 : i32
        %dma_start3A_494 = arith.constant 0 : i32
        %dma_start3A_495 = arith.constant 0 : i32
        %dma_start3A_496 = arith.constant 0 : i32
        %dma_start3A_497 = tpu.memref_slice %arg8[%dma_start3A_495, %dma_start3A_496] : memref<125x128xf32, #tpu.memory_space<vmem>> -> memref<64x128xf32, #tpu.memory_space<vmem>>
        %dma_start3A_498 = arith.constant 0 : i32
        %dma_start3A_499 = tpu.memref_slice %arg6[%dma_start3A_492, %dma_start3A_493, %dma_start3A_494, %dma_start3A_498] : memref<4x2x2x125xi32, #tpu.memory_space<vmem>> -> memref<1x1x1x64xi32, #tpu.memory_space<vmem>>
        %dma_start3A_500 = tpu.memref_squeeze %dma_start3A_499 : memref<1x1x1x64xi32, #tpu.memory_space<vmem>> -> memref<64xi32, #tpu.memory_space<vmem>>
        %dma_start3A_501 = arith.constant 0 : i32
        %dma_start3A_502 = arith.constant 0 : i32
        %dma_start3A_503 = tpu.memref_slice %arg2[%dma_start3A_501, %dma_start3A_502] : memref<10000x128xf32, #tpu.memory_space<hbm>> -> memref<10000x128xf32, #tpu.memory_space<hbm>>
        tpu.enqueue_indirect_dma source(%dma_start3A_503 : memref<10000x128xf32, #tpu.memory_space<hbm>>) target(%dma_start3A_497 : memref<64x128xf32, #tpu.memory_space<vmem>>) offsets(%dma_start3A_500 : memref<64xi32, #tpu.memory_space<vmem>>) semaphore(%arg10 : memref<!tpu.dma_semaphore, #tpu.memory_space<semaphore_mem>>)
        %dma_start3A_504 = arith.constant 0 : i32
        %dma_start3A_505 = arith.constant 1 : i32
        %dma_start3A_506 = arith.constant 0 : i32
        %dma_start3A_507 = arith.constant 64 : i32
        %dma_start3A_508 = arith.constant 0 : i32
        %dma_start3A_509 = tpu.memref_slice %arg8[%dma_start3A_507, %dma_start3A_508] : memref<125x128xf32, #tpu.memory_space<vmem>> -> memref<61x128xf32, #tpu.memory_space<vmem>>
        %dma_start3A_510 = arith.constant 64 : i32
        %dma_start3A_511 = tpu.memref_slice %arg6[%dma_start3A_504, %dma_start3A_505, %dma_start3A_506, %dma_start3A_510] : memref<4x2x2x125xi32, #tpu.memory_space<vmem>> -> memref<1x1x1x61xi32, #tpu.memory_space<vmem>>
        %dma_start3A_512 = tpu.memref_squeeze %dma_start3A_511 : memref<1x1x1x61xi32, #tpu.memory_space<vmem>> -> memref<61xi32, #tpu.memory_space<vmem>>
        %dma_start3A_513 = arith.constant 0 : i32
        %dma_start3A_514 = arith.constant 0 : i32
        %dma_start3A_515 = tpu.memref_slice %arg2[%dma_start3A_513, %dma_start3A_514] : memref<10000x128xf32, #tpu.memory_space<hbm>> -> memref<10000x128xf32, #tpu.memory_space<hbm>>
        tpu.enqueue_indirect_dma source(%dma_start3A_515 : memref<10000x128xf32, #tpu.memory_space<hbm>>) target(%dma_start3A_509 : memref<61x128xf32, #tpu.memory_space<vmem>>) offsets(%dma_start3A_512 : memref<61xi32, #tpu.memory_space<vmem>>) semaphore(%arg10 : memref<!tpu.dma_semaphore, #tpu.memory_space<semaphore_mem>>)
      } else {
      }
    }
    %scan3A_139 = arith.constant 10 : i32
    %barrier3A_140 = arith.constant 0 : index
    tpu.barrier barrier_id(%barrier3A_140)
    %mul3A_141 = arith.constant 624 : i32
    %mul3A_142 = arith.muli %arg1, %mul3A_141 : i32
    %multiple_of3A_143 = tpu.assume_multiple %mul3A_142, 8 : i32
    "tpu.region"() ({
      %run_scoped3A = tpu.sem_alloc : memref<!tpu.dma_semaphore, #tpu.memory_space<semaphore_mem>>
      %dma_start3A_149 = arith.constant 0 : i32
      %dma_start3A_150 = tpu.memref_slice %arg5[%arg0, %multiple_of3A_143, %dma_start3A_149] : memref<2x10000x128xf32, #tpu.memory_space<hbm>> -> memref<1x624x128xf32, #tpu.memory_space<hbm>>
      %dma_start3A_151 = tpu.memref_squeeze %dma_start3A_150 : memref<1x624x128xf32, #tpu.memory_space<hbm>> -> memref<624x128xf32, #tpu.memory_space<hbm>>
      %dma_start3A_152 = arith.constant 0 : i32
      %dma_start3A_153 = tpu.memref_slice %arg15[%multiple_of3A_143, %dma_start3A_152] : memref<10000x128xf32, #tpu.memory_space<vmem_shared>> -> memref<624x128xf32, #tpu.memory_space<vmem_shared>>
      tpu.enqueue_dma source(%dma_start3A_153 : memref<624x128xf32, #tpu.memory_space<vmem_shared>>) target(%dma_start3A_151 : memref<624x128xf32, #tpu.memory_space<hbm>>) target_semaphore(%run_scoped3A : memref<!tpu.dma_semaphore, #tpu.memory_space<semaphore_mem>>)
      %dma_wait3A_154 = arith.constant 0 : i32
      %dma_wait3A_155 = tpu.memref_slice %arg5[%arg0, %multiple_of3A_143, %dma_wait3A_154] : memref<2x10000x128xf32, #tpu.memory_space<hbm>> -> memref<1x624x128xf32, #tpu.memory_space<hbm>>
      %dma_wait3A_156 = tpu.memref_squeeze %dma_wait3A_155 : memref<1x624x128xf32, #tpu.memory_space<hbm>> -> memref<624x128xf32, #tpu.memory_space<hbm>>
      %dma_wait3A_157 = arith.constant 0 : i32
      %dma_wait3A_158 = tpu.memref_slice %arg15[%multiple_of3A_143, %dma_wait3A_157] : memref<10000x128xf32, #tpu.memory_space<vmem_shared>> -> memref<624x128xf32, #tpu.memory_space<vmem_shared>>
      tpu.wait_dma2 semaphore(%run_scoped3A : memref<!tpu.dma_semaphore, #tpu.memory_space<semaphore_mem>>) src(%dma_wait3A_158 : memref<624x128xf32, #tpu.memory_space<vmem_shared>>) dst(%dma_wait3A_156 : memref<624x128xf32, #tpu.memory_space<hbm>>)
      tpu.yield
    }) : () -> ()
    %eq3A_144 = arith.constant 15 : i32
    %eq3A_145 = arith.cmpi eq, %arg1, %eq3A_144 : i32
    %convert_element_type3A_146 = arith.extui %eq3A_145 : i1 to i32
    %cond3A_147 = arith.constant 0 : i32
    %cond3A_148 = arith.cmpi ne, %convert_element_type3A_146, %cond3A_147 : i32
    scf.if %cond3A_148 {
      "tpu.region"() ({
        %run_scoped3A = tpu.sem_alloc : memref<!tpu.dma_semaphore, #tpu.memory_space<semaphore_mem>>
        %dma_start3A_149 = arith.constant 9984 : i32
        %dma_start3A_150 = arith.constant 0 : i32
        %dma_start3A_151 = tpu.memref_slice %arg5[%arg0, %dma_start3A_149, %dma_start3A_150] : memref<2x10000x128xf32, #tpu.memory_space<hbm>> -> memref<1x16x128xf32, #tpu.memory_space<hbm>>
        %dma_start3A_152 = tpu.memref_squeeze %dma_start3A_151 : memref<1x16x128xf32, #tpu.memory_space<hbm>> -> memref<16x128xf32, #tpu.memory_space<hbm>>
        %dma_start3A_153 = arith.constant 9984 : i32
        %dma_start3A_154 = arith.constant 0 : i32
        %dma_start3A_155 = tpu.memref_slice %arg15[%dma_start3A_153, %dma_start3A_154] : memref<10000x128xf32, #tpu.memory_space<vmem_shared>> -> memref<16x128xf32, #tpu.memory_space<vmem_shared>>
        tpu.enqueue_dma source(%dma_start3A_155 : memref<16x128xf32, #tpu.memory_space<vmem_shared>>) target(%dma_start3A_152 : memref<16x128xf32, #tpu.memory_space<hbm>>) target_semaphore(%run_scoped3A : memref<!tpu.dma_semaphore, #tpu.memory_space<semaphore_mem>>)
        %dma_wait3A_156 = arith.constant 9984 : i32
        %dma_wait3A_157 = arith.constant 0 : i32
        %dma_wait3A_158 = tpu.memref_slice %arg5[%arg0, %dma_wait3A_156, %dma_wait3A_157] : memref<2x10000x128xf32, #tpu.memory_space<hbm>> -> memref<1x16x128xf32, #tpu.memory_space<hbm>>
        %dma_wait3A_159 = tpu.memref_squeeze %dma_wait3A_158 : memref<1x16x128xf32, #tpu.memory_space<hbm>> -> memref<16x128xf32, #tpu.memory_space<hbm>>
        %dma_wait3A_160 = arith.constant 9984 : i32
        %dma_wait3A_161 = arith.constant 0 : i32
        %dma_wait3A_162 = tpu.memref_slice %arg15[%dma_wait3A_160, %dma_wait3A_161] : memref<10000x128xf32, #tpu.memory_space<vmem_shared>> -> memref<16x128xf32, #tpu.memory_space<vmem_shared>>
        tpu.wait_dma2 semaphore(%run_scoped3A : memref<!tpu.dma_semaphore, #tpu.memory_space<semaphore_mem>>) src(%dma_wait3A_162 : memref<16x128xf32, #tpu.memory_space<vmem_shared>>) dst(%dma_wait3A_159 : memref<16x128xf32, #tpu.memory_space<hbm>>)
        tpu.yield
      }) : () -> ()
    } else {
    }
    return
  }
}

module attributes {stable_mosaic.version = 14 : i64} {
  func.func @_dense_body(%arg0: i32, %arg1: memref<1000x128xf32, #tpu.memory_space<vmem>>, %arg2: memref<1000x128xf32, #tpu.memory_space<vmem>>, %arg3: memref<1000x16xf32, #tpu.memory_space<vmem>>, %arg4: memref<1000x16xf32, #tpu.memory_space<vmem>>, %arg5: memref<1000x128xf32, #tpu.memory_space<vmem>>, %arg6: memref<128x128xf32, #tpu.memory_space<vmem>>, %arg7: memref<128x128xf32, #tpu.memory_space<vmem>>, %arg8: memref<1x128xf32, #tpu.memory_space<vmem>>, %arg9: memref<1000x128xf32, #tpu.memory_space<vmem>>) attributes {dimension_semantics = [#tpu.dimension_semantics<arbitrary>], iteration_bounds = array<i64: 10>, scalar_prefetch = 0 : i64, scratch_operands = 0 : i64, tpu.core_type = #tpu.core_type<tc>, window_params = [{transform_indices = @transform_0, window_bounds = array<i64: 1000, 128>}, {transform_indices = @transform_1, window_bounds = array<i64: 1000, 128>}, {transform_indices = @transform_2, window_bounds = array<i64: 1000, 16>}, {transform_indices = @transform_3, window_bounds = array<i64: 1000, 16>}, {transform_indices = @transform_4, window_bounds = array<i64: 1000, 128>}, {pipeline_mode = #tpu.pipeline_mode<synchronous>, transform_indices = @transform_5, window_bounds = array<i64: 128, 128>}, {pipeline_mode = #tpu.pipeline_mode<synchronous>, transform_indices = @transform_6, window_bounds = array<i64: 128, 128>}, {pipeline_mode = #tpu.pipeline_mode<synchronous>, transform_indices = @transform_7, window_bounds = array<i64: 1, 128>}, {transform_indices = @transform_8, window_bounds = array<i64: 1000, 128>}]} {
    %get3A = arith.constant 0 : index
    %get3A_0 = arith.constant 0 : index
    %get3A_1 = vector.load %arg3[%get3A, %get3A_0] : memref<1000x16xf32, #tpu.memory_space<vmem>>, vector<1000x1xf32>
    %get3A_2 = arith.constant 0 : index
    %get3A_3 = arith.constant 0 : index
    %get3A_4 = vector.load %arg4[%get3A_2, %get3A_3] : memref<1000x16xf32, #tpu.memory_space<vmem>>, vector<1000x1xf32>
    %add3A = arith.addf %get3A_1, %get3A_4 : vector<1000x1xf32>
    %max3A = arith.constant 1.000000e+00 : f32
    %max3A_5 = vector.broadcast %max3A : f32 to vector<1000x1xf32>
    %max3A_6 = arith.maximumf %add3A, %max3A_5 : vector<1000x1xf32>
    %get3A_7 = arith.constant 0 : index
    %get3A_8 = arith.constant 0 : index
    %get3A_9 = vector.load %arg1[%get3A_7, %get3A_8] : memref<1000x128xf32, #tpu.memory_space<vmem>>, vector<1000x128xf32>
    %get3A_10 = arith.constant 0 : index
    %get3A_11 = arith.constant 0 : index
    %get3A_12 = vector.load %arg2[%get3A_10, %get3A_11] : memref<1000x128xf32, #tpu.memory_space<vmem>>, vector<1000x128xf32>
    %add3A_13 = arith.addf %get3A_9, %get3A_12 : vector<1000x128xf32>
    %div3A = vector.broadcast %max3A_6 : vector<1000x1xf32> to vector<1000x128xf32>
    %div3A_14 = arith.divf %add3A_13, %div3A : vector<1000x128xf32>
    %get3A_15 = arith.constant 0 : index
    %get3A_16 = arith.constant 0 : index
    %get3A_17 = vector.load %arg6[%get3A_15, %get3A_16] : memref<128x128xf32, #tpu.memory_space<vmem>>, vector<128x128xf32>
    %dot_general3A = arith.constant dense<0.000000e+00> : vector<1000x128xf32>
    %dot_general3A_18 = tpu.matmul %div3A_14, %get3A_17, %dot_general3A {dimension_numbers = #tpu.dot_dimension_numbers<[1], [0], [0], [1], [0, 0, 1, 1], [], []>, transpose_lhs_hint = false} : vector<1000x128xf32>, vector<128x128xf32>, vector<1000x128xf32> -> vector<1000x128xf32>
    %get3A_19 = arith.constant 0 : index
    %get3A_20 = arith.constant 0 : index
    %get3A_21 = vector.load %arg5[%get3A_19, %get3A_20] : memref<1000x128xf32, #tpu.memory_space<vmem>>, vector<1000x128xf32>
    %get3A_22 = arith.constant 0 : index
    %get3A_23 = arith.constant 0 : index
    %get3A_24 = vector.load %arg7[%get3A_22, %get3A_23] : memref<128x128xf32, #tpu.memory_space<vmem>>, vector<128x128xf32>
    %dot_general3A_25 = arith.constant dense<0.000000e+00> : vector<1000x128xf32>
    %dot_general3A_26 = tpu.matmul %get3A_21, %get3A_24, %dot_general3A_25 {dimension_numbers = #tpu.dot_dimension_numbers<[1], [0], [0], [1], [0, 0, 1, 1], [], []>, transpose_lhs_hint = false} : vector<1000x128xf32>, vector<128x128xf32>, vector<1000x128xf32> -> vector<1000x128xf32>
    %add3A_27 = arith.addf %dot_general3A_18, %dot_general3A_26 : vector<1000x128xf32>
    %get3A_28 = arith.constant 0 : index
    %get3A_29 = arith.constant 0 : index
    %get3A_30 = vector.load %arg8[%get3A_28, %get3A_29] : memref<1x128xf32, #tpu.memory_space<vmem>>, vector<1x128xf32>
    %add3A_31 = vector.broadcast %get3A_30 : vector<1x128xf32> to vector<1000x128xf32>
    %add3A_32 = arith.addf %add3A_27, %add3A_31 : vector<1000x128xf32>
    %max3A_33 = arith.constant 0.000000e+00 : f32
    %max3A_34 = vector.broadcast %max3A_33 : f32 to vector<1000x128xf32>
    %max3A_35 = arith.maximumf %add3A_32, %max3A_34 : vector<1000x128xf32>
    %swap3A = arith.constant 0 : index
    %swap3A_36 = arith.constant 0 : index
    %swap3A_37 = vector.load %arg9[%swap3A, %swap3A_36] : memref<1000x128xf32, #tpu.memory_space<vmem>>, vector<1000x128xf32>
    tpu.vector_store %arg9[%swap3A, %swap3A_36], %max3A_35 {strides = array<i32>} : memref<1000x128xf32, #tpu.memory_space<vmem>>, vector<1000x128xf32>,
    return
  }
  func.func @transform_0(%arg0: i32) -> (i32, i32) {
    %c0_i32 = arith.constant 0 : i32
    %c0_i32_0 = arith.constant 0 : i32
    return %arg0, %c0_i32 : i32, i32
  }
  func.func @transform_1(%arg0: i32) -> (i32, i32) {
    %c0_i32 = arith.constant 0 : i32
    %c0_i32_0 = arith.constant 0 : i32
    return %arg0, %c0_i32 : i32, i32
  }
  func.func @transform_2(%arg0: i32) -> (i32, i32) {
    %c0_i32 = arith.constant 0 : i32
    %c0_i32_0 = arith.constant 0 : i32
    return %arg0, %c0_i32 : i32, i32
  }
  func.func @transform_3(%arg0: i32) -> (i32, i32) {
    %c0_i32 = arith.constant 0 : i32
    %c0_i32_0 = arith.constant 0 : i32
    return %arg0, %c0_i32 : i32, i32
  }
  func.func @transform_4(%arg0: i32) -> (i32, i32) {
    %c0_i32 = arith.constant 0 : i32
    %c0_i32_0 = arith.constant 0 : i32
    return %arg0, %c0_i32 : i32, i32
  }
  func.func @transform_5(%arg0: i32) -> (i32, i32) {
    %c0_i32 = arith.constant 0 : i32
    %c0_i32_0 = arith.constant 0 : i32
    %c0_i32_1 = arith.constant 0 : i32
    return %c0_i32, %c0_i32_0 : i32, i32
  }
  func.func @transform_6(%arg0: i32) -> (i32, i32) {
    %c0_i32 = arith.constant 0 : i32
    %c0_i32_0 = arith.constant 0 : i32
    %c0_i32_1 = arith.constant 0 : i32
    return %c0_i32, %c0_i32_0 : i32, i32
  }
  func.func @transform_7(%arg0: i32) -> (i32, i32) {
    %c0_i32 = arith.constant 0 : i32
    %c0_i32_0 = arith.constant 0 : i32
    %c0_i32_1 = arith.constant 0 : i32
    return %c0_i32, %c0_i32_0 : i32, i32
  }
  func.func @transform_8(%arg0: i32) -> (i32, i32) {
    %c0_i32 = arith.constant 0 : i32
    %c0_i32_0 = arith.constant 0 : i32
    return %arg0, %c0_i32 : i32, i32
  }
}

module attributes {stable_mosaic.version = 14 : i64} {
  func.func @_dense_body(%arg0: i32, %arg1: memref<1000x128xf32, #tpu.memory_space<vmem>>, %arg2: memref<1000x128xf32, #tpu.memory_space<vmem>>, %arg3: memref<1000x16xf32, #tpu.memory_space<vmem>>, %arg4: memref<1000x16xf32, #tpu.memory_space<vmem>>, %arg5: memref<1000x128xf32, #tpu.memory_space<vmem>>, %arg6: memref<128x128xf32, #tpu.memory_space<vmem>>, %arg7: memref<128x128xf32, #tpu.memory_space<vmem>>, %arg8: memref<1x128xf32, #tpu.memory_space<vmem>>, %arg9: memref<1000x128xf32, #tpu.memory_space<vmem>>) attributes {dimension_semantics = [#tpu.dimension_semantics<arbitrary>], iteration_bounds = array<i64: 10>, scalar_prefetch = 0 : i64, scratch_operands = 0 : i64, tpu.core_type = #tpu.core_type<tc>, window_params = [{transform_indices = @transform_0, window_bounds = array<i64: 1000, 128>}, {transform_indices = @transform_1, window_bounds = array<i64: 1000, 128>}, {transform_indices = @transform_2, window_bounds = array<i64: 1000, 16>}, {transform_indices = @transform_3, window_bounds = array<i64: 1000, 16>}, {transform_indices = @transform_4, window_bounds = array<i64: 1000, 128>}, {pipeline_mode = #tpu.pipeline_mode<synchronous>, transform_indices = @transform_5, window_bounds = array<i64: 128, 128>}, {pipeline_mode = #tpu.pipeline_mode<synchronous>, transform_indices = @transform_6, window_bounds = array<i64: 128, 128>}, {pipeline_mode = #tpu.pipeline_mode<synchronous>, transform_indices = @transform_7, window_bounds = array<i64: 1, 128>}, {transform_indices = @transform_8, window_bounds = array<i64: 1000, 128>}]} {
    %get3A = arith.constant 0 : index
    %get3A_0 = arith.constant 0 : index
    %get3A_1 = vector.load %arg3[%get3A, %get3A_0] : memref<1000x16xf32, #tpu.memory_space<vmem>>, vector<1000x1xf32>
    %get3A_2 = arith.constant 0 : index
    %get3A_3 = arith.constant 0 : index
    %get3A_4 = vector.load %arg4[%get3A_2, %get3A_3] : memref<1000x16xf32, #tpu.memory_space<vmem>>, vector<1000x1xf32>
    %add3A = arith.addf %get3A_1, %get3A_4 : vector<1000x1xf32>
    %max3A = arith.constant 1.000000e+00 : f32
    %max3A_5 = vector.broadcast %max3A : f32 to vector<1000x1xf32>
    %max3A_6 = arith.maximumf %add3A, %max3A_5 : vector<1000x1xf32>
    %get3A_7 = arith.constant 0 : index
    %get3A_8 = arith.constant 0 : index
    %get3A_9 = vector.load %arg1[%get3A_7, %get3A_8] : memref<1000x128xf32, #tpu.memory_space<vmem>>, vector<1000x128xf32>
    %get3A_10 = arith.constant 0 : index
    %get3A_11 = arith.constant 0 : index
    %get3A_12 = vector.load %arg2[%get3A_10, %get3A_11] : memref<1000x128xf32, #tpu.memory_space<vmem>>, vector<1000x128xf32>
    %add3A_13 = arith.addf %get3A_9, %get3A_12 : vector<1000x128xf32>
    %div3A = vector.broadcast %max3A_6 : vector<1000x1xf32> to vector<1000x128xf32>
    %div3A_14 = arith.divf %add3A_13, %div3A : vector<1000x128xf32>
    %get3A_15 = arith.constant 0 : index
    %get3A_16 = arith.constant 0 : index
    %get3A_17 = vector.load %arg6[%get3A_15, %get3A_16] : memref<128x128xf32, #tpu.memory_space<vmem>>, vector<128x128xf32>
    %dot_general3A = arith.constant dense<0.000000e+00> : vector<1000x128xf32>
    %dot_general3A_18 = tpu.matmul %div3A_14, %get3A_17, %dot_general3A {dimension_numbers = #tpu.dot_dimension_numbers<[1], [0], [0], [1], [0, 0, 1, 1], [], []>, transpose_lhs_hint = false} : vector<1000x128xf32>, vector<128x128xf32>, vector<1000x128xf32> -> vector<1000x128xf32>
    %get3A_19 = arith.constant 0 : index
    %get3A_20 = arith.constant 0 : index
    %get3A_21 = vector.load %arg5[%get3A_19, %get3A_20] : memref<1000x128xf32, #tpu.memory_space<vmem>>, vector<1000x128xf32>
    %get3A_22 = arith.constant 0 : index
    %get3A_23 = arith.constant 0 : index
    %get3A_24 = vector.load %arg7[%get3A_22, %get3A_23] : memref<128x128xf32, #tpu.memory_space<vmem>>, vector<128x128xf32>
    %dot_general3A_25 = arith.constant dense<0.000000e+00> : vector<1000x128xf32>
    %dot_general3A_26 = tpu.matmul %get3A_21, %get3A_24, %dot_general3A_25 {dimension_numbers = #tpu.dot_dimension_numbers<[1], [0], [0], [1], [0, 0, 1, 1], [], []>, transpose_lhs_hint = false} : vector<1000x128xf32>, vector<128x128xf32>, vector<1000x128xf32> -> vector<1000x128xf32>
    %add3A_27 = arith.addf %dot_general3A_18, %dot_general3A_26 : vector<1000x128xf32>
    %get3A_28 = arith.constant 0 : index
    %get3A_29 = arith.constant 0 : index
    %get3A_30 = vector.load %arg8[%get3A_28, %get3A_29] : memref<1x128xf32, #tpu.memory_space<vmem>>, vector<1x128xf32>
    %add3A_31 = vector.broadcast %get3A_30 : vector<1x128xf32> to vector<1000x128xf32>
    %add3A_32 = arith.addf %add3A_27, %add3A_31 : vector<1000x128xf32>
    %swap3A = arith.constant 0 : index
    %swap3A_33 = arith.constant 0 : index
    %swap3A_34 = vector.load %arg9[%swap3A, %swap3A_33] : memref<1000x128xf32, #tpu.memory_space<vmem>>, vector<1000x128xf32>
    tpu.vector_store %arg9[%swap3A, %swap3A_33], %add3A_32 {strides = array<i32>} : memref<1000x128xf32, #tpu.memory_space<vmem>>, vector<1000x128xf32>,
    return
  }
  func.func @transform_0(%arg0: i32) -> (i32, i32) {
    %c0_i32 = arith.constant 0 : i32
    %c0_i32_0 = arith.constant 0 : i32
    return %arg0, %c0_i32 : i32, i32
  }
  func.func @transform_1(%arg0: i32) -> (i32, i32) {
    %c0_i32 = arith.constant 0 : i32
    %c0_i32_0 = arith.constant 0 : i32
    return %arg0, %c0_i32 : i32, i32
  }
  func.func @transform_2(%arg0: i32) -> (i32, i32) {
    %c0_i32 = arith.constant 0 : i32
    %c0_i32_0 = arith.constant 0 : i32
    return %arg0, %c0_i32 : i32, i32
  }
  func.func @transform_3(%arg0: i32) -> (i32, i32) {
    %c0_i32 = arith.constant 0 : i32
    %c0_i32_0 = arith.constant 0 : i32
    return %arg0, %c0_i32 : i32, i32
  }
  func.func @transform_4(%arg0: i32) -> (i32, i32) {
    %c0_i32 = arith.constant 0 : i32
    %c0_i32_0 = arith.constant 0 : i32
    return %arg0, %c0_i32 : i32, i32
  }
  func.func @transform_5(%arg0: i32) -> (i32, i32) {
    %c0_i32 = arith.constant 0 : i32
    %c0_i32_0 = arith.constant 0 : i32
    %c0_i32_1 = arith.constant 0 : i32
    return %c0_i32, %c0_i32_0 : i32, i32
  }
  func.func @transform_6(%arg0: i32) -> (i32, i32) {
    %c0_i32 = arith.constant 0 : i32
    %c0_i32_0 = arith.constant 0 : i32
    %c0_i32_1 = arith.constant 0 : i32
    return %c0_i32, %c0_i32_0 : i32, i32
  }
  func.func @transform_7(%arg0: i32) -> (i32, i32) {
    %c0_i32 = arith.constant 0 : i32
    %c0_i32_0 = arith.constant 0 : i32
    %c0_i32_1 = arith.constant 0 : i32
    return %c0_i32, %c0_i32_0 : i32, i32
  }
  func.func @transform_8(%arg0: i32) -> (i32, i32) {
    %c0_i32 = arith.constant 0 : i32
    %c0_i32_0 = arith.constant 0 : i32
    return %arg0, %c0_i32 : i32, i32
  }
}

</mosaic_0001>

<sc_bundles>
// kernel: kernel.11.cloned.1.call-start
scs
__scs_entry_jumppad:
0x0: {  	(pc) =	sbr.rel $0x88, $3  }
0x1: {  	(tag) =	ssettag $0x0;
	lr =	simm.s32 $0x1  }
0x2: {  	[smem:$0x3F8E] =	sst lr;
	_ =	strace $0xD0000000  }
0x3: {  	_ = 	snop  }
0x4: {  	_ = 	snop  }
0x5: {  	_ = 	snop  }
0x6: {  	_ = 	snop  }
0x7: {  	_ = 	snop  }
__scs_overlays_trampoline_lowered:
0x8: {  	[smem:$0x3F9D] =	sst s0  }
0x9: {  	[smem:$0x3F9E] =	sst s1  }
0xa: {  	[smem:$0x3F9F] =	sst s2  }
0xb: {  	[smem:$0x3FA0] =	sst s3  }
0xc: {  	[smem:$0x3FA1] =	sst s4  }
0xd: {  	[smem:$0x3FA2] =	sst s5  }
0xe: {  	[smem:$0x3FA3] =	sst s6  }
0xf: {  	[smem:$0x3FA4] =	sst s7  }
0x10: {  	[smem:$0x3FA5] =	sst s8  }
0x11: {  	[smem:$0x3FA6] =	sst s9;
	s0 =	simm.s32 @!p0 $0x0  }
0x12: {  	s1 =	sld [smem:$0x3F8C];
	s0 =	simm.s32 @p0 $0x1  }
0x13: {  	[smem:$0x3FA7] =	sst s0;
	s0 =	simm.s32 @!p1 $0x0  }
0x14: {  	s2 =	sld [smem:$0x3F8B];
	s0 =	simm.s32 @p1 $0x1  }
0x15: {  	[smem:$0x3FA8] =	sst s0;
	s0 =	simm.s32 @!p2 $0x0  }
0x16: {  	s3 =	sld [smem:$0x3FDB];
	s0 =	simm.s32 @p2 $0x1  }
0x17: {  	s4 =	simm.s32 $0x1BF5;
	[smem:$0x3FAA] =	sst s0  }
0x18: {  	s0 =	sld [smem:$0x3F8D];
	_ =	swait.ge [sflag:s4], $0x0  }
0x19: {  	s7 =	sld [smem:$0x3F8E]  }
0x1a: {  	s8 =	sadd.s32 $0xFFFFE003, lr  }
0x1b: {  	s9 =	sadd.s32 $0xFFFFFEF7, lr;
	s5 =	simm.s32 $0xFFFFFFFF;
	p2 =	slt.u32 s8, $0xFFFFF086  }
0x1c: {  	p1 =	slt.u32 s9, $0xF7A;
	s5 =	simm.s32 @!p2 $0x0  }
0x1d: {  	s5 =	simm.s32 @p1 $0x1;
	p0 =	seq.s32 s7, s2  }
0x1e: {  	s7 =	smul.u32 @!p0 $0xF7A, s2;
	p2 =	seq.s32 @!p0 s5, $0x0  }
0x1f: {  	s9 =	smul.u32 $0xF7A, s1;
	s8 =	simm.s32 @!p0 $0x1BF5;
	p2 =	por !p2, p0  }
0x20: {  	[sflag:s8] =	ssyncset.s32 @!p0 $0xFFFFF086;
	s6 =	sadd.s32 @!p0 s3, s7;
	s7 =	simm.s32 @!p0 $0x108  }
0x21: {  	s3 =	sadd.s32 s3, s9;
	s6 =	sadd.s32 @!p0 $0x88, s6;
	s7 =	simm.s32 @p2 $0x1082  }
0x22: {  	[simem:s7], [sflag:s8] =	dma.local @!p0 [hbm:s6], $0xF7A  }
0x23: {  	s9 =	sor.u32 $0xD0000000, s2;
	s6 =	simm.s32 $0x108;
	_ =	swait.ge @!p0 [sflag:s8], $0x0  }
0x24: {  	s3 =	sadd.s32 $0x88, s3;
	s6 =	simm.s32 @!p1 $0x1082;
	[sflag:s4] =	ssyncset.s32 $0xFFFFF086  }
0x25: {  	[simem:s6], [sflag:s4] =	dma.local [hbm:s3], $0xF7A  }
0x26: {  	[smem:$0x3F8E] =	sst s1;
	(tag) =	ssettag s2;
	_ =	strace s9  }
0x27: {  	s1 =	sld [smem:$0x3F9E]  }
0x28: {  	s2 =	sld [smem:$0x3F9F]  }
0x29: {  	s4 =	sld [smem:$0x3FA1]  }
0x2a: {  	p0 =	seq.s32 s5, $0x0;
	s5 =	sld [smem:$0x3FA2]  }
0x2b: {  	s6 =	sld [smem:$0x3FA3]  }
0x2c: {  	s7 =	sld [smem:$0x3FA4]  }
0x2d: {  	s3 =	simm.s32 $0x108;
	s8 =	sld [smem:$0x3FA5]  }
0x2e: {  	s3 =	simm.s32 @!p0 $0x1082;
	s9 =	sld [smem:$0x3FA6]  }
0x2f: {  	lr =	sadd.s32 s0, s3;
	s0 =	sld [smem:$0x3F9D]  }
0x30: {  	s3 =	sld [smem:$0x3FA0]  }
0x31: {  	[smem:$0x3FA9] =	sst s10  }
0x32: {  	s10 =	sld [smem:$0x3FA7];
	_ =	sdelay $0x3  }
0x33: {  	p0 =	seq.s32 s10, $0x1;
	s10 =	sld [smem:$0x3FA9];
	_ =	sdelay $0x3  }
0x34: {  	[smem:$0x3FA9] =	sst s10  }
0x35: {  	s10 =	sld [smem:$0x3FA8];
	_ =	sdelay $0x3  }
0x36: {  	p1 =	seq.s32 s10, $0x1;
	s10 =	sld [smem:$0x3FA9];
	_ =	sdelay $0x3  }
0x37: {  	[smem:$0x3FA9] =	sst s10  }
0x38: {  	s10 =	sld [smem:$0x3FAA]  }
0x39: {  	_ = 	snop;
	(pc) =	sbr.ind lr, $3  }
0x3a: {  	_ = 	snop  }
0x3b: {  	_ = 	snop  }
0x3c: {  	p2 =	seq.s32 s10, $0x1;
	s10 =	sld [smem:$0x3FA9]  }
0x3d: {  	_ =	shalt  }
0x3e: {  	_ =	shalt  }
0x3f: {  	_ =	shalt  }
0x40: {  	_ =	shalt  }
0x41: {  	_ =	shalt  }
0x42: {  	_ =	shalt  }
0x43: {  	_ =	shalt  }
0x44: {  	_ =	shalt  }
0x45: {  	_ =	shalt  }
0x46: {  	_ =	shalt  }
0x47: {  	_ =	shalt  }
0x48: {  	_ =	shalt  }
0x49: {  	_ =	shalt  }
0x4a: {  	_ =	shalt  }
0x4b: {  	_ =	shalt  }
0x4c: {  	_ =	shalt  }
0x4d: {  	_ =	shalt  }
0x4e: {  	_ =	shalt  }
0x4f: {  	_ =	shalt  }
0x50: {  	_ =	shalt  }
0x51: {  	_ =	shalt  }
0x52: {  	_ =	shalt  }
0x53: {  	_ =	shalt  }
0x54: {  	_ =	shalt  }
0x55: {  	_ =	shalt  }
0x56: {  	_ =	shalt  }
0x57: {  	_ =	shalt  }
0x58: {  	_ =	shalt  }
0x59: {  	_ =	shalt  }
0x5a: {  	_ =	shalt  }
0x5b: {  	_ =	shalt  }
0x5c: {  	_ =	shalt  }
0x5d: {  	_ =	shalt  }
0x5e: {  	_ =	shalt  }
0x5f: {  	_ =	shalt  }
0x60: {  	_ =	shalt  }
0x61: {  	_ =	shalt  }
0x62: {  	_ =	shalt  }
0x63: {  	_ =	shalt  }
0x64: {  	_ =	shalt  }
0x65: {  	_ =	shalt  }
0x66: {  	_ =	shalt  }
0x67: {  	_ =	shalt  }
0x68: {  	_ =	shalt  }
0x69: {  	_ =	shalt  }
0x6a: {  	_ =	shalt  }
0x6b: {  	_ =	shalt  }
0x6c: {  	_ =	shalt  }
0x6d: {  	_ =	shalt  }
0x6e: {  	_ =	shalt  }
0x6f: {  	_ =	shalt  }
0x70: {  	_ =	shalt  }
0x71: {  	_ =	shalt  }
0x72: {  	_ =	shalt  }
0x73: {  	_ =	shalt  }
0x74: {  	_ =	shalt  }
0x75: {  	_ =	shalt  }
0x76: {  	_ =	shalt  }
0x77: {  	_ =	shalt  }
0x78: {  	_ =	shalt  }
0x79: {  	_ =	shalt  }
0x7a: {  	_ =	shalt  }
0x7b: {  	_ =	shalt  }
0x7c: {  	_ =	shalt  }
0x7d: {  	_ =	shalt  }
0x7e: {  	_ =	shalt  }
0x7f: {  	_ =	shalt  }
0x80: {  	_ =	shalt  }
0x81: {  	_ =	shalt  }
0x82: {  	_ =	shalt  }
0x83: {  	_ =	shalt  }
0x84: {  	_ =	shalt  }
0x85: {  	_ =	shalt  }
0x86: {  	_ =	shalt  }
0x87: {  	_ =	shalt  }
.Lfunc_end0:
.L_simem_size_0:
called_computation.1_lowered:
.L_overlay_start_0:
0x88: {  	s2 =	sld [smem:$0x3FD9]  }
0x89: {  	s3 =	sld [smem:$0x3FFE];
	_ =	sdelay $0x1  }
0x8a: {  	s1 =	srdreg.scid  }
0x8b: {  	s0 =	sand.u32 $0x1, s1  }
0x8c: {  	s17 =	sshll.u32 s0, $0xA;
	s2 =	sadd.s32 s3, s2  }
0x8d: {  	s2 =	sadd.s32 s2, s17  }
0x8e: {  	[smem:$0x3FB5] =	sst s2  }
0x8f: {  	_ = 	snop  }
0x90: {  	s2 =	sld [smem:$0x3FD0];
	(tm) =	ssettm $0x1  }
0x91: {  	s18 =	sld [smem:$0x3FFB];
	_ =	sdelay $0x3  }
0x92: {  	_ =	strace s18  }
0x93: {  	s3 =	sld [smem:$0x3FFC];
	_ =	sdelay $0x3  }
0x94: {  	_ =	strace s3  }
0x95: {  	s3 =	sld [smem:$0x3FFD];
	_ =	sdelay $0x3  }
0x96: {  	_ =	strace s3  }
0x97: {  	_ =	strace $0x8FFFFFFF  }
0x98: {  	s19 =	sld [smem:$0x3FDB];
	_ =	sdelay $0x1  }
0x99: {  	s4 =	simm.s32 $_scs_section_size  }
0x9a: {  	s5 =	simm.s32 $_size__tile_overlayer_lowered;
	s6 =	simm.s32 $_tile_overlayer_lowered  }
0x9b: {  	s22 =	simm.s32 $0x1BFF;
	s21 =	sshll.u32 s6, $0x1;
	s3 =	sadd.s32 s4, s19  }
0x9c: {  	s7 =	simm.s32 $0x0;
	s20 =	sshll.u32 s5, $0x1;
	s5 =	sadd.s32 s21, s3  }
0x9d: {  	[timem:s7], [sflag:s22] =	dma.local [hbm:s5], s20  }
0x9e: {  	_ =	swait.ge [sflag:s22], s20  }
0x9f: {  	s4 =	ssub.s32 $0x0, s20;
	[sflag:s22] =	ssyncset.done $0x0  }
0xa0: {  	[sflag:s22] =	ssyncadd.s32 s4;
	_ =	sdelay $0x1  }
0xa1: {  	s23 =	simm.s32 $0x1B8B  }
0xa2: {  	_ =	swait.ge [sflag:s23], $0x1  }
0xa3: {  	[sflag:s23] =	ssyncset.done $0x0  }
0xa4: {  	s25 =	simm.s32 $0x1B8E;
	s24 =	sld [smem:$0x3FFE];
	[sflag:s23] =	ssyncadd.s32 $0xFFFFFFFF  }
0xa5: {  	s26 =	simm.s32 $execute0_lowered;
	[smem:$0x3FD2] =	sst s25  }
0xa6: {  	s5 =	sshll.u32 s26, $0x1;
	_ =	strace $0x80000049;
	[dreg:$0x1] =	wrdreg $0xFFFFFFFF  }
0xa7: {  	s28 =	simm.s32 $_size_execute0_lowered;
	s3 =	sadd.s32 s3, s5;
	[dreg:$0x0] =	wrdreg $0x0  }
0xa8: {  	s5 =	sshll.u32 s28, $0x1;
	[dreg:$0x2] =	wrdreg s3  }
0xa9: {  	[dreg:$0x3] =	wrdreg s5  }
0xaa: {  	[dreg:$0x4] =	wrdreg $0xC0  }
0xab: {  	_ =	task [dreg:s7], $0x5FFFF  }
0xac: {  	[dreg:$0x1] =	wrdreg $0xFFFFFFFF  }
0xad: {  	[dreg:$0x0] =	wrdreg $0x60  }
0xae: {  	[dreg:$0x2] =	wrdreg s24  }
0xaf: {  	[dreg:$0x3] =	wrdreg s2  }
0xb0: {  	[dreg:$0x4] =	wrdreg $0x85000  }
0xb1: {  	[dreg:$0x5] =	wrdreg $0x9  }
0xb2: {  	_ =	task.clear_ibuf [dreg:s7], $0x6FFFF;
	_ =	strace $0x90000049  }
0xb3: {  	s29 =	simm.s32 $0x9;
	_ =	strace $0x8000004B  }
0xb4: {  	_ =	swait.ge [sflag:s29], $0x1  }
0xb5: {  	[sflag:s29] =	ssyncadd.s32 $0xFFFFFFFF  }
0xb6: {  	_ =	strace $0x9000004B  }
0xb7: {  	_ =	sfence  }
0xb8: {  	s30 =	sld [smem:$0x0];
	_ =	sdelay $0x2  }
0xb9: {  	s31 =	sshll.u32 s1, $0xD;
	s1 =	sshrl.u32 s1, $0x2  }
0xba: {  	s3 =	sand.u32 $0x4000, s31;
	s1 =	sadd.s32 s1, s30  }
0xbb: {  	s0 =	sor.u32 s3, s0;
	s1 =	sshll.u32 s1, $0x11  }
0xbc: {  	s0 =	sor.u32 s1, s0  }
0xbd: {  	s0 =	sadd.s32 $0x8F2B, s0  }
0xbe: {  	[sflag:s0] =	ssyncadd.remote.s32 $0x1  }
0xbf: {  	_ =	sfence.sel $0xFFFF  }
0xc0: {  	[dreg:$0x0] =	wrdreg $0xFFFFFFFF;
	(pc) =	sbr.abs _section_cstart, $3  }
0xc1: {  	[dreg:$0x1] =	wrdreg $0xFFFFFFFF  }
0xc2: {  	_ =	task.clear_ibuf [dreg:s7], $0x2FFFF;
	_ =	strace $0x9FFFFFFF  }
0xc3: {  	(tm) =	ssettm $0x7FFFFFFF  }
tec
execute0_lowered:
.L_overlay_start_1:
0x0: {  	(tag) =	ssettag $0x1  }
0x1: {  	s0 =	rddreg [dreg:$0x0]  }
0x2: {  	s2 =	rddreg [dreg:$0x1]  }
0x3: {  	s1 =	rddreg [dreg:$0x2];
	s3 =	simm.s32 $0x0  }
0x4: {  	s8 =	srdreg.scid;
	s12 =	stileid.u32;
	s28 =	simm.s32 $0x2800  }
0x5: {  	s30 =	simm.s32 $0x4680;
	s29 =	simm.s32 $0x0;
	s31 =	simm.s32 $0x0  }
0x6: {  	[smem:$0x7FF] =	sst s3;
	s4 =	sadd.s32 $0x18800, s0;
	s3 =	sand.u32 $0x1, s8  }
0x7: {  	s5 =	sadd.s32 $0x4800, s0;
	s7 =	smul.u32 $0x13800, s12;
	s0 =	sadd.s32 $0x9CA00, s0  }
0x8: {  	s11 =	sshll.u32 s12, $0x6;
	s15 =	sadd.s32 $0x138000, s1;
	s16 =	smul.u32 $0x5000, s12  }
0x9: {  	p0 =	sne.s32 s12, $0xF;
	_ =	strace $0x8000004A;
	s6 =	ssub.s32 $0x2, s3  }
0xa: {  	s9 =	sshll.u32 s3, $0x4;
	s19 =	sor.u32 $0x1C07, s11;
	s14 =	smul.u32 $0x138800, s3  }
0xb: {  	[dreg:$0x6] =	wrdreg s15;
	s3 =	smul.u32 $0x50000, s3;
	s11 =	simm.s32 $0x580  }
0xc: {  	s8 =	sshrl.u32 s6, $0x1;
	s9 =	sor.u32 s12, s9;
	s13 =	sadd.s32 s7, s1  }
0xd: {  	s10 =	sshrl.u32 s7, $0x3;
	s12 =	simm.s32 $0x2;
	[dreg:$0x5] =	wrdreg s19  }
0xe: {  	s6 =	ssub.s32 s6, s8;
	s8 =	smul.u32 $0x5000, s9;
	s10 =	sadd.s32 s2, s10  }
0xf: {  	s2 =	sadd.s32 $0x27000, s2;
	s7 =	sadd.s32 s7, s14;
	s18 =	sshrl.u32 s14, $0x3  }
0x10: {  	s14 =	simm.s32 $0x740;
	s9 =	simm.s32 $0x780;
	[dreg:$0x4] =	wrdreg s10  }
0x11: {  	[dreg:$0x7] =	wrdreg s2;
	s7 =	sshrl.u32 s7, $0x3;
	s2 =	sadd.s32 s16, s3  }
0x12: {  	s22 =	smax.u32 s6, $0x1;
	s10 =	simm.s32 $0x640;
	s8 =	sshrl.u32 s8, $0x3  }
0x13: {  	s20 =	sadd.s32 s0, s7;
	s0 =	sadd.s32 s0, s18;
	s21 =	sor.u32 $0xC00, s2  }
0x14: {  	[dreg:$0xd] =	wrdreg s22;
	s24 =	sor.u32 $0xA00, s2;
	s25 =	sor.u32 $0x800, s2  }
0x15: {  	s2 =	sor.u32 $0x600, s2;
	s7 =	simm.s32 $0x1;
	s22 =	simm.s32 $0x6  }
0x16: {  	s8 =	sadd.s32 s5, s8;
	[dreg:$0xb] =	wrdreg s20;
	s0 =	sadd.s32 $0x27000, s0  }
0x17: {  	s23 =	sshrl.u32 s21, $0x3;
	s3 =	sshrl.u32 s25, $0x3;
	s26 =	sshrl.u32 s2, $0x3  }
0x18: {  	s21 =	sshrl.u32 s13, $0x3;
	s20 =	simm.s32 $0x7;
	s25 =	simm.s32 $0x800  }
0x19: {  	s13 =	simm.s32 $0x700;
	s17 =	sadd.s32 $0x40, s8;
	[dreg:$0x8] =	wrdreg s8  }
0x1a: {  	s8 =	sadd.s32 $0x80, s8;
	[dreg:$0xc] =	wrdreg s0;
	s15 =	sadd.s32 s23, s5  }
.Ltmp0:
0x1b: {  	s0 =	sshrl.u32 s24, $0x3;
	[dreg:$0xe] =	wrdreg s21;
	(pc) =	sbr.rel .LBB2_1-.Ltmp0, $4  }
0x1c: {  	s18 =	sadd.s32 s26, s5;
	s24 =	simm.s32 $0x40;
	[dreg:$0x9] =	wrdreg s17  }
0x1d: {  	s26 =	simm.s32 $0x3D;
	s23 =	simm.s32 $0x5;
	[dreg:$0xa] =	wrdreg s8  }
0x1e: {  	s16 =	sadd.s32 s0, s5;
	s17 =	sadd.s32 s3, s5;
	s0 =	simm.s32 $0x6680  }
0x1f: {  	s3 =	simm.s32 $0x4;
	s5 =	simm.s32 $0x600;
	s8 =	simm.s32 $0x7D  }
.LBB2_4:
0x20: {  	[bflag:$0x0] =	sbarrier.arrive $0xFFFF  }
0x21: {  	s19 =	rddreg [dreg:$0x5]  }
0x22: {  	s2 =	rddreg [dreg:$0xb]  }
0x23: {  	s21 =	rddreg [dreg:$0xe]  }
0x24: {  	[hbm:s2], [sflag:s19] =	dma.local [spmem:s21], $0x2700  }
0x25: {  	_ =	swait.ge [sflag:s20], $0x2700  }
0x26: {  	[sflag:s20] =	ssyncset.done $0x0;
	s2 =	rddreg [dreg:$0xc]  }
0x27: {  	s6 =	rddreg [dreg:$0x10];
	[sflag:s20] =	ssyncadd.s32 $0xFFFFD900  }
0x28: {  	[hbm:s2], [sflag:s19] =	dma.local @!p0 [spmem:s6], $0x100  }
0x29: {  	s2 =	simm.s32 @!p0 $0x7  }
0x2a: {  	_ =	swait.ge @!p0 [sflag:s2], $0x100  }
0x2b: {  	s29 =	rddreg [dreg:$0xf]  }
0x2c: {  	s6 =	rddreg [dreg:$0xd];
	s29 =	sadd.s32 $0x1, s29  }
0x2d: {  	p1 =	sne.s32 s29, s6  }
.Ltmp1:
0x2e: {  	_ = 	snop;
	(pc) =	sbr.rel @!p1 .LBB2_5-.Ltmp1, $3  }
0x2f: {  	_ =	sdelay $0x1  }
0x30: {  	[sflag:s2] =	ssyncset.done @!p0 $0x0  }
0x31: {  	[sflag:s2] =	ssyncadd.s32 @!p0 $0xFFFFFF00  }
.LBB2_1:
0x32: {  	[dreg:$0xf] =	wrdreg s29  }
0x33: {  	s2 =	rddreg [dreg:$0x4]  }
0x34: {  	[spmem:s21], [sflag:s19] =	dma.local [hbm:s2], $0x2700  }
0x35: {  	_ =	swait.ge [sflag:s20], $0x2700  }
0x36: {  	s2 =	rddreg [dreg:$0x6]  }
0x37: {  	[sflag:s20] =	ssyncset.done $0x0;
	s6 =	sshrl.u32 @!p0 s2, $0x3;
	s2 =	rddreg [dreg:$0x7]  }
0x38: {  	[sflag:s20] =	ssyncadd.s32 $0xFFFFD900;
	[dreg:$0x10] =	wrdreg s6  }
0x39: {  	[spmem:s6], [sflag:s19] =	dma.local @!p0 [hbm:s2], $0x100  }
0x3a: {  	s6 =	simm.s32 @!p0 $0x7  }
0x3b: {  	_ =	swait.ge @!p0 [sflag:s6], $0x100  }
0x3c: {  	[sflag:s6] =	ssyncset.done @!p0 $0x0  }
0x3d: {  	s2 =	simm.s32 $0x0;
	s19 =	rddreg [dreg:$0x8];
	[sflag:s6] =	ssyncadd.s32 @!p0 $0xFFFFFF00  }
0x3e: {  	[tilespmem:s2], [sflag:$0x3] =	stream.linear.gather [hbm4b:s19+s2], $0x200, $0x38;
	[tilespmem:$0x1BD80] =	vst v63  }
0x3f: {  	s29 =	simm.s32 $0x200;
	s21 =	rddreg [dreg:$0x9]  }
0x40: {  	[tilespmem:s29], [sflag:$0x4] =	stream.linear.gather [hbm4b:s21+s2], $0x200, $0x38;
	[tilespmem:$0x1BD80] =	vst v63  }
0x41: {  	s19 =	simm.s32 $0x3;
	s21 =	rddreg [dreg:$0xa];
	s29 =	simm.s32 $0x400  }
0x42: {  	[tilespmem:s29], [sflag:$0x5] =	stream.linear.gather [hbm4b:s21+s2], $0x200, $0x38;
	[tilespmem:$0x1BD80] =	vst v63  }
0x43: {  	_ =	swait.ge [sflag:s19], $0x200  }
0x44: {  	[sflag:s19] =	ssyncset.done $0x0  }
0x45: {  	[sflag:s19] =	ssyncadd.s32 $0xFFFFFE00  }
0x46: {  	[tilespmem:s25], [sflag:$0x1] =	stream.indirect.gather [hbm4b:s4+s24], $0x80, s2, s24, $0xb8;
	[tilespmem:$0x1BD80] =	vst v63  }
0x47: {  	_ = 	snop  }
0x48: {  	[tilespmem:s28], [sflag:$0x1] =	stream.indirect.gather [hbm4b:s4+s26], $0x80, s24, s26, $0xb8;
	[tilespmem:$0x1BD80] =	vst v63  }
0x49: {  	s21 =	simm.s32 $0x100  }
0x4a: {  	[tilespmem:s30], [sflag:$0x2] =	stream.indirect.gather [hbm4b:s4+s24], $0x80, s21, s24, $0xb8;
	[tilespmem:$0x1BD80] =	vst v63  }
0x4b: {  	s29 =	simm.s32 $0x140  }
0x4c: {  	[tilespmem:s0], [sflag:$0x2] =	stream.indirect.gather [hbm4b:s4+s26], $0x80, s29, s26, $0xb8;
	[tilespmem:$0x1BD80] =	vst v63  }
0x4d: {  	s19 =	simm.s32 $0x0;
	[bflag:$0x0] =	sbarrier.arrive $0xFFFF  }
.LBB2_2:
0x4e: {  	_ =	swait.ge [sflag:s3], $0x200  }
0x4f: {  	[sflag:s3] =	ssyncset.done $0x0  }
0x50: {  	s6 =	sadd.s32 s19, s18;
	[sflag:s3] =	ssyncadd.s32 $0xFFFFFE00  }
0x51: {  	[tilespmem:s5], [sflag:$0x6] =	stream.linear.gather [hbm4b:s6+s31], $0x200, $0x38;
	[tilespmem:$0x1BD80] =	vst v63  }
0x52: {  	_ =	swait.ge [sflag:s7], $0x2000  }
0x53: {  	[sflag:s7] =	ssyncset.done $0x0  }
0x54: {  	[sflag:s7] =	ssyncadd.s32 $0xFFFFE000  }
0x55: {  	_ =	swait.ge [sflag:s7], $0x1E80  }
0x56: {  	[sflag:s7] =	ssyncset.done $0x0  }
0x57: {  	s2 =	simm.s32 $0x80;
	[sflag:s7] =	ssyncadd.s32 $0xFFFFE180  }
0x58: {  	[spmem:s1] =	stream.indirect.scatter.add.f32 [tilespmem:s25], [sflag:$0x7], $0x80, s2, s8, $0xb8;
	[tilespmem:$0x1BD80] =	vst v63  }
0x59: {  	_ =	swait.ge [sflag:s20], $0x3E80  }
0x5a: {  	[sflag:s20] =	ssyncset.done $0x0  }
0x5b: {  	s6 =	simm.s32 $0x200;
	[sflag:s20] =	ssyncadd.s32 $0xFFFFC180  }
0x5c: {  	[tilespmem:s25], [sflag:$0x1] =	stream.indirect.gather [hbm4b:s4+s24], $0x80, s6, s24, $0xb8;
	[tilespmem:$0x1BD80] =	vst v63  }
0x5d: {  	s21 =	simm.s32 $0x240  }
0x5e: {  	[tilespmem:s28], [sflag:$0x1] =	stream.indirect.gather [hbm4b:s4+s26], $0x80, s21, s26, $0xb8;
	[tilespmem:$0x1BD80] =	vst v63  }
0x5f: {  	_ =	swait.ge [sflag:s12], $0x2000  }
0x60: {  	[sflag:s12] =	ssyncset.done $0x0  }
0x61: {  	[sflag:s12] =	ssyncadd.s32 $0xFFFFE000  }
0x62: {  	_ =	swait.ge [sflag:s12], $0x1E80  }
0x63: {  	[sflag:s12] =	ssyncset.done $0x0  }
0x64: {  	s29 =	simm.s32 $0x180;
	[sflag:s12] =	ssyncadd.s32 $0xFFFFE180  }
0x65: {  	[spmem:s1] =	stream.indirect.scatter.add.f32 [tilespmem:s30], [sflag:$0x7], $0x80, s29, s8, $0xb8;
	[tilespmem:$0x1BD80] =	vst v63  }
0x66: {  	_ =	swait.ge [sflag:s20], $0x3E80  }
0x67: {  	[sflag:s20] =	ssyncset.done $0x0  }
0x68: {  	s6 =	simm.s32 $0x300;
	[sflag:s20] =	ssyncadd.s32 $0xFFFFC180  }
0x69: {  	[tilespmem:s30], [sflag:$0x2] =	stream.indirect.gather [hbm4b:s4+s24], $0x80, s6, s24, $0xb8;
	[tilespmem:$0x1BD80] =	vst v63  }
0x6a: {  	s21 =	simm.s32 $0x340  }
0x6b: {  	[tilespmem:s0], [sflag:$0x2] =	stream.indirect.gather [hbm4b:s4+s26], $0x80, s21, s26, $0xb8;
	[tilespmem:$0x1BD80] =	vst v63  }
0x6c: {  	_ =	swait.ge [sflag:s23], $0x200  }
0x6d: {  	p1 =	seq.s32 s19, $0x900;
	[sflag:s23] =	ssyncset.done $0x0  }
0x6e: {  	s2 =	sadd.s32 @!p1 s19, s17;
	s6 =	simm.s32 @!p1 $0x0;
	[sflag:s23] =	ssyncadd.s32 $0xFFFFFE00  }
0x6f: {  	[tilespmem:s6], [sflag:$0x3] =	stream.linear.gather @!p1 [hbm4b:s2+s6], $0x200, $0x38;
	[tilespmem:$0x1BD80] =	vst v63  }
0x70: {  	_ =	swait.ge [sflag:s7], $0x2000  }
0x71: {  	[sflag:s7] =	ssyncset.done $0x0  }
0x72: {  	[sflag:s7] =	ssyncadd.s32 $0xFFFFE000  }
0x73: {  	_ =	swait.ge [sflag:s7], $0x1E80  }
0x74: {  	[sflag:s7] =	ssyncset.done $0x0  }
0x75: {  	s29 =	simm.s32 $0x280;
	[sflag:s7] =	ssyncadd.s32 $0xFFFFE180  }
0x76: {  	[spmem:s1] =	stream.indirect.scatter.add.f32 [tilespmem:s25], [sflag:$0x7], $0x80, s29, s8, $0xb8;
	[tilespmem:$0x1BD80] =	vst v63  }
0x77: {  	_ =	swait.ge [sflag:s20], $0x3E80  }
0x78: {  	[sflag:s20] =	ssyncset.done $0x0  }
0x79: {  	s21 =	simm.s32 $0x400;
	[sflag:s20] =	ssyncadd.s32 $0xFFFFC180  }
0x7a: {  	[tilespmem:s25], [sflag:$0x1] =	stream.indirect.gather [hbm4b:s4+s24], $0x80, s21, s24, $0xb8;
	[tilespmem:$0x1BD80] =	vst v63  }
0x7b: {  	s29 =	simm.s32 $0x440  }
0x7c: {  	[tilespmem:s28], [sflag:$0x1] =	stream.indirect.gather [hbm4b:s4+s26], $0x80, s29, s26, $0xb8;
	[tilespmem:$0x1BD80] =	vst v63  }
0x7d: {  	_ =	swait.ge [sflag:s12], $0x2000  }
0x7e: {  	[sflag:s12] =	ssyncset.done $0x0  }
0x7f: {  	[sflag:s12] =	ssyncadd.s32 $0xFFFFE000  }
0x80: {  	_ =	swait.ge [sflag:s12], $0x1E80  }
0x81: {  	[sflag:s12] =	ssyncset.done $0x0  }
0x82: {  	s21 =	simm.s32 $0x380;
	[sflag:s12] =	ssyncadd.s32 $0xFFFFE180  }
0x83: {  	[spmem:s1] =	stream.indirect.scatter.add.f32 [tilespmem:s30], [sflag:$0x7], $0x80, s21, s8, $0xb8;
	[tilespmem:$0x1BD80] =	vst v63  }
0x84: {  	_ =	swait.ge [sflag:s20], $0x3E80  }
0x85: {  	[sflag:s20] =	ssyncset.done $0x0  }
0x86: {  	s29 =	simm.s32 $0x500;
	[sflag:s20] =	ssyncadd.s32 $0xFFFFC180  }
0x87: {  	[tilespmem:s30], [sflag:$0x2] =	stream.indirect.gather [hbm4b:s4+s24], $0x80, s29, s24, $0xb8;
	[tilespmem:$0x1BD80] =	vst v63  }
0x88: {  	s21 =	simm.s32 $0x540  }
0x89: {  	[tilespmem:s0], [sflag:$0x2] =	stream.indirect.gather [hbm4b:s4+s26], $0x80, s21, s26, $0xb8;
	[tilespmem:$0x1BD80] =	vst v63  }
0x8a: {  	_ =	swait.ge [sflag:s22], $0x200  }
0x8b: {  	[sflag:s22] =	ssyncset.done $0x0  }
0x8c: {  	s2 =	sadd.s32 @!p1 s19, s16;
	s29 =	simm.s32 @!p1 $0x200;
	[sflag:s22] =	ssyncadd.s32 $0xFFFFFE00  }
0x8d: {  	[tilespmem:s29], [sflag:$0x4] =	stream.linear.gather @!p1 [hbm4b:s2+s6], $0x200, $0x38;
	[tilespmem:$0x1BD80] =	vst v63  }
0x8e: {  	_ =	swait.ge [sflag:s7], $0x2000  }
0x8f: {  	[sflag:s7] =	ssyncset.done $0x0  }
0x90: {  	[sflag:s7] =	ssyncadd.s32 $0xFFFFE000  }
0x91: {  	_ =	swait.ge [sflag:s7], $0x1E80  }
0x92: {  	[sflag:s7] =	ssyncset.done $0x0  }
0x93: {  	s29 =	simm.s32 $0x480;
	[sflag:s7] =	ssyncadd.s32 $0xFFFFE180  }
0x94: {  	[spmem:s1] =	stream.indirect.scatter.add.f32 [tilespmem:s25], [sflag:$0x7], $0x80, s29, s8, $0xb8;
	[tilespmem:$0x1BD80] =	vst v63  }
0x95: {  	_ =	swait.ge [sflag:s20], $0x3E80  }
0x96: {  	[sflag:s20] =	ssyncset.done $0x0  }
0x97: {  	[sflag:s20] =	ssyncadd.s32 $0xFFFFC180  }
0x98: {  	[tilespmem:s25], [sflag:$0x1] =	stream.indirect.gather [hbm4b:s4+s24], $0x80, s5, s24, $0xb8;
	[tilespmem:$0x1BD80] =	vst v63  }
0x99: {  	_ = 	snop  }
0x9a: {  	[tilespmem:s28], [sflag:$0x1] =	stream.indirect.gather [hbm4b:s4+s26], $0x80, s10, s26, $0xb8;
	[tilespmem:$0x1BD80] =	vst v63  }
0x9b: {  	_ =	swait.ge [sflag:s12], $0x2000  }
0x9c: {  	[sflag:s12] =	ssyncset.done $0x0  }
0x9d: {  	[sflag:s12] =	ssyncadd.s32 $0xFFFFE000  }
0x9e: {  	_ =	swait.ge [sflag:s12], $0x1E80  }
0x9f: {  	[sflag:s12] =	ssyncset.done $0x0  }
0xa0: {  	[sflag:s12] =	ssyncadd.s32 $0xFFFFE180  }
0xa1: {  	[spmem:s1] =	stream.indirect.scatter.add.f32 [tilespmem:s30], [sflag:$0x7], $0x80, s11, s8, $0xb8;
	[tilespmem:$0x1BD80] =	vst v63  }
0xa2: {  	_ =	swait.ge [sflag:s20], $0x3E80  }
0xa3: {  	[sflag:s20] =	ssyncset.done $0x0  }
0xa4: {  	[sflag:s20] =	ssyncadd.s32 $0xFFFFC180  }
0xa5: {  	[tilespmem:s30], [sflag:$0x2] =	stream.indirect.gather [hbm4b:s4+s24], $0x80, s13, s24, $0xb8;
	[tilespmem:$0x1BD80] =	vst v63  }
0xa6: {  	s2 =	simm.s32 @p1 $0x1  }
0xa7: {  	[tilespmem:s0], [sflag:$0x2] =	stream.indirect.gather [hbm4b:s4+s26], $0x80, s14, s26, $0xb8;
	[tilespmem:$0x1BD80] =	vst v63  }
0xa8: {  	_ =	swait.ge @p1 [sflag:s2], $0x2000  }
0xa9: {  	[sflag:s2] =	ssyncset.done @p1 $0x0  }
0xaa: {  	[sflag:s2] =	ssyncadd.s32 @p1 $0xFFFFE000  }
0xab: {  	_ =	swait.ge @p1 [sflag:s2], $0x1E80  }
0xac: {  	s21 =	simm.s32 @p1 $0x800;
	[sflag:s2] =	ssyncset.done @p1 $0x0  }
0xad: {  	s29 =	simm.s32 @p1 $0x680;
	[sflag:s2] =	ssyncadd.s32 @p1 $0xFFFFE180;
	s2 =	simm.s32 @p1 $0x7D  }
0xae: {  	[spmem:s1] =	stream.indirect.scatter.add.f32 @p1 [tilespmem:s21], [sflag:$0x7], $0x80, s29, s2, $0xb8;
	[tilespmem:$0x1BD80] =	vst v63  }
0xaf: {  	s2 =	simm.s32 @p1 $0x7  }
0xb0: {  	_ =	swait.ge @p1 [sflag:s2], $0x3E80  }
0xb1: {  	[sflag:s2] =	ssyncset.done @p1 $0x0  }
0xb2: {  	[sflag:s2] =	ssyncadd.s32 @p1 $0xFFFFC180;
	s2 =	simm.s32 @!p1 $0x3  }
0xb3: {  	_ =	swait.ge @!p1 [sflag:s2], $0x200  }
0xb4: {  	[sflag:s2] =	ssyncset.done @!p1 $0x0  }
0xb5: {  	s21 =	simm.s32 @!p1 $0x400;
	[sflag:s2] =	ssyncadd.s32 @!p1 $0xFFFFFE00;
	s2 =	sadd.s32 @!p1 s19, s15  }
0xb6: {  	[tilespmem:s21], [sflag:$0x5] =	stream.linear.gather @!p1 [hbm4b:s2+s6], $0x200, $0x38;
	[tilespmem:$0x1BD80] =	vst v63  }
0xb7: {  	s2 =	simm.s32 @!p1 $0x1  }
0xb8: {  	_ =	swait.ge @!p1 [sflag:s2], $0x2000  }
0xb9: {  	[sflag:s2] =	ssyncset.done @!p1 $0x0  }
0xba: {  	[sflag:s2] =	ssyncadd.s32 @!p1 $0xFFFFE000  }
0xbb: {  	_ =	swait.ge @!p1 [sflag:s2], $0x1E80  }
0xbc: {  	s29 =	simm.s32 @!p1 $0x800;
	[sflag:s2] =	ssyncset.done @!p1 $0x0  }
0xbd: {  	s21 =	simm.s32 @!p1 $0x680;
	[sflag:s2] =	ssyncadd.s32 @!p1 $0xFFFFE180;
	s2 =	simm.s32 @!p1 $0x7D  }
0xbe: {  	[spmem:s1] =	stream.indirect.scatter.add.f32 @!p1 [tilespmem:s29], [sflag:$0x7], $0x80, s21, s2, $0xb8;
	[tilespmem:$0x1BD80] =	vst v63  }
0xbf: {  	s2 =	simm.s32 @!p1 $0x7  }
0xc0: {  	_ =	swait.ge @!p1 [sflag:s2], $0x3E80  }
0xc1: {  	[sflag:s2] =	ssyncset.done @!p1 $0x0  }
0xc2: {  	[sflag:s2] =	ssyncadd.s32 @!p1 $0xFFFFC180;
	s2 =	simm.s32 @!p1 $0x40  }
0xc3: {  	[tilespmem:s29], [sflag:$0x1] =	stream.indirect.gather @!p1 [hbm4b:s4+s2], $0x80, s6, s2, $0xb8;
	[tilespmem:$0x1BD80] =	vst v63  }
0xc4: {  	s21 =	simm.s32 @!p1 $0x2800;
	s6 =	simm.s32 @!p1 $0x3D  }
0xc5: {  	[tilespmem:s21], [sflag:$0x1] =	stream.indirect.gather @!p1 [hbm4b:s4+s6], $0x80, s2, s6, $0xb8;
	[tilespmem:$0x1BD80] =	vst v63  }
0xc6: {  	_ =	swait.ge [sflag:s12], $0x2000  }
0xc7: {  	[sflag:s12] =	ssyncset.done $0x0  }
0xc8: {  	[sflag:s12] =	ssyncadd.s32 $0xFFFFE000  }
0xc9: {  	_ =	swait.ge [sflag:s12], $0x1E80  }
0xca: {  	[sflag:s12] =	ssyncset.done $0x0  }
.Ltmp2:
0xcb: {  	[sflag:s12] =	ssyncadd.s32 $0xFFFFE180;
	(pc) =	sbr.rel @p1 .LBB2_4-.Ltmp2, $4  }
0xcc: {  	[spmem:s1] =	stream.indirect.scatter.add.f32 [tilespmem:s30], [sflag:$0x7], $0x80, s9, s8, $0xb8;
	[tilespmem:$0x1BD80] =	vst v63  }
0xcd: {  	_ =	swait.ge [sflag:s20], $0x3E80  }
0xce: {  	[sflag:s20] =	ssyncset.done $0x0  }
0xcf: {  	[sflag:s20] =	ssyncadd.s32 $0xFFFFC180  }
.Ltmp3:
0xd0: {  	(pc) =	sbr.rel .LBB2_2-.Ltmp3, $4  }
0xd1: {  	s2 =	simm.s32 $0x100  }
0xd2: {  	[tilespmem:s30], [sflag:$0x2] =	stream.indirect.gather [hbm4b:s4+s24], $0x80, s2, s24, $0xb8;
	[tilespmem:$0x1BD80] =	vst v63  }
0xd3: {  	s29 =	simm.s32 $0x140;
	s19 =	sadd.s32 $0x100, s19  }
0xd4: {  	[tilespmem:s0], [sflag:$0x2] =	stream.indirect.gather [hbm4b:s4+s26], $0x80, s29, s26, $0xb8;
	[tilespmem:$0x1BD80] =	vst v63  }
.LBB2_5:
0xd5: {  	_ =	sfence.sel $0x180000  }
0xd6: {  	[bflag:$0x0] =	sbarrier.arrive $0xFFFF  }
0xd7: {  	_ =	strace $0x9000004A  }
0xd8: {  	s0 =	stileid.u32;
	[bflag:$0x2] =	sbarrier.arrive $0xFFFF  }
0xd9: {  	p0 =	sne.s32 s0, $0x0;
	s0 =	rddreg [dreg:$0x3]  }
0xda: {  	s0 =	sadd.s32 @!p0 $0x100000, s0  }
0xdb: {  	[sflag:s0] =	ssyncadd.tile.s32 @!p0 $0x1;
	_ =	shalt  }
.Lfunc_end2:
_tile_overlayer_lowered:
.L_overlay_start_2:
0xdc: {  	(tag) =	ssettag $0x2  }
0xdd: {  	s0 =	rddreg [dreg:$0x0];
	s2 =	stileid.u32  }
0xde: {  	s1 =	rddreg [dreg:$0x1];
	p0 =	sne.s32 s2, $0x0  }
0xdf: {  	s3 =	rddreg [dreg:$0x2];
	[bflag:$0x3] =	sbarrier.arrive $0xFFFF;
	s2 =	simm.s32 @!p0 $0x1C07  }
0xe0: {  	[timem:s3], [sflag:s2] =	dma.local @!p0 [hbm:s0], s1  }
0xe1: {  	s0 =	simm.s32 @!p0 $0x7  }
0xe2: {  	_ =	swait.ge @!p0 [sflag:s0], s1  }
0xe3: {  	s1 =	ssub.s32 @!p0 $0x0, s1;
	[sflag:s0] =	ssyncset.done @!p0 $0x0  }
0xe4: {  	[sflag:s0] =	ssyncadd.s32 @!p0 s1  }
0xe5: {  	[bflag:$0x3] =	sbarrier.arrive $0xFFFF  }
0xe6: {  	_ =	shalt  }

// kernel: kernel.14.cloned.1.call-start
scs
__scs_entry_jumppad:
0x0: {  	(pc) =	sbr.rel $0x88, $3  }
0x1: {  	(tag) =	ssettag $0x0;
	lr =	simm.s32 $0x1  }
0x2: {  	[smem:$0x3F8E] =	sst lr;
	_ =	strace $0xD0000000  }
0x3: {  	_ = 	snop  }
0x4: {  	_ = 	snop  }
0x5: {  	_ = 	snop  }
0x6: {  	_ = 	snop  }
0x7: {  	_ = 	snop  }
__scs_overlays_trampoline_lowered:
0x8: {  	[smem:$0x3F9D] =	sst s0  }
0x9: {  	[smem:$0x3F9E] =	sst s1  }
0xa: {  	[smem:$0x3F9F] =	sst s2  }
0xb: {  	[smem:$0x3FA0] =	sst s3  }
0xc: {  	[smem:$0x3FA1] =	sst s4  }
0xd: {  	[smem:$0x3FA2] =	sst s5  }
0xe: {  	[smem:$0x3FA3] =	sst s6  }
0xf: {  	[smem:$0x3FA4] =	sst s7  }
0x10: {  	[smem:$0x3FA5] =	sst s8  }
0x11: {  	[smem:$0x3FA6] =	sst s9;
	s0 =	simm.s32 @!p0 $0x0  }
0x12: {  	s1 =	sld [smem:$0x3F8C];
	s0 =	simm.s32 @p0 $0x1  }
0x13: {  	[smem:$0x3FA7] =	sst s0;
	s0 =	simm.s32 @!p1 $0x0  }
0x14: {  	s2 =	sld [smem:$0x3F8B];
	s0 =	simm.s32 @p1 $0x1  }
0x15: {  	[smem:$0x3FA8] =	sst s0;
	s0 =	simm.s32 @!p2 $0x0  }
0x16: {  	s3 =	sld [smem:$0x3FDB];
	s0 =	simm.s32 @p2 $0x1  }
0x17: {  	s4 =	simm.s32 $0x1BF5;
	[smem:$0x3FAA] =	sst s0  }
0x18: {  	s0 =	sld [smem:$0x3F8D];
	_ =	swait.ge [sflag:s4], $0x0  }
0x19: {  	s7 =	sld [smem:$0x3F8E]  }
0x1a: {  	s8 =	sadd.s32 $0xFFFFE003, lr  }
0x1b: {  	s9 =	sadd.s32 $0xFFFFFEF7, lr;
	s5 =	simm.s32 $0xFFFFFFFF;
	p2 =	slt.u32 s8, $0xFFFFF086  }
0x1c: {  	p1 =	slt.u32 s9, $0xF7A;
	s5 =	simm.s32 @!p2 $0x0  }
0x1d: {  	s5 =	simm.s32 @p1 $0x1;
	p0 =	seq.s32 s7, s2  }
0x1e: {  	s7 =	smul.u32 @!p0 $0xF7A, s2;
	p2 =	seq.s32 @!p0 s5, $0x0  }
0x1f: {  	s9 =	smul.u32 $0xF7A, s1;
	s8 =	simm.s32 @!p0 $0x1BF5;
	p2 =	por !p2, p0  }
0x20: {  	[sflag:s8] =	ssyncset.s32 @!p0 $0xFFFFF086;
	s6 =	sadd.s32 @!p0 s3, s7;
	s7 =	simm.s32 @!p0 $0x108  }
0x21: {  	s3 =	sadd.s32 s3, s9;
	s6 =	sadd.s32 @!p0 $0x88, s6;
	s7 =	simm.s32 @p2 $0x1082  }
0x22: {  	[simem:s7], [sflag:s8] =	dma.local @!p0 [hbm:s6], $0xF7A  }
0x23: {  	s9 =	sor.u32 $0xD0000000, s2;
	s6 =	simm.s32 $0x108;
	_ =	swait.ge @!p0 [sflag:s8], $0x0  }
0x24: {  	s3 =	sadd.s32 $0x88, s3;
	s6 =	simm.s32 @!p1 $0x1082;
	[sflag:s4] =	ssyncset.s32 $0xFFFFF086  }
0x25: {  	[simem:s6], [sflag:s4] =	dma.local [hbm:s3], $0xF7A  }
0x26: {  	[smem:$0x3F8E] =	sst s1;
	(tag) =	ssettag s2;
	_ =	strace s9  }
0x27: {  	s1 =	sld [smem:$0x3F9E]  }
0x28: {  	s2 =	sld [smem:$0x3F9F]  }
0x29: {  	s4 =	sld [smem:$0x3FA1]  }
0x2a: {  	p0 =	seq.s32 s5, $0x0;
	s5 =	sld [smem:$0x3FA2]  }
0x2b: {  	s6 =	sld [smem:$0x3FA3]  }
0x2c: {  	s7 =	sld [smem:$0x3FA4]  }
0x2d: {  	s3 =	simm.s32 $0x108;
	s8 =	sld [smem:$0x3FA5]  }
0x2e: {  	s3 =	simm.s32 @!p0 $0x1082;
	s9 =	sld [smem:$0x3FA6]  }
0x2f: {  	lr =	sadd.s32 s0, s3;
	s0 =	sld [smem:$0x3F9D]  }
0x30: {  	s3 =	sld [smem:$0x3FA0]  }
0x31: {  	[smem:$0x3FA9] =	sst s10  }
0x32: {  	s10 =	sld [smem:$0x3FA7];
	_ =	sdelay $0x3  }
0x33: {  	p0 =	seq.s32 s10, $0x1;
	s10 =	sld [smem:$0x3FA9];
	_ =	sdelay $0x3  }
0x34: {  	[smem:$0x3FA9] =	sst s10  }
0x35: {  	s10 =	sld [smem:$0x3FA8];
	_ =	sdelay $0x3  }
0x36: {  	p1 =	seq.s32 s10, $0x1;
	s10 =	sld [smem:$0x3FA9];
	_ =	sdelay $0x3  }
0x37: {  	[smem:$0x3FA9] =	sst s10  }
0x38: {  	s10 =	sld [smem:$0x3FAA]  }
0x39: {  	_ = 	snop;
	(pc) =	sbr.ind lr, $3  }
0x3a: {  	_ = 	snop  }
0x3b: {  	_ = 	snop  }
0x3c: {  	p2 =	seq.s32 s10, $0x1;
	s10 =	sld [smem:$0x3FA9]  }
0x3d: {  	_ =	shalt  }
0x3e: {  	_ =	shalt  }
0x3f: {  	_ =	shalt  }
0x40: {  	_ =	shalt  }
0x41: {  	_ =	shalt  }
0x42: {  	_ =	shalt  }
0x43: {  	_ =	shalt  }
0x44: {  	_ =	shalt  }
0x45: {  	_ =	shalt  }
0x46: {  	_ =	shalt  }
0x47: {  	_ =	shalt  }
0x48: {  	_ =	shalt  }
0x49: {  	_ =	shalt  }
0x4a: {  	_ =	shalt  }
0x4b: {  	_ =	shalt  }
0x4c: {  	_ =	shalt  }
0x4d: {  	_ =	shalt  }
0x4e: {  	_ =	shalt  }
0x4f: {  	_ =	shalt  }
0x50: {  	_ =	shalt  }
0x51: {  	_ =	shalt  }
0x52: {  	_ =	shalt  }
0x53: {  	_ =	shalt  }
0x54: {  	_ =	shalt  }
0x55: {  	_ =	shalt  }
0x56: {  	_ =	shalt  }
0x57: {  	_ =	shalt  }
0x58: {  	_ =	shalt  }
0x59: {  	_ =	shalt  }
0x5a: {  	_ =	shalt  }
0x5b: {  	_ =	shalt  }
0x5c: {  	_ =	shalt  }
0x5d: {  	_ =	shalt  }
0x5e: {  	_ =	shalt  }
0x5f: {  	_ =	shalt  }
0x60: {  	_ =	shalt  }
0x61: {  	_ =	shalt  }
0x62: {  	_ =	shalt  }
0x63: {  	_ =	shalt  }
0x64: {  	_ =	shalt  }
0x65: {  	_ =	shalt  }
0x66: {  	_ =	shalt  }
0x67: {  	_ =	shalt  }
0x68: {  	_ =	shalt  }
0x69: {  	_ =	shalt  }
0x6a: {  	_ =	shalt  }
0x6b: {  	_ =	shalt  }
0x6c: {  	_ =	shalt  }
0x6d: {  	_ =	shalt  }
0x6e: {  	_ =	shalt  }
0x6f: {  	_ =	shalt  }
0x70: {  	_ =	shalt  }
0x71: {  	_ =	shalt  }
0x72: {  	_ =	shalt  }
0x73: {  	_ =	shalt  }
0x74: {  	_ =	shalt  }
0x75: {  	_ =	shalt  }
0x76: {  	_ =	shalt  }
0x77: {  	_ =	shalt  }
0x78: {  	_ =	shalt  }
0x79: {  	_ =	shalt  }
0x7a: {  	_ =	shalt  }
0x7b: {  	_ =	shalt  }
0x7c: {  	_ =	shalt  }
0x7d: {  	_ =	shalt  }
0x7e: {  	_ =	shalt  }
0x7f: {  	_ =	shalt  }
0x80: {  	_ =	shalt  }
0x81: {  	_ =	shalt  }
0x82: {  	_ =	shalt  }
0x83: {  	_ =	shalt  }
0x84: {  	_ =	shalt  }
0x85: {  	_ =	shalt  }
0x86: {  	_ =	shalt  }
0x87: {  	_ =	shalt  }
.Lfunc_end0:
.L_simem_size_0:
called_computation.2_lowered:
.L_overlay_start_0:
0x88: {  	s2 =	sld [smem:$0x3FD9]  }
0x89: {  	s3 =	sld [smem:$0x3FFE];
	_ =	sdelay $0x1  }
0x8a: {  	s1 =	srdreg.scid  }
0x8b: {  	s0 =	sand.u32 $0x1, s1  }
0x8c: {  	s17 =	sshll.u32 s0, $0xA;
	s2 =	sadd.s32 s3, s2  }
0x8d: {  	s2 =	sadd.s32 s2, s17  }
0x8e: {  	[smem:$0x3FB5] =	sst s2  }
0x8f: {  	_ = 	snop  }
0x90: {  	s2 =	sld [smem:$0x3FD0];
	(tm) =	ssettm $0x1  }
0x91: {  	s18 =	sld [smem:$0x3FFB];
	_ =	sdelay $0x3  }
0x92: {  	_ =	strace s18  }
0x93: {  	s3 =	sld [smem:$0x3FFC];
	_ =	sdelay $0x3  }
0x94: {  	_ =	strace s3  }
0x95: {  	s3 =	sld [smem:$0x3FFD];
	_ =	sdelay $0x3  }
0x96: {  	_ =	strace s3  }
0x97: {  	_ =	strace $0x8FFFFFFF  }
0x98: {  	s19 =	sld [smem:$0x3FDB];
	_ =	sdelay $0x1  }
0x99: {  	s4 =	simm.s32 $_scs_section_size  }
0x9a: {  	s5 =	simm.s32 $_size__tile_overlayer_lowered;
	s6 =	simm.s32 $_tile_overlayer_lowered  }
0x9b: {  	s22 =	simm.s32 $0x1BFF;
	s21 =	sshll.u32 s6, $0x1;
	s3 =	sadd.s32 s4, s19  }
0x9c: {  	s7 =	simm.s32 $0x0;
	s20 =	sshll.u32 s5, $0x1;
	s5 =	sadd.s32 s21, s3  }
0x9d: {  	[timem:s7], [sflag:s22] =	dma.local [hbm:s5], s20  }
0x9e: {  	_ =	swait.ge [sflag:s22], s20  }
0x9f: {  	s4 =	ssub.s32 $0x0, s20;
	[sflag:s22] =	ssyncset.done $0x0  }
0xa0: {  	[sflag:s22] =	ssyncadd.s32 s4;
	_ =	sdelay $0x1  }
0xa1: {  	s23 =	simm.s32 $0x1B8B  }
0xa2: {  	_ =	swait.ge [sflag:s23], $0x1  }
0xa3: {  	[sflag:s23] =	ssyncset.done $0x0  }
0xa4: {  	s25 =	simm.s32 $0x1B8E;
	s24 =	sld [smem:$0x3FFE];
	[sflag:s23] =	ssyncadd.s32 $0xFFFFFFFF  }
0xa5: {  	s26 =	simm.s32 $execute0_lowered;
	[smem:$0x3FD2] =	sst s25  }
0xa6: {  	s5 =	sshll.u32 s26, $0x1;
	_ =	strace $0x8000004C;
	[dreg:$0x1] =	wrdreg $0xFFFFFFFF  }
0xa7: {  	s28 =	simm.s32 $_size_execute0_lowered;
	s3 =	sadd.s32 s3, s5;
	[dreg:$0x0] =	wrdreg $0x0  }
0xa8: {  	s5 =	sshll.u32 s28, $0x1;
	[dreg:$0x2] =	wrdreg s3  }
0xa9: {  	[dreg:$0x3] =	wrdreg s5  }
0xaa: {  	[dreg:$0x4] =	wrdreg $0xC0  }
0xab: {  	_ =	task [dreg:s7], $0x5FFFF  }
0xac: {  	[dreg:$0x1] =	wrdreg $0xFFFFFFFF  }
0xad: {  	[dreg:$0x0] =	wrdreg $0x60  }
0xae: {  	[dreg:$0x2] =	wrdreg s24  }
0xaf: {  	[dreg:$0x3] =	wrdreg s2  }
0xb0: {  	[dreg:$0x4] =	wrdreg $0x85000  }
0xb1: {  	[dreg:$0x5] =	wrdreg $0x9  }
0xb2: {  	_ =	task.clear_ibuf [dreg:s7], $0x6FFFF;
	_ =	strace $0x9000004C  }
0xb3: {  	s29 =	simm.s32 $0x9;
	_ =	strace $0x8000004E  }
0xb4: {  	_ =	swait.ge [sflag:s29], $0x1  }
0xb5: {  	[sflag:s29] =	ssyncadd.s32 $0xFFFFFFFF  }
0xb6: {  	_ =	strace $0x9000004E  }
0xb7: {  	_ =	sfence  }
0xb8: {  	s30 =	sld [smem:$0x0];
	_ =	sdelay $0x2  }
0xb9: {  	s31 =	sshll.u32 s1, $0xD;
	s1 =	sshrl.u32 s1, $0x2  }
0xba: {  	s3 =	sand.u32 $0x4000, s31;
	s1 =	sadd.s32 s1, s30  }
0xbb: {  	s0 =	sor.u32 s3, s0;
	s1 =	sshll.u32 s1, $0x11  }
0xbc: {  	s0 =	sor.u32 s1, s0  }
0xbd: {  	s0 =	sadd.s32 $0x8F2B, s0  }
0xbe: {  	[sflag:s0] =	ssyncadd.remote.s32 $0x1  }
0xbf: {  	_ =	sfence.sel $0xFFFF  }
0xc0: {  	[dreg:$0x0] =	wrdreg $0xFFFFFFFF;
	(pc) =	sbr.abs _section_cstart, $3  }
0xc1: {  	[dreg:$0x1] =	wrdreg $0xFFFFFFFF  }
0xc2: {  	_ =	task.clear_ibuf [dreg:s7], $0x2FFFF;
	_ =	strace $0x9FFFFFFF  }
0xc3: {  	(tm) =	ssettm $0x7FFFFFFF  }
tec
execute0_lowered:
.L_overlay_start_1:
0x0: {  	(tag) =	ssettag $0x1  }
0x1: {  	s0 =	rddreg [dreg:$0x0]  }
0x2: {  	s2 =	rddreg [dreg:$0x1]  }
0x3: {  	s1 =	rddreg [dreg:$0x2];
	s3 =	simm.s32 $0x0  }
0x4: {  	s8 =	srdreg.scid;
	s12 =	stileid.u32;
	s28 =	simm.s32 $0x2800  }
0x5: {  	s30 =	simm.s32 $0x4680;
	s29 =	simm.s32 $0x0;
	s31 =	simm.s32 $0x0  }
0x6: {  	[smem:$0x7FF] =	sst s3;
	s4 =	sadd.s32 $0x18800, s0;
	s3 =	sand.u32 $0x1, s8  }
0x7: {  	s5 =	sadd.s32 $0x4800, s0;
	s7 =	smul.u32 $0x13800, s12;
	s0 =	sadd.s32 $0x9CA00, s0  }
0x8: {  	s11 =	sshll.u32 s12, $0x6;
	s15 =	sadd.s32 $0x138000, s1;
	s16 =	smul.u32 $0x5000, s12  }
0x9: {  	p0 =	sne.s32 s12, $0xF;
	_ =	strace $0x8000004D;
	s6 =	ssub.s32 $0x2, s3  }
0xa: {  	s9 =	sshll.u32 s3, $0x4;
	s19 =	sor.u32 $0x1C07, s11;
	s14 =	smul.u32 $0x138800, s3  }
0xb: {  	[dreg:$0x6] =	wrdreg s15;
	s3 =	smul.u32 $0x50000, s3;
	s11 =	simm.s32 $0x580  }
0xc: {  	s8 =	sshrl.u32 s6, $0x1;
	s9 =	sor.u32 s12, s9;
	s13 =	sadd.s32 s7, s1  }
0xd: {  	s10 =	sshrl.u32 s7, $0x3;
	s12 =	simm.s32 $0x2;
	[dreg:$0x5] =	wrdreg s19  }
0xe: {  	s6 =	ssub.s32 s6, s8;
	s8 =	smul.u32 $0x5000, s9;
	s10 =	sadd.s32 s2, s10  }
0xf: {  	s2 =	sadd.s32 $0x27000, s2;
	s7 =	sadd.s32 s7, s14;
	s18 =	sshrl.u32 s14, $0x3  }
0x10: {  	s14 =	simm.s32 $0x740;
	s9 =	simm.s32 $0x780;
	[dreg:$0x4] =	wrdreg s10  }
0x11: {  	[dreg:$0x7] =	wrdreg s2;
	s7 =	sshrl.u32 s7, $0x3;
	s2 =	sadd.s32 s16, s3  }
0x12: {  	s22 =	smax.u32 s6, $0x1;
	s10 =	simm.s32 $0x640;
	s8 =	sshrl.u32 s8, $0x3  }
0x13: {  	s20 =	sadd.s32 s0, s7;
	s0 =	sadd.s32 s0, s18;
	s21 =	sor.u32 $0xC00, s2  }
0x14: {  	[dreg:$0xd] =	wrdreg s22;
	s24 =	sor.u32 $0xA00, s2;
	s25 =	sor.u32 $0x800, s2  }
0x15: {  	s2 =	sor.u32 $0x600, s2;
	s7 =	simm.s32 $0x1;
	s22 =	simm.s32 $0x6  }
0x16: {  	s8 =	sadd.s32 s5, s8;
	[dreg:$0xb] =	wrdreg s20;
	s0 =	sadd.s32 $0x27000, s0  }
0x17: {  	s23 =	sshrl.u32 s21, $0x3;
	s3 =	sshrl.u32 s25, $0x3;
	s26 =	sshrl.u32 s2, $0x3  }
0x18: {  	s21 =	sshrl.u32 s13, $0x3;
	s20 =	simm.s32 $0x7;
	s25 =	simm.s32 $0x800  }
0x19: {  	s13 =	simm.s32 $0x700;
	s17 =	sadd.s32 $0x40, s8;
	[dreg:$0x8] =	wrdreg s8  }
0x1a: {  	s8 =	sadd.s32 $0x80, s8;
	[dreg:$0xc] =	wrdreg s0;
	s15 =	sadd.s32 s23, s5  }
.Ltmp0:
0x1b: {  	s0 =	sshrl.u32 s24, $0x3;
	[dreg:$0xe] =	wrdreg s21;
	(pc) =	sbr.rel .LBB2_1-.Ltmp0, $4  }
0x1c: {  	s18 =	sadd.s32 s26, s5;
	s24 =	simm.s32 $0x40;
	[dreg:$0x9] =	wrdreg s17  }
0x1d: {  	s26 =	simm.s32 $0x3D;
	s23 =	simm.s32 $0x5;
	[dreg:$0xa] =	wrdreg s8  }
0x1e: {  	s16 =	sadd.s32 s0, s5;
	s17 =	sadd.s32 s3, s5;
	s0 =	simm.s32 $0x6680  }
0x1f: {  	s3 =	simm.s32 $0x4;
	s5 =	simm.s32 $0x600;
	s8 =	simm.s32 $0x7D  }
.LBB2_4:
0x20: {  	[bflag:$0x0] =	sbarrier.arrive $0xFFFF  }
0x21: {  	s19 =	rddreg [dreg:$0x5]  }
0x22: {  	s2 =	rddreg [dreg:$0xb]  }
0x23: {  	s21 =	rddreg [dreg:$0xe]  }
0x24: {  	[hbm:s2], [sflag:s19] =	dma.local [spmem:s21], $0x2700  }
0x25: {  	_ =	swait.ge [sflag:s20], $0x2700  }
0x26: {  	[sflag:s20] =	ssyncset.done $0x0;
	s2 =	rddreg [dreg:$0xc]  }
0x27: {  	s6 =	rddreg [dreg:$0x10];
	[sflag:s20] =	ssyncadd.s32 $0xFFFFD900  }
0x28: {  	[hbm:s2], [sflag:s19] =	dma.local @!p0 [spmem:s6], $0x100  }
0x29: {  	s2 =	simm.s32 @!p0 $0x7  }
0x2a: {  	_ =	swait.ge @!p0 [sflag:s2], $0x100  }
0x2b: {  	s29 =	rddreg [dreg:$0xf]  }
0x2c: {  	s6 =	rddreg [dreg:$0xd];
	s29 =	sadd.s32 $0x1, s29  }
0x2d: {  	p1 =	sne.s32 s29, s6  }
.Ltmp1:
0x2e: {  	_ = 	snop;
	(pc) =	sbr.rel @!p1 .LBB2_5-.Ltmp1, $3  }
0x2f: {  	_ =	sdelay $0x1  }
0x30: {  	[sflag:s2] =	ssyncset.done @!p0 $0x0  }
0x31: {  	[sflag:s2] =	ssyncadd.s32 @!p0 $0xFFFFFF00  }
.LBB2_1:
0x32: {  	[dreg:$0xf] =	wrdreg s29  }
0x33: {  	s2 =	rddreg [dreg:$0x4]  }
0x34: {  	[spmem:s21], [sflag:s19] =	dma.local [hbm:s2], $0x2700  }
0x35: {  	_ =	swait.ge [sflag:s20], $0x2700  }
0x36: {  	s2 =	rddreg [dreg:$0x6]  }
0x37: {  	[sflag:s20] =	ssyncset.done $0x0;
	s6 =	sshrl.u32 @!p0 s2, $0x3;
	s2 =	rddreg [dreg:$0x7]  }
0x38: {  	[sflag:s20] =	ssyncadd.s32 $0xFFFFD900;
	[dreg:$0x10] =	wrdreg s6  }
0x39: {  	[spmem:s6], [sflag:s19] =	dma.local @!p0 [hbm:s2], $0x100  }
0x3a: {  	s6 =	simm.s32 @!p0 $0x7  }
0x3b: {  	_ =	swait.ge @!p0 [sflag:s6], $0x100  }
0x3c: {  	[sflag:s6] =	ssyncset.done @!p0 $0x0  }
0x3d: {  	s2 =	simm.s32 $0x0;
	s19 =	rddreg [dreg:$0x8];
	[sflag:s6] =	ssyncadd.s32 @!p0 $0xFFFFFF00  }
0x3e: {  	[tilespmem:s2], [sflag:$0x3] =	stream.linear.gather [hbm4b:s19+s2], $0x200, $0x38;
	[tilespmem:$0x1BD80] =	vst v63  }
0x3f: {  	s29 =	simm.s32 $0x200;
	s21 =	rddreg [dreg:$0x9]  }
0x40: {  	[tilespmem:s29], [sflag:$0x4] =	stream.linear.gather [hbm4b:s21+s2], $0x200, $0x38;
	[tilespmem:$0x1BD80] =	vst v63  }
0x41: {  	s19 =	simm.s32 $0x3;
	s21 =	rddreg [dreg:$0xa];
	s29 =	simm.s32 $0x400  }
0x42: {  	[tilespmem:s29], [sflag:$0x5] =	stream.linear.gather [hbm4b:s21+s2], $0x200, $0x38;
	[tilespmem:$0x1BD80] =	vst v63  }
0x43: {  	_ =	swait.ge [sflag:s19], $0x200  }
0x44: {  	[sflag:s19] =	ssyncset.done $0x0  }
0x45: {  	[sflag:s19] =	ssyncadd.s32 $0xFFFFFE00  }
0x46: {  	[tilespmem:s25], [sflag:$0x1] =	stream.indirect.gather [hbm4b:s4+s24], $0x80, s2, s24, $0xb8;
	[tilespmem:$0x1BD80] =	vst v63  }
0x47: {  	_ = 	snop  }
0x48: {  	[tilespmem:s28], [sflag:$0x1] =	stream.indirect.gather [hbm4b:s4+s26], $0x80, s24, s26, $0xb8;
	[tilespmem:$0x1BD80] =	vst v63  }
0x49: {  	s21 =	simm.s32 $0x100  }
0x4a: {  	[tilespmem:s30], [sflag:$0x2] =	stream.indirect.gather [hbm4b:s4+s24], $0x80, s21, s24, $0xb8;
	[tilespmem:$0x1BD80] =	vst v63  }
0x4b: {  	s29 =	simm.s32 $0x140  }
0x4c: {  	[tilespmem:s0], [sflag:$0x2] =	stream.indirect.gather [hbm4b:s4+s26], $0x80, s29, s26, $0xb8;
	[tilespmem:$0x1BD80] =	vst v63  }
0x4d: {  	s19 =	simm.s32 $0x0;
	[bflag:$0x0] =	sbarrier.arrive $0xFFFF  }
.LBB2_2:
0x4e: {  	_ =	swait.ge [sflag:s3], $0x200  }
0x4f: {  	[sflag:s3] =	ssyncset.done $0x0  }
0x50: {  	s6 =	sadd.s32 s19, s18;
	[sflag:s3] =	ssyncadd.s32 $0xFFFFFE00  }
0x51: {  	[tilespmem:s5], [sflag:$0x6] =	stream.linear.gather [hbm4b:s6+s31], $0x200, $0x38;
	[tilespmem:$0x1BD80] =	vst v63  }
0x52: {  	_ =	swait.ge [sflag:s7], $0x2000  }
0x53: {  	[sflag:s7] =	ssyncset.done $0x0  }
0x54: {  	[sflag:s7] =	ssyncadd.s32 $0xFFFFE000  }
0x55: {  	_ =	swait.ge [sflag:s7], $0x1E80  }
0x56: {  	[sflag:s7] =	ssyncset.done $0x0  }
0x57: {  	s2 =	simm.s32 $0x80;
	[sflag:s7] =	ssyncadd.s32 $0xFFFFE180  }
0x58: {  	[spmem:s1] =	stream.indirect.scatter.add.f32 [tilespmem:s25], [sflag:$0x7], $0x80, s2, s8, $0xb8;
	[tilespmem:$0x1BD80] =	vst v63  }
0x59: {  	_ =	swait.ge [sflag:s20], $0x3E80  }
0x5a: {  	[sflag:s20] =	ssyncset.done $0x0  }
0x5b: {  	s6 =	simm.s32 $0x200;
	[sflag:s20] =	ssyncadd.s32 $0xFFFFC180  }
0x5c: {  	[tilespmem:s25], [sflag:$0x1] =	stream.indirect.gather [hbm4b:s4+s24], $0x80, s6, s24, $0xb8;
	[tilespmem:$0x1BD80] =	vst v63  }
0x5d: {  	s21 =	simm.s32 $0x240  }
0x5e: {  	[tilespmem:s28], [sflag:$0x1] =	stream.indirect.gather [hbm4b:s4+s26], $0x80, s21, s26, $0xb8;
	[tilespmem:$0x1BD80] =	vst v63  }
0x5f: {  	_ =	swait.ge [sflag:s12], $0x2000  }
0x60: {  	[sflag:s12] =	ssyncset.done $0x0  }
0x61: {  	[sflag:s12] =	ssyncadd.s32 $0xFFFFE000  }
0x62: {  	_ =	swait.ge [sflag:s12], $0x1E80  }
0x63: {  	[sflag:s12] =	ssyncset.done $0x0  }
0x64: {  	s29 =	simm.s32 $0x180;
	[sflag:s12] =	ssyncadd.s32 $0xFFFFE180  }
0x65: {  	[spmem:s1] =	stream.indirect.scatter.add.f32 [tilespmem:s30], [sflag:$0x7], $0x80, s29, s8, $0xb8;
	[tilespmem:$0x1BD80] =	vst v63  }
0x66: {  	_ =	swait.ge [sflag:s20], $0x3E80  }
0x67: {  	[sflag:s20] =	ssyncset.done $0x0  }
0x68: {  	s6 =	simm.s32 $0x300;
	[sflag:s20] =	ssyncadd.s32 $0xFFFFC180  }
0x69: {  	[tilespmem:s30], [sflag:$0x2] =	stream.indirect.gather [hbm4b:s4+s24], $0x80, s6, s24, $0xb8;
	[tilespmem:$0x1BD80] =	vst v63  }
0x6a: {  	s21 =	simm.s32 $0x340  }
0x6b: {  	[tilespmem:s0], [sflag:$0x2] =	stream.indirect.gather [hbm4b:s4+s26], $0x80, s21, s26, $0xb8;
	[tilespmem:$0x1BD80] =	vst v63  }
0x6c: {  	_ =	swait.ge [sflag:s23], $0x200  }
0x6d: {  	p1 =	seq.s32 s19, $0x900;
	[sflag:s23] =	ssyncset.done $0x0  }
0x6e: {  	s2 =	sadd.s32 @!p1 s19, s17;
	s6 =	simm.s32 @!p1 $0x0;
	[sflag:s23] =	ssyncadd.s32 $0xFFFFFE00  }
0x6f: {  	[tilespmem:s6], [sflag:$0x3] =	stream.linear.gather @!p1 [hbm4b:s2+s6], $0x200, $0x38;
	[tilespmem:$0x1BD80] =	vst v63  }
0x70: {  	_ =	swait.ge [sflag:s7], $0x2000  }
0x71: {  	[sflag:s7] =	ssyncset.done $0x0  }
0x72: {  	[sflag:s7] =	ssyncadd.s32 $0xFFFFE000  }
0x73: {  	_ =	swait.ge [sflag:s7], $0x1E80  }
0x74: {  	[sflag:s7] =	ssyncset.done $0x0  }
0x75: {  	s29 =	simm.s32 $0x280;
	[sflag:s7] =	ssyncadd.s32 $0xFFFFE180  }
0x76: {  	[spmem:s1] =	stream.indirect.scatter.add.f32 [tilespmem:s25], [sflag:$0x7], $0x80, s29, s8, $0xb8;
	[tilespmem:$0x1BD80] =	vst v63  }
0x77: {  	_ =	swait.ge [sflag:s20], $0x3E80  }
0x78: {  	[sflag:s20] =	ssyncset.done $0x0  }
0x79: {  	s21 =	simm.s32 $0x400;
	[sflag:s20] =	ssyncadd.s32 $0xFFFFC180  }
0x7a: {  	[tilespmem:s25], [sflag:$0x1] =	stream.indirect.gather [hbm4b:s4+s24], $0x80, s21, s24, $0xb8;
	[tilespmem:$0x1BD80] =	vst v63  }
0x7b: {  	s29 =	simm.s32 $0x440  }
0x7c: {  	[tilespmem:s28], [sflag:$0x1] =	stream.indirect.gather [hbm4b:s4+s26], $0x80, s29, s26, $0xb8;
	[tilespmem:$0x1BD80] =	vst v63  }
0x7d: {  	_ =	swait.ge [sflag:s12], $0x2000  }
0x7e: {  	[sflag:s12] =	ssyncset.done $0x0  }
0x7f: {  	[sflag:s12] =	ssyncadd.s32 $0xFFFFE000  }
0x80: {  	_ =	swait.ge [sflag:s12], $0x1E80  }
0x81: {  	[sflag:s12] =	ssyncset.done $0x0  }
0x82: {  	s21 =	simm.s32 $0x380;
	[sflag:s12] =	ssyncadd.s32 $0xFFFFE180  }
0x83: {  	[spmem:s1] =	stream.indirect.scatter.add.f32 [tilespmem:s30], [sflag:$0x7], $0x80, s21, s8, $0xb8;
	[tilespmem:$0x1BD80] =	vst v63  }
0x84: {  	_ =	swait.ge [sflag:s20], $0x3E80  }
0x85: {  	[sflag:s20] =	ssyncset.done $0x0  }
0x86: {  	s29 =	simm.s32 $0x500;
	[sflag:s20] =	ssyncadd.s32 $0xFFFFC180  }
0x87: {  	[tilespmem:s30], [sflag:$0x2] =	stream.indirect.gather [hbm4b:s4+s24], $0x80, s29, s24, $0xb8;
	[tilespmem:$0x1BD80] =	vst v63  }
0x88: {  	s21 =	simm.s32 $0x540  }
0x89: {  	[tilespmem:s0], [sflag:$0x2] =	stream.indirect.gather [hbm4b:s4+s26], $0x80, s21, s26, $0xb8;
	[tilespmem:$0x1BD80] =	vst v63  }
0x8a: {  	_ =	swait.ge [sflag:s22], $0x200  }
0x8b: {  	[sflag:s22] =	ssyncset.done $0x0  }
0x8c: {  	s2 =	sadd.s32 @!p1 s19, s16;
	s29 =	simm.s32 @!p1 $0x200;
	[sflag:s22] =	ssyncadd.s32 $0xFFFFFE00  }
0x8d: {  	[tilespmem:s29], [sflag:$0x4] =	stream.linear.gather @!p1 [hbm4b:s2+s6], $0x200, $0x38;
	[tilespmem:$0x1BD80] =	vst v63  }
0x8e: {  	_ =	swait.ge [sflag:s7], $0x2000  }
0x8f: {  	[sflag:s7] =	ssyncset.done $0x0  }
0x90: {  	[sflag:s7] =	ssyncadd.s32 $0xFFFFE000  }
0x91: {  	_ =	swait.ge [sflag:s7], $0x1E80  }
0x92: {  	[sflag:s7] =	ssyncset.done $0x0  }
0x93: {  	s29 =	simm.s32 $0x480;
	[sflag:s7] =	ssyncadd.s32 $0xFFFFE180  }
0x94: {  	[spmem:s1] =	stream.indirect.scatter.add.f32 [tilespmem:s25], [sflag:$0x7], $0x80, s29, s8, $0xb8;
	[tilespmem:$0x1BD80] =	vst v63  }
0x95: {  	_ =	swait.ge [sflag:s20], $0x3E80  }
0x96: {  	[sflag:s20] =	ssyncset.done $0x0  }
0x97: {  	[sflag:s20] =	ssyncadd.s32 $0xFFFFC180  }
0x98: {  	[tilespmem:s25], [sflag:$0x1] =	stream.indirect.gather [hbm4b:s4+s24], $0x80, s5, s24, $0xb8;
	[tilespmem:$0x1BD80] =	vst v63  }
0x99: {  	_ = 	snop  }
0x9a: {  	[tilespmem:s28], [sflag:$0x1] =	stream.indirect.gather [hbm4b:s4+s26], $0x80, s10, s26, $0xb8;
	[tilespmem:$0x1BD80] =	vst v63  }
0x9b: {  	_ =	swait.ge [sflag:s12], $0x2000  }
0x9c: {  	[sflag:s12] =	ssyncset.done $0x0  }
0x9d: {  	[sflag:s12] =	ssyncadd.s32 $0xFFFFE000  }
0x9e: {  	_ =	swait.ge [sflag:s12], $0x1E80  }
0x9f: {  	[sflag:s12] =	ssyncset.done $0x0  }
0xa0: {  	[sflag:s12] =	ssyncadd.s32 $0xFFFFE180  }
0xa1: {  	[spmem:s1] =	stream.indirect.scatter.add.f32 [tilespmem:s30], [sflag:$0x7], $0x80, s11, s8, $0xb8;
	[tilespmem:$0x1BD80] =	vst v63  }
0xa2: {  	_ =	swait.ge [sflag:s20], $0x3E80  }
0xa3: {  	[sflag:s20] =	ssyncset.done $0x0  }
0xa4: {  	[sflag:s20] =	ssyncadd.s32 $0xFFFFC180  }
0xa5: {  	[tilespmem:s30], [sflag:$0x2] =	stream.indirect.gather [hbm4b:s4+s24], $0x80, s13, s24, $0xb8;
	[tilespmem:$0x1BD80] =	vst v63  }
0xa6: {  	s2 =	simm.s32 @p1 $0x1  }
0xa7: {  	[tilespmem:s0], [sflag:$0x2] =	stream.indirect.gather [hbm4b:s4+s26], $0x80, s14, s26, $0xb8;
	[tilespmem:$0x1BD80] =	vst v63  }
0xa8: {  	_ =	swait.ge @p1 [sflag:s2], $0x2000  }
0xa9: {  	[sflag:s2] =	ssyncset.done @p1 $0x0  }
0xaa: {  	[sflag:s2] =	ssyncadd.s32 @p1 $0xFFFFE000  }
0xab: {  	_ =	swait.ge @p1 [sflag:s2], $0x1E80  }
0xac: {  	s21 =	simm.s32 @p1 $0x800;
	[sflag:s2] =	ssyncset.done @p1 $0x0  }
0xad: {  	s29 =	simm.s32 @p1 $0x680;
	[sflag:s2] =	ssyncadd.s32 @p1 $0xFFFFE180;
	s2 =	simm.s32 @p1 $0x7D  }
0xae: {  	[spmem:s1] =	stream.indirect.scatter.add.f32 @p1 [tilespmem:s21], [sflag:$0x7], $0x80, s29, s2, $0xb8;
	[tilespmem:$0x1BD80] =	vst v63  }
0xaf: {  	s2 =	simm.s32 @p1 $0x7  }
0xb0: {  	_ =	swait.ge @p1 [sflag:s2], $0x3E80  }
0xb1: {  	[sflag:s2] =	ssyncset.done @p1 $0x0  }
0xb2: {  	[sflag:s2] =	ssyncadd.s32 @p1 $0xFFFFC180;
	s2 =	simm.s32 @!p1 $0x3  }
0xb3: {  	_ =	swait.ge @!p1 [sflag:s2], $0x200  }
0xb4: {  	[sflag:s2] =	ssyncset.done @!p1 $0x0  }
0xb5: {  	s21 =	simm.s32 @!p1 $0x400;
	[sflag:s2] =	ssyncadd.s32 @!p1 $0xFFFFFE00;
	s2 =	sadd.s32 @!p1 s19, s15  }
0xb6: {  	[tilespmem:s21], [sflag:$0x5] =	stream.linear.gather @!p1 [hbm4b:s2+s6], $0x200, $0x38;
	[tilespmem:$0x1BD80] =	vst v63  }
0xb7: {  	s2 =	simm.s32 @!p1 $0x1  }
0xb8: {  	_ =	swait.ge @!p1 [sflag:s2], $0x2000  }
0xb9: {  	[sflag:s2] =	ssyncset.done @!p1 $0x0  }
0xba: {  	[sflag:s2] =	ssyncadd.s32 @!p1 $0xFFFFE000  }
0xbb: {  	_ =	swait.ge @!p1 [sflag:s2], $0x1E80  }
0xbc: {  	s29 =	simm.s32 @!p1 $0x800;
	[sflag:s2] =	ssyncset.done @!p1 $0x0  }
0xbd: {  	s21 =	simm.s32 @!p1 $0x680;
	[sflag:s2] =	ssyncadd.s32 @!p1 $0xFFFFE180;
	s2 =	simm.s32 @!p1 $0x7D  }
0xbe: {  	[spmem:s1] =	stream.indirect.scatter.add.f32 @!p1 [tilespmem:s29], [sflag:$0x7], $0x80, s21, s2, $0xb8;
	[tilespmem:$0x1BD80] =	vst v63  }
0xbf: {  	s2 =	simm.s32 @!p1 $0x7  }
0xc0: {  	_ =	swait.ge @!p1 [sflag:s2], $0x3E80  }
0xc1: {  	[sflag:s2] =	ssyncset.done @!p1 $0x0  }
0xc2: {  	[sflag:s2] =	ssyncadd.s32 @!p1 $0xFFFFC180;
	s2 =	simm.s32 @!p1 $0x40  }
0xc3: {  	[tilespmem:s29], [sflag:$0x1] =	stream.indirect.gather @!p1 [hbm4b:s4+s2], $0x80, s6, s2, $0xb8;
	[tilespmem:$0x1BD80] =	vst v63  }
0xc4: {  	s21 =	simm.s32 @!p1 $0x2800;
	s6 =	simm.s32 @!p1 $0x3D  }
0xc5: {  	[tilespmem:s21], [sflag:$0x1] =	stream.indirect.gather @!p1 [hbm4b:s4+s6], $0x80, s2, s6, $0xb8;
	[tilespmem:$0x1BD80] =	vst v63  }
0xc6: {  	_ =	swait.ge [sflag:s12], $0x2000  }
0xc7: {  	[sflag:s12] =	ssyncset.done $0x0  }
0xc8: {  	[sflag:s12] =	ssyncadd.s32 $0xFFFFE000  }
0xc9: {  	_ =	swait.ge [sflag:s12], $0x1E80  }
0xca: {  	[sflag:s12] =	ssyncset.done $0x0  }
.Ltmp2:
0xcb: {  	[sflag:s12] =	ssyncadd.s32 $0xFFFFE180;
	(pc) =	sbr.rel @p1 .LBB2_4-.Ltmp2, $4  }
0xcc: {  	[spmem:s1] =	stream.indirect.scatter.add.f32 [tilespmem:s30], [sflag:$0x7], $0x80, s9, s8, $0xb8;
	[tilespmem:$0x1BD80] =	vst v63  }
0xcd: {  	_ =	swait.ge [sflag:s20], $0x3E80  }
0xce: {  	[sflag:s20] =	ssyncset.done $0x0  }
0xcf: {  	[sflag:s20] =	ssyncadd.s32 $0xFFFFC180  }
.Ltmp3:
0xd0: {  	(pc) =	sbr.rel .LBB2_2-.Ltmp3, $4  }
0xd1: {  	s2 =	simm.s32 $0x100  }
0xd2: {  	[tilespmem:s30], [sflag:$0x2] =	stream.indirect.gather [hbm4b:s4+s24], $0x80, s2, s24, $0xb8;
	[tilespmem:$0x1BD80] =	vst v63  }
0xd3: {  	s29 =	simm.s32 $0x140;
	s19 =	sadd.s32 $0x100, s19  }
0xd4: {  	[tilespmem:s0], [sflag:$0x2] =	stream.indirect.gather [hbm4b:s4+s26], $0x80, s29, s26, $0xb8;
	[tilespmem:$0x1BD80] =	vst v63  }
.LBB2_5:
0xd5: {  	_ =	sfence.sel $0x180000  }
0xd6: {  	[bflag:$0x0] =	sbarrier.arrive $0xFFFF  }
0xd7: {  	_ =	strace $0x9000004D  }
0xd8: {  	s0 =	stileid.u32;
	[bflag:$0x2] =	sbarrier.arrive $0xFFFF  }
0xd9: {  	p0 =	sne.s32 s0, $0x0;
	s0 =	rddreg [dreg:$0x3]  }
0xda: {  	s0 =	sadd.s32 @!p0 $0x100000, s0  }
0xdb: {  	[sflag:s0] =	ssyncadd.tile.s32 @!p0 $0x1;
	_ =	shalt  }
.Lfunc_end2:
_tile_overlayer_lowered:
.L_overlay_start_2:
0xdc: {  	(tag) =	ssettag $0x2  }
0xdd: {  	s0 =	rddreg [dreg:$0x0];
	s2 =	stileid.u32  }
0xde: {  	s1 =	rddreg [dreg:$0x1];
	p0 =	sne.s32 s2, $0x0  }
0xdf: {  	s3 =	rddreg [dreg:$0x2];
	[bflag:$0x3] =	sbarrier.arrive $0xFFFF;
	s2 =	simm.s32 @!p0 $0x1C07  }
0xe0: {  	[timem:s3], [sflag:s2] =	dma.local @!p0 [hbm:s0], s1  }
0xe1: {  	s0 =	simm.s32 @!p0 $0x7  }
0xe2: {  	_ =	swait.ge @!p0 [sflag:s0], s1  }
0xe3: {  	s1 =	ssub.s32 @!p0 $0x0, s1;
	[sflag:s0] =	ssyncset.done @!p0 $0x0  }
0xe4: {  	[sflag:s0] =	ssyncadd.s32 @!p0 s1  }
0xe5: {  	[bflag:$0x3] =	sbarrier.arrive $0xFFFF  }
0xe6: {  	_ =	shalt  }

// kernel: kernel.8.cloned.1.call-start
scs
__scs_entry_jumppad:
0x0: {  	(pc) =	sbr.rel $0x88, $3  }
0x1: {  	(tag) =	ssettag $0x0;
	lr =	simm.s32 $0x1  }
0x2: {  	[smem:$0x3F8E] =	sst lr;
	_ =	strace $0xD0000000  }
0x3: {  	_ = 	snop  }
0x4: {  	_ = 	snop  }
0x5: {  	_ = 	snop  }
0x6: {  	_ = 	snop  }
0x7: {  	_ = 	snop  }
__scs_overlays_trampoline_lowered:
0x8: {  	[smem:$0x3F9D] =	sst s0  }
0x9: {  	[smem:$0x3F9E] =	sst s1  }
0xa: {  	[smem:$0x3F9F] =	sst s2  }
0xb: {  	[smem:$0x3FA0] =	sst s3  }
0xc: {  	[smem:$0x3FA1] =	sst s4  }
0xd: {  	[smem:$0x3FA2] =	sst s5  }
0xe: {  	[smem:$0x3FA3] =	sst s6  }
0xf: {  	[smem:$0x3FA4] =	sst s7  }
0x10: {  	[smem:$0x3FA5] =	sst s8  }
0x11: {  	[smem:$0x3FA6] =	sst s9;
	s0 =	simm.s32 @!p0 $0x0  }
0x12: {  	s1 =	sld [smem:$0x3F8C];
	s0 =	simm.s32 @p0 $0x1  }
0x13: {  	[smem:$0x3FA7] =	sst s0;
	s0 =	simm.s32 @!p1 $0x0  }
0x14: {  	s2 =	sld [smem:$0x3F8B];
	s0 =	simm.s32 @p1 $0x1  }
0x15: {  	[smem:$0x3FA8] =	sst s0;
	s0 =	simm.s32 @!p2 $0x0  }
0x16: {  	s3 =	sld [smem:$0x3FDB];
	s0 =	simm.s32 @p2 $0x1  }
0x17: {  	s4 =	simm.s32 $0x1BF5;
	[smem:$0x3FAA] =	sst s0  }
0x18: {  	s0 =	sld [smem:$0x3F8D];
	_ =	swait.ge [sflag:s4], $0x0  }
0x19: {  	s7 =	sld [smem:$0x3F8E]  }
0x1a: {  	s8 =	sadd.s32 $0xFFFFE003, lr  }
0x1b: {  	s9 =	sadd.s32 $0xFFFFFEF7, lr;
	s5 =	simm.s32 $0xFFFFFFFF;
	p2 =	slt.u32 s8, $0xFFFFF086  }
0x1c: {  	p1 =	slt.u32 s9, $0xF7A;
	s5 =	simm.s32 @!p2 $0x0  }
0x1d: {  	s5 =	simm.s32 @p1 $0x1;
	p0 =	seq.s32 s7, s2  }
0x1e: {  	s7 =	smul.u32 @!p0 $0xF7A, s2;
	p2 =	seq.s32 @!p0 s5, $0x0  }
0x1f: {  	s9 =	smul.u32 $0xF7A, s1;
	s8 =	simm.s32 @!p0 $0x1BF5;
	p2 =	por !p2, p0  }
0x20: {  	[sflag:s8] =	ssyncset.s32 @!p0 $0xFFFFF086;
	s6 =	sadd.s32 @!p0 s3, s7;
	s7 =	simm.s32 @!p0 $0x108  }
0x21: {  	s3 =	sadd.s32 s3, s9;
	s6 =	sadd.s32 @!p0 $0x88, s6;
	s7 =	simm.s32 @p2 $0x1082  }
0x22: {  	[simem:s7], [sflag:s8] =	dma.local @!p0 [hbm:s6], $0xF7A  }
0x23: {  	s9 =	sor.u32 $0xD0000000, s2;
	s6 =	simm.s32 $0x108;
	_ =	swait.ge @!p0 [sflag:s8], $0x0  }
0x24: {  	s3 =	sadd.s32 $0x88, s3;
	s6 =	simm.s32 @!p1 $0x1082;
	[sflag:s4] =	ssyncset.s32 $0xFFFFF086  }
0x25: {  	[simem:s6], [sflag:s4] =	dma.local [hbm:s3], $0xF7A  }
0x26: {  	[smem:$0x3F8E] =	sst s1;
	(tag) =	ssettag s2;
	_ =	strace s9  }
0x27: {  	s1 =	sld [smem:$0x3F9E]  }
0x28: {  	s2 =	sld [smem:$0x3F9F]  }
0x29: {  	s4 =	sld [smem:$0x3FA1]  }
0x2a: {  	p0 =	seq.s32 s5, $0x0;
	s5 =	sld [smem:$0x3FA2]  }
0x2b: {  	s6 =	sld [smem:$0x3FA3]  }
0x2c: {  	s7 =	sld [smem:$0x3FA4]  }
0x2d: {  	s3 =	simm.s32 $0x108;
	s8 =	sld [smem:$0x3FA5]  }
0x2e: {  	s3 =	simm.s32 @!p0 $0x1082;
	s9 =	sld [smem:$0x3FA6]  }
0x2f: {  	lr =	sadd.s32 s0, s3;
	s0 =	sld [smem:$0x3F9D]  }
0x30: {  	s3 =	sld [smem:$0x3FA0]  }
0x31: {  	[smem:$0x3FA9] =	sst s10  }
0x32: {  	s10 =	sld [smem:$0x3FA7];
	_ =	sdelay $0x3  }
0x33: {  	p0 =	seq.s32 s10, $0x1;
	s10 =	sld [smem:$0x3FA9];
	_ =	sdelay $0x3  }
0x34: {  	[smem:$0x3FA9] =	sst s10  }
0x35: {  	s10 =	sld [smem:$0x3FA8];
	_ =	sdelay $0x3  }
0x36: {  	p1 =	seq.s32 s10, $0x1;
	s10 =	sld [smem:$0x3FA9];
	_ =	sdelay $0x3  }
0x37: {  	[smem:$0x3FA9] =	sst s10  }
0x38: {  	s10 =	sld [smem:$0x3FAA]  }
0x39: {  	_ = 	snop;
	(pc) =	sbr.ind lr, $3  }
0x3a: {  	_ = 	snop  }
0x3b: {  	_ = 	snop  }
0x3c: {  	p2 =	seq.s32 s10, $0x1;
	s10 =	sld [smem:$0x3FA9]  }
0x3d: {  	_ =	shalt  }
0x3e: {  	_ =	shalt  }
0x3f: {  	_ =	shalt  }
0x40: {  	_ =	shalt  }
0x41: {  	_ =	shalt  }
0x42: {  	_ =	shalt  }
0x43: {  	_ =	shalt  }
0x44: {  	_ =	shalt  }
0x45: {  	_ =	shalt  }
0x46: {  	_ =	shalt  }
0x47: {  	_ =	shalt  }
0x48: {  	_ =	shalt  }
0x49: {  	_ =	shalt  }
0x4a: {  	_ =	shalt  }
0x4b: {  	_ =	shalt  }
0x4c: {  	_ =	shalt  }
0x4d: {  	_ =	shalt  }
0x4e: {  	_ =	shalt  }
0x4f: {  	_ =	shalt  }
0x50: {  	_ =	shalt  }
0x51: {  	_ =	shalt  }
0x52: {  	_ =	shalt  }
0x53: {  	_ =	shalt  }
0x54: {  	_ =	shalt  }
0x55: {  	_ =	shalt  }
0x56: {  	_ =	shalt  }
0x57: {  	_ =	shalt  }
0x58: {  	_ =	shalt  }
0x59: {  	_ =	shalt  }
0x5a: {  	_ =	shalt  }
0x5b: {  	_ =	shalt  }
0x5c: {  	_ =	shalt  }
0x5d: {  	_ =	shalt  }
0x5e: {  	_ =	shalt  }
0x5f: {  	_ =	shalt  }
0x60: {  	_ =	shalt  }
0x61: {  	_ =	shalt  }
0x62: {  	_ =	shalt  }
0x63: {  	_ =	shalt  }
0x64: {  	_ =	shalt  }
0x65: {  	_ =	shalt  }
0x66: {  	_ =	shalt  }
0x67: {  	_ =	shalt  }
0x68: {  	_ =	shalt  }
0x69: {  	_ =	shalt  }
0x6a: {  	_ =	shalt  }
0x6b: {  	_ =	shalt  }
0x6c: {  	_ =	shalt  }
0x6d: {  	_ =	shalt  }
0x6e: {  	_ =	shalt  }
0x6f: {  	_ =	shalt  }
0x70: {  	_ =	shalt  }
0x71: {  	_ =	shalt  }
0x72: {  	_ =	shalt  }
0x73: {  	_ =	shalt  }
0x74: {  	_ =	shalt  }
0x75: {  	_ =	shalt  }
0x76: {  	_ =	shalt  }
0x77: {  	_ =	shalt  }
0x78: {  	_ =	shalt  }
0x79: {  	_ =	shalt  }
0x7a: {  	_ =	shalt  }
0x7b: {  	_ =	shalt  }
0x7c: {  	_ =	shalt  }
0x7d: {  	_ =	shalt  }
0x7e: {  	_ =	shalt  }
0x7f: {  	_ =	shalt  }
0x80: {  	_ =	shalt  }
0x81: {  	_ =	shalt  }
0x82: {  	_ =	shalt  }
0x83: {  	_ =	shalt  }
0x84: {  	_ =	shalt  }
0x85: {  	_ =	shalt  }
0x86: {  	_ =	shalt  }
0x87: {  	_ =	shalt  }
.Lfunc_end0:
.L_simem_size_0:
called_computation_lowered:
.L_overlay_start_0:
0x88: {  	s2 =	sld [smem:$0x3FD9]  }
0x89: {  	s3 =	sld [smem:$0x3FFE];
	_ =	sdelay $0x1  }
0x8a: {  	s1 =	srdreg.scid  }
0x8b: {  	s0 =	sand.u32 $0x1, s1  }
0x8c: {  	s17 =	sshll.u32 s0, $0xA;
	s2 =	sadd.s32 s3, s2  }
0x8d: {  	s2 =	sadd.s32 s2, s17  }
0x8e: {  	[smem:$0x3FB5] =	sst s2  }
0x8f: {  	_ = 	snop  }
0x90: {  	s2 =	sld [smem:$0x3FC9]  }
0x91: {  	s18 =	sld [smem:$0x3FD0];
	(tm) =	ssettm $0x1  }
0x92: {  	s4 =	sld [smem:$0x3FFB];
	_ =	sdelay $0x3  }
0x93: {  	_ =	strace s4  }
0x94: {  	s4 =	sld [smem:$0x3FFC];
	_ =	sdelay $0x3  }
0x95: {  	_ =	strace s4  }
0x96: {  	s4 =	sld [smem:$0x3FFD];
	_ =	sdelay $0x3  }
0x97: {  	_ =	strace s4  }
0x98: {  	_ =	strace $0x8FFFFFFF  }
0x99: {  	s19 =	sld [smem:$0x3FDB];
	_ =	sdelay $0x1  }
0x9a: {  	s5 =	simm.s32 $_scs_section_size  }
0x9b: {  	s6 =	simm.s32 $_size__tile_overlayer_lowered;
	s7 =	simm.s32 $_tile_overlayer_lowered  }
0x9c: {  	s22 =	simm.s32 $0x1BFF;
	s21 =	sshll.u32 s7, $0x1;
	s4 =	sadd.s32 s5, s19  }
0x9d: {  	s8 =	simm.s32 $0x0;
	s20 =	sshll.u32 s6, $0x1;
	s6 =	sadd.s32 s21, s4  }
0x9e: {  	[timem:s8], [sflag:s22] =	dma.local [hbm:s6], s20  }
0x9f: {  	_ =	swait.ge [sflag:s22], s20  }
0xa0: {  	s5 =	ssub.s32 $0x0, s20;
	[sflag:s22] =	ssyncset.done $0x0  }
0xa1: {  	[sflag:s22] =	ssyncadd.s32 s5;
	_ =	sdelay $0x1  }
0xa2: {  	s23 =	simm.s32 $0x1B8B  }
0xa3: {  	_ =	swait.ge [sflag:s23], $0x1  }
0xa4: {  	[sflag:s23] =	ssyncset.done $0x0  }
0xa5: {  	s25 =	simm.s32 $0x1B8E;
	s24 =	sld [smem:$0x3FFE];
	[sflag:s23] =	ssyncadd.s32 $0xFFFFFFFF  }
0xa6: {  	s26 =	simm.s32 $execute0_lowered;
	[smem:$0x3FD2] =	sst s25  }
0xa7: {  	s6 =	sshll.u32 s26, $0x1;
	_ =	strace $0x80000046;
	[dreg:$0x1] =	wrdreg $0xFFFFFFFF  }
0xa8: {  	s28 =	simm.s32 $_size_execute0_lowered;
	s4 =	sadd.s32 s4, s6;
	[dreg:$0x0] =	wrdreg $0x0  }
0xa9: {  	s6 =	sshll.u32 s28, $0x1;
	[dreg:$0x2] =	wrdreg s4  }
0xaa: {  	[dreg:$0x3] =	wrdreg s6  }
0xab: {  	[dreg:$0x4] =	wrdreg $0xC0  }
0xac: {  	_ =	task [dreg:s8], $0x5FFFF  }
0xad: {  	[dreg:$0x1] =	wrdreg $0xFFFFFFFF  }
0xae: {  	[dreg:$0x0] =	wrdreg $0x60  }
0xaf: {  	[dreg:$0x2] =	wrdreg s2  }
0xb0: {  	[dreg:$0x3] =	wrdreg s24  }
0xb1: {  	[dreg:$0x4] =	wrdreg s18  }
0xb2: {  	[dreg:$0x5] =	wrdreg $0x8CD00  }
0xb3: {  	[dreg:$0x6] =	wrdreg $0x1C5500  }
0xb4: {  	[dreg:$0x7] =	wrdreg $0x9  }
0xb5: {  	_ =	task.clear_ibuf [dreg:s8], $0x8FFFF;
	_ =	strace $0x90000046  }
0xb6: {  	s29 =	simm.s32 $0x9;
	_ =	strace $0x80000048  }
0xb7: {  	_ =	swait.ge [sflag:s29], $0x1  }
0xb8: {  	[sflag:s29] =	ssyncadd.s32 $0xFFFFFFFF  }
0xb9: {  	_ =	strace $0x90000048  }
0xba: {  	_ =	sfence  }
0xbb: {  	s30 =	sld [smem:$0x0];
	_ =	sdelay $0x2  }
0xbc: {  	s31 =	sshll.u32 s1, $0xD;
	s1 =	sshrl.u32 s1, $0x2  }
0xbd: {  	s3 =	sand.u32 $0x4000, s31;
	s1 =	sadd.s32 s1, s30  }
0xbe: {  	s0 =	sor.u32 s3, s0;
	s1 =	sshll.u32 s1, $0x11  }
0xbf: {  	s0 =	sor.u32 s1, s0  }
0xc0: {  	s0 =	sadd.s32 $0x8F2B, s0  }
0xc1: {  	[sflag:s0] =	ssyncadd.remote.s32 $0x1  }
0xc2: {  	_ =	sfence.sel $0xFFFF  }
0xc3: {  	[dreg:$0x0] =	wrdreg $0xFFFFFFFF;
	(pc) =	sbr.abs _section_cstart, $3  }
0xc4: {  	[dreg:$0x1] =	wrdreg $0xFFFFFFFF  }
0xc5: {  	_ =	task.clear_ibuf [dreg:s8], $0x2FFFF;
	_ =	strace $0x9FFFFFFF  }
0xc6: {  	(tm) =	ssettm $0x7FFFFFFF  }
0xc7: {  	_ =	shalt  }
tec
execute0_lowered:
.L_overlay_start_1:
0x0: {  	(tag) =	ssettag $0x1  }
0x1: {  	s1 =	rddreg [dreg:$0x0]  }
0x2: {  	s0 =	rddreg [dreg:$0x1]  }
0x3: {  	s2 =	rddreg [dreg:$0x2]  }
0x4: {  	s3 =	rddreg [dreg:$0x3]  }
0x5: {  	s4 =	rddreg [dreg:$0x4];
	s15 =	stileid.u32;
	s6 =	simm.s32 $0x0  }
0x6: {  	s7 =	srdreg.scid;
	s28 =	simm.s32 $0x7;
	s31 =	simm.s32 $0x680  }
0x7: {  	s29 =	simm.s32 $0x780;
	s30 =	simm.s32 $0x0;
	s5 =	smul.u32 $0x2700, s15  }
0x8: {  	[smem:$0x7FF] =	sst s6;
	s8 =	sadd.s32 $0x4800, s0;
	s7 =	sand.u32 $0x1, s7  }
0x9: {  	s9 =	sadd.s32 $0x27600, s0;
	s11 =	smul.u32 $0x13800, s15;
	s12 =	sadd.s32 $0x1D800, s0  }
0xa: {  	s17 =	sshll.u32 s15, $0x6;
	s20 =	sadd.s32 $0x138000, s3;
	s22 =	sadd.s32 $0x27000, s4  }
0xb: {  	p0 =	sne.s32 s15, $0xF;
	_ =	strace $0x80000047;
	s10 =	ssub.s32 $0x2, s7  }
0xc: {  	s14 =	sshll.u32 s7, $0x4;
	[dreg:$0xb] =	wrdreg s20;
	s21 =	smul.u32 $0x138800, s7  }
0xd: {  	s19 =	sor.u32 $0x1C07, s17;
	[dreg:$0xd] =	wrdreg s22;
	s23 =	smul.u32 $0x27100, s7  }
0xe: {  	s7 =	smul.u32 $0x50000, s7;
	s24 =	sshrl.u32 s5, $0x3;
	s13 =	sshrl.u32 s10, $0x1  }
0xf: {  	s25 =	sor.u32 s15, s14;
	s26 =	sshrl.u32 s11, $0x3;
	s16 =	sadd.s32 s11, s3  }
0x10: {  	s18 =	sadd.s32 s5, s4;
	[dreg:$0x8] =	wrdreg s19;
	s6 =	sadd.s32 s24, s0  }
0x11: {  	s10 =	ssub.s32 s10, s13;
	[dreg:$0x6] =	wrdreg s16;
	s14 =	sadd.s32 s2, s26  }
0x12: {  	[dreg:$0x9] =	wrdreg s18;
	s13 =	smul.u32 $0x5000, s25;
	s2 =	sadd.s32 $0x27000, s2  }
0x13: {  	s0 =	sadd.s32 $0x1D600, s0;
	s11 =	sadd.s32 s11, s21;
	s5 =	sadd.s32 s5, s23  }
0x14: {  	s25 =	smul.u32 $0x5000, s15;
	s17 =	sshrl.u32 s21, $0x3;
	[dreg:$0x7] =	wrdreg s14  }
0x15: {  	s15 =	simm.s32 $0x80;
	s6 =	sadd.s32 $0x18800, s6;
	[dreg:$0xc] =	wrdreg s2  }
0x16: {  	[dreg:$0xe] =	wrdreg s0;
	s26 =	sshrl.u32 s11, $0x3;
	s5 =	sshrl.u32 s5, $0x3  }
0x17: {  	s2 =	sshrl.u32 s23, $0x3;
	[dreg:$0xa] =	wrdreg s6;
	s24 =	sshrl.u32 s13, $0x3  }
0x18: {  	s0 =	sadd.s32 s9, s26;
	s11 =	sadd.s32 s12, s5;
	s16 =	sadd.s32 s25, s7  }
0x19: {  	s5 =	sadd.s32 s9, s17;
	s2 =	sadd.s32 s12, s2;
	s25 =	smax.u32 s10, $0x1  }
0x1a: {  	s10 =	simm.s32 $0x4680;
	s12 =	simm.s32 $0x6680;
	s13 =	simm.s32 $0x4  }
0x1b: {  	s17 =	simm.s32 $0x7D;
	s9 =	simm.s32 $0x580;
	[dreg:$0x10] =	wrdreg s0  }
0x1c: {  	s14 =	sadd.s32 s8, s24;
	[dreg:$0x11] =	wrdreg s11;
	s18 =	sor.u32 $0xC00, s16  }
0x1d: {  	s20 =	sor.u32 $0xA00, s16;
	s7 =	sor.u32 $0x800, s16;
	s0 =	sor.u32 $0x600, s16  }
0x1e: {  	s23 =	sadd.s32 $0x27000, s5;
	s24 =	sadd.s32 $0x4E00, s2;
	[dreg:$0x18] =	wrdreg s25  }
0x1f: {  	s2 =	simm.s32 $0x800;
	s16 =	simm.s32 $0x1;
	s25 =	simm.s32 $0x180  }
0x20: {  	s5 =	simm.s32 $0x280;
	s11 =	simm.s32 $0x380;
	[dreg:$0x16] =	wrdreg s23  }
0x21: {  	s6 =	sshrl.u32 s18, $0x3;
	s7 =	sshrl.u32 s7, $0x3;
	[dreg:$0x17] =	wrdreg s24  }
0x22: {  	s0 =	sshrl.u32 s0, $0x3;
	s22 =	sadd.s32 $0x40, s14;
	[dreg:$0xf] =	wrdreg s14  }
0x23: {  	s26 =	sadd.s32 $0x80, s14;
	s14 =	simm.s32 $0x600;
	s24 =	simm.s32 $0x2  }
0x24: {  	s23 =	simm.s32 $0x6;
	s6 =	sadd.s32 s6, s8;
	[dreg:$0x15] =	wrdreg s22  }
.Ltmp0:
0x25: {  	s21 =	sadd.s32 s7, s8;
	[dreg:$0x19] =	wrdreg s26;
	(pc) =	sbr.rel .LBB2_1-.Ltmp0, $4  }
0x26: {  	s7 =	simm.s32 $0x2800;
	s22 =	simm.s32 $0x8500;
	[dreg:$0x12] =	wrdreg s6  }
0x27: {  	s26 =	simm.s32 $0x480;
	s6 =	sshrl.u32 s20, $0x3;
	[dreg:$0x14] =	wrdreg s21  }
0x28: {  	s21 =	sadd.s32 s0, s8;
	s0 =	simm.s32 $0x40;
	s6 =	sadd.s32 s6, s8  }
0x29: {  	v0 =	vimm.f32 $1.000000000e+00;
	s8 =	simm.s32 $0x5;
	[dreg:$0x13] =	wrdreg s6;
	s6 =	simm.s32 $0x3D  }
.LBB2_6:
0x2a: {  	[bflag:$0x0] =	sbarrier.arrive $0xFFFF  }
0x2b: {  	s19 =	rddreg [dreg:$0x8]  }
0x2c: {  	s18 =	rddreg [dreg:$0x10]  }
0x2d: {  	s20 =	rddreg [dreg:$0x1b]  }
0x2e: {  	[hbm:s18], [sflag:s19] =	dma.local [spmem:s20], $0x2700  }
0x2f: {  	_ =	swait.ge [sflag:s28], $0x2700  }
0x30: {  	[sflag:s28] =	ssyncset.done $0x0;
	s18 =	rddreg [dreg:$0x11]  }
0x31: {  	s20 =	rddreg [dreg:$0x1c];
	[sflag:s28] =	ssyncadd.s32 $0xFFFFD900  }
0x32: {  	[hbm:s18], [sflag:s19] =	dma.local [spmem:s20], $0x4E0  }
0x33: {  	_ =	swait.ge [sflag:s28], $0x4E0  }
0x34: {  	[sflag:s28] =	ssyncset.done $0x0;
	s18 =	rddreg [dreg:$0x16]  }
0x35: {  	s20 =	rddreg [dreg:$0x1d];
	[sflag:s28] =	ssyncadd.s32 $0xFFFFFB20  }
0x36: {  	[hbm:s18], [sflag:s19] =	dma.local @!p0 [spmem:s20], $0x100  }
0x37: {  	s18 =	simm.s32 @!p0 $0x7  }
0x38: {  	_ =	swait.ge @!p0 [sflag:s18], $0x100  }
0x39: {  	[sflag:s18] =	ssyncset.done @!p0 $0x0;
	s20 =	rddreg [dreg:$0x17]  }
0x3a: {  	s30 =	rddreg [dreg:$0x1e];
	[sflag:s18] =	ssyncadd.s32 @!p0 $0xFFFFFF00  }
0x3b: {  	[hbm:s20], [sflag:s19] =	dma.local @!p0 [spmem:s30], $0x20  }
0x3c: {  	_ =	swait.ge @!p0 [sflag:s18], $0x20  }
0x3d: {  	s30 =	rddreg [dreg:$0x1a]  }
0x3e: {  	s20 =	rddreg [dreg:$0x18];
	s30 =	sadd.s32 $0x1, s30  }
0x3f: {  	p1 =	sne.s32 s30, s20  }
.Ltmp1:
0x40: {  	_ = 	snop;
	(pc) =	sbr.rel @!p1 .LBB2_7-.Ltmp1, $3  }
0x41: {  	_ =	sdelay $0x1  }
0x42: {  	[sflag:s18] =	ssyncset.done @!p0 $0x0  }
0x43: {  	[sflag:s18] =	ssyncadd.s32 @!p0 $0xFFFFFFE0  }
.LBB2_1:
0x44: {  	[dreg:$0x1a] =	wrdreg s30  }
0x45: {  	s18 =	rddreg [dreg:$0x6]  }
0x46: {  	s20 =	sshrl.u32 s18, $0x3;
	s18 =	rddreg [dreg:$0x7]  }
0x47: {  	[dreg:$0x1b] =	wrdreg s20  }
0x48: {  	[spmem:s20], [sflag:s19] =	dma.local [hbm:s18], $0x2700  }
0x49: {  	_ =	swait.ge [sflag:s28], $0x2700  }
0x4a: {  	s20 =	rddreg [dreg:$0x9]  }
0x4b: {  	[sflag:s28] =	ssyncset.done $0x0;
	s18 =	rddreg [dreg:$0xa];
	s20 =	sshrl.u32 s20, $0x3  }
0x4c: {  	[sflag:s28] =	ssyncadd.s32 $0xFFFFD900;
	[dreg:$0x1c] =	wrdreg s20  }
0x4d: {  	[spmem:s20], [sflag:s19] =	dma.local [hbm:s18], $0x4E0  }
0x4e: {  	_ =	swait.ge [sflag:s28], $0x4E0  }
0x4f: {  	s18 =	rddreg [dreg:$0xb]  }
0x50: {  	[sflag:s28] =	ssyncset.done $0x0;
	s20 =	sshrl.u32 @!p0 s18, $0x3;
	s18 =	rddreg [dreg:$0xc]  }
0x51: {  	[sflag:s28] =	ssyncadd.s32 $0xFFFFFB20;
	[dreg:$0x1d] =	wrdreg s20  }
0x52: {  	[spmem:s20], [sflag:s19] =	dma.local @!p0 [hbm:s18], $0x100  }
0x53: {  	s18 =	simm.s32 @!p0 $0x7  }
0x54: {  	_ =	swait.ge @!p0 [sflag:s18], $0x100  }
0x55: {  	s20 =	rddreg [dreg:$0xd]  }
0x56: {  	[sflag:s18] =	ssyncset.done @!p0 $0x0;
	s30 =	sshrl.u32 @!p0 s20, $0x3;
	s20 =	rddreg [dreg:$0xe]  }
0x57: {  	[sflag:s18] =	ssyncadd.s32 @!p0 $0xFFFFFF00;
	[dreg:$0x1e] =	wrdreg s30  }
0x58: {  	[spmem:s30], [sflag:s19] =	dma.local @!p0 [hbm:s20], $0x20  }
0x59: {  	_ =	swait.ge @!p0 [sflag:s18], $0x20  }
0x5a: {  	[sflag:s18] =	ssyncset.done @!p0 $0x0  }
0x5b: {  	s30 =	simm.s32 $0x0;
	[sflag:s18] =	ssyncadd.s32 @!p0 $0xFFFFFFE0;
	s18 =	simm.s32 $0x40  }
.LBB2_2:
0x5c: {  	p1 =	sne.s32 s18, $0x1F00;
	[tilespmem:s30+$0x8500] =	vst v0;
	s30 =	smov.u32 s18;
	s18 =	sadd.s32 $0x40, s18  }
.Ltmp2:
0x5d: {  	(pc) =	sbr.rel @p1 .LBB2_2-.Ltmp2, $2  }
0x5e: {  	_ =	sdelay $0x2  }
0x5f: {  	s30 =	sshra.s32 s30, $0x2  }
0x60: {  	[tilespmem:s30+$0x8500] =	vst v0;
	s30 =	simm.s32 $0x0;
	s18 =	rddreg [dreg:$0xf]  }
0x61: {  	[tilespmem:s30], [sflag:$0x3] =	stream.linear.gather [hbm4b:s18+s30], $0x200, $0x38;
	[tilespmem:$0x1EC60] =	vst v63  }
0x62: {  	s20 =	rddreg [dreg:$0x15];
	s19 =	simm.s32 $0x200  }
0x63: {  	[tilespmem:s19], [sflag:$0x4] =	stream.linear.gather [hbm4b:s20+s30], $0x200, $0x38;
	[tilespmem:$0x1EC60] =	vst v63  }
0x64: {  	s19 =	rddreg [dreg:$0x19];
	s20 =	simm.s32 $0x400  }
0x65: {  	[tilespmem:s20], [sflag:$0x5] =	stream.linear.gather [hbm4b:s19+s30], $0x200, $0x38;
	[tilespmem:$0x1EC60] =	vst v63  }
0x66: {  	s20 =	simm.s32 $0x3  }
0x67: {  	_ =	swait.ge [sflag:s20], $0x200  }
0x68: {  	[sflag:s20] =	ssyncset.done $0x0  }
0x69: {  	[sflag:s20] =	ssyncadd.s32 $0xFFFFFE00  }
0x6a: {  	[tilespmem:s2], [sflag:$0x1] =	stream.indirect.gather [hbm4b:s1+s0], $0x80, s30, s0, $0xb8;
	[tilespmem:$0x1EC60] =	vst v63  }
0x6b: {  	_ = 	snop  }
0x6c: {  	[tilespmem:s7], [sflag:$0x1] =	stream.indirect.gather [hbm4b:s1+s6], $0x80, s0, s6, $0xb8;
	[tilespmem:$0x1EC60] =	vst v63  }
0x6d: {  	s19 =	simm.s32 $0x100  }
0x6e: {  	[tilespmem:s10], [sflag:$0x2] =	stream.indirect.gather [hbm4b:s1+s0], $0x80, s19, s0, $0xb8;
	[tilespmem:$0x1EC60] =	vst v63  }
0x6f: {  	s20 =	simm.s32 $0x140  }
0x70: {  	[tilespmem:s12], [sflag:$0x2] =	stream.indirect.gather [hbm4b:s1+s6], $0x80, s20, s6, $0xb8;
	[tilespmem:$0x1EC60] =	vst v63  }
0x71: {  	[bflag:$0x0] =	sbarrier.arrive $0xFFFF  }
.LBB2_4:
0x72: {  	_ =	swait.ge [sflag:s13], $0x200  }
0x73: {  	[sflag:s13] =	ssyncset.done $0x0  }
0x74: {  	s18 =	sadd.s32 s30, s21;
	s19 =	simm.s32 $0x0;
	[sflag:s13] =	ssyncadd.s32 $0xFFFFFE00  }
0x75: {  	[tilespmem:s14], [sflag:$0x6] =	stream.linear.gather [hbm4b:s18+s19], $0x200, $0x38;
	[tilespmem:$0x1EC60] =	vst v63  }
0x76: {  	_ =	swait.ge [sflag:s16], $0x2000  }
0x77: {  	[sflag:s16] =	ssyncset.done $0x0  }
0x78: {  	[sflag:s16] =	ssyncadd.s32 $0xFFFFE000  }
0x79: {  	_ =	swait.ge [sflag:s16], $0x1E80  }
0x7a: {  	[sflag:s16] =	ssyncset.done $0x0  }
0x7b: {  	[sflag:s16] =	ssyncadd.s32 $0xFFFFE180  }
0x7c: {  	[spmem:s3] =	stream.indirect.scatter.add.f32 [tilespmem:s2], [sflag:$0x7], $0x80, s15, s17, $0xb8;
	[tilespmem:$0x1EC60] =	vst v63  }
0x7d: {  	_ =	swait.ge [sflag:s28], $0x3E80  }
0x7e: {  	[sflag:s28] =	ssyncset.done $0x0  }
0x7f: {  	[sflag:s28] =	ssyncadd.s32 $0xFFFFC180  }
0x80: {  	[spmem:s4] =	stream.indirect.scatter.add.f32 [tilespmem:s22], [sflag:$0x7], $0x10, s15, s17, $0xb8;
	[tilespmem:$0x1EC60] =	vst v63  }
0x81: {  	_ =	swait.ge [sflag:s28], $0x7D0  }
0x82: {  	[sflag:s28] =	ssyncset.done $0x0  }
0x83: {  	s20 =	simm.s32 $0x200;
	[sflag:s28] =	ssyncadd.s32 $0xFFFFF830  }
0x84: {  	[tilespmem:s2], [sflag:$0x1] =	stream.indirect.gather [hbm4b:s1+s0], $0x80, s20, s0, $0xb8;
	[tilespmem:$0x1EC60] =	vst v63  }
0x85: {  	s19 =	simm.s32 $0x240  }
0x86: {  	[tilespmem:s7], [sflag:$0x1] =	stream.indirect.gather [hbm4b:s1+s6], $0x80, s19, s6, $0xb8;
	[tilespmem:$0x1EC60] =	vst v63  }
0x87: {  	_ =	swait.ge [sflag:s24], $0x2000  }
0x88: {  	[sflag:s24] =	ssyncset.done $0x0  }
0x89: {  	[sflag:s24] =	ssyncadd.s32 $0xFFFFE000  }
0x8a: {  	_ =	swait.ge [sflag:s24], $0x1E80  }
0x8b: {  	[sflag:s24] =	ssyncset.done $0x0  }
0x8c: {  	[sflag:s24] =	ssyncadd.s32 $0xFFFFE180  }
0x8d: {  	[spmem:s3] =	stream.indirect.scatter.add.f32 [tilespmem:s10], [sflag:$0x7], $0x80, s25, s17, $0xb8;
	[tilespmem:$0x1EC60] =	vst v63  }
0x8e: {  	_ =	swait.ge [sflag:s28], $0x3E80  }
0x8f: {  	[sflag:s28] =	ssyncset.done $0x0  }
0x90: {  	[sflag:s28] =	ssyncadd.s32 $0xFFFFC180  }
0x91: {  	[spmem:s4] =	stream.indirect.scatter.add.f32 [tilespmem:s22], [sflag:$0x7], $0x10, s25, s17, $0xb8;
	[tilespmem:$0x1EC60] =	vst v63  }
0x92: {  	_ =	swait.ge [sflag:s28], $0x7D0  }
0x93: {  	[sflag:s28] =	ssyncset.done $0x0  }
0x94: {  	s20 =	simm.s32 $0x300;
	[sflag:s28] =	ssyncadd.s32 $0xFFFFF830  }
0x95: {  	[tilespmem:s10], [sflag:$0x2] =	stream.indirect.gather [hbm4b:s1+s0], $0x80, s20, s0, $0xb8;
	[tilespmem:$0x1EC60] =	vst v63  }
0x96: {  	s19 =	simm.s32 $0x340  }
0x97: {  	[tilespmem:s12], [sflag:$0x2] =	stream.indirect.gather [hbm4b:s1+s6], $0x80, s19, s6, $0xb8;
	[tilespmem:$0x1EC60] =	vst v63  }
0x98: {  	_ =	swait.ge [sflag:s8], $0x200  }
0x99: {  	p1 =	seq.s32 s30, $0x900;
	[sflag:s8] =	ssyncset.done $0x0;
	s18 =	rddreg [dreg:$0x14]  }
0x9a: {  	[sflag:s8] =	ssyncadd.s32 $0xFFFFFE00;
	s19 =	sadd.s32 @!p1 s30, s18;
	s18 =	simm.s32 @!p1 $0x0  }
0x9b: {  	[tilespmem:s18], [sflag:$0x3] =	stream.linear.gather @!p1 [hbm4b:s19+s18], $0x200, $0x38;
	[tilespmem:$0x1EC60] =	vst v63  }
0x9c: {  	_ =	swait.ge [sflag:s16], $0x2000  }
0x9d: {  	[sflag:s16] =	ssyncset.done $0x0  }
0x9e: {  	[sflag:s16] =	ssyncadd.s32 $0xFFFFE000  }
0x9f: {  	_ =	swait.ge [sflag:s16], $0x1E80  }
0xa0: {  	[sflag:s16] =	ssyncset.done $0x0  }
0xa1: {  	[sflag:s16] =	ssyncadd.s32 $0xFFFFE180  }
0xa2: {  	[spmem:s3] =	stream.indirect.scatter.add.f32 [tilespmem:s2], [sflag:$0x7], $0x80, s5, s17, $0xb8;
	[tilespmem:$0x1EC60] =	vst v63  }
0xa3: {  	_ =	swait.ge [sflag:s28], $0x3E80  }
0xa4: {  	[sflag:s28] =	ssyncset.done $0x0  }
0xa5: {  	[sflag:s28] =	ssyncadd.s32 $0xFFFFC180  }
0xa6: {  	[spmem:s4] =	stream.indirect.scatter.add.f32 [tilespmem:s22], [sflag:$0x7], $0x10, s5, s17, $0xb8;
	[tilespmem:$0x1EC60] =	vst v63  }
0xa7: {  	_ =	swait.ge [sflag:s28], $0x7D0  }
0xa8: {  	[sflag:s28] =	ssyncset.done $0x0  }
0xa9: {  	s20 =	simm.s32 $0x400;
	[sflag:s28] =	ssyncadd.s32 $0xFFFFF830  }
0xaa: {  	[tilespmem:s2], [sflag:$0x1] =	stream.indirect.gather [hbm4b:s1+s0], $0x80, s20, s0, $0xb8;
	[tilespmem:$0x1EC60] =	vst v63  }
0xab: {  	s20 =	simm.s32 $0x440  }
0xac: {  	[tilespmem:s7], [sflag:$0x1] =	stream.indirect.gather [hbm4b:s1+s6], $0x80, s20, s6, $0xb8;
	[tilespmem:$0x1EC60] =	vst v63  }
0xad: {  	_ =	swait.ge [sflag:s24], $0x2000  }
0xae: {  	[sflag:s24] =	ssyncset.done $0x0  }
0xaf: {  	[sflag:s24] =	ssyncadd.s32 $0xFFFFE000  }
0xb0: {  	_ =	swait.ge [sflag:s24], $0x1E80  }
0xb1: {  	[sflag:s24] =	ssyncset.done $0x0  }
0xb2: {  	[sflag:s24] =	ssyncadd.s32 $0xFFFFE180  }
0xb3: {  	[spmem:s3] =	stream.indirect.scatter.add.f32 [tilespmem:s10], [sflag:$0x7], $0x80, s11, s17, $0xb8;
	[tilespmem:$0x1EC60] =	vst v63  }
0xb4: {  	_ =	swait.ge [sflag:s28], $0x3E80  }
0xb5: {  	[sflag:s28] =	ssyncset.done $0x0  }
0xb6: {  	[sflag:s28] =	ssyncadd.s32 $0xFFFFC180  }
0xb7: {  	[spmem:s4] =	stream.indirect.scatter.add.f32 [tilespmem:s22], [sflag:$0x7], $0x10, s11, s17, $0xb8;
	[tilespmem:$0x1EC60] =	vst v63  }
0xb8: {  	_ =	swait.ge [sflag:s28], $0x7D0  }
0xb9: {  	[sflag:s28] =	ssyncset.done $0x0  }
0xba: {  	s20 =	simm.s32 $0x500;
	[sflag:s28] =	ssyncadd.s32 $0xFFFFF830  }
0xbb: {  	[tilespmem:s10], [sflag:$0x2] =	stream.indirect.gather [hbm4b:s1+s0], $0x80, s20, s0, $0xb8;
	[tilespmem:$0x1EC60] =	vst v63  }
0xbc: {  	s20 =	simm.s32 $0x540  }
0xbd: {  	[tilespmem:s12], [sflag:$0x2] =	stream.indirect.gather [hbm4b:s1+s6], $0x80, s20, s6, $0xb8;
	[tilespmem:$0x1EC60] =	vst v63  }
0xbe: {  	_ =	swait.ge [sflag:s23], $0x200  }
0xbf: {  	[sflag:s23] =	ssyncset.done $0x0;
	s19 =	rddreg [dreg:$0x13]  }
0xc0: {  	s20 =	simm.s32 @!p1 $0x200;
	[sflag:s23] =	ssyncadd.s32 $0xFFFFFE00;
	s19 =	sadd.s32 @!p1 s30, s19  }
0xc1: {  	[tilespmem:s20], [sflag:$0x4] =	stream.linear.gather @!p1 [hbm4b:s19+s18], $0x200, $0x38;
	[tilespmem:$0x1EC60] =	vst v63  }
0xc2: {  	_ =	swait.ge [sflag:s16], $0x2000  }
0xc3: {  	[sflag:s16] =	ssyncset.done $0x0  }
0xc4: {  	[sflag:s16] =	ssyncadd.s32 $0xFFFFE000  }
0xc5: {  	_ =	swait.ge [sflag:s16], $0x1E80  }
0xc6: {  	[sflag:s16] =	ssyncset.done $0x0  }
0xc7: {  	[sflag:s16] =	ssyncadd.s32 $0xFFFFE180  }
0xc8: {  	[spmem:s3] =	stream.indirect.scatter.add.f32 [tilespmem:s2], [sflag:$0x7], $0x80, s26, s17, $0xb8;
	[tilespmem:$0x1EC60] =	vst v63  }
0xc9: {  	_ =	swait.ge [sflag:s28], $0x3E80  }
0xca: {  	[sflag:s28] =	ssyncset.done $0x0  }
0xcb: {  	[sflag:s28] =	ssyncadd.s32 $0xFFFFC180  }
0xcc: {  	[spmem:s4] =	stream.indirect.scatter.add.f32 [tilespmem:s22], [sflag:$0x7], $0x10, s26, s17, $0xb8;
	[tilespmem:$0x1EC60] =	vst v63  }
0xcd: {  	_ =	swait.ge [sflag:s28], $0x7D0  }
0xce: {  	[sflag:s28] =	ssyncset.done $0x0  }
0xcf: {  	[sflag:s28] =	ssyncadd.s32 $0xFFFFF830  }
0xd0: {  	[tilespmem:s2], [sflag:$0x1] =	stream.indirect.gather [hbm4b:s1+s0], $0x80, s14, s0, $0xb8;
	[tilespmem:$0x1EC60] =	vst v63  }
0xd1: {  	s20 =	simm.s32 $0x640  }
0xd2: {  	[tilespmem:s7], [sflag:$0x1] =	stream.indirect.gather [hbm4b:s1+s6], $0x80, s20, s6, $0xb8;
	[tilespmem:$0x1EC60] =	vst v63  }
0xd3: {  	_ =	swait.ge [sflag:s24], $0x2000  }
0xd4: {  	[sflag:s24] =	ssyncset.done $0x0  }
0xd5: {  	[sflag:s24] =	ssyncadd.s32 $0xFFFFE000  }
0xd6: {  	_ =	swait.ge [sflag:s24], $0x1E80  }
0xd7: {  	[sflag:s24] =	ssyncset.done $0x0  }
0xd8: {  	[sflag:s24] =	ssyncadd.s32 $0xFFFFE180  }
0xd9: {  	[spmem:s3] =	stream.indirect.scatter.add.f32 [tilespmem:s10], [sflag:$0x7], $0x80, s9, s17, $0xb8;
	[tilespmem:$0x1EC60] =	vst v63  }
0xda: {  	_ =	swait.ge [sflag:s28], $0x3E80  }
0xdb: {  	[sflag:s28] =	ssyncset.done $0x0  }
0xdc: {  	[sflag:s28] =	ssyncadd.s32 $0xFFFFC180  }
0xdd: {  	[spmem:s4] =	stream.indirect.scatter.add.f32 [tilespmem:s22], [sflag:$0x7], $0x10, s9, s17, $0xb8;
	[tilespmem:$0x1EC60] =	vst v63  }
0xde: {  	_ =	swait.ge [sflag:s28], $0x7D0  }
0xdf: {  	[sflag:s28] =	ssyncset.done $0x0  }
0xe0: {  	s20 =	simm.s32 $0x700;
	[sflag:s28] =	ssyncadd.s32 $0xFFFFF830  }
0xe1: {  	[tilespmem:s10], [sflag:$0x2] =	stream.indirect.gather [hbm4b:s1+s0], $0x80, s20, s0, $0xb8;
	[tilespmem:$0x1EC60] =	vst v63  }
0xe2: {  	s19 =	simm.s32 @!p1 $0x3;
	s20 =	simm.s32 $0x740  }
0xe3: {  	[tilespmem:s12], [sflag:$0x2] =	stream.indirect.gather [hbm4b:s1+s6], $0x80, s20, s6, $0xb8;
	[tilespmem:$0x1EC60] =	vst v63  }
0xe4: {  	_ =	swait.ge @!p1 [sflag:s19], $0x200  }
0xe5: {  	[sflag:s19] =	ssyncset.done @!p1 $0x0  }
0xe6: {  	[sflag:s19] =	ssyncadd.s32 @!p1 $0xFFFFFE00;
	s19 =	rddreg [dreg:$0x12]  }
0xe7: {  	s20 =	simm.s32 @!p1 $0x400;
	s19 =	sadd.s32 @!p1 s30, s19  }
0xe8: {  	[tilespmem:s20], [sflag:$0x5] =	stream.linear.gather @!p1 [hbm4b:s19+s18], $0x200, $0x38;
	[tilespmem:$0x1EC60] =	vst v63  }
0xe9: {  	_ =	swait.ge [sflag:s16], $0x2000  }
0xea: {  	[sflag:s16] =	ssyncset.done $0x0  }
0xeb: {  	[sflag:s16] =	ssyncadd.s32 $0xFFFFE000  }
0xec: {  	_ =	swait.ge [sflag:s16], $0x1E80  }
0xed: {  	[sflag:s16] =	ssyncset.done $0x0  }
0xee: {  	[sflag:s16] =	ssyncadd.s32 $0xFFFFE180  }
0xef: {  	[spmem:s3] =	stream.indirect.scatter.add.f32 [tilespmem:s2], [sflag:$0x7], $0x80, s31, s17, $0xb8;
	[tilespmem:$0x1EC60] =	vst v63  }
0xf0: {  	_ =	swait.ge [sflag:s28], $0x3E80  }
0xf1: {  	[sflag:s28] =	ssyncset.done $0x0  }
0xf2: {  	[sflag:s28] =	ssyncadd.s32 $0xFFFFC180  }
0xf3: {  	[spmem:s4] =	stream.indirect.scatter.add.f32 [tilespmem:s22], [sflag:$0x7], $0x10, s31, s17, $0xb8;
	[tilespmem:$0x1EC60] =	vst v63  }
0xf4: {  	_ =	swait.ge [sflag:s28], $0x7D0  }
0xf5: {  	[sflag:s28] =	ssyncset.done $0x0  }
0xf6: {  	s19 =	simm.s32 @!p1 $0x40;
	s20 =	simm.s32 @!p1 $0x800;
	[sflag:s28] =	ssyncadd.s32 $0xFFFFF830  }
0xf7: {  	[tilespmem:s20], [sflag:$0x1] =	stream.indirect.gather @!p1 [hbm4b:s1+s19], $0x80, s18, s19, $0xb8;
	[tilespmem:$0x1EC60] =	vst v63  }
0xf8: {  	s18 =	simm.s32 @!p1 $0x3D;
	s20 =	simm.s32 @!p1 $0x2800  }
0xf9: {  	[tilespmem:s20], [sflag:$0x1] =	stream.indirect.gather @!p1 [hbm4b:s1+s18], $0x80, s19, s18, $0xb8;
	[tilespmem:$0x1EC60] =	vst v63  }
0xfa: {  	_ =	swait.ge [sflag:s24], $0x2000  }
0xfb: {  	[sflag:s24] =	ssyncset.done $0x0  }
0xfc: {  	[sflag:s24] =	ssyncadd.s32 $0xFFFFE000  }
0xfd: {  	_ =	swait.ge [sflag:s24], $0x1E80  }
0xfe: {  	[sflag:s24] =	ssyncset.done $0x0  }
0xff: {  	[sflag:s24] =	ssyncadd.s32 $0xFFFFE180  }
0x100: {  	[spmem:s3] =	stream.indirect.scatter.add.f32 [tilespmem:s10], [sflag:$0x7], $0x80, s29, s17, $0xb8;
	[tilespmem:$0x1EC60] =	vst v63  }
0x101: {  	_ =	swait.ge [sflag:s28], $0x3E80  }
0x102: {  	[sflag:s28] =	ssyncset.done $0x0  }
.Ltmp3:
0x103: {  	[sflag:s28] =	ssyncadd.s32 $0xFFFFC180;
	(pc) =	sbr.rel @p1 .LBB2_6-.Ltmp3, $4  }
0x104: {  	[spmem:s4] =	stream.indirect.scatter.add.f32 [tilespmem:s22], [sflag:$0x7], $0x10, s29, s17, $0xb8;
	[tilespmem:$0x1EC60] =	vst v63  }
0x105: {  	_ =	swait.ge [sflag:s28], $0x7D0  }
0x106: {  	[sflag:s28] =	ssyncset.done $0x0  }
0x107: {  	[sflag:s28] =	ssyncadd.s32 $0xFFFFF830  }
.Ltmp4:
0x108: {  	(pc) =	sbr.rel .LBB2_4-.Ltmp4, $4  }
0x109: {  	s18 =	simm.s32 $0x100  }
0x10a: {  	[tilespmem:s10], [sflag:$0x2] =	stream.indirect.gather [hbm4b:s1+s0], $0x80, s18, s0, $0xb8;
	[tilespmem:$0x1EC60] =	vst v63  }
0x10b: {  	s20 =	simm.s32 $0x140;
	s30 =	sadd.s32 $0x100, s30  }
0x10c: {  	[tilespmem:s12], [sflag:$0x2] =	stream.indirect.gather [hbm4b:s1+s6], $0x80, s20, s6, $0xb8;
	[tilespmem:$0x1EC60] =	vst v63  }
.LBB2_7:
0x10d: {  	_ =	sfence.sel $0x180000  }
0x10e: {  	[bflag:$0x0] =	sbarrier.arrive $0xFFFF  }
0x10f: {  	_ =	strace $0x90000047  }
0x110: {  	s0 =	stileid.u32;
	[bflag:$0x2] =	sbarrier.arrive $0xFFFF  }
0x111: {  	p0 =	sne.s32 s0, $0x0;
	s0 =	rddreg [dreg:$0x5]  }
0x112: {  	s0 =	sadd.s32 @!p0 $0x100000, s0  }
0x113: {  	[sflag:s0] =	ssyncadd.tile.s32 @!p0 $0x1;
	_ =	shalt  }
.Lfunc_end2:
_tile_overlayer_lowered:
.L_overlay_start_2:
0x114: {  	(tag) =	ssettag $0x2  }
0x115: {  	s0 =	rddreg [dreg:$0x0];
	s2 =	stileid.u32  }
0x116: {  	s1 =	rddreg [dreg:$0x1];
	p0 =	sne.s32 s2, $0x0  }
0x117: {  	s3 =	rddreg [dreg:$0x2];
	[bflag:$0x3] =	sbarrier.arrive $0xFFFF;
	s2 =	simm.s32 @!p0 $0x1C07  }
0x118: {  	[timem:s3], [sflag:s2] =	dma.local @!p0 [hbm:s0], s1  }
0x119: {  	s0 =	simm.s32 @!p0 $0x7  }
0x11a: {  	_ =	swait.ge @!p0 [sflag:s0], s1  }
0x11b: {  	s1 =	ssub.s32 @!p0 $0x0, s1;
	[sflag:s0] =	ssyncset.done @!p0 $0x0  }
0x11c: {  	[sflag:s0] =	ssyncadd.s32 @!p0 s1  }
0x11d: {  	[bflag:$0x3] =	sbarrier.arrive $0xFFFF  }
0x11e: {  	_ =	shalt  }

</sc_bundles>
